<compile_context>
chip_gen: v7x
topology: tpu7x:2x2x1
jax: 0.10.2.dev20260603
libtpu: 0.0.44.dev20260713+nightly
codegen_flags: <defaults>
</compile_context>

<pallas_src>
import jax
import jax.numpy as jnp
from jax.experimental import pallas as pl
from jax.experimental.pallas import tpu as pltpu


def _leaky(x):
    return jnp.where(x > 0, x, 0.01 * x)


def _gcn(x, ei, ew, W, b):
    N = x.shape[0]
    row = ei[0]
    col = ei[1]
    loop = jnp.arange(N)
    row_f = jnp.concatenate([row, loop])
    col_f = jnp.concatenate([col, loop])
    ew_f = jnp.concatenate([ew, jnp.full((N,), 2.0, dtype=x.dtype)])
    deg = jnp.zeros((N,), x.dtype).at[col_f].add(ew_f)
    dinv = jnp.where(deg > 0, 1.0 / jnp.sqrt(deg), 0.0)
    norm = dinv[row_f] * ew_f * dinv[col_f]
    xw = x @ W
    out = jnp.zeros((N, W.shape[1]), x.dtype).at[col_f].add(xw[row_f] * norm[:, None])
    return out + b



_BT = 512


def _row_spec(shape):
    return pl.BlockSpec((_BT, shape[1]), lambda i: (i, 0))


def _full_spec(shape):
    return pl.BlockSpec(shape, lambda i: (0,) * len(shape))


def _k1_body(dv, pemb, wt, wb, eb, raw, stats, acc):
    i = pl.program_id(0)
    t = (
        jnp.dot(dv[...], wt[...], preferred_element_type=jnp.float32)
        + jnp.dot(pemb[...], wb[...], preferred_element_type=jnp.float32)
        + eb[...]
    )
    raw[...] = t

    @pl.when(i == 0)
    def _():
        acc[...] = jnp.zeros_like(acc)

    acc[0:1, :] += jnp.sum(t, axis=0, keepdims=True)
    acc[1:2, :] += jnp.sum(t * t, axis=0, keepdims=True)

    @pl.when(i == pl.num_programs(0) - 1)
    def _():
        stats[...] = acc[...]


def _k2_body(raw, ec, go, stats, f1, f2, f3, fb, g, bt, feat, lh, stats2, acc):
    i = pl.program_id(0)
    n = raw.shape[0] * pl.num_programs(0)
    m = stats[0:1, :] / n
    var = stats[1:2, :] / n - m * m
    xn = (raw[...] - m) * jax.lax.rsqrt(var + 1e-5) * g[...] + bt[...]
    f = _leaky(xn)
    feat[...] = f
    h = (
        jnp.dot(f, f1[...], preferred_element_type=jnp.float32)
        + jnp.dot(ec[...], f2[...], preferred_element_type=jnp.float32)
        + jnp.dot(go[...], f3[...], preferred_element_type=jnp.float32)
        + fb[...]
    )
    t = _leaky(h)
    lh[...] = t

    @pl.when(i == 0)
    def _():
        acc[...] = jnp.zeros_like(acc)

    acc[0:1, :] += jnp.sum(t, axis=0, keepdims=True)
    acc[1:2, :] += jnp.sum(t * t, axis=0, keepdims=True)

    @pl.when(i == pl.num_programs(0) - 1)
    def _():
        stats2[...] = acc[...]


def _k3_body(lh, stats2, g, bt, w2, b2, yout):
    n = lh.shape[0] * pl.num_programs(0)
    m = stats2[0:1, :] / n
    var = stats2[1:2, :] / n - m * m
    xn = (lh[...] - m) * jax.lax.rsqrt(var + 1e-5) * g[...] + bt[...]
    y = jnp.dot(xn, w2[...], preferred_element_type=jnp.float32) + b2[...]
    yout[...] = jnp.maximum(y, 0.0)


def _head(dv, pemb, ec, go, enc_W, enc_b, enc_g, enc_bt, fc1_W, fc1_b,
          fc_g, fc_bt, fc2_W, fc2_b):
    B = dv.shape[0]
    nb = B // _BT
    wt, wb = enc_W[:300], enc_W[300:]
    f1, f2, f3 = fc1_W[:512], fc1_W[512:1536], fc1_W[1536:]
    eb = enc_b[None, :]
    fb = fc1_b[None, :]

    raw, stats = pl.pallas_call(
        _k1_body,
        grid=(nb,),
        in_specs=[_row_spec(dv.shape), _row_spec(pemb.shape),
                  _full_spec(wt.shape), _full_spec(wb.shape),
                  _full_spec(eb.shape)],
        out_specs=[_row_spec((B, 512)), _full_spec((2, 512))],
        out_shape=[
            jax.ShapeDtypeStruct((B, 512), jnp.float32),
            jax.ShapeDtypeStruct((2, 512), jnp.float32),
        ],
        scratch_shapes=[pltpu.VMEM((2, 512), jnp.float32)],
    )(dv, pemb, wt, wb, eb)

    feat, lh, stats2 = pl.pallas_call(
        _k2_body,
        grid=(nb,),
        in_specs=[_row_spec(raw.shape), _row_spec(ec.shape),
                  _row_spec(go.shape), _full_spec((2, 512)),
                  _full_spec(f1.shape), _full_spec(f2.shape),
                  _full_spec(f3.shape), _full_spec(fb.shape),
                  _full_spec((1, 512)), _full_spec((1, 512))],
        out_specs=[_row_spec((B, 512)), _row_spec((B, 512)),
                   _full_spec((2, 512))],
        out_shape=[
            jax.ShapeDtypeStruct((B, 512), jnp.float32),
            jax.ShapeDtypeStruct((B, 512), jnp.float32),
            jax.ShapeDtypeStruct((2, 512), jnp.float32),
        ],
        scratch_shapes=[pltpu.VMEM((2, 512), jnp.float32)],
    )(raw, ec, go, stats, f1, f2, f3, fb, enc_g[None, :], enc_bt[None, :])

    yout = pl.pallas_call(
        _k3_body,
        grid=(nb,),
        in_specs=[_row_spec(lh.shape), _full_spec((2, 512)),
                  _full_spec((1, 512)), _full_spec((1, 512)),
                  _full_spec(fc2_W.shape), _full_spec((1, 1))],
        out_specs=_row_spec((B, 1)),
        out_shape=jax.ShapeDtypeStruct((B, 1), jnp.float32),
    )(lh, stats2, fc_g[None, :], fc_bt[None, :], fc2_W, fc2_b[None, :])

    return yout, feat


def kernel(d_index, p_index, d_vecs, p_embeddings, y, ds_d_vecs,
           ds_d_edge_index, ds_d_edge_weight, ds_d_ecfps, ds_p_gos,
           ds_p_edge_index, ds_p_edge_weight, W1, b1, W2, b2, W3, b3,
           enc_W, enc_b, enc_g, enc_bt, fc1_W, fc1_b, fc_g, fc_bt,
           fc2_W, fc2_b):
    dv = _leaky(_gcn(ds_d_vecs, ds_d_edge_index, ds_d_edge_weight, W1, b1))[d_index]
    ec = _leaky(_gcn(ds_d_ecfps, ds_d_edge_index, ds_d_edge_weight, W2, b2))[d_index]
    go = _leaky(_gcn(ds_p_gos, ds_p_edge_index, ds_p_edge_weight, W3, b3))[p_index]
    return _head(dv, p_embeddings, ec, go, enc_W, enc_b, enc_g, enc_bt,
                 fc1_W, fc1_b, fc_g, fc_bt, fc2_W, fc2_b)

# --- scband reference (transcript-rebuilt; emitter-appended) ---
"""Pipeline reference for scband-fc-9466107920597 (READ-ONLY COPY).

The authoritative reference and input builder live on the scoring server;
editing this copy changes nothing except your own understanding.
"""

import jax, jax.numpy as jnp
import numpy as np

def _leaky(x):
    return jnp.where(x > 0, x, 0.01 * x)

def _bn(x, g, b):
    m = jnp.mean(x, axis=0)
    v = jnp.var(x, axis=0)
    return (x - m) / jnp.sqrt(v + 1e-5) * g + b

def _gcn(x, ei, ew, W, b):
    N = x.shape[0]
    row = ei[0]
    col = ei[1]
    loop = jnp.arange(N)
    row_f = jnp.concatenate([row, loop])
    col_f = jnp.concatenate([col, loop])
    ew_f = jnp.concatenate([ew, jnp.full((N,), 2.0, dtype=x.dtype)])
    deg = jnp.zeros((N,), x.dtype).at[col_f].add(ew_f)
    dinv = jnp.where(deg > 0, 1.0 / jnp.sqrt(deg), 0.0)
    norm = dinv[row_f] * ew_f * dinv[col_f]
    xw = x @ W
    out = jnp.zeros((N, W.shape[1]), x.dtype).at[col_f].add(xw[row_f] * norm[:, None])
    return out + b

def setup_inputs(seed: int = 0):
    key = jax.random.key(seed)
    ks = jax.random.split(key, 32)
    B, ND, NP_, ED, EP = 4096, 10000, 5000, 80000, 25000
    s = 0.02
    inp = {}
    inp["d_index"] = jax.random.randint(ks[0], (B,), 0, ND)
    inp["p_index"] = jax.random.randint(ks[1], (B,), 0, NP_)
    inp["d_vecs"] = jax.random.normal(ks[2], (B, 300), jnp.float32)
    inp["p_embeddings"] = jax.random.normal(ks[3], (B, 1024), jnp.float32)
    inp["y"] = jax.random.normal(ks[4], (B, 1), jnp.float32)
    inp["ds_d_vecs"] = jax.random.normal(ks[5], (ND, 300), jnp.float32)
    inp["ds_d_edge_index"] = jax.random.randint(ks[6], (2, ED), 0, ND)
    inp["ds_d_edge_weight"] = jax.random.uniform(ks[7], (ED,), jnp.float32)
    inp["ds_d_ecfps"] = jax.random.normal(ks[8], (ND, 1024), jnp.float32)
    inp["ds_p_gos"] = jax.random.normal(ks[9], (NP_, 2812), jnp.float32)
    inp["ds_p_edge_index"] = jax.random.randint(ks[10], (2, EP), 0, NP_)
    inp["ds_p_edge_weight"] = jax.random.uniform(ks[11], (EP,), jnp.float32)
    inp["W1"] = jax.random.normal(ks[12], (300, 300), jnp.float32) * s
    inp["b1"] = jnp.zeros((300,), jnp.float32)
    inp["W2"] = jax.random.normal(ks[13], (1024, 1024), jnp.float32) * s
    inp["b2"] = jnp.zeros((1024,), jnp.float32)
    inp["W3"] = jax.random.normal(ks[14], (2812, 1024), jnp.float32) * s
    inp["b3"] = jnp.zeros((1024,), jnp.float32)
    inp["enc_W"] = jax.random.normal(ks[15], (1324, 512), jnp.float32) * s
    inp["enc_b"] = jnp.zeros((512,), jnp.float32)
    inp["enc_g"] = jnp.ones((512,), jnp.float32)
    inp["enc_bt"] = jnp.zeros((512,), jnp.float32)
    inp["fc1_W"] = jax.random.normal(ks[16], (2560, 512), jnp.float32) * s
    inp["fc1_b"] = jnp.zeros((512,), jnp.float32)
    inp["fc_g"] = jnp.ones((512,), jnp.float32)
    inp["fc_bt"] = jnp.zeros((512,), jnp.float32)
    inp["fc2_W"] = jax.random.normal(ks[17], (512, 1), jnp.float32) * s
    inp["fc2_b"] = jnp.zeros((1,), jnp.float32)
    return inp

def reference(d_index, p_index, d_vecs, p_embeddings, y, ds_d_vecs, ds_d_edge_index, ds_d_edge_weight, ds_d_ecfps, ds_p_gos, ds_p_edge_index, ds_p_edge_weight, W1, b1, W2, b2, W3, b3, enc_W, enc_b, enc_g, enc_bt, fc1_W, fc1_b, fc_g, fc_bt, fc2_W, fc2_b):
    dv = _leaky(_gcn(ds_d_vecs, ds_d_edge_index, ds_d_edge_weight, W1, b1))[d_index]
    ec = _leaky(_gcn(ds_d_ecfps, ds_d_edge_index, ds_d_edge_weight, W2, b2))[d_index]
    go = _leaky(_gcn(ds_p_gos, ds_p_edge_index, ds_p_edge_weight, W3, b3))[p_index]
    feature = _leaky(_bn(jnp.concatenate([dv, p_embeddings], axis=1) @ enc_W + enc_b, enc_g, enc_bt))
    h = jnp.concatenate([feature, ec, go], axis=1) @ fc1_W + fc1_b
    h = _bn(_leaky(h), fc_g, fc_bt)
    yout = jax.nn.relu(h @ fc2_W + fc2_b)
    return (yout, feature)

if __name__ == "__main__":
    import jax
    _d = setup_inputs()
    print(jax.jit(kernel)(*tuple(_d.values())))

</pallas_src>

<mosaic_0001>
module attributes {stable_mosaic.version = 14 : i64} {
  func.func @_k1_body(%arg0: i32, %arg1: memref<512x300xf32, #tpu.memory_space<vmem>>, %arg2: memref<512x1024xf32, #tpu.memory_space<vmem>>, %arg3: memref<300x512xf32, #tpu.memory_space<vmem>>, %arg4: memref<1024x512xf32, #tpu.memory_space<vmem>>, %arg5: memref<1x512xf32, #tpu.memory_space<vmem>>, %arg6: memref<512x512xf32, #tpu.memory_space<vmem>>, %arg7: memref<2x512xf32, #tpu.memory_space<vmem>>, %arg8: memref<2x512xf32, #tpu.memory_space<vmem>>) attributes {dimension_semantics = [#tpu.dimension_semantics<arbitrary>], iteration_bounds = array<i64: 8>, scalar_prefetch = 0 : i64, scratch_operands = 1 : i64, tpu.core_type = #tpu.core_type<tc>, window_params = [{transform_indices = @transform_0, window_bounds = array<i64: 512, 300>}, {transform_indices = @transform_1, window_bounds = array<i64: 512, 1024>}, {pipeline_mode = #tpu.pipeline_mode<synchronous>, transform_indices = @transform_2, window_bounds = array<i64: 300, 512>}, {pipeline_mode = #tpu.pipeline_mode<synchronous>, transform_indices = @transform_3, window_bounds = array<i64: 1024, 512>}, {pipeline_mode = #tpu.pipeline_mode<synchronous>, transform_indices = @transform_4, window_bounds = array<i64: 1, 512>}, {transform_indices = @transform_5, window_bounds = array<i64: 512, 512>}, {pipeline_mode = #tpu.pipeline_mode<synchronous>, transform_indices = @transform_6, window_bounds = array<i64: 2, 512>}]} {
    %get3A = arith.constant 0 : index
    %get3A_0 = arith.constant 0 : index
    %get3A_1 = vector.load %arg1[%get3A, %get3A_0] : memref<512x300xf32, #tpu.memory_space<vmem>>, vector<512x300xf32>
    %get3A_2 = arith.constant 0 : index
    %get3A_3 = arith.constant 0 : index
    %get3A_4 = vector.load %arg3[%get3A_2, %get3A_3] : memref<300x512xf32, #tpu.memory_space<vmem>>, vector<300x512xf32>
    %dot_general3A = arith.constant dense<0.000000e+00> : vector<512x512xf32>
    %dot_general3A_5 = tpu.matmul %get3A_1, %get3A_4, %dot_general3A {dimension_numbers = #tpu.dot_dimension_numbers<[1], [0], [0], [1], [0, 0, 1, 1], [], []>, transpose_lhs_hint = false} : vector<512x300xf32>, vector<300x512xf32>, vector<512x512xf32> -> vector<512x512xf32>
    %get3A_6 = arith.constant 0 : index
    %get3A_7 = arith.constant 0 : index
    %get3A_8 = vector.load %arg2[%get3A_6, %get3A_7] : memref<512x1024xf32, #tpu.memory_space<vmem>>, vector<512x1024xf32>
    %get3A_9 = arith.constant 0 : index
    %get3A_10 = arith.constant 0 : index
    %get3A_11 = vector.load %arg4[%get3A_9, %get3A_10] : memref<1024x512xf32, #tpu.memory_space<vmem>>, vector<1024x512xf32>
    %dot_general3A_12 = arith.constant dense<0.000000e+00> : vector<512x512xf32>
    %dot_general3A_13 = tpu.matmul %get3A_8, %get3A_11, %dot_general3A_12 {dimension_numbers = #tpu.dot_dimension_numbers<[1], [0], [0], [1], [0, 0, 1, 1], [], []>, transpose_lhs_hint = false} : vector<512x1024xf32>, vector<1024x512xf32>, vector<512x512xf32> -> vector<512x512xf32>
    %add3A = arith.addf %dot_general3A_5, %dot_general3A_13 : vector<512x512xf32>
    %get3A_14 = arith.constant 0 : index
    %get3A_15 = arith.constant 0 : index
    %get3A_16 = vector.load %arg5[%get3A_14, %get3A_15] : memref<1x512xf32, #tpu.memory_space<vmem>>, vector<1x512xf32>
    %add3A_17 = vector.broadcast %get3A_16 : vector<1x512xf32> to vector<512x512xf32>
    %add3A_18 = arith.addf %add3A, %add3A_17 : vector<512x512xf32>
    %swap3A = arith.constant 0 : index
    %swap3A_19 = arith.constant 0 : index
    %swap3A_20 = vector.load %arg6[%swap3A, %swap3A_19] : memref<512x512xf32, #tpu.memory_space<vmem>>, vector<512x512xf32>
    tpu.vector_store %arg6[%swap3A, %swap3A_19], %add3A_18 {strides = array<i32>} : memref<512x512xf32, #tpu.memory_space<vmem>>, vector<512x512xf32>,
    %eq3A = arith.constant 0 : i32
    %eq3A_21 = arith.cmpi eq, %arg0, %eq3A : i32
    %convert_element_type3A = arith.extui %eq3A_21 : i1 to i32
    %cond3A = arith.constant 0 : i32
    %cond3A_22 = arith.cmpi ne, %convert_element_type3A, %cond3A : i32
    scf.if %cond3A_22 {
      %broadcast_in_dim3A_46 = arith.constant 0.000000e+00 : f32
      %broadcast_in_dim3A_47 = vector.broadcast %broadcast_in_dim3A_46 : f32 to vector<2x512xf32>
      %swap3A_48 = arith.constant 0 : index
      %swap3A_49 = arith.constant 0 : index
      %swap3A_50 = vector.load %arg8[%swap3A_48, %swap3A_49] : memref<2x512xf32, #tpu.memory_space<vmem>>, vector<2x512xf32>
      tpu.vector_store %arg8[%swap3A_48, %swap3A_49], %broadcast_in_dim3A_47 {strides = array<i32>} : memref<2x512xf32, #tpu.memory_space<vmem>>, vector<2x512xf32>,
    } else {
    }
    %get3A_23 = arith.constant 0 : index
    %get3A_24 = arith.constant 0 : index
    %get3A_25 = vector.load %arg8[%get3A_23, %get3A_24] : memref<2x512xf32, #tpu.memory_space<vmem>>, vector<1x512xf32>
    %reduce_sum3A = arith.constant dense<0.000000e+00> : vector<512xf32>
    %reduce_sum3A_26 = vector.multi_reduction <add>, %add3A_18, %reduce_sum3A [0] : vector<512x512xf32> to vector<512xf32>
    %broadcast_in_dim3A = vector.shape_cast %reduce_sum3A_26 : vector<512xf32> to vector<1x512xf32>
    %add3A_27 = arith.addf %get3A_25, %broadcast_in_dim3A : vector<1x512xf32>
    %swap3A_28 = arith.constant 0 : index
    %swap3A_29 = arith.constant 0 : index
    %swap3A_30 = vector.load %arg8[%swap3A_28, %swap3A_29] : memref<2x512xf32, #tpu.memory_space<vmem>>, vector<1x512xf32>
    tpu.vector_store %arg8[%swap3A_28, %swap3A_29], %add3A_27 {strides = array<i32>} : memref<2x512xf32, #tpu.memory_space<vmem>>, vector<1x512xf32>,
    %get3A_31 = arith.constant 1 : index
    %get3A_32 = arith.constant 0 : index
    %get3A_33 = vector.load %arg8[%get3A_31, %get3A_32] : memref<2x512xf32, #tpu.memory_space<vmem>>, vector<1x512xf32>
    %mul3A = arith.mulf %add3A_18, %add3A_18 : vector<512x512xf32>
    %reduce_sum3A_34 = arith.constant dense<0.000000e+00> : vector<512xf32>
    %reduce_sum3A_35 = vector.multi_reduction <add>, %mul3A, %reduce_sum3A_34 [0] : vector<512x512xf32> to vector<512xf32>
    %broadcast_in_dim3A_36 = vector.shape_cast %reduce_sum3A_35 : vector<512xf32> to vector<1x512xf32>
    %add3A_37 = arith.addf %get3A_33, %broadcast_in_dim3A_36 : vector<1x512xf32>
    %swap3A_38 = arith.constant 1 : index
    %swap3A_39 = arith.constant 0 : index
    %swap3A_40 = vector.load %arg8[%swap3A_38, %swap3A_39] : memref<2x512xf32, #tpu.memory_space<vmem>>, vector<1x512xf32>
    tpu.vector_store %arg8[%swap3A_38, %swap3A_39], %add3A_37 {strides = array<i32>} : memref<2x512xf32, #tpu.memory_space<vmem>>, vector<1x512xf32>,
    %eq3A_41 = arith.constant 7 : i32
    %eq3A_42 = arith.cmpi eq, %arg0, %eq3A_41 : i32
    %convert_element_type3A_43 = arith.extui %eq3A_42 : i1 to i32
    %cond3A_44 = arith.constant 0 : i32
    %cond3A_45 = arith.cmpi ne, %convert_element_type3A_43, %cond3A_44 : i32
    scf.if %cond3A_45 {
      %get3A_46 = arith.constant 0 : index
      %get3A_47 = arith.constant 0 : index
      %get3A_48 = vector.load %arg8[%get3A_46, %get3A_47] : memref<2x512xf32, #tpu.memory_space<vmem>>, vector<2x512xf32>
      %swap3A_49 = arith.constant 0 : index
      %swap3A_50 = arith.constant 0 : index
      %swap3A_51 = vector.load %arg7[%swap3A_49, %swap3A_50] : memref<2x512xf32, #tpu.memory_space<vmem>>, vector<2x512xf32>
      tpu.vector_store %arg7[%swap3A_49, %swap3A_50], %get3A_48 {strides = array<i32>} : memref<2x512xf32, #tpu.memory_space<vmem>>, vector<2x512xf32>,
    } else {
    }
    return
  }
  func.func @transform_0(%arg0: i32) -> (i32, i32) {
    %c0_i32 = arith.constant 0 : i32
    %c0_i32_0 = arith.constant 0 : i32
    return %arg0, %c0_i32 : i32, i32
  }
  func.func @transform_1(%arg0: i32) -> (i32, i32) {
    %c0_i32 = arith.constant 0 : i32
    %c0_i32_0 = arith.constant 0 : i32
    return %arg0, %c0_i32 : i32, i32
  }
  func.func @transform_2(%arg0: i32) -> (i32, i32) {
    %c0_i32 = arith.constant 0 : i32
    %c0_i32_0 = arith.constant 0 : i32
    %c0_i32_1 = arith.constant 0 : i32
    return %c0_i32, %c0_i32_0 : i32, i32
  }
  func.func @transform_3(%arg0: i32) -> (i32, i32) {
    %c0_i32 = arith.constant 0 : i32
    %c0_i32_0 = arith.constant 0 : i32
    %c0_i32_1 = arith.constant 0 : i32
    return %c0_i32, %c0_i32_0 : i32, i32
  }
  func.func @transform_4(%arg0: i32) -> (i32, i32) {
    %c0_i32 = arith.constant 0 : i32
    %c0_i32_0 = arith.constant 0 : i32
    %c0_i32_1 = arith.constant 0 : i32
    return %c0_i32, %c0_i32_0 : i32, i32
  }
  func.func @transform_5(%arg0: i32) -> (i32, i32) {
    %c0_i32 = arith.constant 0 : i32
    %c0_i32_0 = arith.constant 0 : i32
    return %arg0, %c0_i32 : i32, i32
  }
  func.func @transform_6(%arg0: i32) -> (i32, i32) {
    %c0_i32 = arith.constant 0 : i32
    %c0_i32_0 = arith.constant 0 : i32
    %c0_i32_1 = arith.constant 0 : i32
    return %c0_i32, %c0_i32_0 : i32, i32
  }
}

module attributes {stable_mosaic.version = 14 : i64} {
  func.func @_k2_body(%arg0: i32, %arg1: memref<512x512xf32, #tpu.memory_space<vmem>>, %arg2: memref<512x1024xf32, #tpu.memory_space<vmem>>, %arg3: memref<512x1024xf32, #tpu.memory_space<vmem>>, %arg4: memref<2x512xf32, #tpu.memory_space<vmem>>, %arg5: memref<512x512xf32, #tpu.memory_space<vmem>>, %arg6: memref<1024x512xf32, #tpu.memory_space<vmem>>, %arg7: memref<1024x512xf32, #tpu.memory_space<vmem>>, %arg8: memref<1x512xf32, #tpu.memory_space<vmem>>, %arg9: memref<1x512xf32, #tpu.memory_space<vmem>>, %arg10: memref<1x512xf32, #tpu.memory_space<vmem>>, %arg11: memref<512x512xf32, #tpu.memory_space<vmem>>, %arg12: memref<512x512xf32, #tpu.memory_space<vmem>>, %arg13: memref<2x512xf32, #tpu.memory_space<vmem>>, %arg14: memref<2x512xf32, #tpu.memory_space<vmem>>) attributes {dimension_semantics = [#tpu.dimension_semantics<arbitrary>], iteration_bounds = array<i64: 8>, scalar_prefetch = 0 : i64, scratch_operands = 1 : i64, tpu.core_type = #tpu.core_type<tc>, window_params = [{transform_indices = @transform_0, window_bounds = array<i64: 512, 512>}, {transform_indices = @transform_1, window_bounds = array<i64: 512, 1024>}, {transform_indices = @transform_2, window_bounds = array<i64: 512, 1024>}, {pipeline_mode = #tpu.pipeline_mode<synchronous>, transform_indices = @transform_3, window_bounds = array<i64: 2, 512>}, {pipeline_mode = #tpu.pipeline_mode<synchronous>, transform_indices = @transform_4, window_bounds = array<i64: 512, 512>}, {pipeline_mode = #tpu.pipeline_mode<synchronous>, transform_indices = @transform_5, window_bounds = array<i64: 1024, 512>}, {pipeline_mode = #tpu.pipeline_mode<synchronous>, transform_indices = @transform_6, window_bounds = array<i64: 1024, 512>}, {pipeline_mode = #tpu.pipeline_mode<synchronous>, transform_indices = @transform_7, window_bounds = array<i64: 1, 512>}, {pipeline_mode = #tpu.pipeline_mode<synchronous>, transform_indices = @transform_8, window_bounds = array<i64: 1, 512>}, {pipeline_mode = #tpu.pipeline_mode<synchronous>, transform_indices = @transform_9, window_bounds = array<i64: 1, 512>}, {transform_indices = @transform_10, window_bounds = array<i64: 512, 512>}, {transform_indices = @transform_11, window_bounds = array<i64: 512, 512>}, {pipeline_mode = #tpu.pipeline_mode<synchronous>, transform_indices = @transform_12, window_bounds = array<i64: 2, 512>}]} {
    %get3A = arith.constant 0 : index
    %get3A_0 = arith.constant 0 : index
    %get3A_1 = vector.load %arg4[%get3A, %get3A_0] : memref<2x512xf32, #tpu.memory_space<vmem>>, vector<1x512xf32>
    %div3A = arith.constant 4.096000e+03 : f32
    %div3A_2 = vector.broadcast %div3A : f32 to vector<1x512xf32>
    %div3A_3 = arith.divf %get3A_1, %div3A_2 : vector<1x512xf32>
    %get3A_4 = arith.constant 1 : index
    %get3A_5 = arith.constant 0 : index
    %get3A_6 = vector.load %arg4[%get3A_4, %get3A_5] : memref<2x512xf32, #tpu.memory_space<vmem>>, vector<1x512xf32>
    %div3A_7 = arith.constant 4.096000e+03 : f32
    %div3A_8 = vector.broadcast %div3A_7 : f32 to vector<1x512xf32>
    %div3A_9 = arith.divf %get3A_6, %div3A_8 : vector<1x512xf32>
    %mul3A = arith.mulf %div3A_3, %div3A_3 : vector<1x512xf32>
    %sub3A = arith.subf %div3A_9, %mul3A : vector<1x512xf32>
    %get3A_10 = arith.constant 0 : index
    %get3A_11 = arith.constant 0 : index
    %get3A_12 = vector.load %arg1[%get3A_10, %get3A_11] : memref<512x512xf32, #tpu.memory_space<vmem>>, vector<512x512xf32>
    %sub3A_13 = vector.broadcast %div3A_3 : vector<1x512xf32> to vector<512x512xf32>
    %sub3A_14 = arith.subf %get3A_12, %sub3A_13 : vector<512x512xf32>
    %add3A = arith.constant 9.99999974E-6 : f32
    %add3A_15 = vector.broadcast %add3A : f32 to vector<1x512xf32>
    %add3A_16 = arith.addf %sub3A, %add3A_15 : vector<1x512xf32>
    %rsqrt3A = math.rsqrt %add3A_16 : vector<1x512xf32>
    %mul3A_17 = vector.broadcast %rsqrt3A : vector<1x512xf32> to vector<512x512xf32>
    %mul3A_18 = arith.mulf %sub3A_14, %mul3A_17 : vector<512x512xf32>
    %get3A_19 = arith.constant 0 : index
    %get3A_20 = arith.constant 0 : index
    %get3A_21 = vector.load %arg9[%get3A_19, %get3A_20] : memref<1x512xf32, #tpu.memory_space<vmem>>, vector<1x512xf32>
    %mul3A_22 = vector.broadcast %get3A_21 : vector<1x512xf32> to vector<512x512xf32>
    %mul3A_23 = arith.mulf %mul3A_18, %mul3A_22 : vector<512x512xf32>
    %get3A_24 = arith.constant 0 : index
    %get3A_25 = arith.constant 0 : index
    %get3A_26 = vector.load %arg10[%get3A_24, %get3A_25] : memref<1x512xf32, #tpu.memory_space<vmem>>, vector<1x512xf32>
    %add3A_27 = vector.broadcast %get3A_26 : vector<1x512xf32> to vector<512x512xf32>
    %add3A_28 = arith.addf %mul3A_23, %add3A_27 : vector<512x512xf32>
    %gt3A = arith.constant 0.000000e+00 : f32
    %gt3A_29 = vector.broadcast %gt3A : f32 to vector<512x512xf32>
    %gt3A_30 = arith.cmpf ogt, %add3A_28, %gt3A_29 : vector<512x512xf32>
    %mul3A_31 = arith.constant 0.00999999977 : f32
    %mul3A_32 = vector.broadcast %mul3A_31 : f32 to vector<512x512xf32>
    %mul3A_33 = arith.mulf %mul3A_32, %add3A_28 : vector<512x512xf32>
    %select_n3A = arith.select %gt3A_30, %add3A_28, %mul3A_33 : vector<512x512xi1>, vector<512x512xf32>
    %swap3A = arith.constant 0 : index
    %swap3A_34 = arith.constant 0 : index
    %swap3A_35 = vector.load %arg11[%swap3A, %swap3A_34] : memref<512x512xf32, #tpu.memory_space<vmem>>, vector<512x512xf32>
    tpu.vector_store %arg11[%swap3A, %swap3A_34], %select_n3A {strides = array<i32>} : memref<512x512xf32, #tpu.memory_space<vmem>>, vector<512x512xf32>,
    %get3A_36 = arith.constant 0 : index
    %get3A_37 = arith.constant 0 : index
    %get3A_38 = vector.load %arg5[%get3A_36, %get3A_37] : memref<512x512xf32, #tpu.memory_space<vmem>>, vector<512x512xf32>
    %dot_general3A = arith.constant dense<0.000000e+00> : vector<512x512xf32>
    %dot_general3A_39 = tpu.matmul %select_n3A, %get3A_38, %dot_general3A {dimension_numbers = #tpu.dot_dimension_numbers<[1], [0], [0], [1], [0, 0, 1, 1], [], []>, transpose_lhs_hint = false} : vector<512x512xf32>, vector<512x512xf32>, vector<512x512xf32> -> vector<512x512xf32>
    %get3A_40 = arith.constant 0 : index
    %get3A_41 = arith.constant 0 : index
    %get3A_42 = vector.load %arg2[%get3A_40, %get3A_41] : memref<512x1024xf32, #tpu.memory_space<vmem>>, vector<512x1024xf32>
    %get3A_43 = arith.constant 0 : index
    %get3A_44 = arith.constant 0 : index
    %get3A_45 = vector.load %arg6[%get3A_43, %get3A_44] : memref<1024x512xf32, #tpu.memory_space<vmem>>, vector<1024x512xf32>
    %dot_general3A_46 = arith.constant dense<0.000000e+00> : vector<512x512xf32>
    %dot_general3A_47 = tpu.matmul %get3A_42, %get3A_45, %dot_general3A_46 {dimension_numbers = #tpu.dot_dimension_numbers<[1], [0], [0], [1], [0, 0, 1, 1], [], []>, transpose_lhs_hint = false} : vector<512x1024xf32>, vector<1024x512xf32>, vector<512x512xf32> -> vector<512x512xf32>
    %add3A_48 = arith.addf %dot_general3A_39, %dot_general3A_47 : vector<512x512xf32>
    %get3A_49 = arith.constant 0 : index
    %get3A_50 = arith.constant 0 : index
    %get3A_51 = vector.load %arg3[%get3A_49, %get3A_50] : memref<512x1024xf32, #tpu.memory_space<vmem>>, vector<512x1024xf32>
    %get3A_52 = arith.constant 0 : index
    %get3A_53 = arith.constant 0 : index
    %get3A_54 = vector.load %arg7[%get3A_52, %get3A_53] : memref<1024x512xf32, #tpu.memory_space<vmem>>, vector<1024x512xf32>
    %dot_general3A_55 = arith.constant dense<0.000000e+00> : vector<512x512xf32>
    %dot_general3A_56 = tpu.matmul %get3A_51, %get3A_54, %dot_general3A_55 {dimension_numbers = #tpu.dot_dimension_numbers<[1], [0], [0], [1], [0, 0, 1, 1], [], []>, transpose_lhs_hint = false} : vector<512x1024xf32>, vector<1024x512xf32>, vector<512x512xf32> -> vector<512x512xf32>
    %add3A_57 = arith.addf %add3A_48, %dot_general3A_56 : vector<512x512xf32>
    %get3A_58 = arith.constant 0 : index
    %get3A_59 = arith.constant 0 : index
    %get3A_60 = vector.load %arg8[%get3A_58, %get3A_59] : memref<1x512xf32, #tpu.memory_space<vmem>>, vector<1x512xf32>
    %add3A_61 = vector.broadcast %get3A_60 : vector<1x512xf32> to vector<512x512xf32>
    %add3A_62 = arith.addf %add3A_57, %add3A_61 : vector<512x512xf32>
    %gt3A_63 = arith.constant 0.000000e+00 : f32
    %gt3A_64 = vector.broadcast %gt3A_63 : f32 to vector<512x512xf32>
    %gt3A_65 = arith.cmpf ogt, %add3A_62, %gt3A_64 : vector<512x512xf32>
    %mul3A_66 = arith.constant 0.00999999977 : f32
    %mul3A_67 = vector.broadcast %mul3A_66 : f32 to vector<512x512xf32>
    %mul3A_68 = arith.mulf %mul3A_67, %add3A_62 : vector<512x512xf32>
    %select_n3A_69 = arith.select %gt3A_65, %add3A_62, %mul3A_68 : vector<512x512xi1>, vector<512x512xf32>
    %swap3A_70 = arith.constant 0 : index
    %swap3A_71 = arith.constant 0 : index
    %swap3A_72 = vector.load %arg12[%swap3A_70, %swap3A_71] : memref<512x512xf32, #tpu.memory_space<vmem>>, vector<512x512xf32>
    tpu.vector_store %arg12[%swap3A_70, %swap3A_71], %select_n3A_69 {strides = array<i32>} : memref<512x512xf32, #tpu.memory_space<vmem>>, vector<512x512xf32>,
    %eq3A = arith.constant 0 : i32
    %eq3A_73 = arith.cmpi eq, %arg0, %eq3A : i32
    %convert_element_type3A = arith.extui %eq3A_73 : i1 to i32
    %cond3A = arith.constant 0 : i32
    %cond3A_74 = arith.cmpi ne, %convert_element_type3A, %cond3A : i32
    scf.if %cond3A_74 {
      %broadcast_in_dim3A_99 = arith.constant 0.000000e+00 : f32
      %broadcast_in_dim3A_100 = vector.broadcast %broadcast_in_dim3A_99 : f32 to vector<2x512xf32>
      %swap3A_101 = arith.constant 0 : index
      %swap3A_102 = arith.constant 0 : index
      %swap3A_103 = vector.load %arg14[%swap3A_101, %swap3A_102] : memref<2x512xf32, #tpu.memory_space<vmem>>, vector<2x512xf32>
      tpu.vector_store %arg14[%swap3A_101, %swap3A_102], %broadcast_in_dim3A_100 {strides = array<i32>} : memref<2x512xf32, #tpu.memory_space<vmem>>, vector<2x512xf32>,
    } else {
    }
    %get3A_75 = arith.constant 0 : index
    %get3A_76 = arith.constant 0 : index
    %get3A_77 = vector.load %arg14[%get3A_75, %get3A_76] : memref<2x512xf32, #tpu.memory_space<vmem>>, vector<1x512xf32>
    %reduce_sum3A = arith.constant dense<0.000000e+00> : vector<512xf32>
    %reduce_sum3A_78 = vector.multi_reduction <add>, %select_n3A_69, %reduce_sum3A [0] : vector<512x512xf32> to vector<512xf32>
    %broadcast_in_dim3A = vector.shape_cast %reduce_sum3A_78 : vector<512xf32> to vector<1x512xf32>
    %add3A_79 = arith.addf %get3A_77, %broadcast_in_dim3A : vector<1x512xf32>
    %swap3A_80 = arith.constant 0 : index
    %swap3A_81 = arith.constant 0 : index
    %swap3A_82 = vector.load %arg14[%swap3A_80, %swap3A_81] : memref<2x512xf32, #tpu.memory_space<vmem>>, vector<1x512xf32>
    tpu.vector_store %arg14[%swap3A_80, %swap3A_81], %add3A_79 {strides = array<i32>} : memref<2x512xf32, #tpu.memory_space<vmem>>, vector<1x512xf32>,
    %get3A_83 = arith.constant 1 : index
    %get3A_84 = arith.constant 0 : index
    %get3A_85 = vector.load %arg14[%get3A_83, %get3A_84] : memref<2x512xf32, #tpu.memory_space<vmem>>, vector<1x512xf32>
    %mul3A_86 = arith.mulf %select_n3A_69, %select_n3A_69 : vector<512x512xf32>
    %reduce_sum3A_87 = arith.constant dense<0.000000e+00> : vector<512xf32>
    %reduce_sum3A_88 = vector.multi_reduction <add>, %mul3A_86, %reduce_sum3A_87 [0] : vector<512x512xf32> to vector<512xf32>
    %broadcast_in_dim3A_89 = vector.shape_cast %reduce_sum3A_88 : vector<512xf32> to vector<1x512xf32>
    %add3A_90 = arith.addf %get3A_85, %broadcast_in_dim3A_89 : vector<1x512xf32>
    %swap3A_91 = arith.constant 1 : index
    %swap3A_92 = arith.constant 0 : index
    %swap3A_93 = vector.load %arg14[%swap3A_91, %swap3A_92] : memref<2x512xf32, #tpu.memory_space<vmem>>, vector<1x512xf32>
    tpu.vector_store %arg14[%swap3A_91, %swap3A_92], %add3A_90 {strides = array<i32>} : memref<2x512xf32, #tpu.memory_space<vmem>>, vector<1x512xf32>,
    %eq3A_94 = arith.constant 7 : i32
    %eq3A_95 = arith.cmpi eq, %arg0, %eq3A_94 : i32
    %convert_element_type3A_96 = arith.extui %eq3A_95 : i1 to i32
    %cond3A_97 = arith.constant 0 : i32
    %cond3A_98 = arith.cmpi ne, %convert_element_type3A_96, %cond3A_97 : i32
    scf.if %cond3A_98 {
      %get3A_99 = arith.constant 0 : index
      %get3A_100 = arith.constant 0 : index
      %get3A_101 = vector.load %arg14[%get3A_99, %get3A_100] : memref<2x512xf32, #tpu.memory_space<vmem>>, vector<2x512xf32>
      %swap3A_102 = arith.constant 0 : index
      %swap3A_103 = arith.constant 0 : index
      %swap3A_104 = vector.load %arg13[%swap3A_102, %swap3A_103] : memref<2x512xf32, #tpu.memory_space<vmem>>, vector<2x512xf32>
      tpu.vector_store %arg13[%swap3A_102, %swap3A_103], %get3A_101 {strides = array<i32>} : memref<2x512xf32, #tpu.memory_space<vmem>>, vector<2x512xf32>,
    } else {
    }
    return
  }
  func.func @transform_0(%arg0: i32) -> (i32, i32) {
    %c0_i32 = arith.constant 0 : i32
    %c0_i32_0 = arith.constant 0 : i32
    return %arg0, %c0_i32 : i32, i32
  }
  func.func @transform_1(%arg0: i32) -> (i32, i32) {
    %c0_i32 = arith.constant 0 : i32
    %c0_i32_0 = arith.constant 0 : i32
    return %arg0, %c0_i32 : i32, i32
  }
  func.func @transform_2(%arg0: i32) -> (i32, i32) {
    %c0_i32 = arith.constant 0 : i32
    %c0_i32_0 = arith.constant 0 : i32
    return %arg0, %c0_i32 : i32, i32
  }
  func.func @transform_3(%arg0: i32) -> (i32, i32) {
    %c0_i32 = arith.constant 0 : i32
    %c0_i32_0 = arith.constant 0 : i32
    %c0_i32_1 = arith.constant 0 : i32
    return %c0_i32, %c0_i32_0 : i32, i32
  }
  func.func @transform_4(%arg0: i32) -> (i32, i32) {
    %c0_i32 = arith.constant 0 : i32
    %c0_i32_0 = arith.constant 0 : i32
    %c0_i32_1 = arith.constant 0 : i32
    return %c0_i32, %c0_i32_0 : i32, i32
  }
  func.func @transform_5(%arg0: i32) -> (i32, i32) {
    %c0_i32 = arith.constant 0 : i32
    %c0_i32_0 = arith.constant 0 : i32
    %c0_i32_1 = arith.constant 0 : i32
    return %c0_i32, %c0_i32_0 : i32, i32
  }
  func.func @transform_6(%arg0: i32) -> (i32, i32) {
    %c0_i32 = arith.constant 0 : i32
    %c0_i32_0 = arith.constant 0 : i32
    %c0_i32_1 = arith.constant 0 : i32
    return %c0_i32, %c0_i32_0 : i32, i32
  }
  func.func @transform_7(%arg0: i32) -> (i32, i32) {
    %c0_i32 = arith.constant 0 : i32
    %c0_i32_0 = arith.constant 0 : i32
    %c0_i32_1 = arith.constant 0 : i32
    return %c0_i32, %c0_i32_0 : i32, i32
  }
  func.func @transform_8(%arg0: i32) -> (i32, i32) {
    %c0_i32 = arith.constant 0 : i32
    %c0_i32_0 = arith.constant 0 : i32
    %c0_i32_1 = arith.constant 0 : i32
    return %c0_i32, %c0_i32_0 : i32, i32
  }
  func.func @transform_9(%arg0: i32) -> (i32, i32) {
    %c0_i32 = arith.constant 0 : i32
    %c0_i32_0 = arith.constant 0 : i32
    %c0_i32_1 = arith.constant 0 : i32
    return %c0_i32, %c0_i32_0 : i32, i32
  }
  func.func @transform_10(%arg0: i32) -> (i32, i32) {
    %c0_i32 = arith.constant 0 : i32
    %c0_i32_0 = arith.constant 0 : i32
    return %arg0, %c0_i32 : i32, i32
  }
  func.func @transform_11(%arg0: i32) -> (i32, i32) {
    %c0_i32 = arith.constant 0 : i32
    %c0_i32_0 = arith.constant 0 : i32
    return %arg0, %c0_i32 : i32, i32
  }
  func.func @transform_12(%arg0: i32) -> (i32, i32) {
    %c0_i32 = arith.constant 0 : i32
    %c0_i32_0 = arith.constant 0 : i32
    %c0_i32_1 = arith.constant 0 : i32
    return %c0_i32, %c0_i32_0 : i32, i32
  }
}

module attributes {stable_mosaic.version = 14 : i64} {
  func.func @_k3_body(%arg0: i32, %arg1: memref<512x512xf32, #tpu.memory_space<vmem>>, %arg2: memref<2x512xf32, #tpu.memory_space<vmem>>, %arg3: memref<1x512xf32, #tpu.memory_space<vmem>>, %arg4: memref<1x512xf32, #tpu.memory_space<vmem>>, %arg5: memref<512x1xf32, #tpu.memory_space<vmem>>, %arg6: memref<1x1xf32, #tpu.memory_space<vmem>>, %arg7: memref<512x1xf32, #tpu.memory_space<vmem>>) attributes {dimension_semantics = [#tpu.dimension_semantics<arbitrary>], iteration_bounds = array<i64: 8>, scalar_prefetch = 0 : i64, scratch_operands = 0 : i64, tpu.core_type = #tpu.core_type<tc>, window_params = [{transform_indices = @transform_0, window_bounds = array<i64: 512, 512>}, {pipeline_mode = #tpu.pipeline_mode<synchronous>, transform_indices = @transform_1, window_bounds = array<i64: 2, 512>}, {pipeline_mode = #tpu.pipeline_mode<synchronous>, transform_indices = @transform_2, window_bounds = array<i64: 1, 512>}, {pipeline_mode = #tpu.pipeline_mode<synchronous>, transform_indices = @transform_3, window_bounds = array<i64: 1, 512>}, {pipeline_mode = #tpu.pipeline_mode<synchronous>, transform_indices = @transform_4, window_bounds = array<i64: 512, 1>}, {pipeline_mode = #tpu.pipeline_mode<synchronous>, transform_indices = @transform_5, window_bounds = array<i64: 1, 1>}, {transform_indices = @transform_6, window_bounds = array<i64: 512, 1>}]} {
    %get3A = arith.constant 0 : index
    %get3A_0 = arith.constant 0 : index
    %get3A_1 = vector.load %arg2[%get3A, %get3A_0] : memref<2x512xf32, #tpu.memory_space<vmem>>, vector<1x512xf32>
    %div3A = arith.constant 4.096000e+03 : f32
    %div3A_2 = vector.broadcast %div3A : f32 to vector<1x512xf32>
    %div3A_3 = arith.divf %get3A_1, %div3A_2 : vector<1x512xf32>
    %get3A_4 = arith.constant 1 : index
    %get3A_5 = arith.constant 0 : index
    %get3A_6 = vector.load %arg2[%get3A_4, %get3A_5] : memref<2x512xf32, #tpu.memory_space<vmem>>, vector<1x512xf32>
    %div3A_7 = arith.constant 4.096000e+03 : f32
    %div3A_8 = vector.broadcast %div3A_7 : f32 to vector<1x512xf32>
    %div3A_9 = arith.divf %get3A_6, %div3A_8 : vector<1x512xf32>
    %mul3A = arith.mulf %div3A_3, %div3A_3 : vector<1x512xf32>
    %sub3A = arith.subf %div3A_9, %mul3A : vector<1x512xf32>
    %get3A_10 = arith.constant 0 : index
    %get3A_11 = arith.constant 0 : index
    %get3A_12 = vector.load %arg1[%get3A_10, %get3A_11] : memref<512x512xf32, #tpu.memory_space<vmem>>, vector<512x512xf32>
    %sub3A_13 = vector.broadcast %div3A_3 : vector<1x512xf32> to vector<512x512xf32>
    %sub3A_14 = arith.subf %get3A_12, %sub3A_13 : vector<512x512xf32>
    %add3A = arith.constant 9.99999974E-6 : f32
    %add3A_15 = vector.broadcast %add3A : f32 to vector<1x512xf32>
    %add3A_16 = arith.addf %sub3A, %add3A_15 : vector<1x512xf32>
    %rsqrt3A = math.rsqrt %add3A_16 : vector<1x512xf32>
    %mul3A_17 = vector.broadcast %rsqrt3A : vector<1x512xf32> to vector<512x512xf32>
    %mul3A_18 = arith.mulf %sub3A_14, %mul3A_17 : vector<512x512xf32>
    %get3A_19 = arith.constant 0 : index
    %get3A_20 = arith.constant 0 : index
    %get3A_21 = vector.load %arg3[%get3A_19, %get3A_20] : memref<1x512xf32, #tpu.memory_space<vmem>>, vector<1x512xf32>
    %mul3A_22 = vector.broadcast %get3A_21 : vector<1x512xf32> to vector<512x512xf32>
    %mul3A_23 = arith.mulf %mul3A_18, %mul3A_22 : vector<512x512xf32>
    %get3A_24 = arith.constant 0 : index
    %get3A_25 = arith.constant 0 : index
    %get3A_26 = vector.load %arg4[%get3A_24, %get3A_25] : memref<1x512xf32, #tpu.memory_space<vmem>>, vector<1x512xf32>
    %add3A_27 = vector.broadcast %get3A_26 : vector<1x512xf32> to vector<512x512xf32>
    %add3A_28 = arith.addf %mul3A_23, %add3A_27 : vector<512x512xf32>
    %get3A_29 = arith.constant 0 : index
    %get3A_30 = arith.constant 0 : index
    %get3A_31 = vector.load %arg5[%get3A_29, %get3A_30] : memref<512x1xf32, #tpu.memory_space<vmem>>, vector<512x1xf32>
    %dot_general3A = arith.constant dense<0.000000e+00> : vector<512x1xf32>
    %dot_general3A_32 = tpu.matmul %add3A_28, %get3A_31, %dot_general3A {dimension_numbers = #tpu.dot_dimension_numbers<[1], [0], [0], [1], [0, 0, 1, 1], [], []>, transpose_lhs_hint = false} : vector<512x512xf32>, vector<512x1xf32>, vector<512x1xf32> -> vector<512x1xf32>
    %get3A_33 = arith.constant 0 : index
    %get3A_34 = arith.constant 0 : index
    %get3A_35 = vector.load %arg6[%get3A_33, %get3A_34] : memref<1x1xf32, #tpu.memory_space<vmem>>, vector<1x1xf32>
    %add3A_36 = vector.broadcast %get3A_35 : vector<1x1xf32> to vector<512x1xf32>
    %add3A_37 = arith.addf %dot_general3A_32, %add3A_36 : vector<512x1xf32>
    %max3A = arith.constant 0.000000e+00 : f32
    %max3A_38 = vector.broadcast %max3A : f32 to vector<512x1xf32>
    %max3A_39 = arith.maximumf %add3A_37, %max3A_38 : vector<512x1xf32>
    %swap3A = arith.constant 0 : index
    %swap3A_40 = arith.constant 0 : index
    %swap3A_41 = vector.load %arg7[%swap3A, %swap3A_40] : memref<512x1xf32, #tpu.memory_space<vmem>>, vector<512x1xf32>
    tpu.vector_store %arg7[%swap3A, %swap3A_40], %max3A_39 {strides = array<i32>} : memref<512x1xf32, #tpu.memory_space<vmem>>, vector<512x1xf32>,
    return
  }
  func.func @transform_0(%arg0: i32) -> (i32, i32) {
    %c0_i32 = arith.constant 0 : i32
    %c0_i32_0 = arith.constant 0 : i32
    return %arg0, %c0_i32 : i32, i32
  }
  func.func @transform_1(%arg0: i32) -> (i32, i32) {
    %c0_i32 = arith.constant 0 : i32
    %c0_i32_0 = arith.constant 0 : i32
    %c0_i32_1 = arith.constant 0 : i32
    return %c0_i32, %c0_i32_0 : i32, i32
  }
  func.func @transform_2(%arg0: i32) -> (i32, i32) {
    %c0_i32 = arith.constant 0 : i32
    %c0_i32_0 = arith.constant 0 : i32
    %c0_i32_1 = arith.constant 0 : i32
    return %c0_i32, %c0_i32_0 : i32, i32
  }
  func.func @transform_3(%arg0: i32) -> (i32, i32) {
    %c0_i32 = arith.constant 0 : i32
    %c0_i32_0 = arith.constant 0 : i32
    %c0_i32_1 = arith.constant 0 : i32
    return %c0_i32, %c0_i32_0 : i32, i32
  }
  func.func @transform_4(%arg0: i32) -> (i32, i32) {
    %c0_i32 = arith.constant 0 : i32
    %c0_i32_0 = arith.constant 0 : i32
    %c0_i32_1 = arith.constant 0 : i32
    return %c0_i32, %c0_i32_0 : i32, i32
  }
  func.func @transform_5(%arg0: i32) -> (i32, i32) {
    %c0_i32 = arith.constant 0 : i32
    %c0_i32_0 = arith.constant 0 : i32
    %c0_i32_1 = arith.constant 0 : i32
    return %c0_i32, %c0_i32_0 : i32, i32
  }
  func.func @transform_6(%arg0: i32) -> (i32, i32) {
    %c0_i32 = arith.constant 0 : i32
    %c0_i32_0 = arith.constant 0 : i32
    return %arg0, %c0_i32 : i32, i32
  }
}

</mosaic_0001>

<sc_bundles>
// kernel: gather_offload_async_start.1
scs
__scs_entry_jumppad:
0x0: {  	(pc) =	sbr.rel $0x88, $3  }
0x1: {  	(tag) =	ssettag $0x0;
	lr =	simm.s32 $0x1  }
0x2: {  	[smem:$0x3F87] =	sst lr;
	_ =	strace $0xD0000000  }
0x3: {  	_ = 	snop  }
0x4: {  	_ = 	snop  }
0x5: {  	_ = 	snop  }
0x6: {  	_ = 	snop  }
0x7: {  	_ = 	snop  }
__scs_overlays_trampoline_lowered:
0x8: {  	[smem:$0x3F96] =	sst s0  }
0x9: {  	[smem:$0x3F97] =	sst s1  }
0xa: {  	[smem:$0x3F98] =	sst s2  }
0xb: {  	[smem:$0x3F99] =	sst s3  }
0xc: {  	[smem:$0x3F9A] =	sst s4  }
0xd: {  	[smem:$0x3F9B] =	sst s5  }
0xe: {  	[smem:$0x3F9C] =	sst s6  }
0xf: {  	[smem:$0x3F9D] =	sst s7  }
0x10: {  	[smem:$0x3F9E] =	sst s8  }
0x11: {  	[smem:$0x3F9F] =	sst s9;
	s0 =	simm.s32 @!p0 $0x0  }
0x12: {  	s1 =	sld [smem:$0x3F85];
	s0 =	simm.s32 @p0 $0x1  }
0x13: {  	[smem:$0x3FA0] =	sst s0;
	s0 =	simm.s32 @!p1 $0x0  }
0x14: {  	s2 =	sld [smem:$0x3F84];
	s0 =	simm.s32 @p1 $0x1  }
0x15: {  	[smem:$0x3FA1] =	sst s0;
	s0 =	simm.s32 @!p2 $0x0  }
0x16: {  	s3 =	sld [smem:$0x3FDB];
	s0 =	simm.s32 @p2 $0x1  }
0x17: {  	s4 =	simm.s32 $0x1BF5;
	[smem:$0x3FA3] =	sst s0  }
0x18: {  	s0 =	sld [smem:$0x3F86];
	_ =	swait.ge [sflag:s4], $0x0  }
0x19: {  	s7 =	sld [smem:$0x3F87]  }
0x1a: {  	s8 =	sadd.s32 $0xFFFFE003, lr  }
0x1b: {  	s9 =	sadd.s32 $0xFFFFFEF7, lr;
	s5 =	simm.s32 $0xFFFFFFFF;
	p2 =	slt.u32 s8, $0xFFFFF086  }
0x1c: {  	p1 =	slt.u32 s9, $0xF7A;
	s5 =	simm.s32 @!p2 $0x0  }
0x1d: {  	s5 =	simm.s32 @p1 $0x1;
	p0 =	seq.s32 s7, s2  }
0x1e: {  	s7 =	smul.u32 @!p0 $0xF7A, s2;
	p2 =	seq.s32 @!p0 s5, $0x0  }
0x1f: {  	s9 =	smul.u32 $0xF7A, s1;
	s8 =	simm.s32 @!p0 $0x1BF5;
	p2 =	por !p2, p0  }
0x20: {  	[sflag:s8] =	ssyncset.s32 @!p0 $0xFFFFF086;
	s6 =	sadd.s32 @!p0 s3, s7;
	s7 =	simm.s32 @!p0 $0x108  }
0x21: {  	s3 =	sadd.s32 s3, s9;
	s6 =	sadd.s32 @!p0 $0x88, s6;
	s7 =	simm.s32 @p2 $0x1082  }
0x22: {  	[simem:s7], [sflag:s8] =	dma.local @!p0 [hbm:s6], $0xF7A  }
0x23: {  	s9 =	sor.u32 $0xD0000000, s2;
	s6 =	simm.s32 $0x108;
	_ =	swait.ge @!p0 [sflag:s8], $0x0  }
0x24: {  	s3 =	sadd.s32 $0x88, s3;
	s6 =	simm.s32 @!p1 $0x1082;
	[sflag:s4] =	ssyncset.s32 $0xFFFFF086  }
0x25: {  	[simem:s6], [sflag:s4] =	dma.local [hbm:s3], $0xF7A  }
0x26: {  	[smem:$0x3F87] =	sst s1;
	(tag) =	ssettag s2;
	_ =	strace s9  }
0x27: {  	s1 =	sld [smem:$0x3F97]  }
0x28: {  	s2 =	sld [smem:$0x3F98]  }
0x29: {  	s4 =	sld [smem:$0x3F9A]  }
0x2a: {  	p0 =	seq.s32 s5, $0x0;
	s5 =	sld [smem:$0x3F9B]  }
0x2b: {  	s6 =	sld [smem:$0x3F9C]  }
0x2c: {  	s7 =	sld [smem:$0x3F9D]  }
0x2d: {  	s3 =	simm.s32 $0x108;
	s8 =	sld [smem:$0x3F9E]  }
0x2e: {  	s3 =	simm.s32 @!p0 $0x1082;
	s9 =	sld [smem:$0x3F9F]  }
0x2f: {  	lr =	sadd.s32 s0, s3;
	s0 =	sld [smem:$0x3F96]  }
0x30: {  	s3 =	sld [smem:$0x3F99]  }
0x31: {  	[smem:$0x3FA2] =	sst s10  }
0x32: {  	s10 =	sld [smem:$0x3FA0];
	_ =	sdelay $0x3  }
0x33: {  	p0 =	seq.s32 s10, $0x1;
	s10 =	sld [smem:$0x3FA2];
	_ =	sdelay $0x3  }
0x34: {  	[smem:$0x3FA2] =	sst s10  }
0x35: {  	s10 =	sld [smem:$0x3FA1];
	_ =	sdelay $0x3  }
0x36: {  	p1 =	seq.s32 s10, $0x1;
	s10 =	sld [smem:$0x3FA2];
	_ =	sdelay $0x3  }
0x37: {  	[smem:$0x3FA2] =	sst s10  }
0x38: {  	s10 =	sld [smem:$0x3FA3]  }
0x39: {  	_ = 	snop;
	(pc) =	sbr.ind lr, $3  }
0x3a: {  	_ = 	snop  }
0x3b: {  	_ = 	snop  }
0x3c: {  	p2 =	seq.s32 s10, $0x1;
	s10 =	sld [smem:$0x3FA2]  }
0x3d: {  	_ =	shalt  }
0x3e: {  	_ =	shalt  }
0x3f: {  	_ =	shalt  }
0x40: {  	_ =	shalt  }
0x41: {  	_ =	shalt  }
0x42: {  	_ =	shalt  }
0x43: {  	_ =	shalt  }
0x44: {  	_ =	shalt  }
0x45: {  	_ =	shalt  }
0x46: {  	_ =	shalt  }
0x47: {  	_ =	shalt  }
0x48: {  	_ =	shalt  }
0x49: {  	_ =	shalt  }
0x4a: {  	_ =	shalt  }
0x4b: {  	_ =	shalt  }
0x4c: {  	_ =	shalt  }
0x4d: {  	_ =	shalt  }
0x4e: {  	_ =	shalt  }
0x4f: {  	_ =	shalt  }
0x50: {  	_ =	shalt  }
0x51: {  	_ =	shalt  }
0x52: {  	_ =	shalt  }
0x53: {  	_ =	shalt  }
0x54: {  	_ =	shalt  }
0x55: {  	_ =	shalt  }
0x56: {  	_ =	shalt  }
0x57: {  	_ =	shalt  }
0x58: {  	_ =	shalt  }
0x59: {  	_ =	shalt  }
0x5a: {  	_ =	shalt  }
0x5b: {  	_ =	shalt  }
0x5c: {  	_ =	shalt  }
0x5d: {  	_ =	shalt  }
0x5e: {  	_ =	shalt  }
0x5f: {  	_ =	shalt  }
0x60: {  	_ =	shalt  }
0x61: {  	_ =	shalt  }
0x62: {  	_ =	shalt  }
0x63: {  	_ =	shalt  }
0x64: {  	_ =	shalt  }
0x65: {  	_ =	shalt  }
0x66: {  	_ =	shalt  }
0x67: {  	_ =	shalt  }
0x68: {  	_ =	shalt  }
0x69: {  	_ =	shalt  }
0x6a: {  	_ =	shalt  }
0x6b: {  	_ =	shalt  }
0x6c: {  	_ =	shalt  }
0x6d: {  	_ =	shalt  }
0x6e: {  	_ =	shalt  }
0x6f: {  	_ =	shalt  }
0x70: {  	_ =	shalt  }
0x71: {  	_ =	shalt  }
0x72: {  	_ =	shalt  }
0x73: {  	_ =	shalt  }
0x74: {  	_ =	shalt  }
0x75: {  	_ =	shalt  }
0x76: {  	_ =	shalt  }
0x77: {  	_ =	shalt  }
0x78: {  	_ =	shalt  }
0x79: {  	_ =	shalt  }
0x7a: {  	_ =	shalt  }
0x7b: {  	_ =	shalt  }
0x7c: {  	_ =	shalt  }
0x7d: {  	_ =	shalt  }
0x7e: {  	_ =	shalt  }
0x7f: {  	_ =	shalt  }
0x80: {  	_ =	shalt  }
0x81: {  	_ =	shalt  }
0x82: {  	_ =	shalt  }
0x83: {  	_ =	shalt  }
0x84: {  	_ =	shalt  }
0x85: {  	_ =	shalt  }
0x86: {  	_ =	shalt  }
0x87: {  	_ =	shalt  }
.Lfunc_end0:
.L_simem_size_0:
called_computation.4_lowered:
.L_overlay_start_0:
0x88: {  	s0 =	sld [smem:$0x3FD9]  }
0x89: {  	s1 =	sld [smem:$0x3FFE];
	_ =	sdelay $0x3  }
0x8a: {  	s0 =	sadd.s32 s1, s0  }
0x8b: {  	[smem:$0x3FAE] =	sst s0  }
0x8c: {  	_ = 	snop  }
0x8d: {  	(tm) =	ssettm $0x1  }
0x8e: {  	s15 =	sld [smem:$0x3FFB];
	_ =	sdelay $0x3  }
0x8f: {  	_ =	strace s15  }
0x90: {  	s0 =	sld [smem:$0x3FFC];
	_ =	sdelay $0x3  }
0x91: {  	_ =	strace s0  }
0x92: {  	s0 =	sld [smem:$0x3FFD];
	_ =	sdelay $0x3  }
0x93: {  	_ =	strace s0  }
0x94: {  	_ =	strace $0x8FFFFFFF  }
0x95: {  	s16 =	sld [smem:$0x3FDB];
	_ =	sdelay $0x1  }
0x96: {  	s17 =	simm.s32 $_scs_section_size  }
0x97: {  	s2 =	simm.s32 $_size__tile_overlayer_lowered;
	s3 =	simm.s32 $_tile_overlayer_lowered  }
0x98: {  	s20 =	simm.s32 $0x1BFF;
	s19 =	sshll.u32 s3, $0x1;
	s0 =	sadd.s32 s17, s16  }
0x99: {  	s4 =	simm.s32 $0x0;
	s18 =	sshll.u32 s2, $0x1;
	s2 =	sadd.s32 s19, s0  }
0x9a: {  	[timem:s4], [sflag:s20] =	dma.local [hbm:s2], s18  }
0x9b: {  	_ =	swait.ge [sflag:s20], s18  }
0x9c: {  	s1 =	ssub.s32 $0x0, s18;
	[sflag:s20] =	ssyncset.done $0x0  }
0x9d: {  	[sflag:s20] =	ssyncadd.s32 s1;
	_ =	sdelay $0x1  }
0x9e: {  	s21 =	simm.s32 $0x1B8B  }
0x9f: {  	_ =	swait.ge [sflag:s21], $0x1  }
0xa0: {  	[sflag:s21] =	ssyncset.done $0x0  }
0xa1: {  	s23 =	simm.s32 $0x1B8E;
	s22 =	sld [smem:$0x3FFE];
	[sflag:s21] =	ssyncadd.s32 $0xFFFFFFFF  }
0xa2: {  	s24 =	simm.s32 $execute0_lowered;
	[smem:$0x3FD2] =	sst s23  }
0xa3: {  	s2 =	sshll.u32 s24, $0x1;
	_ =	strace $0x8000004F;
	[dreg:$0x1] =	wrdreg $0xFFFFFFFF  }
0xa4: {  	s25 =	simm.s32 $_size_execute0_lowered;
	s0 =	sadd.s32 s0, s2;
	[dreg:$0x0] =	wrdreg $0x0  }
0xa5: {  	s2 =	sshll.u32 s25, $0x1;
	[dreg:$0x2] =	wrdreg s0  }
0xa6: {  	[dreg:$0x3] =	wrdreg s2  }
0xa7: {  	[dreg:$0x4] =	wrdreg $0xC0  }
0xa8: {  	_ =	task [dreg:s4], $0x5FFFF  }
0xa9: {  	[dreg:$0x1] =	wrdreg $0xFFFFFFFF  }
0xaa: {  	[dreg:$0x0] =	wrdreg $0x60  }
0xab: {  	[dreg:$0x2] =	wrdreg s22  }
0xac: {  	[dreg:$0x3] =	wrdreg $0xA  }
0xad: {  	_ =	task.clear_ibuf [dreg:s4], $0x4FFFF;
	_ =	strace $0x9000004F  }
0xae: {  	s26 =	simm.s32 $0xA;
	_ =	strace $0x80000051  }
0xaf: {  	_ =	swait.ge [sflag:s26], $0x1  }
0xb0: {  	[sflag:s26] =	ssyncadd.s32 $0xFFFFFFFF  }
0xb1: {  	_ =	strace $0x90000051  }
0xb2: {  	_ =	sfence  }
0xb3: {  	s28 =	sld [smem:$0x0];
	_ =	sdelay $0x1  }
0xb4: {  	s29 =	srdreg.scid  }
0xb5: {  	s30 =	sshll.u32 s29, $0xD;
	s31 =	sshrl.u32 s29, $0x2  }
0xb6: {  	s1 =	sand.u32 $0x1, s29;
	s2 =	sand.u32 $0x4000, s30;
	s0 =	sadd.s32 s31, s28  }
0xb7: {  	s1 =	sor.u32 s2, s1;
	s0 =	sshll.u32 s0, $0x11  }
0xb8: {  	s0 =	sor.u32 s0, s1  }
0xb9: {  	s0 =	sadd.s32 $0x8F2B, s0  }
0xba: {  	[sflag:s0] =	ssyncadd.remote.s32 $0x1  }
0xbb: {  	_ =	sfence.sel $0xFFFF  }
0xbc: {  	[dreg:$0x0] =	wrdreg $0xFFFFFFFF;
	(pc) =	sbr.abs _section_cstart, $3  }
0xbd: {  	[dreg:$0x1] =	wrdreg $0xFFFFFFFF  }
0xbe: {  	_ =	task.clear_ibuf [dreg:s4], $0x2FFFF;
	_ =	strace $0x9FFFFFFF  }
0xbf: {  	(tm) =	ssettm $0x7FFFFFFF  }
tec
execute0_lowered:
.L_overlay_start_1:
0x0: {  	(tag) =	ssettag $0x1  }
0x1: {  	s0 =	stileid.u32  }
0x2: {  	s1 =	smul.u32 $0x75, s0  }
0x3: {  	s2 =	smin.u32 s0, $0x3  }
0x4: {  	s1 =	sadd.s32 s2, s1  }
0x5: {  	p0 =	slt.u32 s0, $0x3;
	s2 =	smul.u32 $0x30, s1;
	s1 =	simm.s32 $0x1620  }
0x6: {  	s1 =	simm.s32 @!p0 $0x15F0  }
0x7: {  	s1 =	sadd.s32 s1, s2  }
0x8: {  	s3 =	smin.u32 s1, $0x15F90  }
0x9: {  	s8 =	ssub.s32 s3, s2  }
0xa: {  	p0 =	sgt.s32 s8, $0x0  }
0xb: {  	s8 =	simm.s32 @!p0 $0x0  }
0xc: {  	s4 =	smulhi.u32 $0x2AAAAAAB, s8  }
0xd: {  	s10 =	rddreg [dreg:$0x0];
	_ =	strace $0x80000050;
	s7 =	simm.s32 $0x1  }
0xe: {  	s12 =	simm.s32 $0x3;
	s13 =	simm.s32 $0x0;
	s9 =	sshrl.u32 s4, $0x3  }
0xf: {  	p3 =	por $0x0, $0x0;
	s5 =	sadd.s32 $0x4600, s10;
	s11 =	smul.u32 $0x30, s9  }
.Ltmp0:
0x10: {  	s6 =	sadd.s32 $0x5E0000, s10;
	[sflag:s7] =	ssyncpa.u1 $0x0;
	(pc) =	sbr.rel .LBB2_1-.Ltmp0, $4  }
0x11: {  	s14 =	smov.u32 s2;
	p0 =	sne.s32 s8, s11;
	s11 =	simm.s32 $0x1  }
0x12: {  	s4 =	sadd.s32 $0x4A7800, s10;
	s8 =	simm.s32 $0x2;
	s11 =	simm.s32 @!p0 $0x0  }
0x13: {  	s10 =	sadd.s32 $0x7200, s10;
	[sflag:s8] =	ssyncpa.u1 $0x0;
	s9 =	sadd.s32 s11, s9  }
0x14: {  	v0 =	vlaneseq.u32;
	[sflag:s12] =	ssyncpa.u1 $0x0;
	s12 =	simm.s32 $0x80;
	s11 =	sadd.s32 $0x1, s9  }
.LBB2_6:
0x15: {  	s1 =	sadd.s32 s19, s17  }
0x16: {  	v2 =	vld.msk [tilespmem:s1+$0x0 ss:$0x1], $0x1;
	_ =	sdelay $0x2  }
0x17: {  	(v2sf) =	vpush v1, $0x1  }
0x18: {  	(v2sf) =	vpush v1, $0x0  }
0x19: {  	(v2sf) =	vpush v2, $0x0;
	_ =	sdelay $0xc  }
0x1a: {  	p0 =	seq.s32 s20, $0xBC;
	s1 =	simm.s32 $0x1;
	s17 =	spop (v2sf)  }
0x1b: {  	s1 =	simm.s32 @!p0 $0x2;
	s17 =	simm.s32 @p1 $0xFFFFFFFF;
	s26 =	spop (v2sf)  }
0x1c: {  	v1 =	vmov s1;
	p0 =	sne.s32 s26, s17;
	s17 =	simm.s32 $0x1;
	s28 =	spop (v2sf)  }
0x1d: {  	vm0 =	vgt.u32 v1, v0;
	s17 =	simm.s32 @!p0 $0x0;
	s29 =	sshll.u32 s28, $0xA;
	s1 =	sshll.u32 s28, $0x7  }
0x1e: {  	s17 =	sadd.s32 s17, s18;
	s20 =	sand.u32 $0xFFFFE000, s29;
	s1 =	sand.u32 $0x380, s1  }
0x1f: {  	s17 =	sshll.u32 s17, $0xC;
	s1 =	sor.u32 s1, s20  }
0x20: {  	s17 =	sshra.s32 s17, $0x2;
	s1 =	sshrl.u32 s1, $0x3  }
0x21: {  	s15 =	sadd.s32 s19, s15;
	s16 =	sadd.s32 s17, s16;
	s1 =	sadd.s32 s6, s1  }
0x22: {  	[hbm:s1] =	stream.strided.scatter [tilespmem:s16], [sflag:$0x3], $0x400, s12, s12, $0x38;
	[tilespmem:$0x180C0] =	vst v63  }
0x23: {  	v1 =	vld.msk [tilespmem:s15+$0x0 ss:$0x1], vm0;
	_ =	sdelay $0x4  }
0x24: {  	(v2sf) =	vpush v1, $0x1  }
0x25: {  	(v2sf) =	vpush v1, $0x0;
	_ =	sdelay $0xb  }
0x26: {  	s1 =	sld [smem:$0x7FC];
	_ =	sdelay $0x1  }
0x27: {  	s30 =	spop (v2sf)  }
0x28: {  	p3 =	seq.s32 s1, $0x1;
	s31 =	spop (v2sf)  }
.LBB2_7:
0x29: {  	p2 =	sne.s32 s13, s11  }
.Ltmp1:
0x2a: {  	p0 =	slt.u32 s13, $0x2;
	(pc) =	sbr.rel @!p2 .LBB2_8-.Ltmp1, $4  }
0x2b: {  	s15 =	sadd.s32 $0x30, s14;
	s1 =	simm.s32 @!p0 $0x3  }
0x2c: {  	s14 =	smov.u32 s2;
	s16 =	sadd.s32 $0x1, s13;
	_ =	swait.ge @!p0 [sflag:s1], $0xC000  }
0x2d: {  	p3 =	por !p3, !p3;
	p1 =	slt.s32 s15, s3;
	[sflag:s1] =	ssyncset.done @!p0 $0x0  }
0x2e: {  	s13 =	smov.u32 s16;
	s14 =	smov.u32 @p1 s15;
	[sflag:s1] =	ssyncadd.s32 @!p0 $0xFFFF4000  }
.LBB2_1:
0x2f: {  	p0 =	sge.u32 s13, s9  }
0x30: {  	s15 =	sxor.u32 @!p0 $0xFFFFFFFF, s13  }
0x31: {  	s15 =	sand.u32 @!p0 $0x1, s15  }
0x32: {  	s16 =	sshrl.u32 @!p0 s14, $0x3;
	s15 =	smul.u32 @!p0 $0x30, s15  }
0x33: {  	s18 =	sand.u32 @!p0 $0x7, s14;
	s17 =	sadd.s32 @!p0 s5, s16  }
0x34: {  	[tilespmem:s15], [sflag:$0x2] =	stream.linear.gather @!p0 [hbm4b:s17+s18], $0x30, $0x38;
	[tilespmem:$0x180C0] =	vst v63  }
0x35: {  	s31 =	sadd.s32 $0xFFFFFFFF, s13;
	s16 =	sadd.s32 @!p0 s10, s16;
	s15 =	sadd.s32 @!p0 $0x60, s15  }
0x36: {  	[tilespmem:s15], [sflag:$0x2] =	stream.linear.gather @!p0 [hbm4b:s16+s18], $0x30, $0x38;
	[tilespmem:$0x180C0] =	vst v63  }
0x37: {  	p0 =	sge.u32 s31, s9  }
.Ltmp2:
0x38: {  	_ = 	snop;
	(pc) =	sbr.rel @p0 .LBB2_7-.Ltmp2, $1  }
0x39: {  	_ =	sdelay $0x3  }
0x3a: {  	p0 =	por $0x0, $0x0;
	s15 =	simm.s32 $0x1  }
0x3b: {  	s15 =	simm.s32 @!p0 $0x2  }
0x3c: {  	v1 =	vmov s15  }
0x3d: {  	s1 =	simm.s32 @!p3 $0x0;
	s15 =	simm.s32 $0x1;
	vm0 =	vgt.u32 v1, v0  }
0x3e: {  	s1 =	simm.s32 @p3 $0x1;
	s15 =	simm.s32 @!p3 $0x0  }
0x3f: {  	[smem:$0x7FC] =	sst s1;
	s15 =	smul.u32 $0xC0, s15  }
0x40: {  	_ =	swait.ge [sflag:s8], $0x60  }
0x41: {  	[sflag:s8] =	ssyncset.done $0x0;
	s15 =	sshrl.u32 s15, $0x2  }
0x42: {  	[sflag:s8] =	ssyncadd.s32 $0xFFFFFFA0;
	s16 =	sadd.s32 $0x0, s15  }
0x43: {  	v2 =	vld.msk [tilespmem:s16+$0x0 ss:$0x1], vm0;
	_ =	sdelay $0x4  }
0x44: {  	(v2sf) =	vpush v2, $0x1  }
0x45: {  	p1 =	por $0x0, $0x0;
	s16 =	simm.s32 $0x1;
	(v2sf) =	vpush v2, $0x0  }
0x46: {  	s16 =	simm.s32 @!p1 $0x2  }
0x47: {  	v1 =	vmov s16  }
0x48: {  	vm12 =	vgt.u32 v1, v0;
	_ =	sdelay $0x3  }
0x49: {  	p2 =	por $0x0, $0x0;
	s17 =	simm.s32 $0x1  }
0x4a: {  	s17 =	simm.s32 @!p2 $0x2;
	s26 =	sadd.s32 $0x1, s15  }
0x4b: {  	v1 =	vmov s17;
	v3 =	vld.msk [tilespmem:s26+$0x0 ss:$0x1], vm12  }
0x4c: {  	vm13 =	vgt.u32 v1, v0;
	_ =	sdelay $0x2  }
0x4d: {  	p0 =	por p0, p0  }
0x4e: {  	p0 =	por p0, p0;
	(v2sf) =	vpush v3, $0x1;
	s16 =	spop (v2sf)  }
0x4f: {  	s30 =	sadd.s32 $0x2, s15;
	s16 =	simm.s32 @p0 $0xFFFFFFFF;
	s18 =	spop (v2sf)  }
0x50: {  	v1 =	vld.msk [tilespmem:s30+$0x0 ss:$0x1], vm13;
	(v2sf) =	vpush v3, $0x0;
	p0 =	seq.s32 s18, s16  }
0x51: {  	vm0 =	vgt.s32 @!p0 v2, $0x0  }
0x52: {  	v2 =	vnsel @!p0 vm0, $0x0, v2  }
0x53: {  	v2 =	vmin.u32 @!p0 v2, $0x270F  }
0x54: {  	(v2sf) =	vpush @!p0 v2, $0x0  }
0x55: {  	(v2sf) =	vpush v1, $0x1  }
0x56: {  	s31 =	sand.u32 $0x1, s13;
	(v2sf) =	vpush v1, $0x0  }
0x57: {  	p4 =	por $0x0, $0x0;
	s19 =	simm.s32 $0x0;
	s23 =	simm.s32 $0x14  }
0x58: {  	s21 =	simm.s32 $0x18;
	s24 =	simm.s32 $0x1;
	s18 =	simm.s32 $0x1  }
0x59: {  	p2 =	por p2, p2;
	p1 =	por p1, p1;
	s18 =	simm.s32 @!p4 $0x2  }
0x5a: {  	p2 =	por p2, p2;
	s28 =	sadd.s32 $0x4, s15;
	p1 =	por p1, p1;
	v2 =	vmov s18  }
0x5b: {  	s17 =	sadd.s32 $0x60, s15;
	s26 =	sadd.s32 $0x3, s15;
	s16 =	smul.u32 $0x30000, s31;
	vm14 =	vgt.u32 v2, v0  }
0x5c: {  	s22 =	simm.s32 @!p0 $0x1;
	p5 =	por p0, p0;
	p4 =	por p4, p4  }
0x5d: {  	s16 =	sshrl.u32 s16, $0x2;
	s22 =	smov.u32 @p0 s19;
	s18 =	spop (v2sf)  }
0x5e: {  	s19 =	simm.s32 @!p0 $0x80;
	s18 =	simm.s32 @p1 $0xFFFFFFFF;
	p1 =	por $0x0, $0x0  }
0x5f: {  	s16 =	sor.u32 $0xC0, s16;
	s24 =	simm.s32 @!p1 $0x2;
	s25 =	spop (v2sf)  }
0x60: {  	p5 =	por p5, p5;
	s20 =	sadd.s32 @!p0 $0x0, s16;
	v4 =	vmov s24;
	p3 =	seq.s32 s25, s18  }
0x61: {  	v2 =	vld.msk [tilespmem:s26+$0x0 ss:$0x1], vm14;
	s26 =	simm.s32 $0x1C;
	vm15 =	vgt.u32 v4, v0;
	s18 =	sadd.s32 @!p3 $0x1, s22;
	s24 =	sshll.u32 @!p3 s22, $0xC  }
0x62: {  	vm1 =	vgt.s32 @!p3 v3, $0x0;
	s24 =	sshra.s32 @!p3 s24, $0x2;
	s18 =	smov.u32 @p3 s22;
	s22 =	simm.s32 @!p3 $0x80  }
0x63: {  	v3 =	vnsel @!p3 vm1, $0x0, v3;
	s25 =	sadd.s32 @!p3 s24, s16;
	s24 =	spop @!p0 (v2sf);
	p0 =	por p3, p3  }
0x64: {  	v3 =	vmin.u32 @!p3 v3, $0x270F;
	s1 =	simm.s32 @!p0 $0x0;
	s29 =	spop (v2sf);
	s30 =	sshll.u32 @!p5 s24, $0x4  }
0x65: {  	(v2sf) =	vpush @!p3 v3, $0x0;
	s1 =	simm.s32 @p0 $0x1;
	s29 =	simm.s32 @p2 $0xFFFFFFFF;
	s31 =	spop (v2sf)  }
0x66: {  	(v2sf) =	vpush v2, $0x1;
	s30 =	sand.u32 @!p5 $0x70, s30;
	[smem:$0x7FD] =	sst s1;
	p6 =	seq.s32 s31, s29  }
0x67: {  	(v2sf) =	vpush v2, $0x0;
	s29 =	sshll.u32 @!p5 s24, $0x7;
	s24 =	smov.u32 s18;
	v3 =	vld.msk [tilespmem:s28+$0x0 ss:$0x1], vm15;
	s28 =	sadd.s32 @!p5 s4, s30  }
.LBB2_3:
0x68: {  	s1 =	simm.s32 @!p3 $0x0  }
0x69: {  	s30 =	smov.u32 s18;
	s18 =	sadd.s32 @!p6 $0x1, s18;
	s31 =	smov.u32 s21  }
0x6a: {  	s21 =	smov.u32 s26;
	s26 =	sadd.s32 $0x4, s26;
	p0 =	por p5, p5  }
0x6b: {  	s1 =	simm.s32 @p3 $0x1;
	p3 =	por p6, p6;
	p2 =	sne.s32 s26, $0xC0  }
0x6c: {  	[smem:$0x7FA] =	sst s1;
	s1 =	smov.u32 s25;
	s25 =	simm.s32 @!p2 $0x0  }
0x6d: {  	vm0 =	vgt.s32 @!p6 v1, $0x0;
	p6 =	por p4, p4;
	p4 =	por p1, p1;
	s25 =	simm.s32 @p2 $0x1  }
0x6e: {  	p1 =	seq.s32 s23, $0xBC;
	[smem:$0x7FB] =	sst s25;
	s25 =	simm.s32 $0x1  }
0x6f: {  	s18 =	smov.u32 @p3 s30;
	s24 =	sshll.u32 @!p3 s24, $0xC;
	s25 =	simm.s32 @!p1 $0x2  }
0x70: {  	s30 =	simm.s32 @!p3 $0x80;
	v5 =	vmov s25;
	s25 =	sand.u32 @!p0 $0x1FFC00, s29;
	s29 =	sshra.s32 @!p3 s24, $0x2  }
0x71: {  	s28 =	sadd.s32 @!p0 s25, s28;
	s25 =	sadd.s32 @!p3 s29, s16;
	s29 =	sld [smem:$0x7FD]  }
0x72: {  	[tilespmem:s20], [sflag:$0x1] =	stream.strided.gather @!p0 [hbm:s28], $0x400, s19, s19, $0x38;
	[tilespmem:$0x180C0] =	vst v63  }
0x73: {  	s19 =	smov.u32 s22;
	s22 =	smov.u32 s30;
	s30 =	sld [smem:$0x7FA]  }
0x74: {  	p2 =	seq.s32 s29, $0x1  }
0x75: {  	p5 =	por p2, p2;
	p2 =	por p3, p3  }
0x76: {  	p0 =	seq.s32 s30, $0x1;
	s29 =	simm.s32 @!p2 $0x0  }
0x77: {  	s20 =	smov.u32 s1;
	s28 =	spop @!p0 (v2sf);
	s29 =	simm.s32 @p2 $0x1  }
0x78: {  	s1 =	sshra.s32 s23, $0x2;
	[smem:$0x7FD] =	sst s29;
	s29 =	spop (v2sf)  }
0x79: {  	s23 =	smov.u32 s31;
	s29 =	simm.s32 @p6 $0xFFFFFFFF;
	s31 =	spop (v2sf)  }
0x7a: {  	p6 =	seq.s32 s31, s29;
	s31 =	sld [smem:$0x7FB];
	_ =	sdelay $0x1  }
0x7b: {  	vm15 =	vgt.u32 v5, v0  }
0x7c: {  	p0 =	seq.s32 s31, $0x1  }
.Ltmp3:
0x7d: {  	v4 =	vnsel @!p3 vm0, $0x0, v1;
	(pc) =	sbr.rel @p0 .LBB2_3-.Ltmp3, $4  }
0x7e: {  	v4 =	vmin.u32 @!p3 v4, $0x270F  }
0x7f: {  	(v2sf) =	vpush @!p3 v4, $0x0;
	s30 =	sshll.u32 @!p5 s28, $0x4  }
0x80: {  	v1 =	vmov v2;
	v2 =	vmov v3;
	(v2sf) =	vpush v3, $0x1;
	s1 =	sadd.s32 s1, s15;
	s30 =	sand.u32 @!p5 $0x70, s30  }
0x81: {  	s24 =	smov.u32 s18;
	(v2sf) =	vpush v2, $0x0;
	v3 =	vld.msk [tilespmem:s1+$0x0 ss:$0x1], vm15;
	s29 =	sshll.u32 @!p5 s28, $0x7;
	s28 =	sadd.s32 @!p5 s4, s30  }
0x82: {  	_ = 	snop  }
0x83: {  	vm0 =	vgt.s32 @!p6 v1, $0x0  }
0x84: {  	v1 =	vnsel @!p6 vm0, $0x0, v1  }
0x85: {  	v1 =	vmin.u32 @!p6 v1, $0x270F  }
0x86: {  	(v2sf) =	vpush @!p6 v1, $0x0  }
0x87: {  	(v2sf) =	vpush v3, $0x1  }
0x88: {  	p0 =	seq.s32 s23, $0xBC;
	s1 =	simm.s32 $0x1;
	(v2sf) =	vpush v3, $0x0  }
0x89: {  	s1 =	simm.s32 @!p0 $0x2  }
0x8a: {  	v1 =	vmov s1  }
0x8b: {  	vm14 =	vgt.u32 v1, v0;
	_ =	sdelay $0x1  }
0x8c: {  	p2 =	por p4, p4  }
0x8d: {  	s31 =	sshra.s32 s23, $0x2;
	p4 =	seq.s32 s21, $0xBC;
	s1 =	spop @!p3 (v2sf)  }
0x8e: {  	s30 =	simm.s32 $0x1;
	s23 =	sadd.s32 s31, s15;
	s26 =	spop (v2sf)  }
0x8f: {  	s30 =	simm.s32 @!p4 $0x2;
	s26 =	simm.s32 @p2 $0xFFFFFFFF;
	s31 =	spop (v2sf)  }
0x90: {  	v4 =	vmov s30;
	v1 =	vld.msk [tilespmem:s23+$0x0 ss:$0x1], vm14;
	p3 =	seq.s32 s31, s26  }
0x91: {  	vm1 =	vgt.u32 v4, v0;
	vm0 =	vgt.s32 @!p3 v2, $0x0  }
0x92: {  	v2 =	vnsel @!p3 vm0, $0x0, v2  }
0x93: {  	v2 =	vmin.u32 @!p3 v2, $0x270F  }
0x94: {  	p1 =	por p1, p1;
	s23 =	spop @!p6 (v2sf);
	(v2sf) =	vpush @!p3 v2, $0x0  }
0x95: {  	p1 =	por p1, p1;
	s30 =	sshra.s32 s21, $0x2;
	s26 =	spop (v2sf);
	(v2sf) =	vpush v1, $0x1  }
0x96: {  	s21 =	sadd.s32 s30, s15;
	s26 =	simm.s32 @p1 $0xFFFFFFFF;
	s31 =	spop (v2sf);
	(v2sf) =	vpush v1, $0x0  }
0x97: {  	v2 =	vld.msk [tilespmem:s21+$0x0 ss:$0x1], vm1;
	p1 =	seq.s32 s31, s26  }
0x98: {  	s30 =	sld [smem:$0x7FD];
	vm0 =	vgt.s32 @!p1 v3, $0x0  }
0x99: {  	v3 =	vnsel @!p1 vm0, $0x0, v3  }
0x9a: {  	p2 =	por p5, p5;
	v3 =	vmin.u32 @!p1 v3, $0x270F  }
0x9b: {  	p5 =	seq.s32 s30, $0x1;
	s21 =	sand.u32 @!p2 $0x1FFC00, s29;
	(v2sf) =	vpush @!p1 v3, $0x0  }
0x9c: {  	p5 =	por p5, p5;
	s21 =	sadd.s32 @!p2 s21, s28;
	(v2sf) =	vpush v2, $0x1  }
0x9d: {  	[tilespmem:s20], [sflag:$0x1] =	stream.strided.gather @!p2 [hbm:s21], $0x400, s19, s19, $0x38;
	(v2sf) =	vpush v2, $0x0;
	[tilespmem:$0x180C0] =	vst v63  }
0x9e: {  	p0 =	por p0, p0;
	s19 =	sshll.u32 @!p5 s1, $0x4  }
0x9f: {  	s1 =	sshll.u32 @!p5 s1, $0x7;
	p2 =	por p5, p5;
	s19 =	sand.u32 @!p5 $0x70, s19  }
0xa0: {  	p0 =	por p0, p0;
	s1 =	sand.u32 @!p2 $0x1FFC00, s1;
	s19 =	sadd.s32 @!p5 s4, s19  }
0xa1: {  	p5 =	por p6, p6;
	s1 =	sadd.s32 @!p2 s1, s19;
	s19 =	sshll.u32 @!p6 s24, $0xC  }
0xa2: {  	[tilespmem:s25], [sflag:$0x1] =	stream.strided.gather @!p2 [hbm:s1], $0x400, s22, s22, $0x38;
	[tilespmem:$0x180C0] =	vst v63  }
0xa3: {  	s1 =	sadd.s32 @!p6 $0x1, s18;
	p2 =	por p5, p5;
	s21 =	spop @!p3 (v2sf)  }
0xa4: {  	s20 =	sshll.u32 @!p2 s23, $0x4;
	s23 =	sshll.u32 @!p2 s23, $0x7;
	s22 =	spop (v2sf)  }
0xa5: {  	s20 =	sand.u32 @!p2 $0x70, s20;
	s22 =	simm.s32 @p0 $0xFFFFFFFF;
	s31 =	spop (v2sf)  }
0xa6: {  	s20 =	sadd.s32 @!p2 s4, s20;
	p0 =	por p2, p2;
	p2 =	seq.s32 s31, s22  }
0xa7: {  	s1 =	smov.u32 @p6 s18;
	s18 =	sshra.s32 @!p6 s19, $0x2;
	s19 =	sand.u32 @!p0 $0x1FFC00, s23;
	vm0 =	vgt.s32 @!p2 v1, $0x0  }
0xa8: {  	s18 =	sadd.s32 @!p6 s18, s16;
	s22 =	simm.s32 @!p6 $0x80;
	s19 =	sadd.s32 @!p0 s19, s20;
	v1 =	vnsel @!p2 vm0, $0x0, v1  }
0xa9: {  	[tilespmem:s18], [sflag:$0x1] =	stream.strided.gather @!p0 [hbm:s19], $0x400, s22, s22, $0x38;
	v1 =	vmin.u32 @!p2 v1, $0x270F;
	[tilespmem:$0x180C0] =	vst v63  }
0xaa: {  	p4 =	por p4, p4;
	p5 =	por p3, p3;
	s19 =	spop @!p1 (v2sf);
	(v2sf) =	vpush @!p2 v1, $0x0  }
0xab: {  	s18 =	sadd.s32 @!p3 $0x1, s1;
	p0 =	por p4, p4;
	s20 =	spop (v2sf)  }
0xac: {  	s18 =	smov.u32 @p3 s1;
	s20 =	simm.s32 @p0 $0xFFFFFFFF;
	s24 =	spop (v2sf)  }
0xad: {  	s1 =	sshll.u32 @!p3 s1, $0xC;
	p0 =	por p5, p5;
	p4 =	seq.s32 s24, s20  }
0xae: {  	p6 =	por p1, p1;
	s1 =	sshra.s32 @!p3 s1, $0x2;
	s22 =	sshll.u32 @!p0 s21, $0x4;
	vm0 =	vgt.s32 @!p4 v2, $0x0  }
0xaf: {  	s21 =	sshll.u32 @!p0 s21, $0x7;
	p5 =	por p0, p0;
	s22 =	sand.u32 @!p0 $0x70, s22;
	v1 =	vnsel @!p4 vm0, $0x0, v2  }
0xb0: {  	s1 =	sadd.s32 @!p3 s1, s16;
	s21 =	sand.u32 @!p5 $0x1FFC00, s21;
	s22 =	sadd.s32 @!p0 s4, s22;
	v1 =	vmin.u32 @!p4 v1, $0x270F  }
0xb1: {  	s20 =	simm.s32 @!p3 $0x80;
	p0 =	por p6, p6;
	s21 =	sadd.s32 @!p5 s21, s22;
	(v2sf) =	vpush @!p4 v1, $0x0  }
0xb2: {  	[tilespmem:s1], [sflag:$0x1] =	stream.strided.gather @!p5 [hbm:s21], $0x400, s20, s20, $0x38;
	[tilespmem:$0x180C0] =	vst v63  }
0xb3: {  	p3 =	por p0, p0;
	s20 =	sshll.u32 @!p0 s19, $0x4  }
0xb4: {  	s1 =	sshll.u32 @!p1 s18, $0xC;
	s19 =	sshll.u32 @!p0 s19, $0x7;
	s20 =	sand.u32 @!p0 $0x70, s20  }
0xb5: {  	s1 =	sshra.s32 @!p1 s1, $0x2;
	s19 =	sand.u32 @!p3 $0x1FFC00, s19;
	s20 =	sadd.s32 @!p0 s4, s20  }
0xb6: {  	s21 =	simm.s32 @!p1 $0x80;
	s1 =	sadd.s32 @!p1 s1, s16;
	s19 =	sadd.s32 @!p3 s19, s20  }
0xb7: {  	[tilespmem:s1], [sflag:$0x1] =	stream.strided.gather @!p3 [hbm:s19], $0x400, s21, s21, $0x38;
	[tilespmem:$0x180C0] =	vst v63  }
0xb8: {  	p5 =	por p2, p2;
	s1 =	sadd.s32 @!p1 $0x1, s18  }
0xb9: {  	p0 =	por p5, p5;
	s1 =	smov.u32 @p1 s18;
	s18 =	spop @!p2 (v2sf)  }
0xba: {  	p1 =	por p0, p0;
	s20 =	sshll.u32 @!p0 s18, $0x4  }
0xbb: {  	s19 =	sshll.u32 @!p2 s1, $0xC;
	s18 =	sshll.u32 @!p0 s18, $0x7;
	s20 =	sand.u32 @!p0 $0x70, s20  }
0xbc: {  	s19 =	sshra.s32 @!p2 s19, $0x2;
	s18 =	sand.u32 @!p1 $0x1FFC00, s18;
	s20 =	sadd.s32 @!p0 s4, s20  }
0xbd: {  	s21 =	simm.s32 @!p2 $0x80;
	s19 =	sadd.s32 @!p2 s19, s16;
	s18 =	sadd.s32 @!p1 s18, s20  }
0xbe: {  	[tilespmem:s19], [sflag:$0x1] =	stream.strided.gather @!p1 [hbm:s18], $0x400, s21, s21, $0x38;
	[tilespmem:$0x180C0] =	vst v63  }
0xbf: {  	p6 =	por p4, p4;
	s18 =	sadd.s32 @!p2 $0x1, s1  }
0xc0: {  	p0 =	por p6, p6;
	s19 =	spop @!p4 (v2sf);
	s18 =	smov.u32 @p2 s1  }
0xc1: {  	s1 =	sshll.u32 @!p0 s19, $0x4;
	s20 =	sadd.s32 @!p4 $0x1, s18  }
0xc2: {  	s21 =	sshll.u32 @!p4 s18, $0xC;
	s19 =	sshll.u32 @!p0 s19, $0x7;
	s1 =	sand.u32 @!p0 $0x70, s1  }
0xc3: {  	s20 =	smov.u32 @p4 s18;
	s1 =	sadd.s32 @!p0 s4, s1;
	p0 =	por p0, p0  }
0xc4: {  	s18 =	sshra.s32 @!p4 s21, $0x2;
	s21 =	simm.s32 @!p4 $0x80;
	s19 =	sand.u32 @!p0 $0x1FFC00, s19  }
0xc5: {  	s18 =	sadd.s32 @!p4 s18, s16;
	s25 =	sshll.u32 s20, $0xA;
	s1 =	sadd.s32 @!p0 s19, s1  }
0xc6: {  	[tilespmem:s18], [sflag:$0x1] =	stream.strided.gather @!p0 [hbm:s1], $0x400, s21, s21, $0x38;
	[tilespmem:$0x180C0] =	vst v63  }
0xc7: {  	s1 =	sand.u32 $0x3FFFFC00, s25  }
0xc8: {  	_ =	swait.ge [sflag:s7], s1  }
0xc9: {  	s1 =	ssub.s32 $0x0, s1;
	[sflag:s7] =	ssyncset.done $0x0  }
0xca: {  	s26 =	sadd.s32 $0x0, s17;
	[sflag:s7] =	ssyncadd.s32 s1  }
0xcb: {  	v1 =	vld.msk [tilespmem:s26+$0x0 ss:$0x1], $0x1;
	_ =	sdelay $0x4  }
0xcc: {  	(v2sf) =	vpush v1, $0x0;
	_ =	sdelay $0xc  }
0xcd: {  	p0 =	por $0x0, $0x0;
	s1 =	simm.s32 $0x1  }
0xce: {  	s1 =	simm.s32 @!p0 $0x2  }
0xcf: {  	v1 =	vmov s1;
	s28 =	spop (v2sf)  }
0xd0: {  	vm15 =	vgt.u32 v1, v0;
	s29 =	sshll.u32 s28, $0xA;
	s18 =	sshll.u32 s28, $0x7  }
0xd1: {  	s1 =	sand.u32 $0xFFFFE000, s29;
	s18 =	sand.u32 $0x380, s18  }
0xd2: {  	s1 =	sor.u32 s18, s1  }
0xd3: {  	s30 =	sadd.s32 $0x0, s16;
	s31 =	sadd.s32 $0x0, s15;
	s1 =	sshrl.u32 s1, $0x3  }
0xd4: {  	s20 =	simm.s32 $0x4;
	s19 =	simm.s32 $0x1;
	s1 =	sadd.s32 s6, s1  }
0xd5: {  	[hbm:s1] =	stream.strided.scatter [tilespmem:s30], [sflag:$0x3], $0x400, s12, s12, $0x38;
	[tilespmem:$0x180C0] =	vst v63  }
0xd6: {  	s21 =	simm.s32 $0x8;
	p1 =	por p0, p0;
	s18 =	simm.s32 $0x0;
	v1 =	vld.msk [tilespmem:s31+$0x0 ss:$0x1], vm15  }
.LBB2_5:
0xd7: {  	p2 =	sne.s32 s21, $0xBC;
	s1 =	sadd.s32 s19, s17  }
0xd8: {  	v2 =	vld.msk [tilespmem:s1+$0x0 ss:$0x1], $0x1;
	_ =	sdelay $0x3  }
0xd9: {  	(v2sf) =	vpush v1, $0x1  }
0xda: {  	(v2sf) =	vpush v1, $0x0  }
0xdb: {  	(v2sf) =	vpush v2, $0x0;
	_ =	sdelay $0xb  }
0xdc: {  	p0 =	seq.s32 s20, $0xBC;
	s20 =	smov.u32 s21;
	s1 =	simm.s32 $0x1  }
0xdd: {  	s1 =	simm.s32 @!p0 $0x2;
	s22 =	spop (v2sf)  }
0xde: {  	s22 =	simm.s32 @p1 $0xFFFFFFFF;
	s23 =	spop (v2sf);
	p1 =	por p0, p0  }
0xdf: {  	v1 =	vmov s1;
	s1 =	spop (v2sf);
	p0 =	sne.s32 s23, s22;
	s23 =	simm.s32 $0x1  }
0xe0: {  	vm0 =	vgt.u32 v1, v0;
	s22 =	sshll.u32 s1, $0xA;
	s1 =	sshll.u32 s1, $0x7;
	s23 =	simm.s32 @!p0 $0x0  }
0xe1: {  	s22 =	sand.u32 $0xFFFFE000, s22;
	s1 =	sand.u32 $0x380, s1;
	s18 =	sadd.s32 s23, s18  }
.Ltmp4:
0xe2: {  	s1 =	sor.u32 s1, s22;
	s22 =	sshll.u32 s18, $0xC;
	(pc) =	sbr.rel @p2 .LBB2_5-.Ltmp4, $4  }
0xe3: {  	s1 =	sshrl.u32 s1, $0x3;
	s22 =	sshra.s32 s22, $0x2  }
0xe4: {  	s23 =	sadd.s32 s19, s15;
	s22 =	sadd.s32 s22, s16;
	s1 =	sadd.s32 s6, s1  }
0xe5: {  	[hbm:s1] =	stream.strided.scatter [tilespmem:s22], [sflag:$0x3], $0x400, s12, s12, $0x38;
	[tilespmem:$0x180C0] =	vst v63  }
0xe6: {  	s21 =	sadd.s32 $0x4, s21;
	s19 =	sshra.s32 s20, $0x2;
	v1 =	vld.msk [tilespmem:s23+$0x0 ss:$0x1], vm0  }
.Ltmp5:
0xe7: {  	_ = 	snop;
	(pc) =	sbr.rel .LBB2_6-.Ltmp5, $1  }
0xe8: {  	_ =	sdelay $0x3  }
.LBB2_8:
0xe9: {  	_ =	sfence.sel $0x180000  }
0xea: {  	s1 =	simm.s32 $0x2;
	[bflag:$0x0] =	sbarrier.arrive $0xFFFF  }
0xeb: {  	s30 =	simm.s32 $0x3;
	[sflag:s1] =	ssyncpa.u1 $0x1  }
0xec: {  	s31 =	simm.s32 $0x1;
	[sflag:s30] =	ssyncpa.u1 $0x1  }
0xed: {  	[sflag:s31] =	ssyncpa.u1 $0x1  }
0xee: {  	_ =	strace $0x90000050  }
0xef: {  	[bflag:$0x2] =	sbarrier.arrive $0xFFFF  }
0xf0: {  	p0 =	sne.s32 s0, $0x0;
	s0 =	rddreg [dreg:$0x1]  }
0xf1: {  	s0 =	sadd.s32 @!p0 $0x100000, s0  }
0xf2: {  	[sflag:s0] =	ssyncadd.tile.s32 @!p0 $0x1;
	_ =	shalt  }
.Lfunc_end2:
_tile_overlayer_lowered:
.L_overlay_start_2:
0xf3: {  	(tag) =	ssettag $0x2  }
0xf4: {  	s0 =	rddreg [dreg:$0x0];
	s2 =	stileid.u32  }
0xf5: {  	s1 =	rddreg [dreg:$0x1];
	p0 =	sne.s32 s2, $0x0  }
0xf6: {  	s3 =	rddreg [dreg:$0x2];
	[bflag:$0x3] =	sbarrier.arrive $0xFFFF;
	s2 =	simm.s32 @!p0 $0x1C01  }
0xf7: {  	[timem:s3], [sflag:s2] =	dma.local @!p0 [hbm:s0], s1  }
0xf8: {  	s0 =	simm.s32 @!p0 $0x1  }
0xf9: {  	_ =	swait.ge @!p0 [sflag:s0], s1  }
0xfa: {  	s1 =	ssub.s32 @!p0 $0x0, s1;
	[sflag:s0] =	ssyncset.done @!p0 $0x0  }
0xfb: {  	[sflag:s0] =	ssyncadd.s32 @!p0 s1  }
0xfc: {  	[bflag:$0x3] =	sbarrier.arrive $0xFFFF  }
0xfd: {  	_ =	shalt  }

// kernel: gather_offload_async_start.2
scs
__scs_entry_jumppad:
0x0: {  	(pc) =	sbr.rel $0x88, $3  }
0x1: {  	(tag) =	ssettag $0x0;
	lr =	simm.s32 $0x1  }
0x2: {  	[smem:$0x3F87] =	sst lr;
	_ =	strace $0xD0000000  }
0x3: {  	_ = 	snop  }
0x4: {  	_ = 	snop  }
0x5: {  	_ = 	snop  }
0x6: {  	_ = 	snop  }
0x7: {  	_ = 	snop  }
__scs_overlays_trampoline_lowered:
0x8: {  	[smem:$0x3F96] =	sst s0  }
0x9: {  	[smem:$0x3F97] =	sst s1  }
0xa: {  	[smem:$0x3F98] =	sst s2  }
0xb: {  	[smem:$0x3F99] =	sst s3  }
0xc: {  	[smem:$0x3F9A] =	sst s4  }
0xd: {  	[smem:$0x3F9B] =	sst s5  }
0xe: {  	[smem:$0x3F9C] =	sst s6  }
0xf: {  	[smem:$0x3F9D] =	sst s7  }
0x10: {  	[smem:$0x3F9E] =	sst s8  }
0x11: {  	[smem:$0x3F9F] =	sst s9;
	s0 =	simm.s32 @!p0 $0x0  }
0x12: {  	s1 =	sld [smem:$0x3F85];
	s0 =	simm.s32 @p0 $0x1  }
0x13: {  	[smem:$0x3FA0] =	sst s0;
	s0 =	simm.s32 @!p1 $0x0  }
0x14: {  	s2 =	sld [smem:$0x3F84];
	s0 =	simm.s32 @p1 $0x1  }
0x15: {  	[smem:$0x3FA1] =	sst s0;
	s0 =	simm.s32 @!p2 $0x0  }
0x16: {  	s3 =	sld [smem:$0x3FDB];
	s0 =	simm.s32 @p2 $0x1  }
0x17: {  	s4 =	simm.s32 $0x1BF5;
	[smem:$0x3FA3] =	sst s0  }
0x18: {  	s0 =	sld [smem:$0x3F86];
	_ =	swait.ge [sflag:s4], $0x0  }
0x19: {  	s7 =	sld [smem:$0x3F87]  }
0x1a: {  	s8 =	sadd.s32 $0xFFFFE003, lr  }
0x1b: {  	s9 =	sadd.s32 $0xFFFFFEF7, lr;
	s5 =	simm.s32 $0xFFFFFFFF;
	p2 =	slt.u32 s8, $0xFFFFF086  }
0x1c: {  	p1 =	slt.u32 s9, $0xF7A;
	s5 =	simm.s32 @!p2 $0x0  }
0x1d: {  	s5 =	simm.s32 @p1 $0x1;
	p0 =	seq.s32 s7, s2  }
0x1e: {  	s7 =	smul.u32 @!p0 $0xF7A, s2;
	p2 =	seq.s32 @!p0 s5, $0x0  }
0x1f: {  	s9 =	smul.u32 $0xF7A, s1;
	s8 =	simm.s32 @!p0 $0x1BF5;
	p2 =	por !p2, p0  }
0x20: {  	[sflag:s8] =	ssyncset.s32 @!p0 $0xFFFFF086;
	s6 =	sadd.s32 @!p0 s3, s7;
	s7 =	simm.s32 @!p0 $0x108  }
0x21: {  	s3 =	sadd.s32 s3, s9;
	s6 =	sadd.s32 @!p0 $0x88, s6;
	s7 =	simm.s32 @p2 $0x1082  }
0x22: {  	[simem:s7], [sflag:s8] =	dma.local @!p0 [hbm:s6], $0xF7A  }
0x23: {  	s9 =	sor.u32 $0xD0000000, s2;
	s6 =	simm.s32 $0x108;
	_ =	swait.ge @!p0 [sflag:s8], $0x0  }
0x24: {  	s3 =	sadd.s32 $0x88, s3;
	s6 =	simm.s32 @!p1 $0x1082;
	[sflag:s4] =	ssyncset.s32 $0xFFFFF086  }
0x25: {  	[simem:s6], [sflag:s4] =	dma.local [hbm:s3], $0xF7A  }
0x26: {  	[smem:$0x3F87] =	sst s1;
	(tag) =	ssettag s2;
	_ =	strace s9  }
0x27: {  	s1 =	sld [smem:$0x3F97]  }
0x28: {  	s2 =	sld [smem:$0x3F98]  }
0x29: {  	s4 =	sld [smem:$0x3F9A]  }
0x2a: {  	p0 =	seq.s32 s5, $0x0;
	s5 =	sld [smem:$0x3F9B]  }
0x2b: {  	s6 =	sld [smem:$0x3F9C]  }
0x2c: {  	s7 =	sld [smem:$0x3F9D]  }
0x2d: {  	s3 =	simm.s32 $0x108;
	s8 =	sld [smem:$0x3F9E]  }
0x2e: {  	s3 =	simm.s32 @!p0 $0x1082;
	s9 =	sld [smem:$0x3F9F]  }
0x2f: {  	lr =	sadd.s32 s0, s3;
	s0 =	sld [smem:$0x3F96]  }
0x30: {  	s3 =	sld [smem:$0x3F99]  }
0x31: {  	[smem:$0x3FA2] =	sst s10  }
0x32: {  	s10 =	sld [smem:$0x3FA0];
	_ =	sdelay $0x3  }
0x33: {  	p0 =	seq.s32 s10, $0x1;
	s10 =	sld [smem:$0x3FA2];
	_ =	sdelay $0x3  }
0x34: {  	[smem:$0x3FA2] =	sst s10  }
0x35: {  	s10 =	sld [smem:$0x3FA1];
	_ =	sdelay $0x3  }
0x36: {  	p1 =	seq.s32 s10, $0x1;
	s10 =	sld [smem:$0x3FA2];
	_ =	sdelay $0x3  }
0x37: {  	[smem:$0x3FA2] =	sst s10  }
0x38: {  	s10 =	sld [smem:$0x3FA3]  }
0x39: {  	_ = 	snop;
	(pc) =	sbr.ind lr, $3  }
0x3a: {  	_ = 	snop  }
0x3b: {  	_ = 	snop  }
0x3c: {  	p2 =	seq.s32 s10, $0x1;
	s10 =	sld [smem:$0x3FA2]  }
0x3d: {  	_ =	shalt  }
0x3e: {  	_ =	shalt  }
0x3f: {  	_ =	shalt  }
0x40: {  	_ =	shalt  }
0x41: {  	_ =	shalt  }
0x42: {  	_ =	shalt  }
0x43: {  	_ =	shalt  }
0x44: {  	_ =	shalt  }
0x45: {  	_ =	shalt  }
0x46: {  	_ =	shalt  }
0x47: {  	_ =	shalt  }
0x48: {  	_ =	shalt  }
0x49: {  	_ =	shalt  }
0x4a: {  	_ =	shalt  }
0x4b: {  	_ =	shalt  }
0x4c: {  	_ =	shalt  }
0x4d: {  	_ =	shalt  }
0x4e: {  	_ =	shalt  }
0x4f: {  	_ =	shalt  }
0x50: {  	_ =	shalt  }
0x51: {  	_ =	shalt  }
0x52: {  	_ =	shalt  }
0x53: {  	_ =	shalt  }
0x54: {  	_ =	shalt  }
0x55: {  	_ =	shalt  }
0x56: {  	_ =	shalt  }
0x57: {  	_ =	shalt  }
0x58: {  	_ =	shalt  }
0x59: {  	_ =	shalt  }
0x5a: {  	_ =	shalt  }
0x5b: {  	_ =	shalt  }
0x5c: {  	_ =	shalt  }
0x5d: {  	_ =	shalt  }
0x5e: {  	_ =	shalt  }
0x5f: {  	_ =	shalt  }
0x60: {  	_ =	shalt  }
0x61: {  	_ =	shalt  }
0x62: {  	_ =	shalt  }
0x63: {  	_ =	shalt  }
0x64: {  	_ =	shalt  }
0x65: {  	_ =	shalt  }
0x66: {  	_ =	shalt  }
0x67: {  	_ =	shalt  }
0x68: {  	_ =	shalt  }
0x69: {  	_ =	shalt  }
0x6a: {  	_ =	shalt  }
0x6b: {  	_ =	shalt  }
0x6c: {  	_ =	shalt  }
0x6d: {  	_ =	shalt  }
0x6e: {  	_ =	shalt  }
0x6f: {  	_ =	shalt  }
0x70: {  	_ =	shalt  }
0x71: {  	_ =	shalt  }
0x72: {  	_ =	shalt  }
0x73: {  	_ =	shalt  }
0x74: {  	_ =	shalt  }
0x75: {  	_ =	shalt  }
0x76: {  	_ =	shalt  }
0x77: {  	_ =	shalt  }
0x78: {  	_ =	shalt  }
0x79: {  	_ =	shalt  }
0x7a: {  	_ =	shalt  }
0x7b: {  	_ =	shalt  }
0x7c: {  	_ =	shalt  }
0x7d: {  	_ =	shalt  }
0x7e: {  	_ =	shalt  }
0x7f: {  	_ =	shalt  }
0x80: {  	_ =	shalt  }
0x81: {  	_ =	shalt  }
0x82: {  	_ =	shalt  }
0x83: {  	_ =	shalt  }
0x84: {  	_ =	shalt  }
0x85: {  	_ =	shalt  }
0x86: {  	_ =	shalt  }
0x87: {  	_ =	shalt  }
.Lfunc_end0:
.L_simem_size_0:
called_computation.5_lowered:
.L_overlay_start_0:
0x88: {  	s2 =	sld [smem:$0x3FD9]  }
0x89: {  	s3 =	sld [smem:$0x3FFE];
	_ =	sdelay $0x1  }
0x8a: {  	s1 =	srdreg.scid  }
0x8b: {  	s0 =	sand.u32 $0x1, s1  }
0x8c: {  	s15 =	sshll.u32 s0, $0xA;
	s2 =	sadd.s32 s3, s2  }
0x8d: {  	s2 =	sadd.s32 s2, s15  }
0x8e: {  	[smem:$0x3FAE] =	sst s2  }
0x8f: {  	_ = 	snop  }
0x90: {  	s2 =	sld [smem:$0x3FD0];
	_ =	sdelay $0x2  }
0x91: {  	s16 =	simm.s32 $0xC;
	s4 =	simm.s32 $0x10  }
0x92: {  	[smem:s4], [sflag:s16] =	dma.local [hbm:s2], $0x1  }
0x93: {  	_ =	swait.eq [sflag:s16], $0x1  }
0x94: {  	[sflag:s16] =	ssyncset.done $0x0  }
0x95: {  	[sflag:s16] =	ssyncadd.s32 $0xFFFFFFFF  }
0x96: {  	s17 =	sld [smem:$0x10];
	(tm) =	ssettm $0x1  }
0x97: {  	s18 =	sld [smem:$0x3FFB];
	_ =	sdelay $0x3  }
0x98: {  	_ =	strace s18  }
0x99: {  	s2 =	sld [smem:$0x3FFC];
	_ =	sdelay $0x3  }
0x9a: {  	_ =	strace s2  }
0x9b: {  	s2 =	sld [smem:$0x3FFD];
	_ =	sdelay $0x3  }
0x9c: {  	_ =	strace s2  }
0x9d: {  	_ =	strace $0x8FFFFFFF  }
0x9e: {  	s19 =	sld [smem:$0x3FDB];
	_ =	sdelay $0x1  }
0x9f: {  	s20 =	simm.s32 $_scs_section_size  }
0xa0: {  	s5 =	simm.s32 $_size__tile_overlayer_lowered;
	s6 =	simm.s32 $_tile_overlayer_lowered  }
0xa1: {  	s7 =	simm.s32 $0x1BFF;
	s21 =	sshll.u32 s6, $0x1;
	s4 =	sadd.s32 s20, s19  }
0xa2: {  	s22 =	simm.s32 $0x0;
	s5 =	sshll.u32 s5, $0x1;
	s6 =	sadd.s32 s21, s4  }
0xa3: {  	[timem:s22], [sflag:s7] =	dma.local [hbm:s6], s5  }
0xa4: {  	_ =	swait.ge [sflag:s7], s5  }
0xa5: {  	s5 =	ssub.s32 $0x0, s5;
	[sflag:s7] =	ssyncset.done $0x0  }
0xa6: {  	[sflag:s7] =	ssyncadd.s32 s5;
	_ =	sdelay $0x1  }
0xa7: {  	s23 =	simm.s32 $0x1B8B  }
0xa8: {  	_ =	swait.ge [sflag:s23], $0x1  }
0xa9: {  	[sflag:s23] =	ssyncset.done $0x0  }
0xaa: {  	[sflag:s23] =	ssyncadd.s32 $0xFFFFFFFF  }
0xab: {  	s5 =	sld [smem:$0x0]  }
0xac: {  	s6 =	sand.u32 $0xFFFFFFFE, s1  }
0xad: {  	p0 =	sne.s32 s1, s6  }
0xae: {  	s6 =	sshll.u32 @p0 s6, $0xE  }
0xaf: {  	s6 =	sadd.s32 @p0 $0x11B8D, s6;
	s7 =	sshll.u32 @p0 s5, $0x11  }
0xb0: {  	s6 =	sor.u32 @p0 s7, s6  }
0xb1: {  	[sflag:s6] =	ssyncadd.remote.s32 @p0 $0x1;
	_ =	sdelay $0x1  }
0xb2: {  	s6 =	simm.s32 @p0 $0x1B8D  }
0xb3: {  	_ =	swait.eq @p0 [sflag:s6], $0x1  }
0xb4: {  	[sflag:s6] =	ssyncadd.s32 @p0 $0xFFFFFFFF  }
0xb5: {  	s7 =	sshll.u32 @!p0 s1, $0xE  }
0xb6: {  	s7 =	sor.u32 @!p0 $0x4000, s7;
	s6 =	simm.s32 @!p0 $0x1B8D  }
0xb7: {  	s5 =	sshll.u32 @!p0 s5, $0x11;
	s7 =	sadd.s32 @!p0 $0x11B8D, s7;
	_ =	swait.eq @!p0 [sflag:s6], $0x1  }
0xb8: {  	s5 =	sor.u32 @!p0 s5, s7;
	[sflag:s6] =	ssyncadd.s32 @!p0 $0xFFFFFFFF  }
0xb9: {  	s25 =	simm.s32 $0x1B8E;
	s24 =	sld [smem:$0x3FFE];
	[sflag:s5] =	ssyncadd.remote.s32 @!p0 $0x1  }
0xba: {  	s26 =	simm.s32 $execute0_lowered;
	[smem:$0x3FD2] =	sst s25  }
0xbb: {  	s6 =	sshll.u32 s26, $0x1;
	_ =	strace $0x80000058;
	[dreg:$0x1] =	wrdreg $0xFFFFFFFF  }
0xbc: {  	s28 =	simm.s32 $_size_execute0_lowered;
	s4 =	sadd.s32 s4, s6;
	[dreg:$0x0] =	wrdreg $0x0  }
0xbd: {  	s6 =	sshll.u32 s28, $0x1;
	[dreg:$0x2] =	wrdreg s4  }
0xbe: {  	[dreg:$0x3] =	wrdreg s6  }
0xbf: {  	[dreg:$0x4] =	wrdreg $0xC0  }
0xc0: {  	_ =	task [dreg:s22], $0x5FFFF  }
0xc1: {  	[dreg:$0x1] =	wrdreg $0xFFFFFFFF  }
0xc2: {  	[dreg:$0x0] =	wrdreg $0x60  }
0xc3: {  	[dreg:$0x2] =	wrdreg s24  }
0xc4: {  	[dreg:$0x3] =	wrdreg s17  }
0xc5: {  	[dreg:$0x4] =	wrdreg $0xA  }
0xc6: {  	_ =	task.clear_ibuf [dreg:s22], $0x5FFFF;
	_ =	strace $0x90000058  }
0xc7: {  	s29 =	simm.s32 $0xA;
	_ =	strace $0x8000005A  }
0xc8: {  	_ =	swait.ge [sflag:s29], $0x1  }
0xc9: {  	[sflag:s29] =	ssyncadd.s32 $0xFFFFFFFF  }
0xca: {  	_ =	strace $0x9000005A  }
0xcb: {  	_ =	sfence  }
0xcc: {  	s30 =	sld [smem:$0x0];
	_ =	sdelay $0x2  }
0xcd: {  	s31 =	sshll.u32 s1, $0xD;
	s1 =	sshrl.u32 s1, $0x2  }
0xce: {  	s4 =	sand.u32 $0x4000, s31;
	s1 =	sadd.s32 s1, s30  }
0xcf: {  	s0 =	sor.u32 s4, s0;
	s1 =	sshll.u32 s1, $0x11  }
0xd0: {  	s0 =	sor.u32 s1, s0  }
0xd1: {  	s0 =	sadd.s32 $0x8F2B, s0  }
0xd2: {  	[sflag:s0] =	ssyncadd.remote.s32 $0x1  }
0xd3: {  	_ =	sfence.sel $0xFFFF  }
0xd4: {  	[dreg:$0x0] =	wrdreg $0xFFFFFFFF;
	(pc) =	sbr.abs _section_cstart, $3  }
0xd5: {  	[dreg:$0x1] =	wrdreg $0xFFFFFFFF  }
0xd6: {  	_ =	task.clear_ibuf [dreg:s22], $0x2FFFF;
	_ =	strace $0x9FFFFFFF  }
0xd7: {  	(tm) =	ssettm $0x7FFFFFFF  }
tec
execute0_lowered:
.L_overlay_start_1:
0x0: {  	(tag) =	ssettag $0x1  }
0x1: {  	s7 =	rddreg [dreg:$0x0]  }
0x2: {  	s2 =	rddreg [dreg:$0x1]  }
0x3: {  	s0 =	rddreg [dreg:$0x2]  }
0x4: {  	s1 =	srdreg.scid;
	_ =	strace $0x80000059;
	s4 =	simm.s32 $0x1  }
0x5: {  	s9 =	simm.s32 $0x3;
	s11 =	simm.s32 $0x0;
	s5 =	sshll.u32 s1, $0x4  }
.Ltmp0:
0x6: {  	s1 =	stileid.u32;
	s5 =	sand.u32 $0x10, s5;
	(pc) =	sbr.rel .LBB2_1-.Ltmp0, $4  }
0x7: {  	p0 =	por $0x0, $0x0;
	s3 =	sadd.s32 $0x88800, s7;
	s6 =	sor.u32 s1, s5  }
0x8: {  	[sflag:s4] =	ssyncpa.u1 $0x0;
	s5 =	simm.s32 $0x2;
	s6 =	sshll.u32 s6, $0x7  }
0x9: {  	s7 =	sadd.s32 $0x1C1000, s7;
	[sflag:s5] =	ssyncpa.u1 $0x0;
	s8 =	sadd.s32 $0x80, s6  }
0xa: {  	vm0 =	vmmov $0xff;
	vm1 =	vcmask $0x3F20;
	[sflag:s9] =	ssyncpa.u1 $0x0;
	s10 =	smov.u32 s6;
	s9 =	simm.s32 $0x0  }
.LBB2_9:
0xb: {  	p1 =	slt.u32 s9, $0x2;
	s11 =	sadd.s32 $0x20, s10  }
0xc: {  	s13 =	smov.u32 s6;
	s9 =	sadd.s32 $0x1, s9;
	p2 =	slt.s32 s11, s8  }
0xd: {  	s13 =	smov.u32 @p2 s11;
	p2 =	sne.s32 s9, $0x6  }
.Ltmp1:
0xe: {  	_ = 	snop;
	(pc) =	sbr.rel @!p2 .LBB2_10-.Ltmp1, $4  }
0xf: {  	s12 =	simm.s32 @!p1 $0x3  }
0x10: {  	_ =	swait.ge @!p1 [sflag:s12], $0x8000  }
0x11: {  	p0 =	por !p0, !p0;
	[sflag:s12] =	ssyncset.done @!p1 $0x0  }
0x12: {  	s11 =	smov.u32 s10;
	s10 =	smov.u32 s13;
	[sflag:s12] =	ssyncadd.s32 @!p1 $0xFFFF8000  }
.LBB2_1:
0x13: {  	p1 =	sgt.u32 s9, $0x3  }
0x14: {  	s12 =	sxor.u32 @!p1 $0xFFFFFFFF, s9  }
0x15: {  	s13 =	sshrl.u32 @!p1 s10, $0x3;
	s12 =	sshll.u32 @!p1 s12, $0x5  }
0x16: {  	s14 =	sand.u32 @!p1 $0x7, s10;
	s13 =	sadd.s32 @!p1 s2, s13;
	s12 =	sand.u32 @!p1 $0x20, s12  }
0x17: {  	[tilespmem:s12], [sflag:$0x2] =	stream.linear.gather @!p1 [hbm4b:s13+s14], $0x20, $0x38;
	[tilespmem:$0x10040] =	vst v63  }
0x18: {  	p1 =	seq.s32 s9, $0x0  }
0x19: {  	p2 =	seq.s32 @!p1 s9, $0x5  }
0x1a: {  	p1 =	por p1, p2  }
.Ltmp2:
0x1b: {  	_ = 	snop;
	(pc) =	sbr.rel @p1 .LBB2_9-.Ltmp2, $1  }
0x1c: {  	_ =	sdelay $0x3  }
0x1d: {  	s12 =	simm.s32 $0x1  }
0x1e: {  	_ =	swait.ge [sflag:s5], $0x20;
	s13 =	sand.u32 $0x1, s9;
	s12 =	simm.s32 @!p0 $0x0  }
0x1f: {  	s15 =	simm.s32 $0x0;
	p2 =	por $0x1, $0x1;
	s12 =	sshll.u32 s12, $0x11  }
0x20: {  	[sflag:s5] =	ssyncset.done $0x0;
	s13 =	sshll.u32 s13, $0x5;
	s14 =	sshrl.u32 s12, $0x2  }
0x21: {  	[sflag:s5] =	ssyncadd.s32 $0xFFFFFFE0;
	s12 =	sor.u32 $0x40, s14;
	s14 =	sadd.s32 $0x40, s14  }
.LBB2_3:
0x22: {  	s16 =	sshll.u32 s15, $0x4  }
0x23: {  	s16 =	sand.u32 $0x3FFFFFF0, s16  }
0x24: {  	s16 =	sadd.s32 s16, s13  }
0x25: {  	v0 =	vld.msk [tilespmem:s16+$0x0 ss:$0x1], $0xffff;
	_ =	sdelay $0x4  }
0x26: {  	vm2 =	vgt.s32 v0, $0x0  }
0x27: {  	v0 =	vnsel vm2, $0x0, v0  }
0x28: {  	v0 =	vmin.u32 v0, $0x270F  }
0x29: {  	v1 =	vshll.u32 v0, $0x7;
	v0 =	vshll.u32 v0, $0x4  }
0x2a: {  	v1 =	vand.u32 $0x1FFC00, v1;
	v0 =	vand.u32 $0x70, v0  }
0x2b: {  	v0 =	vor.u32 v0, v1  }
0x2c: {  	s31 =	sshll.u32 s15, $0x10  }
0x2d: {  	s15 =	sshra.s32 s31, $0x2  }
0x2e: {  	s15 =	sadd.s32 s15, s14  }
0x2f: {  	s17 =	sadd.s32 $0x0, s15  }
0x30: {  	[tilespmem:s17], [sflag:$0x1] =	stream.indirect_vreg.gather [hbm:s3], $0x80, v0, vm0, $0x38;
	[tilespmem:$0x10040] =	vst v63  }
0x31: {  	p1 =	por p2, p2;
	s16 =	simm.s32 $0x1000;
	v1 =	vadd.s32 $0x80, v0;
	s17 =	sadd.s32 $0x2000, s17  }
.LBB2_4:
0x32: {  	[tilespmem:s17], [sflag:$0x1] =	stream.indirect_vreg.gather [hbm:s3], $0x80, v0, vm1, $0x38;
	[tilespmem:$0x10040] =	vst v63  }
0x33: {  	v0 =	vmov v1;
	s17 =	smov.u32 s16;
	p2 =	sne.s32 s16, $0x7000  }
.Ltmp3:
0x34: {  	s16 =	sadd.s32 $0x1000, s16;
	(pc) =	sbr.rel @p2 .LBB2_4-.Ltmp3, $4  }
0x35: {  	s17 =	sshra.s32 s17, $0x2  }
0x36: {  	s17 =	sadd.s32 s17, s15  }
0x37: {  	[tilespmem:s17], [sflag:$0x1] =	stream.indirect_vreg.gather [hbm:s3], $0x80, v1, vm0, $0x38;
	[tilespmem:$0x10040] =	vst v63  }
0x38: {  	s17 =	sadd.s32 $0x2000, s17;
	v1 =	vadd.s32 $0x80, v1  }
0x39: {  	_ = 	snop  }
.Ltmp4:
0x3a: {  	_ = 	snop;
	(pc) =	sbr.rel @p1 .LBB2_3-.Ltmp4, $3  }
0x3b: {  	_ =	sdelay $0x1  }
0x3c: {  	[tilespmem:s17], [sflag:$0x1] =	stream.indirect_vreg.gather [hbm:s3], $0x80, v0, vm1, $0x38;
	[tilespmem:$0x10040] =	vst v63  }
0x3d: {  	s15 =	simm.s32 $0x1;
	p2 =	por $0x0, $0x0  }
0x3e: {  	s13 =	sshll.u32 s11, $0x7  }
0x3f: {  	s31 =	sshll.u32 s11, $0x4;
	s13 =	sand.u32 $0xFFFFFC00, s13  }
0x40: {  	_ =	swait.ge [sflag:s4], $0x8000;
	s11 =	sand.u32 $0x70, s31;
	s13 =	sadd.s32 s13, s7  }
0x41: {  	s14 =	sadd.s32 $0x2000, s12;
	[sflag:s4] =	ssyncset.done $0x0;
	s11 =	sadd.s32 s11, s13  }
0x42: {  	[sflag:s4] =	ssyncadd.s32 $0xFFFF8000;
	s13 =	simm.s32 $0x400;
	s15 =	sadd.s32 $0x0, s11  }
.LBB2_7:
0x43: {  	[hbm:s15] =	stream.linear.scatter [tilespmem:s12], [sflag:$0x3], $0x2000, $0x38;
	[tilespmem:$0x10040] =	vst v63  }
0x44: {  	s15 =	smov.u32 s13;
	s12 =	smov.u32 s14;
	p1 =	sne.s32 s13, $0xC00  }
.Ltmp5:
0x45: {  	s13 =	sadd.s32 $0x400, s13;
	(pc) =	sbr.rel @p1 .LBB2_7-.Ltmp5, $2  }
0x46: {  	_ =	sdelay $0x2  }
0x47: {  	s14 =	sadd.s32 $0x2000, s14;
	s15 =	sadd.s32 s15, s11  }
.Ltmp6:
0x48: {  	(pc) =	sbr.rel .LBB2_9-.Ltmp6, $2  }
0x49: {  	_ =	sdelay $0x2  }
0x4a: {  	[hbm:s15] =	stream.linear.scatter [tilespmem:s12], [sflag:$0x3], $0x2000, $0x38;
	[tilespmem:$0x10040] =	vst v63  }
.LBB2_10:
0x4b: {  	_ =	sfence.sel $0x180000  }
0x4c: {  	s2 =	simm.s32 $0x2;
	[bflag:$0x0] =	sbarrier.arrive $0xFFFF  }
0x4d: {  	s30 =	simm.s32 $0x3;
	[sflag:s2] =	ssyncpa.u1 $0x1  }
0x4e: {  	s31 =	simm.s32 $0x1;
	[sflag:s30] =	ssyncpa.u1 $0x1  }
0x4f: {  	[sflag:s31] =	ssyncpa.u1 $0x1  }
0x50: {  	p0 =	sne.s32 s1, $0x0;
	_ =	strace $0x90000059  }
0x51: {  	s0 =	sadd.s32 @!p0 $0x100000, s0;
	[bflag:$0x2] =	sbarrier.arrive $0xFFFF  }
0x52: {  	[sflag:s0] =	ssyncadd.tile.s32 @!p0 $0x1;
	_ =	shalt  }
.Lfunc_end2:
_tile_overlayer_lowered:
.L_overlay_start_2:
0x53: {  	(tag) =	ssettag $0x2  }
0x54: {  	s0 =	rddreg [dreg:$0x0];
	s2 =	stileid.u32  }
0x55: {  	s1 =	rddreg [dreg:$0x1];
	p0 =	sne.s32 s2, $0x0  }
0x56: {  	s3 =	rddreg [dreg:$0x2];
	[bflag:$0x3] =	sbarrier.arrive $0xFFFF;
	s2 =	simm.s32 @!p0 $0x1C01  }
0x57: {  	[timem:s3], [sflag:s2] =	dma.local @!p0 [hbm:s0], s1  }
0x58: {  	s0 =	simm.s32 @!p0 $0x1  }
0x59: {  	_ =	swait.ge @!p0 [sflag:s0], s1  }
0x5a: {  	s1 =	ssub.s32 @!p0 $0x0, s1;
	[sflag:s0] =	ssyncset.done @!p0 $0x0  }
0x5b: {  	[sflag:s0] =	ssyncadd.s32 @!p0 s1  }
0x5c: {  	[bflag:$0x3] =	sbarrier.arrive $0xFFFF  }
0x5d: {  	_ =	shalt  }

// kernel: gather_offload_async_start.3
scs
__scs_entry_jumppad:
0x0: {  	(pc) =	sbr.rel $0x88, $3  }
0x1: {  	(tag) =	ssettag $0x0;
	lr =	simm.s32 $0x1  }
0x2: {  	[smem:$0x3F87] =	sst lr;
	_ =	strace $0xD0000000  }
0x3: {  	_ = 	snop  }
0x4: {  	_ = 	snop  }
0x5: {  	_ = 	snop  }
0x6: {  	_ = 	snop  }
0x7: {  	_ = 	snop  }
__scs_overlays_trampoline_lowered:
0x8: {  	[smem:$0x3F96] =	sst s0  }
0x9: {  	[smem:$0x3F97] =	sst s1  }
0xa: {  	[smem:$0x3F98] =	sst s2  }
0xb: {  	[smem:$0x3F99] =	sst s3  }
0xc: {  	[smem:$0x3F9A] =	sst s4  }
0xd: {  	[smem:$0x3F9B] =	sst s5  }
0xe: {  	[smem:$0x3F9C] =	sst s6  }
0xf: {  	[smem:$0x3F9D] =	sst s7  }
0x10: {  	[smem:$0x3F9E] =	sst s8  }
0x11: {  	[smem:$0x3F9F] =	sst s9;
	s0 =	simm.s32 @!p0 $0x0  }
0x12: {  	s1 =	sld [smem:$0x3F85];
	s0 =	simm.s32 @p0 $0x1  }
0x13: {  	[smem:$0x3FA0] =	sst s0;
	s0 =	simm.s32 @!p1 $0x0  }
0x14: {  	s2 =	sld [smem:$0x3F84];
	s0 =	simm.s32 @p1 $0x1  }
0x15: {  	[smem:$0x3FA1] =	sst s0;
	s0 =	simm.s32 @!p2 $0x0  }
0x16: {  	s3 =	sld [smem:$0x3FDB];
	s0 =	simm.s32 @p2 $0x1  }
0x17: {  	s4 =	simm.s32 $0x1BF5;
	[smem:$0x3FA3] =	sst s0  }
0x18: {  	s0 =	sld [smem:$0x3F86];
	_ =	swait.ge [sflag:s4], $0x0  }
0x19: {  	s7 =	sld [smem:$0x3F87]  }
0x1a: {  	s8 =	sadd.s32 $0xFFFFE003, lr  }
0x1b: {  	s9 =	sadd.s32 $0xFFFFFEF7, lr;
	s5 =	simm.s32 $0xFFFFFFFF;
	p2 =	slt.u32 s8, $0xFFFFF086  }
0x1c: {  	p1 =	slt.u32 s9, $0xF7A;
	s5 =	simm.s32 @!p2 $0x0  }
0x1d: {  	s5 =	simm.s32 @p1 $0x1;
	p0 =	seq.s32 s7, s2  }
0x1e: {  	s7 =	smul.u32 @!p0 $0xF7A, s2;
	p2 =	seq.s32 @!p0 s5, $0x0  }
0x1f: {  	s9 =	smul.u32 $0xF7A, s1;
	s8 =	simm.s32 @!p0 $0x1BF5;
	p2 =	por !p2, p0  }
0x20: {  	[sflag:s8] =	ssyncset.s32 @!p0 $0xFFFFF086;
	s6 =	sadd.s32 @!p0 s3, s7;
	s7 =	simm.s32 @!p0 $0x108  }
0x21: {  	s3 =	sadd.s32 s3, s9;
	s6 =	sadd.s32 @!p0 $0x88, s6;
	s7 =	simm.s32 @p2 $0x1082  }
0x22: {  	[simem:s7], [sflag:s8] =	dma.local @!p0 [hbm:s6], $0xF7A  }
0x23: {  	s9 =	sor.u32 $0xD0000000, s2;
	s6 =	simm.s32 $0x108;
	_ =	swait.ge @!p0 [sflag:s8], $0x0  }
0x24: {  	s3 =	sadd.s32 $0x88, s3;
	s6 =	simm.s32 @!p1 $0x1082;
	[sflag:s4] =	ssyncset.s32 $0xFFFFF086  }
0x25: {  	[simem:s6], [sflag:s4] =	dma.local [hbm:s3], $0xF7A  }
0x26: {  	[smem:$0x3F87] =	sst s1;
	(tag) =	ssettag s2;
	_ =	strace s9  }
0x27: {  	s1 =	sld [smem:$0x3F97]  }
0x28: {  	s2 =	sld [smem:$0x3F98]  }
0x29: {  	s4 =	sld [smem:$0x3F9A]  }
0x2a: {  	p0 =	seq.s32 s5, $0x0;
	s5 =	sld [smem:$0x3F9B]  }
0x2b: {  	s6 =	sld [smem:$0x3F9C]  }
0x2c: {  	s7 =	sld [smem:$0x3F9D]  }
0x2d: {  	s3 =	simm.s32 $0x108;
	s8 =	sld [smem:$0x3F9E]  }
0x2e: {  	s3 =	simm.s32 @!p0 $0x1082;
	s9 =	sld [smem:$0x3F9F]  }
0x2f: {  	lr =	sadd.s32 s0, s3;
	s0 =	sld [smem:$0x3F96]  }
0x30: {  	s3 =	sld [smem:$0x3F99]  }
0x31: {  	[smem:$0x3FA2] =	sst s10  }
0x32: {  	s10 =	sld [smem:$0x3FA0];
	_ =	sdelay $0x3  }
0x33: {  	p0 =	seq.s32 s10, $0x1;
	s10 =	sld [smem:$0x3FA2];
	_ =	sdelay $0x3  }
0x34: {  	[smem:$0x3FA2] =	sst s10  }
0x35: {  	s10 =	sld [smem:$0x3FA1];
	_ =	sdelay $0x3  }
0x36: {  	p1 =	seq.s32 s10, $0x1;
	s10 =	sld [smem:$0x3FA2];
	_ =	sdelay $0x3  }
0x37: {  	[smem:$0x3FA2] =	sst s10  }
0x38: {  	s10 =	sld [smem:$0x3FA3]  }
0x39: {  	_ = 	snop;
	(pc) =	sbr.ind lr, $3  }
0x3a: {  	_ = 	snop  }
0x3b: {  	_ = 	snop  }
0x3c: {  	p2 =	seq.s32 s10, $0x1;
	s10 =	sld [smem:$0x3FA2]  }
0x3d: {  	_ =	shalt  }
0x3e: {  	_ =	shalt  }
0x3f: {  	_ =	shalt  }
0x40: {  	_ =	shalt  }
0x41: {  	_ =	shalt  }
0x42: {  	_ =	shalt  }
0x43: {  	_ =	shalt  }
0x44: {  	_ =	shalt  }
0x45: {  	_ =	shalt  }
0x46: {  	_ =	shalt  }
0x47: {  	_ =	shalt  }
0x48: {  	_ =	shalt  }
0x49: {  	_ =	shalt  }
0x4a: {  	_ =	shalt  }
0x4b: {  	_ =	shalt  }
0x4c: {  	_ =	shalt  }
0x4d: {  	_ =	shalt  }
0x4e: {  	_ =	shalt  }
0x4f: {  	_ =	shalt  }
0x50: {  	_ =	shalt  }
0x51: {  	_ =	shalt  }
0x52: {  	_ =	shalt  }
0x53: {  	_ =	shalt  }
0x54: {  	_ =	shalt  }
0x55: {  	_ =	shalt  }
0x56: {  	_ =	shalt  }
0x57: {  	_ =	shalt  }
0x58: {  	_ =	shalt  }
0x59: {  	_ =	shalt  }
0x5a: {  	_ =	shalt  }
0x5b: {  	_ =	shalt  }
0x5c: {  	_ =	shalt  }
0x5d: {  	_ =	shalt  }
0x5e: {  	_ =	shalt  }
0x5f: {  	_ =	shalt  }
0x60: {  	_ =	shalt  }
0x61: {  	_ =	shalt  }
0x62: {  	_ =	shalt  }
0x63: {  	_ =	shalt  }
0x64: {  	_ =	shalt  }
0x65: {  	_ =	shalt  }
0x66: {  	_ =	shalt  }
0x67: {  	_ =	shalt  }
0x68: {  	_ =	shalt  }
0x69: {  	_ =	shalt  }
0x6a: {  	_ =	shalt  }
0x6b: {  	_ =	shalt  }
0x6c: {  	_ =	shalt  }
0x6d: {  	_ =	shalt  }
0x6e: {  	_ =	shalt  }
0x6f: {  	_ =	shalt  }
0x70: {  	_ =	shalt  }
0x71: {  	_ =	shalt  }
0x72: {  	_ =	shalt  }
0x73: {  	_ =	shalt  }
0x74: {  	_ =	shalt  }
0x75: {  	_ =	shalt  }
0x76: {  	_ =	shalt  }
0x77: {  	_ =	shalt  }
0x78: {  	_ =	shalt  }
0x79: {  	_ =	shalt  }
0x7a: {  	_ =	shalt  }
0x7b: {  	_ =	shalt  }
0x7c: {  	_ =	shalt  }
0x7d: {  	_ =	shalt  }
0x7e: {  	_ =	shalt  }
0x7f: {  	_ =	shalt  }
0x80: {  	_ =	shalt  }
0x81: {  	_ =	shalt  }
0x82: {  	_ =	shalt  }
0x83: {  	_ =	shalt  }
0x84: {  	_ =	shalt  }
0x85: {  	_ =	shalt  }
0x86: {  	_ =	shalt  }
0x87: {  	_ =	shalt  }
.Lfunc_end0:
.L_simem_size_0:
called_computation.6_lowered:
.L_overlay_start_0:
0x88: {  	s2 =	sld [smem:$0x3FD9]  }
0x89: {  	s3 =	sld [smem:$0x3FFE];
	_ =	sdelay $0x1  }
0x8a: {  	s1 =	srdreg.scid  }
0x8b: {  	s0 =	sand.u32 $0x1, s1  }
0x8c: {  	s17 =	sshll.u32 s0, $0xA;
	s2 =	sadd.s32 s3, s2  }
0x8d: {  	s2 =	sadd.s32 s2, s17  }
0x8e: {  	[smem:$0x3FAE] =	sst s2  }
0x8f: {  	_ = 	snop  }
0x90: {  	(tm) =	ssettm $0x1  }
0x91: {  	s18 =	sld [smem:$0x3FFB];
	_ =	sdelay $0x3  }
0x92: {  	_ =	strace s18  }
0x93: {  	s2 =	sld [smem:$0x3FFC];
	_ =	sdelay $0x3  }
0x94: {  	_ =	strace s2  }
0x95: {  	s2 =	sld [smem:$0x3FFD];
	_ =	sdelay $0x3  }
0x96: {  	_ =	strace s2  }
0x97: {  	_ =	strace $0x8FFFFFFF  }
0x98: {  	s19 =	sld [smem:$0x3FDB];
	_ =	sdelay $0x1  }
0x99: {  	s20 =	simm.s32 $_scs_section_size  }
0x9a: {  	s4 =	simm.s32 $_size__tile_overlayer_lowered;
	s5 =	simm.s32 $_tile_overlayer_lowered  }
0x9b: {  	s6 =	simm.s32 $0x1BFF;
	s21 =	sshll.u32 s5, $0x1;
	s3 =	sadd.s32 s20, s19  }
0x9c: {  	s22 =	simm.s32 $0x0;
	s4 =	sshll.u32 s4, $0x1;
	s5 =	sadd.s32 s21, s3  }
0x9d: {  	[timem:s22], [sflag:s6] =	dma.local [hbm:s5], s4  }
0x9e: {  	_ =	swait.ge [sflag:s6], s4  }
0x9f: {  	s4 =	ssub.s32 $0x0, s4;
	[sflag:s6] =	ssyncset.done $0x0  }
0xa0: {  	[sflag:s6] =	ssyncadd.s32 s4;
	_ =	sdelay $0x1  }
0xa1: {  	s23 =	simm.s32 $0x1B8B  }
0xa2: {  	_ =	swait.ge [sflag:s23], $0x1  }
0xa3: {  	[sflag:s23] =	ssyncset.done $0x0  }
0xa4: {  	[sflag:s23] =	ssyncadd.s32 $0xFFFFFFFF  }
0xa5: {  	s4 =	sld [smem:$0x0]  }
0xa6: {  	s5 =	sand.u32 $0xFFFFFFFE, s1  }
0xa7: {  	p0 =	sne.s32 s1, s5  }
0xa8: {  	s5 =	sshll.u32 @p0 s5, $0xE  }
0xa9: {  	s5 =	sadd.s32 @p0 $0x11B8D, s5;
	s6 =	sshll.u32 @p0 s4, $0x11  }
0xaa: {  	s5 =	sor.u32 @p0 s6, s5  }
0xab: {  	[sflag:s5] =	ssyncadd.remote.s32 @p0 $0x1;
	_ =	sdelay $0x1  }
0xac: {  	s5 =	simm.s32 @p0 $0x1B8D  }
0xad: {  	_ =	swait.eq @p0 [sflag:s5], $0x1  }
0xae: {  	[sflag:s5] =	ssyncadd.s32 @p0 $0xFFFFFFFF  }
0xaf: {  	s6 =	sshll.u32 @!p0 s1, $0xE  }
0xb0: {  	s6 =	sor.u32 @!p0 $0x4000, s6;
	s5 =	simm.s32 @!p0 $0x1B8D  }
0xb1: {  	s4 =	sshll.u32 @!p0 s4, $0x11;
	s6 =	sadd.s32 @!p0 $0x11B8D, s6;
	_ =	swait.eq @!p0 [sflag:s5], $0x1  }
0xb2: {  	s4 =	sor.u32 @!p0 s4, s6;
	[sflag:s5] =	ssyncadd.s32 @!p0 $0xFFFFFFFF  }
0xb3: {  	s25 =	simm.s32 $0x1B8E;
	s24 =	sld [smem:$0x3FFE];
	[sflag:s4] =	ssyncadd.remote.s32 @!p0 $0x1  }
0xb4: {  	s26 =	simm.s32 $execute0_lowered;
	[smem:$0x3FD2] =	sst s25  }
0xb5: {  	s5 =	sshll.u32 s26, $0x1;
	_ =	strace $0x80000055;
	[dreg:$0x1] =	wrdreg $0xFFFFFFFF  }
0xb6: {  	s28 =	simm.s32 $_size_execute0_lowered;
	s3 =	sadd.s32 s3, s5;
	[dreg:$0x0] =	wrdreg $0x0  }
0xb7: {  	s5 =	sshll.u32 s28, $0x1;
	[dreg:$0x2] =	wrdreg s3  }
0xb8: {  	[dreg:$0x3] =	wrdreg s5  }
0xb9: {  	[dreg:$0x4] =	wrdreg $0xC0  }
0xba: {  	_ =	task [dreg:s22], $0x5FFFF  }
0xbb: {  	[dreg:$0x1] =	wrdreg $0xFFFFFFFF  }
0xbc: {  	[dreg:$0x0] =	wrdreg $0x60  }
0xbd: {  	[dreg:$0x2] =	wrdreg s24  }
0xbe: {  	[dreg:$0x3] =	wrdreg $0xB  }
0xbf: {  	_ =	task.clear_ibuf [dreg:s22], $0x4FFFF;
	_ =	strace $0x90000055  }
0xc0: {  	s29 =	simm.s32 $0xB;
	_ =	strace $0x80000057  }
0xc1: {  	_ =	swait.ge [sflag:s29], $0x1  }
0xc2: {  	[sflag:s29] =	ssyncadd.s32 $0xFFFFFFFF  }
0xc3: {  	_ =	strace $0x90000057  }
0xc4: {  	_ =	sfence  }
0xc5: {  	s30 =	sld [smem:$0x0];
	_ =	sdelay $0x2  }
0xc6: {  	s31 =	sshll.u32 s1, $0xD;
	s1 =	sshrl.u32 s1, $0x2  }
0xc7: {  	s4 =	sand.u32 $0x4000, s31;
	s1 =	sadd.s32 s1, s30  }
0xc8: {  	s0 =	sor.u32 s4, s0;
	s1 =	sshll.u32 s1, $0x11  }
0xc9: {  	s0 =	sor.u32 s1, s0  }
0xca: {  	s0 =	sadd.s32 $0x8F2B, s0  }
0xcb: {  	[sflag:s0] =	ssyncadd.remote.s32 $0x1  }
0xcc: {  	_ =	sfence.sel $0xFFFF  }
0xcd: {  	[dreg:$0x0] =	wrdreg $0xFFFFFFFF;
	(pc) =	sbr.abs _section_cstart, $3  }
0xce: {  	[dreg:$0x1] =	wrdreg $0xFFFFFFFF  }
0xcf: {  	_ =	task.clear_ibuf [dreg:s22], $0x2FFFF;
	_ =	strace $0x9FFFFFFF  }
0xd0: {  	(tm) =	ssettm $0x7FFFFFFF  }
0xd1: {  	_ =	shalt  }
tec
execute0_lowered:
.L_overlay_start_1:
0x0: {  	(tag) =	ssettag $0x1  }
0x1: {  	s7 =	rddreg [dreg:$0x0]  }
0x2: {  	s0 =	rddreg [dreg:$0x1];
	_ =	strace $0x80000056  }
0x3: {  	s1 =	srdreg.scid;
	s4 =	simm.s32 $0x1;
	s9 =	simm.s32 $0x3  }
0x4: {  	s11 =	simm.s32 $0x0;
	p0 =	por $0x0, $0x0;
	s5 =	sshll.u32 s1, $0x4  }
.Ltmp0:
0x5: {  	s1 =	stileid.u32;
	s5 =	sand.u32 $0x10, s5;
	(pc) =	sbr.rel .LBB2_1-.Ltmp0, $4  }
0x6: {  	s2 =	sadd.s32 $0x10DC800, s7;
	s3 =	sadd.s32 $0x88600, s7;
	s6 =	sor.u32 s1, s5  }
0x7: {  	[sflag:s4] =	ssyncpa.u1 $0x0;
	s5 =	simm.s32 $0x2;
	s6 =	sshll.u32 s6, $0x7  }
0x8: {  	s7 =	sadd.s32 $0x1600, s7;
	[sflag:s5] =	ssyncpa.u1 $0x0;
	s8 =	sadd.s32 $0x80, s6  }
0x9: {  	vm0 =	vmmov $0xff;
	vm1 =	vcmask $0x3F20;
	[sflag:s9] =	ssyncpa.u1 $0x0;
	s10 =	smov.u32 s6;
	s9 =	simm.s32 $0x0  }
.LBB2_9:
0xa: {  	p1 =	slt.u32 s9, $0x2;
	s11 =	sadd.s32 $0x20, s10  }
0xb: {  	s13 =	smov.u32 s6;
	s9 =	sadd.s32 $0x1, s9;
	p2 =	slt.s32 s11, s8  }
0xc: {  	s13 =	smov.u32 @p2 s11;
	p2 =	sne.s32 s9, $0x6  }
.Ltmp1:
0xd: {  	_ = 	snop;
	(pc) =	sbr.rel @!p2 .LBB2_10-.Ltmp1, $4  }
0xe: {  	s12 =	simm.s32 @!p1 $0x3  }
0xf: {  	_ =	swait.ge @!p1 [sflag:s12], $0x8000  }
0x10: {  	p0 =	por !p0, !p0;
	[sflag:s12] =	ssyncset.done @!p1 $0x0  }
0x11: {  	s11 =	smov.u32 s10;
	s10 =	smov.u32 s13;
	[sflag:s12] =	ssyncadd.s32 @!p1 $0xFFFF8000  }
.LBB2_1:
0x12: {  	p1 =	sgt.u32 s9, $0x3  }
0x13: {  	s12 =	sxor.u32 @!p1 $0xFFFFFFFF, s9  }
0x14: {  	s13 =	sshrl.u32 @!p1 s10, $0x3;
	s12 =	sshll.u32 @!p1 s12, $0x5  }
0x15: {  	s14 =	sand.u32 @!p1 $0x7, s10;
	s13 =	sadd.s32 @!p1 s3, s13;
	s12 =	sand.u32 @!p1 $0x20, s12  }
0x16: {  	[tilespmem:s12], [sflag:$0x2] =	stream.linear.gather @!p1 [hbm4b:s13+s14], $0x20, $0x38;
	[tilespmem:$0x10040] =	vst v63  }
0x17: {  	p1 =	seq.s32 s9, $0x0  }
0x18: {  	p2 =	seq.s32 @!p1 s9, $0x5  }
0x19: {  	p1 =	por p1, p2  }
.Ltmp2:
0x1a: {  	_ = 	snop;
	(pc) =	sbr.rel @p1 .LBB2_9-.Ltmp2, $1  }
0x1b: {  	_ =	sdelay $0x3  }
0x1c: {  	s12 =	simm.s32 $0x1  }
0x1d: {  	_ =	swait.ge [sflag:s5], $0x20;
	s13 =	sand.u32 $0x1, s9;
	s12 =	simm.s32 @!p0 $0x0  }
0x1e: {  	s15 =	simm.s32 $0x0;
	p2 =	por $0x1, $0x1;
	s12 =	sshll.u32 s12, $0x11  }
0x1f: {  	[sflag:s5] =	ssyncset.done $0x0;
	s13 =	sshll.u32 s13, $0x5;
	s14 =	sshrl.u32 s12, $0x2  }
0x20: {  	[sflag:s5] =	ssyncadd.s32 $0xFFFFFFE0;
	s12 =	sor.u32 $0x40, s14;
	s14 =	sadd.s32 $0x40, s14  }
.LBB2_3:
0x21: {  	s16 =	sshll.u32 s15, $0x4  }
0x22: {  	s16 =	sand.u32 $0x3FFFFFF0, s16  }
0x23: {  	s16 =	sadd.s32 s16, s13  }
0x24: {  	v0 =	vld.msk [tilespmem:s16+$0x0 ss:$0x1], $0xffff;
	_ =	sdelay $0x4  }
0x25: {  	vm2 =	vgt.s32 v0, $0x0  }
0x26: {  	v0 =	vnsel vm2, $0x0, v0  }
0x27: {  	v0 =	vmin.u32 v0, $0x1387  }
0x28: {  	v1 =	vshll.u32 v0, $0x7;
	v0 =	vshll.u32 v0, $0x4  }
0x29: {  	v1 =	vand.u32 $0xFFC00, v1;
	v0 =	vand.u32 $0x70, v0  }
0x2a: {  	v0 =	vor.u32 v0, v1  }
0x2b: {  	s31 =	sshll.u32 s15, $0x10  }
0x2c: {  	s15 =	sshra.s32 s31, $0x2  }
0x2d: {  	s15 =	sadd.s32 s15, s14  }
0x2e: {  	s17 =	sadd.s32 $0x0, s15  }
0x2f: {  	[tilespmem:s17], [sflag:$0x1] =	stream.indirect_vreg.gather [hbm:s2], $0x80, v0, vm0, $0x38;
	[tilespmem:$0x10040] =	vst v63  }
0x30: {  	p1 =	por p2, p2;
	s16 =	simm.s32 $0x1000;
	v1 =	vadd.s32 $0x80, v0;
	s17 =	sadd.s32 $0x2000, s17  }
.LBB2_4:
0x31: {  	[tilespmem:s17], [sflag:$0x1] =	stream.indirect_vreg.gather [hbm:s2], $0x80, v0, vm1, $0x38;
	[tilespmem:$0x10040] =	vst v63  }
0x32: {  	v0 =	vmov v1;
	s17 =	smov.u32 s16;
	p2 =	sne.s32 s16, $0x7000  }
.Ltmp3:
0x33: {  	s16 =	sadd.s32 $0x1000, s16;
	(pc) =	sbr.rel @p2 .LBB2_4-.Ltmp3, $4  }
0x34: {  	s17 =	sshra.s32 s17, $0x2  }
0x35: {  	s17 =	sadd.s32 s17, s15  }
0x36: {  	[tilespmem:s17], [sflag:$0x1] =	stream.indirect_vreg.gather [hbm:s2], $0x80, v1, vm0, $0x38;
	[tilespmem:$0x10040] =	vst v63  }
0x37: {  	s17 =	sadd.s32 $0x2000, s17;
	v1 =	vadd.s32 $0x80, v1  }
0x38: {  	_ = 	snop  }
.Ltmp4:
0x39: {  	_ = 	snop;
	(pc) =	sbr.rel @p1 .LBB2_3-.Ltmp4, $3  }
0x3a: {  	_ =	sdelay $0x1  }
0x3b: {  	[tilespmem:s17], [sflag:$0x1] =	stream.indirect_vreg.gather [hbm:s2], $0x80, v0, vm1, $0x38;
	[tilespmem:$0x10040] =	vst v63  }
0x3c: {  	s15 =	simm.s32 $0x1;
	p2 =	por $0x0, $0x0  }
0x3d: {  	s13 =	sshll.u32 s11, $0x7  }
0x3e: {  	s31 =	sshll.u32 s11, $0x4;
	s13 =	sand.u32 $0xFFFFFC00, s13  }
0x3f: {  	_ =	swait.ge [sflag:s4], $0x8000;
	s11 =	sand.u32 $0x70, s31;
	s13 =	sadd.s32 s13, s7  }
0x40: {  	s14 =	sadd.s32 $0x2000, s12;
	[sflag:s4] =	ssyncset.done $0x0;
	s11 =	sadd.s32 s11, s13  }
0x41: {  	[sflag:s4] =	ssyncadd.s32 $0xFFFF8000;
	s13 =	simm.s32 $0x400;
	s15 =	sadd.s32 $0x0, s11  }
.LBB2_7:
0x42: {  	[hbm:s15] =	stream.linear.scatter [tilespmem:s12], [sflag:$0x3], $0x2000, $0x38;
	[tilespmem:$0x10040] =	vst v63  }
0x43: {  	s15 =	smov.u32 s13;
	s12 =	smov.u32 s14;
	p1 =	sne.s32 s13, $0xC00  }
.Ltmp5:
0x44: {  	s13 =	sadd.s32 $0x400, s13;
	(pc) =	sbr.rel @p1 .LBB2_7-.Ltmp5, $2  }
0x45: {  	_ =	sdelay $0x2  }
0x46: {  	s14 =	sadd.s32 $0x2000, s14;
	s15 =	sadd.s32 s15, s11  }
.Ltmp6:
0x47: {  	(pc) =	sbr.rel .LBB2_9-.Ltmp6, $2  }
0x48: {  	_ =	sdelay $0x2  }
0x49: {  	[hbm:s15] =	stream.linear.scatter [tilespmem:s12], [sflag:$0x3], $0x2000, $0x38;
	[tilespmem:$0x10040] =	vst v63  }
.LBB2_10:
0x4a: {  	_ =	sfence.sel $0x180000  }
0x4b: {  	s2 =	simm.s32 $0x2;
	[bflag:$0x0] =	sbarrier.arrive $0xFFFF  }
0x4c: {  	s30 =	simm.s32 $0x3;
	[sflag:s2] =	ssyncpa.u1 $0x1  }
0x4d: {  	s31 =	simm.s32 $0x1;
	[sflag:s30] =	ssyncpa.u1 $0x1  }
0x4e: {  	[sflag:s31] =	ssyncpa.u1 $0x1  }
0x4f: {  	p0 =	sne.s32 s1, $0x0;
	_ =	strace $0x90000056  }
0x50: {  	s0 =	sadd.s32 @!p0 $0x100000, s0;
	[bflag:$0x2] =	sbarrier.arrive $0xFFFF  }
0x51: {  	[sflag:s0] =	ssyncadd.tile.s32 @!p0 $0x1;
	_ =	shalt  }
.Lfunc_end2:
_tile_overlayer_lowered:
.L_overlay_start_2:
0x52: {  	(tag) =	ssettag $0x2  }
0x53: {  	s0 =	rddreg [dreg:$0x0];
	s2 =	stileid.u32  }
0x54: {  	s1 =	rddreg [dreg:$0x1];
	p0 =	sne.s32 s2, $0x0  }
0x55: {  	s3 =	rddreg [dreg:$0x2];
	[bflag:$0x3] =	sbarrier.arrive $0xFFFF;
	s2 =	simm.s32 @!p0 $0x1C01  }
0x56: {  	[timem:s3], [sflag:s2] =	dma.local @!p0 [hbm:s0], s1  }
0x57: {  	s0 =	simm.s32 @!p0 $0x1  }
0x58: {  	_ =	swait.ge @!p0 [sflag:s0], s1  }
0x59: {  	s1 =	ssub.s32 @!p0 $0x0, s1;
	[sflag:s0] =	ssyncset.done @!p0 $0x0  }
0x5a: {  	[sflag:s0] =	ssyncadd.s32 @!p0 s1  }
0x5b: {  	[bflag:$0x3] =	sbarrier.arrive $0xFFFF  }
0x5c: {  	_ =	shalt  }

// kernel: gather_offload_async_start
scs
__scs_entry_jumppad:
0x0: {  	(pc) =	sbr.rel $0x88, $3  }
0x1: {  	(tag) =	ssettag $0x0;
	lr =	simm.s32 $0x1  }
0x2: {  	[smem:$0x3F87] =	sst lr;
	_ =	strace $0xD0000000  }
0x3: {  	_ = 	snop  }
0x4: {  	_ = 	snop  }
0x5: {  	_ = 	snop  }
0x6: {  	_ = 	snop  }
0x7: {  	_ = 	snop  }
__scs_overlays_trampoline_lowered:
0x8: {  	[smem:$0x3F96] =	sst s0  }
0x9: {  	[smem:$0x3F97] =	sst s1  }
0xa: {  	[smem:$0x3F98] =	sst s2  }
0xb: {  	[smem:$0x3F99] =	sst s3  }
0xc: {  	[smem:$0x3F9A] =	sst s4  }
0xd: {  	[smem:$0x3F9B] =	sst s5  }
0xe: {  	[smem:$0x3F9C] =	sst s6  }
0xf: {  	[smem:$0x3F9D] =	sst s7  }
0x10: {  	[smem:$0x3F9E] =	sst s8  }
0x11: {  	[smem:$0x3F9F] =	sst s9;
	s0 =	simm.s32 @!p0 $0x0  }
0x12: {  	s1 =	sld [smem:$0x3F85];
	s0 =	simm.s32 @p0 $0x1  }
0x13: {  	[smem:$0x3FA0] =	sst s0;
	s0 =	simm.s32 @!p1 $0x0  }
0x14: {  	s2 =	sld [smem:$0x3F84];
	s0 =	simm.s32 @p1 $0x1  }
0x15: {  	[smem:$0x3FA1] =	sst s0;
	s0 =	simm.s32 @!p2 $0x0  }
0x16: {  	s3 =	sld [smem:$0x3FDB];
	s0 =	simm.s32 @p2 $0x1  }
0x17: {  	s4 =	simm.s32 $0x1BF5;
	[smem:$0x3FA3] =	sst s0  }
0x18: {  	s0 =	sld [smem:$0x3F86];
	_ =	swait.ge [sflag:s4], $0x0  }
0x19: {  	s7 =	sld [smem:$0x3F87]  }
0x1a: {  	s8 =	sadd.s32 $0xFFFFE003, lr  }
0x1b: {  	s9 =	sadd.s32 $0xFFFFFEF7, lr;
	s5 =	simm.s32 $0xFFFFFFFF;
	p2 =	slt.u32 s8, $0xFFFFF086  }
0x1c: {  	p1 =	slt.u32 s9, $0xF7A;
	s5 =	simm.s32 @!p2 $0x0  }
0x1d: {  	s5 =	simm.s32 @p1 $0x1;
	p0 =	seq.s32 s7, s2  }
0x1e: {  	s7 =	smul.u32 @!p0 $0xF7A, s2;
	p2 =	seq.s32 @!p0 s5, $0x0  }
0x1f: {  	s9 =	smul.u32 $0xF7A, s1;
	s8 =	simm.s32 @!p0 $0x1BF5;
	p2 =	por !p2, p0  }
0x20: {  	[sflag:s8] =	ssyncset.s32 @!p0 $0xFFFFF086;
	s6 =	sadd.s32 @!p0 s3, s7;
	s7 =	simm.s32 @!p0 $0x108  }
0x21: {  	s3 =	sadd.s32 s3, s9;
	s6 =	sadd.s32 @!p0 $0x88, s6;
	s7 =	simm.s32 @p2 $0x1082  }
0x22: {  	[simem:s7], [sflag:s8] =	dma.local @!p0 [hbm:s6], $0xF7A  }
0x23: {  	s9 =	sor.u32 $0xD0000000, s2;
	s6 =	simm.s32 $0x108;
	_ =	swait.ge @!p0 [sflag:s8], $0x0  }
0x24: {  	s3 =	sadd.s32 $0x88, s3;
	s6 =	simm.s32 @!p1 $0x1082;
	[sflag:s4] =	ssyncset.s32 $0xFFFFF086  }
0x25: {  	[simem:s6], [sflag:s4] =	dma.local [hbm:s3], $0xF7A  }
0x26: {  	[smem:$0x3F87] =	sst s1;
	(tag) =	ssettag s2;
	_ =	strace s9  }
0x27: {  	s1 =	sld [smem:$0x3F97]  }
0x28: {  	s2 =	sld [smem:$0x3F98]  }
0x29: {  	s4 =	sld [smem:$0x3F9A]  }
0x2a: {  	p0 =	seq.s32 s5, $0x0;
	s5 =	sld [smem:$0x3F9B]  }
0x2b: {  	s6 =	sld [smem:$0x3F9C]  }
0x2c: {  	s7 =	sld [smem:$0x3F9D]  }
0x2d: {  	s3 =	simm.s32 $0x108;
	s8 =	sld [smem:$0x3F9E]  }
0x2e: {  	s3 =	simm.s32 @!p0 $0x1082;
	s9 =	sld [smem:$0x3F9F]  }
0x2f: {  	lr =	sadd.s32 s0, s3;
	s0 =	sld [smem:$0x3F96]  }
0x30: {  	s3 =	sld [smem:$0x3F99]  }
0x31: {  	[smem:$0x3FA2] =	sst s10  }
0x32: {  	s10 =	sld [smem:$0x3FA0];
	_ =	sdelay $0x3  }
0x33: {  	p0 =	seq.s32 s10, $0x1;
	s10 =	sld [smem:$0x3FA2];
	_ =	sdelay $0x3  }
0x34: {  	[smem:$0x3FA2] =	sst s10  }
0x35: {  	s10 =	sld [smem:$0x3FA1];
	_ =	sdelay $0x3  }
0x36: {  	p1 =	seq.s32 s10, $0x1;
	s10 =	sld [smem:$0x3FA2];
	_ =	sdelay $0x3  }
0x37: {  	[smem:$0x3FA2] =	sst s10  }
0x38: {  	s10 =	sld [smem:$0x3FA3]  }
0x39: {  	_ = 	snop;
	(pc) =	sbr.ind lr, $3  }
0x3a: {  	_ = 	snop  }
0x3b: {  	_ = 	snop  }
0x3c: {  	p2 =	seq.s32 s10, $0x1;
	s10 =	sld [smem:$0x3FA2]  }
0x3d: {  	_ =	shalt  }
0x3e: {  	_ =	shalt  }
0x3f: {  	_ =	shalt  }
0x40: {  	_ =	shalt  }
0x41: {  	_ =	shalt  }
0x42: {  	_ =	shalt  }
0x43: {  	_ =	shalt  }
0x44: {  	_ =	shalt  }
0x45: {  	_ =	shalt  }
0x46: {  	_ =	shalt  }
0x47: {  	_ =	shalt  }
0x48: {  	_ =	shalt  }
0x49: {  	_ =	shalt  }
0x4a: {  	_ =	shalt  }
0x4b: {  	_ =	shalt  }
0x4c: {  	_ =	shalt  }
0x4d: {  	_ =	shalt  }
0x4e: {  	_ =	shalt  }
0x4f: {  	_ =	shalt  }
0x50: {  	_ =	shalt  }
0x51: {  	_ =	shalt  }
0x52: {  	_ =	shalt  }
0x53: {  	_ =	shalt  }
0x54: {  	_ =	shalt  }
0x55: {  	_ =	shalt  }
0x56: {  	_ =	shalt  }
0x57: {  	_ =	shalt  }
0x58: {  	_ =	shalt  }
0x59: {  	_ =	shalt  }
0x5a: {  	_ =	shalt  }
0x5b: {  	_ =	shalt  }
0x5c: {  	_ =	shalt  }
0x5d: {  	_ =	shalt  }
0x5e: {  	_ =	shalt  }
0x5f: {  	_ =	shalt  }
0x60: {  	_ =	shalt  }
0x61: {  	_ =	shalt  }
0x62: {  	_ =	shalt  }
0x63: {  	_ =	shalt  }
0x64: {  	_ =	shalt  }
0x65: {  	_ =	shalt  }
0x66: {  	_ =	shalt  }
0x67: {  	_ =	shalt  }
0x68: {  	_ =	shalt  }
0x69: {  	_ =	shalt  }
0x6a: {  	_ =	shalt  }
0x6b: {  	_ =	shalt  }
0x6c: {  	_ =	shalt  }
0x6d: {  	_ =	shalt  }
0x6e: {  	_ =	shalt  }
0x6f: {  	_ =	shalt  }
0x70: {  	_ =	shalt  }
0x71: {  	_ =	shalt  }
0x72: {  	_ =	shalt  }
0x73: {  	_ =	shalt  }
0x74: {  	_ =	shalt  }
0x75: {  	_ =	shalt  }
0x76: {  	_ =	shalt  }
0x77: {  	_ =	shalt  }
0x78: {  	_ =	shalt  }
0x79: {  	_ =	shalt  }
0x7a: {  	_ =	shalt  }
0x7b: {  	_ =	shalt  }
0x7c: {  	_ =	shalt  }
0x7d: {  	_ =	shalt  }
0x7e: {  	_ =	shalt  }
0x7f: {  	_ =	shalt  }
0x80: {  	_ =	shalt  }
0x81: {  	_ =	shalt  }
0x82: {  	_ =	shalt  }
0x83: {  	_ =	shalt  }
0x84: {  	_ =	shalt  }
0x85: {  	_ =	shalt  }
0x86: {  	_ =	shalt  }
0x87: {  	_ =	shalt  }
.Lfunc_end0:
.L_simem_size_0:
called_computation.3_lowered:
.L_overlay_start_0:
0x88: {  	s2 =	sld [smem:$0x3FD9]  }
0x89: {  	s3 =	sld [smem:$0x3FFE];
	_ =	sdelay $0x1  }
0x8a: {  	s1 =	srdreg.scid  }
0x8b: {  	s0 =	sand.u32 $0x1, s1  }
0x8c: {  	s15 =	sshll.u32 s0, $0xA;
	s2 =	sadd.s32 s3, s2  }
0x8d: {  	s2 =	sadd.s32 s2, s15  }
0x8e: {  	[smem:$0x3FAE] =	sst s2  }
0x8f: {  	_ = 	snop  }
0x90: {  	s2 =	sld [smem:$0x3FD0];
	_ =	sdelay $0x2  }
0x91: {  	s4 =	simm.s32 $0xC;
	s16 =	simm.s32 $0x10  }
0x92: {  	[smem:s16], [sflag:s4] =	dma.local [hbm:s2], $0x1  }
0x93: {  	_ =	swait.eq [sflag:s4], $0x1  }
0x94: {  	[sflag:s4] =	ssyncset.done $0x0  }
0x95: {  	s17 =	sld [smem:$0x10];
	[sflag:s4] =	ssyncadd.s32 $0xFFFFFFFF  }
0x96: {  	s18 =	sld [smem:$0x11];
	(tm) =	ssettm $0x1  }
0x97: {  	s19 =	sld [smem:$0x3FFB];
	_ =	sdelay $0x3  }
0x98: {  	_ =	strace s19  }
0x99: {  	s2 =	sld [smem:$0x3FFC];
	_ =	sdelay $0x3  }
0x9a: {  	_ =	strace s2  }
0x9b: {  	s2 =	sld [smem:$0x3FFD];
	_ =	sdelay $0x3  }
0x9c: {  	_ =	strace s2  }
0x9d: {  	_ =	strace $0x8FFFFFFF  }
0x9e: {  	s20 =	sld [smem:$0x3FDB];
	_ =	sdelay $0x1  }
0x9f: {  	s5 =	simm.s32 $_scs_section_size  }
0xa0: {  	s6 =	simm.s32 $_size__tile_overlayer_lowered;
	s7 =	simm.s32 $_tile_overlayer_lowered  }
0xa1: {  	s8 =	simm.s32 $0x1BFF;
	s21 =	sshll.u32 s7, $0x1;
	s5 =	sadd.s32 s5, s20  }
0xa2: {  	s22 =	simm.s32 $0x0;
	s6 =	sshll.u32 s6, $0x1;
	s7 =	sadd.s32 s21, s5  }
0xa3: {  	[timem:s22], [sflag:s8] =	dma.local [hbm:s7], s6  }
0xa4: {  	_ =	swait.ge [sflag:s8], s6  }
0xa5: {  	s6 =	ssub.s32 $0x0, s6;
	[sflag:s8] =	ssyncset.done $0x0  }
0xa6: {  	[sflag:s8] =	ssyncadd.s32 s6;
	_ =	sdelay $0x1  }
0xa7: {  	s23 =	simm.s32 $0x1B8B  }
0xa8: {  	_ =	swait.ge [sflag:s23], $0x1  }
0xa9: {  	[sflag:s23] =	ssyncset.done $0x0  }
0xaa: {  	[sflag:s23] =	ssyncadd.s32 $0xFFFFFFFF  }
0xab: {  	s6 =	sld [smem:$0x0]  }
0xac: {  	s7 =	sand.u32 $0xFFFFFFFE, s1  }
0xad: {  	p0 =	sne.s32 s1, s7  }
0xae: {  	s7 =	sshll.u32 @p0 s7, $0xE  }
0xaf: {  	s7 =	sadd.s32 @p0 $0x11B8D, s7;
	s8 =	sshll.u32 @p0 s6, $0x11  }
0xb0: {  	s7 =	sor.u32 @p0 s8, s7  }
0xb1: {  	[sflag:s7] =	ssyncadd.remote.s32 @p0 $0x1;
	_ =	sdelay $0x1  }
0xb2: {  	s7 =	simm.s32 @p0 $0x1B8D  }
0xb3: {  	_ =	swait.eq @p0 [sflag:s7], $0x1  }
0xb4: {  	[sflag:s7] =	ssyncadd.s32 @p0 $0xFFFFFFFF  }
0xb5: {  	s8 =	sshll.u32 @!p0 s1, $0xE  }
0xb6: {  	s8 =	sor.u32 @!p0 $0x4000, s8;
	s7 =	simm.s32 @!p0 $0x1B8D  }
0xb7: {  	s6 =	sshll.u32 @!p0 s6, $0x11;
	s8 =	sadd.s32 @!p0 $0x11B8D, s8;
	_ =	swait.eq @!p0 [sflag:s7], $0x1  }
0xb8: {  	s6 =	sor.u32 @!p0 s6, s8;
	[sflag:s7] =	ssyncadd.s32 @!p0 $0xFFFFFFFF  }
0xb9: {  	s25 =	simm.s32 $0x1B8E;
	s24 =	sld [smem:$0x3FFE];
	[sflag:s6] =	ssyncadd.remote.s32 @!p0 $0x1  }
0xba: {  	s26 =	simm.s32 $execute0_lowered;
	[smem:$0x3FD2] =	sst s25  }
0xbb: {  	s7 =	sshll.u32 s26, $0x1;
	_ =	strace $0x80000052;
	[dreg:$0x1] =	wrdreg $0xFFFFFFFF  }
0xbc: {  	s28 =	simm.s32 $_size_execute0_lowered;
	s5 =	sadd.s32 s5, s7;
	[dreg:$0x0] =	wrdreg $0x0  }
0xbd: {  	s7 =	sshll.u32 s28, $0x1;
	[dreg:$0x2] =	wrdreg s5  }
0xbe: {  	[dreg:$0x3] =	wrdreg s7  }
0xbf: {  	[dreg:$0x4] =	wrdreg $0xC0  }
0xc0: {  	_ =	task [dreg:s22], $0x5FFFF  }
0xc1: {  	[dreg:$0x1] =	wrdreg $0xFFFFFFFF  }
0xc2: {  	[dreg:$0x0] =	wrdreg $0x60  }
0xc3: {  	[dreg:$0x2] =	wrdreg s24  }
0xc4: {  	[dreg:$0x3] =	wrdreg s17  }
0xc5: {  	[dreg:$0x4] =	wrdreg s18  }
0xc6: {  	[dreg:$0x5] =	wrdreg $0x9  }
0xc7: {  	_ =	task.clear_ibuf [dreg:s22], $0x6FFFF;
	_ =	strace $0x90000052  }
0xc8: {  	s29 =	simm.s32 $0x9;
	_ =	strace $0x80000054  }
0xc9: {  	_ =	swait.ge [sflag:s29], $0x1  }
0xca: {  	[sflag:s29] =	ssyncadd.s32 $0xFFFFFFFF  }
0xcb: {  	_ =	strace $0x90000054  }
0xcc: {  	_ =	sfence  }
0xcd: {  	s30 =	sld [smem:$0x0];
	_ =	sdelay $0x2  }
0xce: {  	s31 =	sshll.u32 s1, $0xD;
	s1 =	sshrl.u32 s1, $0x2  }
0xcf: {  	s4 =	sand.u32 $0x4000, s31;
	s1 =	sadd.s32 s1, s30  }
0xd0: {  	s0 =	sor.u32 s4, s0;
	s1 =	sshll.u32 s1, $0x11  }
0xd1: {  	s0 =	sor.u32 s1, s0  }
0xd2: {  	s0 =	sadd.s32 $0x8F2B, s0  }
0xd3: {  	[sflag:s0] =	ssyncadd.remote.s32 $0x1  }
0xd4: {  	_ =	sfence.sel $0xFFFF  }
0xd5: {  	[dreg:$0x0] =	wrdreg $0xFFFFFFFF;
	(pc) =	sbr.abs _section_cstart, $3  }
0xd6: {  	[dreg:$0x1] =	wrdreg $0xFFFFFFFF  }
0xd7: {  	_ =	task.clear_ibuf [dreg:s22], $0x2FFFF;
	_ =	strace $0x9FFFFFFF  }
0xd8: {  	(tm) =	ssettm $0x7FFFFFFF  }
0xd9: {  	_ =	shalt  }
tec
execute0_lowered:
.L_overlay_start_1:
0x0: {  	(tag) =	ssettag $0x1  }
0x1: {  	s7 =	rddreg [dreg:$0x0]  }
0x2: {  	s2 =	rddreg [dreg:$0x1]  }
0x3: {  	s3 =	rddreg [dreg:$0x2]  }
0x4: {  	s0 =	rddreg [dreg:$0x3];
	s1 =	srdreg.scid;
	_ =	strace $0x80000053  }
0x5: {  	s4 =	simm.s32 $0x1;
	s9 =	simm.s32 $0x3;
	s5 =	sshll.u32 s1, $0x4  }
.Ltmp0:
0x6: {  	s1 =	stileid.u32;
	s5 =	sand.u32 $0x10, s5;
	(pc) =	sbr.rel .LBB2_1-.Ltmp0, $4  }
0x7: {  	s12 =	simm.s32 $0x0;
	s10 =	simm.s32 $0x0;
	s6 =	sor.u32 s1, s5  }
0x8: {  	[sflag:s4] =	ssyncpa.u1 $0x0;
	s5 =	simm.s32 $0x2;
	s6 =	sshll.u32 s6, $0x7  }
0x9: {  	s7 =	sadd.s32 $0x1178C00, s7;
	[sflag:s5] =	ssyncpa.u1 $0x0;
	s8 =	sadd.s32 $0x80, s6  }
0xa: {  	vm0 =	vmmov $0xff;
	vm1 =	vcmask $0x3F20;
	[sflag:s9] =	ssyncpa.u1 $0x0;
	s9 =	simm.s32 $0x80;
	s11 =	smov.u32 s6  }
.LBB2_11:
0xb: {  	p0 =	seq.s32 s10, $0x2  }
.Ltmp1:
0xc: {  	_ = 	snop;
	(pc) =	sbr.rel @p0 .LBB2_13-.Ltmp1, $1  }
0xd: {  	_ =	sdelay $0x3  }
.LBB2_12:
0xe: {  	s12 =	sadd.s32 $0x80, s11  }
0xf: {  	s13 =	smov.u32 s6;
	p0 =	slt.s32 s12, s8  }
0x10: {  	s13 =	smov.u32 @p0 s12  }
0x11: {  	s10 =	sadd.s32 $0x1, s10;
	s12 =	smov.u32 s11;
	s11 =	smov.u32 s13  }
.LBB2_1:
0x12: {  	p0 =	sne.s32 s10, $0x0  }
.Ltmp2:
0x13: {  	_ = 	snop;
	(pc) =	sbr.rel @!p0 .LBB2_2-.Ltmp2, $1  }
0x14: {  	_ =	sdelay $0x3  }
0x15: {  	s13 =	sand.u32 $0x1, s10  }
0x16: {  	p0 =	seq.s32 s13, $0x0  }
.Ltmp3:
0x17: {  	_ = 	snop;
	(pc) =	sbr.rel @p0 .LBB2_11-.Ltmp3, $1  }
0x18: {  	_ =	sdelay $0x3  }
0x19: {  	_ =	swait.ge [sflag:s5], $0x80  }
0x1a: {  	[sflag:s5] =	ssyncset.done $0x0  }
0x1b: {  	s13 =	simm.s32 $0x0;
	s14 =	simm.s32 $0x100;
	[sflag:s5] =	ssyncadd.s32 $0xFFFFFF80  }
.LBB2_5:
0x1c: {  	s15 =	sshll.u32 s13, $0x4  }
0x1d: {  	s15 =	sand.u32 $0x3FFFFFF0, s15  }
0x1e: {  	v0 =	vld.msk [tilespmem:s15+$0x80 ss:$0x1], $0xffff;
	_ =	sdelay $0x4  }
0x1f: {  	vm2 =	vgt.s32 v0, $0x0  }
0x20: {  	v0 =	vnsel vm2, $0x0, v0  }
0x21: {  	v0 =	vmin.u32 v0, $0x270F  }
0x22: {  	v1 =	vshrl.u32 v0, $0x3  }
0x23: {  	v0 =	vshll.u32 v0, $0x7;
	v1 =	vmul.u32 $0xC00, v1  }
0x24: {  	v0 =	vand.u32 $0x380, v0  }
0x25: {  	v0 =	vor.u32 v0, v1  }
0x26: {  	v0 =	vshrl.u32 v0, $0x3;
	_ =	sdelay $0x2  }
0x27: {  	s16 =	sadd.s32 $0xFFFFF400, s14  }
0x28: {  	s31 =	sadd.s32 $0xCC00, s16;
	s16 =	sadd.s32 $0xD800, s16;
	s15 =	simm.s32 $0xFFFFE000  }
0x29: {  	v1 =	vadd.s32 $0x80, v0;
	[tilespmem:s31], [sflag:$0x1] =	stream.indirect_vreg.gather [hbm:s7], $0x80, v0, vm0, $0x38;
	[tilespmem:$0x18100] =	vst v63  }
.LBB2_6:
0x2a: {  	[tilespmem:s16], [sflag:$0x1] =	stream.indirect_vreg.gather [hbm:s7], $0x80, v0, vm1, $0x38;
	[tilespmem:$0x18100] =	vst v63  }
0x2b: {  	v0 =	vmov v1;
	p0 =	sne.s32 s15, $0xFFFFF000  }
.Ltmp4:
0x2c: {  	s16 =	sshra.s32 s15, $0x2;
	(pc) =	sbr.rel @p0 .LBB2_6-.Ltmp4, $4  }
0x2d: {  	s15 =	sadd.s32 $0x1000, s15;
	s16 =	sadd.s32 s16, s14  }
0x2e: {  	s17 =	sadd.s32 $0xCC00, s16  }
0x2f: {  	[tilespmem:s17], [sflag:$0x1] =	stream.indirect_vreg.gather [hbm:s7], $0x80, v1, vm0, $0x38;
	[tilespmem:$0x18100] =	vst v63  }
0x30: {  	s16 =	sadd.s32 $0xD800, s16;
	v1 =	vadd.s32 $0x80, v1  }
0x31: {  	s13 =	sadd.s32 $0x1, s13  }
0x32: {  	p0 =	sne.s32 s13, $0x8  }
.Ltmp5:
0x33: {  	_ = 	snop;
	(pc) =	sbr.rel @p0 .LBB2_5-.Ltmp5, $3  }
0x34: {  	_ =	sdelay $0x1  }
0x35: {  	[tilespmem:s16], [sflag:$0x1] =	stream.indirect_vreg.gather [hbm:s7], $0x80, v0, vm1, $0x38;
	[tilespmem:$0x18100] =	vst v63  }
0x36: {  	s14 =	sadd.s32 $0x1800, s14  }
0x37: {  	s13 =	sshrl.u32 s12, $0x3  }
0x38: {  	s13 =	smul.u32 $0x180, s13  }
0x39: {  	_ =	swait.ge [sflag:s4], $0xC000;
	s31 =	sshll.u32 s12, $0x4  }
0x3a: {  	s14 =	simm.s32 $0x180;
	s12 =	sand.u32 $0x70, s31;
	s13 =	sadd.s32 s13, s3  }
0x3b: {  	s15 =	simm.s32 $0xCD00;
	[sflag:s4] =	ssyncset.done $0x0;
	s12 =	sadd.s32 s12, s13  }
0x3c: {  	[sflag:s4] =	ssyncadd.s32 $0xFFFF4000;
	s13 =	simm.s32 $0xC100;
	s16 =	sadd.s32 $0x0, s12  }
.LBB2_9:
0x3d: {  	[hbm:s16] =	stream.linear.scatter [tilespmem:s13], [sflag:$0x3], $0xC00, $0x38;
	[tilespmem:$0x18100] =	vst v63  }
0x3e: {  	s16 =	smov.u32 s14;
	s13 =	smov.u32 s15;
	p0 =	sne.s32 s14, $0x1680  }
.Ltmp6:
0x3f: {  	s14 =	sadd.s32 $0x180, s14;
	(pc) =	sbr.rel @p0 .LBB2_9-.Ltmp6, $2  }
0x40: {  	_ =	sdelay $0x2  }
0x41: {  	s15 =	sadd.s32 $0xC00, s15;
	s16 =	sadd.s32 s16, s12  }
.Ltmp7:
0x42: {  	(pc) =	sbr.rel .LBB2_11-.Ltmp7, $2  }
0x43: {  	_ =	sdelay $0x2  }
0x44: {  	[hbm:s16] =	stream.linear.scatter [tilespmem:s13], [sflag:$0x3], $0xC00, $0x38;
	[tilespmem:$0x18100] =	vst v63  }
.LBB2_2:
.Ltmp8:
0x45: {  	(pc) =	sbr.rel .LBB2_12-.Ltmp8, $4  }
0x46: {  	_ = 	snop  }
0x47: {  	s12 =	sshrl.u32 s11, $0x3  }
0x48: {  	s13 =	sand.u32 $0x7, s11;
	s12 =	sadd.s32 s2, s12  }
0x49: {  	[tilespmem:s9], [sflag:$0x2] =	stream.linear.gather [hbm4b:s12+s13], $0x80, $0x38;
	[tilespmem:$0x18100] =	vst v63  }
.LBB2_13:
0x4a: {  	s2 =	simm.s32 $0x3  }
0x4b: {  	_ =	swait.ge [sflag:s2], $0xC000  }
0x4c: {  	[sflag:s2] =	ssyncset.done $0x0  }
0x4d: {  	[sflag:s2] =	ssyncadd.s32 $0xFFFF4000  }
0x4e: {  	_ =	sfence.sel $0x180000  }
0x4f: {  	s3 =	simm.s32 $0x2;
	[bflag:$0x0] =	sbarrier.arrive $0xFFFF  }
0x50: {  	[sflag:s3] =	ssyncpa.u1 $0x1  }
0x51: {  	s31 =	simm.s32 $0x1;
	[sflag:s2] =	ssyncpa.u1 $0x1  }
0x52: {  	[sflag:s31] =	ssyncpa.u1 $0x1  }
0x53: {  	p0 =	sne.s32 s1, $0x0;
	_ =	strace $0x90000053  }
0x54: {  	s0 =	sadd.s32 @!p0 $0x100000, s0;
	[bflag:$0x2] =	sbarrier.arrive $0xFFFF  }
0x55: {  	[sflag:s0] =	ssyncadd.tile.s32 @!p0 $0x1;
	_ =	shalt  }
.Lfunc_end2:
_tile_overlayer_lowered:
.L_overlay_start_2:
0x56: {  	(tag) =	ssettag $0x2  }
0x57: {  	s0 =	rddreg [dreg:$0x0];
	s2 =	stileid.u32  }
0x58: {  	s1 =	rddreg [dreg:$0x1];
	p0 =	sne.s32 s2, $0x0  }
0x59: {  	s3 =	rddreg [dreg:$0x2];
	[bflag:$0x3] =	sbarrier.arrive $0xFFFF;
	s2 =	simm.s32 @!p0 $0x1C01  }
0x5a: {  	[timem:s3], [sflag:s2] =	dma.local @!p0 [hbm:s0], s1  }
0x5b: {  	s0 =	simm.s32 @!p0 $0x1  }
0x5c: {  	_ =	swait.ge @!p0 [sflag:s0], s1  }
0x5d: {  	s1 =	ssub.s32 @!p0 $0x0, s1;
	[sflag:s0] =	ssyncset.done @!p0 $0x0  }
0x5e: {  	[sflag:s0] =	ssyncadd.s32 @!p0 s1  }
0x5f: {  	[bflag:$0x3] =	sbarrier.arrive $0xFFFF  }
0x60: {  	_ =	shalt  }

// kernel: scatter_offload_async_start.1
scs
__scs_entry_jumppad:
0x0: {  	(pc) =	sbr.rel $0x88, $3  }
0x1: {  	(tag) =	ssettag $0x0;
	lr =	simm.s32 $0x1  }
0x2: {  	[smem:$0x3F87] =	sst lr;
	_ =	strace $0xD0000000  }
0x3: {  	_ = 	snop  }
0x4: {  	_ = 	snop  }
0x5: {  	_ = 	snop  }
0x6: {  	_ = 	snop  }
0x7: {  	_ = 	snop  }
__scs_overlays_trampoline_lowered:
0x8: {  	[smem:$0x3F96] =	sst s0  }
0x9: {  	[smem:$0x3F97] =	sst s1  }
0xa: {  	[smem:$0x3F98] =	sst s2  }
0xb: {  	[smem:$0x3F99] =	sst s3  }
0xc: {  	[smem:$0x3F9A] =	sst s4  }
0xd: {  	[smem:$0x3F9B] =	sst s5  }
0xe: {  	[smem:$0x3F9C] =	sst s6  }
0xf: {  	[smem:$0x3F9D] =	sst s7  }
0x10: {  	[smem:$0x3F9E] =	sst s8  }
0x11: {  	[smem:$0x3F9F] =	sst s9;
	s0 =	simm.s32 @!p0 $0x0  }
0x12: {  	s1 =	sld [smem:$0x3F85];
	s0 =	simm.s32 @p0 $0x1  }
0x13: {  	[smem:$0x3FA0] =	sst s0;
	s0 =	simm.s32 @!p1 $0x0  }
0x14: {  	s2 =	sld [smem:$0x3F84];
	s0 =	simm.s32 @p1 $0x1  }
0x15: {  	[smem:$0x3FA1] =	sst s0;
	s0 =	simm.s32 @!p2 $0x0  }
0x16: {  	s3 =	sld [smem:$0x3FDB];
	s0 =	simm.s32 @p2 $0x1  }
0x17: {  	s4 =	simm.s32 $0x1BF5;
	[smem:$0x3FA3] =	sst s0  }
0x18: {  	s0 =	sld [smem:$0x3F86];
	_ =	swait.ge [sflag:s4], $0x0  }
0x19: {  	s7 =	sld [smem:$0x3F87]  }
0x1a: {  	s8 =	sadd.s32 $0xFFFFE003, lr  }
0x1b: {  	s9 =	sadd.s32 $0xFFFFFEF7, lr;
	s5 =	simm.s32 $0xFFFFFFFF;
	p2 =	slt.u32 s8, $0xFFFFF086  }
0x1c: {  	p1 =	slt.u32 s9, $0xF7A;
	s5 =	simm.s32 @!p2 $0x0  }
0x1d: {  	s5 =	simm.s32 @p1 $0x1;
	p0 =	seq.s32 s7, s2  }
0x1e: {  	s7 =	smul.u32 @!p0 $0xF7A, s2;
	p2 =	seq.s32 @!p0 s5, $0x0  }
0x1f: {  	s9 =	smul.u32 $0xF7A, s1;
	s8 =	simm.s32 @!p0 $0x1BF5;
	p2 =	por !p2, p0  }
0x20: {  	[sflag:s8] =	ssyncset.s32 @!p0 $0xFFFFF086;
	s6 =	sadd.s32 @!p0 s3, s7;
	s7 =	simm.s32 @!p0 $0x108  }
0x21: {  	s3 =	sadd.s32 s3, s9;
	s6 =	sadd.s32 @!p0 $0x88, s6;
	s7 =	simm.s32 @p2 $0x1082  }
0x22: {  	[simem:s7], [sflag:s8] =	dma.local @!p0 [hbm:s6], $0xF7A  }
0x23: {  	s9 =	sor.u32 $0xD0000000, s2;
	s6 =	simm.s32 $0x108;
	_ =	swait.ge @!p0 [sflag:s8], $0x0  }
0x24: {  	s3 =	sadd.s32 $0x88, s3;
	s6 =	simm.s32 @!p1 $0x1082;
	[sflag:s4] =	ssyncset.s32 $0xFFFFF086  }
0x25: {  	[simem:s6], [sflag:s4] =	dma.local [hbm:s3], $0xF7A  }
0x26: {  	[smem:$0x3F87] =	sst s1;
	(tag) =	ssettag s2;
	_ =	strace s9  }
0x27: {  	s1 =	sld [smem:$0x3F97]  }
0x28: {  	s2 =	sld [smem:$0x3F98]  }
0x29: {  	s4 =	sld [smem:$0x3F9A]  }
0x2a: {  	p0 =	seq.s32 s5, $0x0;
	s5 =	sld [smem:$0x3F9B]  }
0x2b: {  	s6 =	sld [smem:$0x3F9C]  }
0x2c: {  	s7 =	sld [smem:$0x3F9D]  }
0x2d: {  	s3 =	simm.s32 $0x108;
	s8 =	sld [smem:$0x3F9E]  }
0x2e: {  	s3 =	simm.s32 @!p0 $0x1082;
	s9 =	sld [smem:$0x3F9F]  }
0x2f: {  	lr =	sadd.s32 s0, s3;
	s0 =	sld [smem:$0x3F96]  }
0x30: {  	s3 =	sld [smem:$0x3F99]  }
0x31: {  	[smem:$0x3FA2] =	sst s10  }
0x32: {  	s10 =	sld [smem:$0x3FA0];
	_ =	sdelay $0x3  }
0x33: {  	p0 =	seq.s32 s10, $0x1;
	s10 =	sld [smem:$0x3FA2];
	_ =	sdelay $0x3  }
0x34: {  	[smem:$0x3FA2] =	sst s10  }
0x35: {  	s10 =	sld [smem:$0x3FA1];
	_ =	sdelay $0x3  }
0x36: {  	p1 =	seq.s32 s10, $0x1;
	s10 =	sld [smem:$0x3FA2];
	_ =	sdelay $0x3  }
0x37: {  	[smem:$0x3FA2] =	sst s10  }
0x38: {  	s10 =	sld [smem:$0x3FA3]  }
0x39: {  	_ = 	snop;
	(pc) =	sbr.ind lr, $3  }
0x3a: {  	_ = 	snop  }
0x3b: {  	_ = 	snop  }
0x3c: {  	p2 =	seq.s32 s10, $0x1;
	s10 =	sld [smem:$0x3FA2]  }
0x3d: {  	_ =	shalt  }
0x3e: {  	_ =	shalt  }
0x3f: {  	_ =	shalt  }
0x40: {  	_ =	shalt  }
0x41: {  	_ =	shalt  }
0x42: {  	_ =	shalt  }
0x43: {  	_ =	shalt  }
0x44: {  	_ =	shalt  }
0x45: {  	_ =	shalt  }
0x46: {  	_ =	shalt  }
0x47: {  	_ =	shalt  }
0x48: {  	_ =	shalt  }
0x49: {  	_ =	shalt  }
0x4a: {  	_ =	shalt  }
0x4b: {  	_ =	shalt  }
0x4c: {  	_ =	shalt  }
0x4d: {  	_ =	shalt  }
0x4e: {  	_ =	shalt  }
0x4f: {  	_ =	shalt  }
0x50: {  	_ =	shalt  }
0x51: {  	_ =	shalt  }
0x52: {  	_ =	shalt  }
0x53: {  	_ =	shalt  }
0x54: {  	_ =	shalt  }
0x55: {  	_ =	shalt  }
0x56: {  	_ =	shalt  }
0x57: {  	_ =	shalt  }
0x58: {  	_ =	shalt  }
0x59: {  	_ =	shalt  }
0x5a: {  	_ =	shalt  }
0x5b: {  	_ =	shalt  }
0x5c: {  	_ =	shalt  }
0x5d: {  	_ =	shalt  }
0x5e: {  	_ =	shalt  }
0x5f: {  	_ =	shalt  }
0x60: {  	_ =	shalt  }
0x61: {  	_ =	shalt  }
0x62: {  	_ =	shalt  }
0x63: {  	_ =	shalt  }
0x64: {  	_ =	shalt  }
0x65: {  	_ =	shalt  }
0x66: {  	_ =	shalt  }
0x67: {  	_ =	shalt  }
0x68: {  	_ =	shalt  }
0x69: {  	_ =	shalt  }
0x6a: {  	_ =	shalt  }
0x6b: {  	_ =	shalt  }
0x6c: {  	_ =	shalt  }
0x6d: {  	_ =	shalt  }
0x6e: {  	_ =	shalt  }
0x6f: {  	_ =	shalt  }
0x70: {  	_ =	shalt  }
0x71: {  	_ =	shalt  }
0x72: {  	_ =	shalt  }
0x73: {  	_ =	shalt  }
0x74: {  	_ =	shalt  }
0x75: {  	_ =	shalt  }
0x76: {  	_ =	shalt  }
0x77: {  	_ =	shalt  }
0x78: {  	_ =	shalt  }
0x79: {  	_ =	shalt  }
0x7a: {  	_ =	shalt  }
0x7b: {  	_ =	shalt  }
0x7c: {  	_ =	shalt  }
0x7d: {  	_ =	shalt  }
0x7e: {  	_ =	shalt  }
0x7f: {  	_ =	shalt  }
0x80: {  	_ =	shalt  }
0x81: {  	_ =	shalt  }
0x82: {  	_ =	shalt  }
0x83: {  	_ =	shalt  }
0x84: {  	_ =	shalt  }
0x85: {  	_ =	shalt  }
0x86: {  	_ =	shalt  }
0x87: {  	_ =	shalt  }
.Lfunc_end0:
.L_simem_size_0:
called_computation.1_lowered:
.L_overlay_start_0:
0x88: {  	s0 =	sld [smem:$0x3FD9]  }
0x89: {  	s1 =	sld [smem:$0x3FFE];
	_ =	sdelay $0x3  }
0x8a: {  	s0 =	sadd.s32 s1, s0  }
0x8b: {  	[smem:$0x3FAE] =	sst s0  }
0x8c: {  	_ = 	snop  }
0x8d: {  	s0 =	sld [smem:$0x3FD0];
	_ =	sdelay $0x2  }
0x8e: {  	s13 =	simm.s32 $0xC;
	s2 =	simm.s32 $0x10  }
0x8f: {  	[smem:s2], [sflag:s13] =	dma.local [hbm:s0], $0x1  }
0x90: {  	_ =	swait.eq [sflag:s13], $0x1  }
0x91: {  	[sflag:s13] =	ssyncset.done $0x0  }
0x92: {  	[sflag:s13] =	ssyncadd.s32 $0xFFFFFFFF  }
0x93: {  	s14 =	sld [smem:$0x11];
	(tm) =	ssettm $0x1  }
0x94: {  	s15 =	sld [smem:$0x3FFB];
	_ =	sdelay $0x3  }
0x95: {  	_ =	strace s15  }
0x96: {  	s1 =	sld [smem:$0x3FFC];
	_ =	sdelay $0x3  }
0x97: {  	_ =	strace s1  }
0x98: {  	s1 =	sld [smem:$0x3FFD];
	_ =	sdelay $0x3  }
0x99: {  	_ =	strace s1  }
0x9a: {  	_ =	strace $0x8FFFFFFF  }
0x9b: {  	s16 =	sld [smem:$0x3FDB];
	_ =	sdelay $0x1  }
0x9c: {  	s17 =	simm.s32 $_scs_section_size  }
0x9d: {  	s3 =	simm.s32 $_size__tile_overlayer_lowered;
	s4 =	simm.s32 $_tile_overlayer_lowered  }
0x9e: {  	s20 =	simm.s32 $0x1BFF;
	s19 =	sshll.u32 s4, $0x1;
	s1 =	sadd.s32 s17, s16  }
0x9f: {  	s5 =	simm.s32 $0x0;
	s18 =	sshll.u32 s3, $0x1;
	s3 =	sadd.s32 s19, s1  }
0xa0: {  	[timem:s5], [sflag:s20] =	dma.local [hbm:s3], s18  }
0xa1: {  	_ =	swait.ge [sflag:s20], s18  }
0xa2: {  	s2 =	ssub.s32 $0x0, s18;
	[sflag:s20] =	ssyncset.done $0x0  }
0xa3: {  	[sflag:s20] =	ssyncadd.s32 s2;
	_ =	sdelay $0x1  }
0xa4: {  	s21 =	simm.s32 $0x1B8B  }
0xa5: {  	_ =	swait.ge [sflag:s21], $0x1  }
0xa6: {  	[sflag:s21] =	ssyncset.done $0x0  }
0xa7: {  	s23 =	simm.s32 $0x1B8E;
	s22 =	sld [smem:$0x3FFE];
	[sflag:s21] =	ssyncadd.s32 $0xFFFFFFFF  }
0xa8: {  	s24 =	simm.s32 $execute0_lowered;
	[smem:$0x3FD2] =	sst s23  }
0xa9: {  	s3 =	sshll.u32 s24, $0x1;
	_ =	strace $0x8000004C;
	[dreg:$0x1] =	wrdreg $0xFFFFFFFF  }
0xaa: {  	s25 =	simm.s32 $_size_execute0_lowered;
	s1 =	sadd.s32 s1, s3;
	[dreg:$0x0] =	wrdreg $0x0  }
0xab: {  	s3 =	sshll.u32 s25, $0x1;
	[dreg:$0x2] =	wrdreg s1  }
0xac: {  	[dreg:$0x3] =	wrdreg s3  }
0xad: {  	[dreg:$0x4] =	wrdreg $0xC0  }
0xae: {  	_ =	task [dreg:s5], $0x5FFFF  }
0xaf: {  	[dreg:$0x1] =	wrdreg $0xFFFFFFFF  }
0xb0: {  	[dreg:$0x0] =	wrdreg $0x60  }
0xb1: {  	[dreg:$0x2] =	wrdreg s22  }
0xb2: {  	[dreg:$0x3] =	wrdreg s14  }
0xb3: {  	[dreg:$0x4] =	wrdreg $0x9  }
0xb4: {  	_ =	task.clear_ibuf [dreg:s5], $0x5FFFF;
	_ =	strace $0x9000004C  }
0xb5: {  	s26 =	simm.s32 $0x9;
	_ =	strace $0x8000004E  }
0xb6: {  	_ =	swait.ge [sflag:s26], $0x1  }
0xb7: {  	[sflag:s26] =	ssyncadd.s32 $0xFFFFFFFF  }
0xb8: {  	_ =	strace $0x9000004E  }
0xb9: {  	_ =	sfence  }
0xba: {  	s28 =	sld [smem:$0x0];
	_ =	sdelay $0x1  }
0xbb: {  	s29 =	srdreg.scid  }
0xbc: {  	s30 =	sshll.u32 s29, $0xD;
	s31 =	sshrl.u32 s29, $0x2  }
0xbd: {  	s2 =	sand.u32 $0x4000, s30;
	s1 =	sand.u32 $0x1, s29;
	s0 =	sadd.s32 s31, s28  }
0xbe: {  	s1 =	sor.u32 s2, s1;
	s0 =	sshll.u32 s0, $0x11  }
0xbf: {  	s0 =	sor.u32 s0, s1  }
0xc0: {  	s0 =	sadd.s32 $0x8F2B, s0  }
0xc1: {  	[sflag:s0] =	ssyncadd.remote.s32 $0x1  }
0xc2: {  	_ =	sfence.sel $0xFFFF  }
0xc3: {  	[dreg:$0x0] =	wrdreg $0xFFFFFFFF;
	(pc) =	sbr.abs _section_cstart, $3  }
0xc4: {  	[dreg:$0x1] =	wrdreg $0xFFFFFFFF  }
0xc5: {  	_ =	task.clear_ibuf [dreg:s5], $0x2FFFF;
	_ =	strace $0x9FFFFFFF  }
0xc6: {  	(tm) =	ssettm $0x7FFFFFFF  }
0xc7: {  	_ =	shalt  }
tec
execute0_lowered:
.L_overlay_start_1:
0x0: {  	(tag) =	ssettag $0x1  }
0x1: {  	s3 =	rddreg [dreg:$0x0]  }
0x2: {  	s10 =	rddreg [dreg:$0x1];
	_ =	strace $0x8000004D;
	s0 =	simm.s32 $0x1  }
0x3: {  	v0 =	vimm.s32 $0x0;
	[sflag:s0] =	ssyncpa.u1 $0x0  }
0x4: {  	[tilespmem:$0x268] =	vst v0  }
0x5: {  	[tilespmem:$0x278] =	vst v0  }
0x6: {  	[tilespmem:$0x288] =	vst v0  }
0x7: {  	[tilespmem:$0x298] =	vst v0  }
0x8: {  	[tilespmem:$0x2A8] =	vst v0  }
0x9: {  	[tilespmem:$0x2B8] =	vst v0  }
0xa: {  	[tilespmem:$0x2C8] =	vst v0  }
0xb: {  	[tilespmem:$0x2D8] =	vst v0  }
0xc: {  	[tilespmem:$0x2E8] =	vst v0  }
0xd: {  	[tilespmem:$0x2F8] =	vst v0  }
0xe: {  	[tilespmem:$0x308] =	vst v0  }
0xf: {  	[tilespmem:$0x318] =	vst v0  }
0x10: {  	[tilespmem:$0x328] =	vst v0  }
0x11: {  	[tilespmem:$0x338] =	vst v0  }
0x12: {  	[tilespmem:$0x348] =	vst v0  }
0x13: {  	[tilespmem:$0x358] =	vst v0  }
0x14: {  	[tilespmem:$0x368] =	vst v0  }
0x15: {  	[tilespmem:$0x378] =	vst v0  }
0x16: {  	[tilespmem:$0x388] =	vst v0  }
0x17: {  	[tilespmem:$0x398] =	vst v0  }
0x18: {  	[tilespmem:$0x3A8] =	vst v0  }
0x19: {  	[tilespmem:$0x3B8] =	vst v0  }
0x1a: {  	[tilespmem:$0x3C8] =	vst v0  }
0x1b: {  	[tilespmem:$0x3D8] =	vst v0  }
0x1c: {  	[tilespmem:$0x3E8] =	vst v0  }
0x1d: {  	[tilespmem:$0x3F8] =	vst v0  }
0x1e: {  	[tilespmem:$0x408] =	vst v0  }
0x1f: {  	[tilespmem:$0x418] =	vst v0  }
0x20: {  	[tilespmem:$0x428] =	vst v0  }
0x21: {  	[tilespmem:$0x438] =	vst v0  }
0x22: {  	[tilespmem:$0x448] =	vst v0  }
0x23: {  	[tilespmem:$0x458] =	vst v0  }
0x24: {  	[tilespmem:$0x468] =	vst v0  }
0x25: {  	[tilespmem:$0x478] =	vst v0  }
0x26: {  	[tilespmem:$0x488] =	vst v0  }
0x27: {  	[tilespmem:$0x498] =	vst v0  }
0x28: {  	[tilespmem:$0x4A8] =	vst v0  }
0x29: {  	[tilespmem:$0x4B8] =	vst v0  }
0x2a: {  	[tilespmem:$0x4C8] =	vst v0  }
0x2b: {  	[tilespmem:$0x4D8] =	vst v0  }
0x2c: {  	[tilespmem:$0x4E8] =	vst v0  }
0x2d: {  	[tilespmem:$0x4F8] =	vst v0  }
0x2e: {  	[tilespmem:$0x508] =	vst v0  }
0x2f: {  	[tilespmem:$0x518] =	vst v0  }
0x30: {  	[tilespmem:$0x528] =	vst v0  }
0x31: {  	[tilespmem:$0x538] =	vst v0  }
0x32: {  	[tilespmem:$0x548] =	vst v0  }
0x33: {  	[tilespmem:$0x558] =	vst v0  }
0x34: {  	[tilespmem:$0x568] =	vst v0  }
0x35: {  	[tilespmem:$0x578] =	vst v0  }
0x36: {  	[tilespmem:$0x588] =	vst v0  }
0x37: {  	[tilespmem:$0x598] =	vst v0  }
0x38: {  	[tilespmem:$0x5A8] =	vst v0  }
0x39: {  	[tilespmem:$0x5B8] =	vst v0  }
0x3a: {  	[tilespmem:$0x5C8] =	vst v0  }
0x3b: {  	[tilespmem:$0x5D8] =	vst v0  }
0x3c: {  	[tilespmem:$0x5E8] =	vst v0  }
0x3d: {  	[tilespmem:$0x5F8] =	vst v0  }
0x3e: {  	[tilespmem:$0x608] =	vst v0  }
0x3f: {  	[tilespmem:$0x618] =	vst v0  }
0x40: {  	[tilespmem:$0x628] =	vst v0  }
0x41: {  	[tilespmem:$0x638] =	vst v0  }
0x42: {  	[tilespmem:$0x648] =	vst v0  }
0x43: {  	[tilespmem:$0x658] =	vst v0  }
0x44: {  	[tilespmem:$0x668] =	vst v0  }
0x45: {  	[tilespmem:$0x678] =	vst v0  }
0x46: {  	[tilespmem:$0x688] =	vst v0  }
0x47: {  	[tilespmem:$0x698] =	vst v0  }
0x48: {  	[tilespmem:$0x6A8] =	vst v0  }
0x49: {  	[tilespmem:$0x6B8] =	vst v0  }
0x4a: {  	[tilespmem:$0x6C8] =	vst v0  }
0x4b: {  	[tilespmem:$0x6D8] =	vst v0  }
0x4c: {  	[tilespmem:$0x6E8] =	vst v0  }
0x4d: {  	[tilespmem:$0x6F8] =	vst v0  }
0x4e: {  	[tilespmem:$0x708] =	vst v0  }
0x4f: {  	[tilespmem:$0x718] =	vst v0  }
0x50: {  	[tilespmem:$0x728] =	vst v0  }
0x51: {  	[tilespmem:$0x738] =	vst v0  }
0x52: {  	[tilespmem:$0x748] =	vst v0  }
0x53: {  	[tilespmem:$0x758] =	vst v0  }
0x54: {  	[tilespmem:$0x768] =	vst v0  }
0x55: {  	[tilespmem:$0x778] =	vst v0  }
0x56: {  	[tilespmem:$0x788] =	vst v0  }
0x57: {  	[tilespmem:$0x798] =	vst v0  }
0x58: {  	[tilespmem:$0x7A8] =	vst v0  }
0x59: {  	[tilespmem:$0x7B8] =	vst v0  }
0x5a: {  	[tilespmem:$0x7C8] =	vst v0  }
0x5b: {  	[tilespmem:$0x7D8] =	vst v0  }
0x5c: {  	[tilespmem:$0x7E8] =	vst v0  }
0x5d: {  	[tilespmem:$0x7F8] =	vst v0  }
0x5e: {  	[tilespmem:$0x808] =	vst v0  }
0x5f: {  	[tilespmem:$0x818] =	vst v0  }
0x60: {  	[tilespmem:$0x828] =	vst v0  }
0x61: {  	[tilespmem:$0x838] =	vst v0  }
0x62: {  	[tilespmem:$0x848] =	vst v0  }
0x63: {  	[tilespmem:$0x858] =	vst v0  }
0x64: {  	[tilespmem:$0x868] =	vst v0  }
0x65: {  	[tilespmem:$0x878] =	vst v0  }
0x66: {  	[tilespmem:$0x888] =	vst v0  }
0x67: {  	[tilespmem:$0x898] =	vst v0  }
0x68: {  	[tilespmem:$0x8A8] =	vst v0  }
0x69: {  	[tilespmem:$0x8B8] =	vst v0  }
0x6a: {  	[tilespmem:$0x8C8] =	vst v0  }
0x6b: {  	[tilespmem:$0x8D8] =	vst v0  }
0x6c: {  	[tilespmem:$0x8E8] =	vst v0  }
0x6d: {  	[tilespmem:$0x8F8] =	vst v0  }
0x6e: {  	[tilespmem:$0x908] =	vst v0  }
0x6f: {  	[tilespmem:$0x918] =	vst v0  }
0x70: {  	[tilespmem:$0x928] =	vst v0  }
0x71: {  	[tilespmem:$0x938] =	vst v0  }
0x72: {  	[tilespmem:$0x948] =	vst v0  }
0x73: {  	[tilespmem:$0x958] =	vst v0  }
0x74: {  	[tilespmem:$0x968] =	vst v0  }
0x75: {  	[tilespmem:$0x978] =	vst v0  }
0x76: {  	[tilespmem:$0x988] =	vst v0  }
0x77: {  	[tilespmem:$0x998] =	vst v0  }
0x78: {  	[tilespmem:$0x9A8] =	vst v0  }
0x79: {  	[tilespmem:$0x9B8] =	vst v0  }
0x7a: {  	[tilespmem:$0x9C8] =	vst v0  }
0x7b: {  	[tilespmem:$0x9D8] =	vst v0  }
0x7c: {  	[tilespmem:$0x9E8] =	vst v0  }
0x7d: {  	[tilespmem:$0x9F8] =	vst v0  }
0x7e: {  	[tilespmem:$0xA08] =	vst v0  }
0x7f: {  	[tilespmem:$0xA18] =	vst v0  }
0x80: {  	[tilespmem:$0xA28] =	vst v0  }
0x81: {  	[tilespmem:$0xA38] =	vst v0  }
0x82: {  	[tilespmem:$0xA48] =	vst v0  }
0x83: {  	[tilespmem:$0xA58] =	vst v0  }
0x84: {  	[tilespmem:$0xA68] =	vst v0  }
0x85: {  	[tilespmem:$0xA78] =	vst v0  }
0x86: {  	[tilespmem:$0xA88] =	vst v0  }
0x87: {  	[tilespmem:$0xA98] =	vst v0  }
0x88: {  	[tilespmem:$0xAA8] =	vst v0  }
0x89: {  	[tilespmem:$0xAB8] =	vst v0  }
0x8a: {  	[tilespmem:$0xAC8] =	vst v0  }
0x8b: {  	[tilespmem:$0xAD8] =	vst v0  }
0x8c: {  	[tilespmem:$0xAE8] =	vst v0  }
0x8d: {  	[tilespmem:$0xAF8] =	vst v0  }
0x8e: {  	[tilespmem:$0xB08] =	vst v0  }
0x8f: {  	[tilespmem:$0xB18] =	vst v0  }
0x90: {  	[tilespmem:$0xB28] =	vst v0  }
0x91: {  	[tilespmem:$0xB38] =	vst v0  }
0x92: {  	[tilespmem:$0xB48] =	vst v0  }
0x93: {  	[tilespmem:$0xB58] =	vst v0  }
0x94: {  	[tilespmem:$0xB68] =	vst v0  }
0x95: {  	[tilespmem:$0xB78] =	vst v0  }
0x96: {  	[tilespmem:$0xB88] =	vst v0  }
0x97: {  	[tilespmem:$0xB98] =	vst v0  }
0x98: {  	[tilespmem:$0xBA8] =	vst v0  }
0x99: {  	[tilespmem:$0xBB8] =	vst v0  }
0x9a: {  	[tilespmem:$0xBC8] =	vst v0  }
0x9b: {  	[tilespmem:$0xBD8] =	vst v0  }
0x9c: {  	[tilespmem:$0xBE8] =	vst v0  }
0x9d: {  	[tilespmem:$0xBF8] =	vst v0  }
0x9e: {  	[tilespmem:$0xC08] =	vst v0  }
0x9f: {  	[tilespmem:$0xC18] =	vst v0  }
0xa0: {  	[tilespmem:$0xC28] =	vst v0  }
0xa1: {  	[tilespmem:$0xC38] =	vst v0  }
0xa2: {  	[tilespmem:$0xC48] =	vst v0  }
0xa3: {  	[tilespmem:$0xC58] =	vst v0  }
0xa4: {  	[tilespmem:$0xC68] =	vst v0  }
0xa5: {  	[tilespmem:$0xC78] =	vst v0  }
0xa6: {  	[tilespmem:$0xC88] =	vst v0  }
0xa7: {  	[tilespmem:$0xC98] =	vst v0  }
0xa8: {  	[tilespmem:$0xCA8] =	vst v0  }
0xa9: {  	[tilespmem:$0xCB8] =	vst v0  }
0xaa: {  	[tilespmem:$0xCC8] =	vst v0  }
0xab: {  	[tilespmem:$0xCD8] =	vst v0  }
0xac: {  	[tilespmem:$0xCE8] =	vst v0  }
0xad: {  	[tilespmem:$0xCF8] =	vst v0  }
0xae: {  	[tilespmem:$0xD08] =	vst v0  }
0xaf: {  	[tilespmem:$0xD18] =	vst v0  }
0xb0: {  	[tilespmem:$0xD28] =	vst v0  }
0xb1: {  	[tilespmem:$0xD38] =	vst v0  }
0xb2: {  	[tilespmem:$0xD48] =	vst v0  }
0xb3: {  	[tilespmem:$0xD58] =	vst v0  }
0xb4: {  	[tilespmem:$0xD68] =	vst v0  }
0xb5: {  	[tilespmem:$0xD78] =	vst v0  }
0xb6: {  	[tilespmem:$0xD88] =	vst v0  }
0xb7: {  	[tilespmem:$0xD98] =	vst v0  }
0xb8: {  	[tilespmem:$0xDA8] =	vst v0  }
0xb9: {  	[tilespmem:$0xDB8] =	vst v0  }
0xba: {  	[tilespmem:$0xDC8] =	vst v0  }
0xbb: {  	[tilespmem:$0xDD8] =	vst v0  }
0xbc: {  	[tilespmem:$0xDE8] =	vst v0  }
0xbd: {  	[tilespmem:$0xDF8] =	vst v0  }
0xbe: {  	[tilespmem:$0xE08] =	vst v0  }
0xbf: {  	[tilespmem:$0xE18] =	vst v0  }
0xc0: {  	[tilespmem:$0xE28] =	vst v0  }
0xc1: {  	[tilespmem:$0xE38] =	vst v0  }
0xc2: {  	[tilespmem:$0xE48] =	vst v0  }
0xc3: {  	[tilespmem:$0xE58] =	vst v0  }
0xc4: {  	[tilespmem:$0xE68] =	vst v0  }
0xc5: {  	[tilespmem:$0xE78] =	vst v0  }
0xc6: {  	[tilespmem:$0xE88] =	vst v0  }
0xc7: {  	[tilespmem:$0xE98] =	vst v0  }
0xc8: {  	[tilespmem:$0xEA8] =	vst v0  }
0xc9: {  	[tilespmem:$0xEB8] =	vst v0  }
0xca: {  	[tilespmem:$0xEC8] =	vst v0  }
0xcb: {  	[tilespmem:$0xED8] =	vst v0  }
0xcc: {  	[tilespmem:$0xEE8] =	vst v0  }
0xcd: {  	[tilespmem:$0xEF8] =	vst v0  }
0xce: {  	[tilespmem:$0xF08] =	vst v0  }
0xcf: {  	[tilespmem:$0xF18] =	vst v0  }
0xd0: {  	[tilespmem:$0xF28] =	vst v0  }
0xd1: {  	[tilespmem:$0xF38] =	vst v0  }
0xd2: {  	[tilespmem:$0xF48] =	vst v0  }
0xd3: {  	[tilespmem:$0xF58] =	vst v0  }
0xd4: {  	[tilespmem:$0xF68] =	vst v0  }
0xd5: {  	[tilespmem:$0xF78] =	vst v0  }
0xd6: {  	[tilespmem:$0xF88] =	vst v0  }
0xd7: {  	[tilespmem:$0xF98] =	vst v0  }
0xd8: {  	[tilespmem:$0xFA8] =	vst v0  }
0xd9: {  	[tilespmem:$0xFB8] =	vst v0  }
0xda: {  	[tilespmem:$0xFC8] =	vst v0  }
0xdb: {  	[tilespmem:$0xFD8] =	vst v0  }
0xdc: {  	[tilespmem:$0xFE8] =	vst v0  }
0xdd: {  	[tilespmem:$0xFF8] =	vst v0  }
0xde: {  	[tilespmem:$0x1008] =	vst v0  }
0xdf: {  	[tilespmem:$0x1018] =	vst v0  }
0xe0: {  	[tilespmem:$0x1028] =	vst v0  }
0xe1: {  	[tilespmem:$0x1038] =	vst v0  }
0xe2: {  	[tilespmem:$0x1048] =	vst v0  }
0xe3: {  	[tilespmem:$0x1058] =	vst v0  }
0xe4: {  	[tilespmem:$0x1068] =	vst v0  }
0xe5: {  	[tilespmem:$0x1078] =	vst v0  }
0xe6: {  	[tilespmem:$0x1088] =	vst v0  }
0xe7: {  	[tilespmem:$0x1098] =	vst v0  }
0xe8: {  	[tilespmem:$0x10A8] =	vst v0  }
0xe9: {  	[tilespmem:$0x10B8] =	vst v0  }
0xea: {  	[tilespmem:$0x10C8] =	vst v0  }
0xeb: {  	[tilespmem:$0x10D8] =	vst v0  }
0xec: {  	[tilespmem:$0x10E8] =	vst v0  }
0xed: {  	[tilespmem:$0x10F8] =	vst v0  }
0xee: {  	[tilespmem:$0x1108] =	vst v0  }
0xef: {  	[tilespmem:$0x1118] =	vst v0  }
0xf0: {  	[tilespmem:$0x1128] =	vst v0  }
0xf1: {  	[tilespmem:$0x1138] =	vst v0  }
0xf2: {  	[tilespmem:$0x1148] =	vst v0  }
0xf3: {  	[tilespmem:$0x1158] =	vst v0  }
0xf4: {  	[tilespmem:$0x1168] =	vst v0  }
0xf5: {  	[tilespmem:$0x1178] =	vst v0  }
0xf6: {  	[tilespmem:$0x1188] =	vst v0  }
0xf7: {  	[tilespmem:$0x1198] =	vst v0  }
0xf8: {  	[tilespmem:$0x11A8] =	vst v0  }
0xf9: {  	[tilespmem:$0x11B8] =	vst v0  }
0xfa: {  	[tilespmem:$0x11C8] =	vst v0  }
0xfb: {  	[tilespmem:$0x11D8] =	vst v0  }
0xfc: {  	[tilespmem:$0x11E8] =	vst v0  }
0xfd: {  	[tilespmem:$0x11F8] =	vst v0  }
0xfe: {  	[tilespmem:$0x1208] =	vst v0  }
0xff: {  	[tilespmem:$0x1218] =	vst v0  }
0x100: {  	[tilespmem:$0x1228] =	vst v0  }
0x101: {  	[tilespmem:$0x1238] =	vst v0  }
0x102: {  	[tilespmem:$0x1248] =	vst v0  }
0x103: {  	[tilespmem:$0x1258] =	vst v0  }
0x104: {  	[tilespmem:$0x1268] =	vst v0  }
0x105: {  	[tilespmem:$0x1278] =	vst v0  }
0x106: {  	[tilespmem:$0x1288] =	vst v0  }
0x107: {  	[tilespmem:$0x1298] =	vst v0  }
0x108: {  	[tilespmem:$0x12A8] =	vst v0  }
0x109: {  	[tilespmem:$0x12B8] =	vst v0  }
0x10a: {  	[tilespmem:$0x12C8] =	vst v0  }
0x10b: {  	[tilespmem:$0x12D8] =	vst v0  }
0x10c: {  	[tilespmem:$0x12E8] =	vst v0  }
0x10d: {  	[tilespmem:$0x12F8] =	vst v0  }
0x10e: {  	[tilespmem:$0x1308] =	vst v0  }
0x10f: {  	[tilespmem:$0x1318] =	vst v0  }
0x110: {  	[tilespmem:$0x1328] =	vst v0  }
0x111: {  	[tilespmem:$0x1338] =	vst v0  }
0x112: {  	[tilespmem:$0x1348] =	vst v0  }
0x113: {  	[tilespmem:$0x1358] =	vst v0  }
0x114: {  	[tilespmem:$0x1368] =	vst v0  }
0x115: {  	[tilespmem:$0x1378] =	vst v0  }
0x116: {  	[tilespmem:$0x1388] =	vst v0  }
0x117: {  	[tilespmem:$0x1398] =	vst v0  }
0x118: {  	[tilespmem:$0x13A8] =	vst v0  }
0x119: {  	[tilespmem:$0x13B8] =	vst v0  }
0x11a: {  	[tilespmem:$0x13C8] =	vst v0  }
0x11b: {  	[tilespmem:$0x13D8] =	vst v0  }
0x11c: {  	[tilespmem:$0x13E8] =	vst v0  }
0x11d: {  	[tilespmem:$0x13F8] =	vst v0  }
0x11e: {  	[tilespmem:$0x1408] =	vst v0  }
0x11f: {  	[tilespmem:$0x1418] =	vst v0  }
0x120: {  	[tilespmem:$0x1428] =	vst v0  }
0x121: {  	[tilespmem:$0x1438] =	vst v0  }
0x122: {  	[tilespmem:$0x1448] =	vst v0  }
0x123: {  	[tilespmem:$0x1458] =	vst v0  }
0x124: {  	[tilespmem:$0x1468] =	vst v0  }
0x125: {  	[tilespmem:$0x1478] =	vst v0  }
0x126: {  	[tilespmem:$0x1488] =	vst v0  }
0x127: {  	[tilespmem:$0x1498] =	vst v0  }
0x128: {  	[tilespmem:$0x14A8] =	vst v0  }
0x129: {  	[tilespmem:$0x14B8] =	vst v0  }
0x12a: {  	[tilespmem:$0x14C8] =	vst v0  }
0x12b: {  	[tilespmem:$0x14D8] =	vst v0  }
0x12c: {  	[tilespmem:$0x14E8] =	vst v0  }
0x12d: {  	[tilespmem:$0x14F8] =	vst v0  }
0x12e: {  	[tilespmem:$0x1508] =	vst v0  }
0x12f: {  	[tilespmem:$0x1518] =	vst v0  }
0x130: {  	[tilespmem:$0x2448] =	vst v0  }
0x131: {  	[tilespmem:$0x2458] =	vst v0  }
0x132: {  	[tilespmem:$0x1528] =	vst v0  }
0x133: {  	[tilespmem:$0x1538] =	vst v0  }
0x134: {  	[tilespmem:$0x1548] =	vst v0  }
0x135: {  	[tilespmem:$0x1558] =	vst v0  }
0x136: {  	[tilespmem:$0x1568] =	vst v0  }
0x137: {  	[tilespmem:$0x1578] =	vst v0  }
0x138: {  	[tilespmem:$0x1588] =	vst v0  }
0x139: {  	[tilespmem:$0x1598] =	vst v0  }
0x13a: {  	[tilespmem:$0x15A8] =	vst v0  }
0x13b: {  	[tilespmem:$0x15B8] =	vst v0  }
0x13c: {  	[tilespmem:$0x15C8] =	vst v0  }
0x13d: {  	[tilespmem:$0x15D8] =	vst v0  }
0x13e: {  	[tilespmem:$0x15E8] =	vst v0  }
0x13f: {  	[tilespmem:$0x15F8] =	vst v0  }
0x140: {  	[tilespmem:$0x1608] =	vst v0  }
0x141: {  	[tilespmem:$0x1618] =	vst v0  }
0x142: {  	[tilespmem:$0x1628] =	vst v0  }
0x143: {  	[tilespmem:$0x1638] =	vst v0  }
0x144: {  	[tilespmem:$0x1648] =	vst v0  }
0x145: {  	[tilespmem:$0x1658] =	vst v0  }
0x146: {  	[tilespmem:$0x1668] =	vst v0  }
0x147: {  	[tilespmem:$0x1678] =	vst v0  }
0x148: {  	[tilespmem:$0x1688] =	vst v0  }
0x149: {  	[tilespmem:$0x1698] =	vst v0  }
0x14a: {  	[tilespmem:$0x16A8] =	vst v0  }
0x14b: {  	[tilespmem:$0x16B8] =	vst v0  }
0x14c: {  	[tilespmem:$0x16C8] =	vst v0  }
0x14d: {  	[tilespmem:$0x16D8] =	vst v0  }
0x14e: {  	[tilespmem:$0x16E8] =	vst v0  }
0x14f: {  	[tilespmem:$0x16F8] =	vst v0  }
0x150: {  	[tilespmem:$0x1708] =	vst v0  }
0x151: {  	[tilespmem:$0x1718] =	vst v0  }
0x152: {  	[tilespmem:$0x1728] =	vst v0  }
0x153: {  	[tilespmem:$0x1738] =	vst v0  }
0x154: {  	[tilespmem:$0x1748] =	vst v0  }
0x155: {  	[tilespmem:$0x1758] =	vst v0  }
0x156: {  	[tilespmem:$0x1768] =	vst v0  }
0x157: {  	[tilespmem:$0x1778] =	vst v0  }
0x158: {  	[tilespmem:$0x1788] =	vst v0  }
0x159: {  	[tilespmem:$0x1798] =	vst v0  }
0x15a: {  	[tilespmem:$0x17A8] =	vst v0  }
0x15b: {  	[tilespmem:$0x17B8] =	vst v0  }
0x15c: {  	[tilespmem:$0x17C8] =	vst v0  }
0x15d: {  	[tilespmem:$0x17D8] =	vst v0  }
0x15e: {  	[tilespmem:$0x17E8] =	vst v0  }
0x15f: {  	[tilespmem:$0x17F8] =	vst v0  }
0x160: {  	[tilespmem:$0x1808] =	vst v0  }
0x161: {  	[tilespmem:$0x1818] =	vst v0  }
0x162: {  	[tilespmem:$0x1828] =	vst v0  }
0x163: {  	[tilespmem:$0x1838] =	vst v0  }
0x164: {  	[tilespmem:$0x1848] =	vst v0  }
0x165: {  	[tilespmem:$0x1858] =	vst v0  }
0x166: {  	[tilespmem:$0x1868] =	vst v0  }
0x167: {  	[tilespmem:$0x1878] =	vst v0  }
0x168: {  	[tilespmem:$0x1888] =	vst v0  }
0x169: {  	[tilespmem:$0x1898] =	vst v0  }
0x16a: {  	[tilespmem:$0x18A8] =	vst v0  }
0x16b: {  	[tilespmem:$0x18B8] =	vst v0  }
0x16c: {  	[tilespmem:$0x18C8] =	vst v0  }
0x16d: {  	[tilespmem:$0x18D8] =	vst v0  }
0x16e: {  	[tilespmem:$0x18E8] =	vst v0  }
0x16f: {  	[tilespmem:$0x18F8] =	vst v0  }
0x170: {  	[tilespmem:$0x1908] =	vst v0  }
0x171: {  	[tilespmem:$0x1918] =	vst v0  }
0x172: {  	[tilespmem:$0x1928] =	vst v0  }
0x173: {  	[tilespmem:$0x1938] =	vst v0  }
0x174: {  	[tilespmem:$0x1948] =	vst v0  }
0x175: {  	[tilespmem:$0x1958] =	vst v0  }
0x176: {  	[tilespmem:$0x1968] =	vst v0  }
0x177: {  	[tilespmem:$0x1978] =	vst v0  }
0x178: {  	[tilespmem:$0x1988] =	vst v0  }
0x179: {  	[tilespmem:$0x1998] =	vst v0  }
0x17a: {  	[tilespmem:$0x19A8] =	vst v0  }
0x17b: {  	[tilespmem:$0x19B8] =	vst v0  }
0x17c: {  	[tilespmem:$0x19C8] =	vst v0  }
0x17d: {  	[tilespmem:$0x19D8] =	vst v0  }
0x17e: {  	[tilespmem:$0x19E8] =	vst v0  }
0x17f: {  	[tilespmem:$0x19F8] =	vst v0  }
0x180: {  	[tilespmem:$0x1A08] =	vst v0  }
0x181: {  	[tilespmem:$0x1A18] =	vst v0  }
0x182: {  	[tilespmem:$0x1A28] =	vst v0  }
0x183: {  	[tilespmem:$0x1A38] =	vst v0  }
0x184: {  	[tilespmem:$0x1A48] =	vst v0  }
0x185: {  	[tilespmem:$0x1A58] =	vst v0  }
0x186: {  	[tilespmem:$0x1A68] =	vst v0  }
0x187: {  	[tilespmem:$0x1A78] =	vst v0  }
0x188: {  	[tilespmem:$0x1A88] =	vst v0  }
0x189: {  	[tilespmem:$0x1A98] =	vst v0  }
0x18a: {  	[tilespmem:$0x1AA8] =	vst v0  }
0x18b: {  	[tilespmem:$0x1AB8] =	vst v0  }
0x18c: {  	[tilespmem:$0x1AC8] =	vst v0  }
0x18d: {  	[tilespmem:$0x1AD8] =	vst v0  }
0x18e: {  	[tilespmem:$0x1AE8] =	vst v0  }
0x18f: {  	[tilespmem:$0x1AF8] =	vst v0  }
0x190: {  	[tilespmem:$0x1B08] =	vst v0  }
0x191: {  	[tilespmem:$0x1B18] =	vst v0  }
0x192: {  	[tilespmem:$0x1B28] =	vst v0  }
0x193: {  	[tilespmem:$0x1B38] =	vst v0  }
0x194: {  	[tilespmem:$0x1B48] =	vst v0  }
0x195: {  	[tilespmem:$0x1B58] =	vst v0  }
0x196: {  	[tilespmem:$0x1B68] =	vst v0  }
0x197: {  	[tilespmem:$0x1B78] =	vst v0  }
0x198: {  	[tilespmem:$0x1B88] =	vst v0  }
0x199: {  	[tilespmem:$0x1B98] =	vst v0  }
0x19a: {  	[tilespmem:$0x1BA8] =	vst v0  }
0x19b: {  	[tilespmem:$0x1BB8] =	vst v0  }
0x19c: {  	[tilespmem:$0x1BC8] =	vst v0  }
0x19d: {  	[tilespmem:$0x1BD8] =	vst v0  }
0x19e: {  	[tilespmem:$0x1BE8] =	vst v0  }
0x19f: {  	[tilespmem:$0x1BF8] =	vst v0  }
0x1a0: {  	[tilespmem:$0x1C08] =	vst v0  }
0x1a1: {  	[tilespmem:$0x1C18] =	vst v0  }
0x1a2: {  	[tilespmem:$0x1C28] =	vst v0  }
0x1a3: {  	[tilespmem:$0x1C38] =	vst v0  }
0x1a4: {  	[tilespmem:$0x1C48] =	vst v0  }
0x1a5: {  	[tilespmem:$0x1C58] =	vst v0  }
0x1a6: {  	[tilespmem:$0x1C68] =	vst v0  }
0x1a7: {  	[tilespmem:$0x1C78] =	vst v0  }
0x1a8: {  	[tilespmem:$0x1C88] =	vst v0  }
0x1a9: {  	[tilespmem:$0x1C98] =	vst v0  }
0x1aa: {  	[tilespmem:$0x1CA8] =	vst v0  }
0x1ab: {  	[tilespmem:$0x1CB8] =	vst v0  }
0x1ac: {  	[tilespmem:$0x1CC8] =	vst v0  }
0x1ad: {  	[tilespmem:$0x1CD8] =	vst v0  }
0x1ae: {  	[tilespmem:$0x1CE8] =	vst v0  }
0x1af: {  	[tilespmem:$0x1CF8] =	vst v0  }
0x1b0: {  	[tilespmem:$0x1D08] =	vst v0  }
0x1b1: {  	[tilespmem:$0x1D18] =	vst v0  }
0x1b2: {  	[tilespmem:$0x1D28] =	vst v0  }
0x1b3: {  	[tilespmem:$0x1D38] =	vst v0  }
0x1b4: {  	[tilespmem:$0x1D48] =	vst v0  }
0x1b5: {  	[tilespmem:$0x1D58] =	vst v0  }
0x1b6: {  	[tilespmem:$0x1D68] =	vst v0  }
0x1b7: {  	[tilespmem:$0x1D78] =	vst v0  }
0x1b8: {  	[tilespmem:$0x1D88] =	vst v0  }
0x1b9: {  	[tilespmem:$0x1D98] =	vst v0  }
0x1ba: {  	[tilespmem:$0x1DA8] =	vst v0  }
0x1bb: {  	[tilespmem:$0x1DB8] =	vst v0  }
0x1bc: {  	[tilespmem:$0x1DC8] =	vst v0  }
0x1bd: {  	[tilespmem:$0x1DD8] =	vst v0  }
0x1be: {  	[tilespmem:$0x1DE8] =	vst v0  }
0x1bf: {  	[tilespmem:$0x1DF8] =	vst v0  }
0x1c0: {  	[tilespmem:$0x1E08] =	vst v0  }
0x1c1: {  	[tilespmem:$0x1E18] =	vst v0  }
0x1c2: {  	[tilespmem:$0x1E28] =	vst v0  }
0x1c3: {  	[tilespmem:$0x1E38] =	vst v0  }
0x1c4: {  	[tilespmem:$0x1E48] =	vst v0  }
0x1c5: {  	[tilespmem:$0x1E58] =	vst v0  }
0x1c6: {  	[tilespmem:$0x1E68] =	vst v0  }
0x1c7: {  	[tilespmem:$0x1E78] =	vst v0  }
0x1c8: {  	[tilespmem:$0x1E88] =	vst v0  }
0x1c9: {  	[tilespmem:$0x1E98] =	vst v0  }
0x1ca: {  	[tilespmem:$0x1EA8] =	vst v0  }
0x1cb: {  	[tilespmem:$0x1EB8] =	vst v0  }
0x1cc: {  	[tilespmem:$0x1EC8] =	vst v0  }
0x1cd: {  	[tilespmem:$0x1ED8] =	vst v0  }
0x1ce: {  	[tilespmem:$0x1EE8] =	vst v0  }
0x1cf: {  	[tilespmem:$0x1EF8] =	vst v0  }
0x1d0: {  	[tilespmem:$0x1F08] =	vst v0  }
0x1d1: {  	[tilespmem:$0x1F18] =	vst v0  }
0x1d2: {  	[tilespmem:$0x1F28] =	vst v0  }
0x1d3: {  	[tilespmem:$0x1F38] =	vst v0  }
0x1d4: {  	[tilespmem:$0x1F48] =	vst v0  }
0x1d5: {  	[tilespmem:$0x1F58] =	vst v0  }
0x1d6: {  	[tilespmem:$0x1F68] =	vst v0  }
0x1d7: {  	[tilespmem:$0x1F78] =	vst v0  }
0x1d8: {  	[tilespmem:$0x1F88] =	vst v0  }
0x1d9: {  	[tilespmem:$0x1F98] =	vst v0  }
0x1da: {  	[tilespmem:$0x1FA8] =	vst v0  }
0x1db: {  	[tilespmem:$0x1FB8] =	vst v0  }
0x1dc: {  	[tilespmem:$0x1FC8] =	vst v0  }
0x1dd: {  	[tilespmem:$0x1FD8] =	vst v0  }
0x1de: {  	[tilespmem:$0x1FE8] =	vst v0  }
0x1df: {  	[tilespmem:$0x1FF8] =	vst v0  }
0x1e0: {  	[tilespmem:$0x2008] =	vst v0  }
0x1e1: {  	[tilespmem:$0x2018] =	vst v0  }
0x1e2: {  	[tilespmem:$0x2028] =	vst v0  }
0x1e3: {  	[tilespmem:$0x2038] =	vst v0  }
0x1e4: {  	[tilespmem:$0x2048] =	vst v0  }
0x1e5: {  	[tilespmem:$0x2058] =	vst v0  }
0x1e6: {  	[tilespmem:$0x2068] =	vst v0  }
0x1e7: {  	[tilespmem:$0x2078] =	vst v0  }
0x1e8: {  	[tilespmem:$0x2088] =	vst v0  }
0x1e9: {  	[tilespmem:$0x2098] =	vst v0  }
0x1ea: {  	[tilespmem:$0x20A8] =	vst v0  }
0x1eb: {  	[tilespmem:$0x20B8] =	vst v0  }
0x1ec: {  	[tilespmem:$0x20C8] =	vst v0  }
0x1ed: {  	[tilespmem:$0x20D8] =	vst v0  }
0x1ee: {  	[tilespmem:$0x20E8] =	vst v0  }
0x1ef: {  	[tilespmem:$0x20F8] =	vst v0  }
0x1f0: {  	[tilespmem:$0x2108] =	vst v0  }
0x1f1: {  	[tilespmem:$0x2118] =	vst v0  }
0x1f2: {  	[tilespmem:$0x2128] =	vst v0  }
0x1f3: {  	[tilespmem:$0x2138] =	vst v0  }
0x1f4: {  	[tilespmem:$0x2148] =	vst v0  }
0x1f5: {  	[tilespmem:$0x2158] =	vst v0  }
0x1f6: {  	[tilespmem:$0x2168] =	vst v0  }
0x1f7: {  	[tilespmem:$0x2178] =	vst v0  }
0x1f8: {  	[tilespmem:$0x2188] =	vst v0  }
0x1f9: {  	[tilespmem:$0x2198] =	vst v0  }
0x1fa: {  	[tilespmem:$0x21A8] =	vst v0  }
0x1fb: {  	[tilespmem:$0x21B8] =	vst v0  }
0x1fc: {  	[tilespmem:$0x21C8] =	vst v0  }
0x1fd: {  	[tilespmem:$0x21D8] =	vst v0  }
0x1fe: {  	[tilespmem:$0x21E8] =	vst v0  }
0x1ff: {  	[tilespmem:$0x21F8] =	vst v0  }
0x200: {  	[tilespmem:$0x2208] =	vst v0  }
0x201: {  	[tilespmem:$0x2218] =	vst v0  }
0x202: {  	[tilespmem:$0x2228] =	vst v0  }
0x203: {  	[tilespmem:$0x2238] =	vst v0  }
0x204: {  	[tilespmem:$0x2248] =	vst v0  }
0x205: {  	[tilespmem:$0x2258] =	vst v0  }
0x206: {  	[tilespmem:$0x2268] =	vst v0  }
0x207: {  	[tilespmem:$0x2278] =	vst v0  }
0x208: {  	[tilespmem:$0x2288] =	vst v0  }
0x209: {  	[tilespmem:$0x2298] =	vst v0  }
0x20a: {  	[tilespmem:$0x22A8] =	vst v0  }
0x20b: {  	[tilespmem:$0x22B8] =	vst v0  }
0x20c: {  	[tilespmem:$0x22C8] =	vst v0  }
0x20d: {  	[tilespmem:$0x22D8] =	vst v0  }
0x20e: {  	[tilespmem:$0x22E8] =	vst v0  }
0x20f: {  	[tilespmem:$0x22F8] =	vst v0  }
0x210: {  	[tilespmem:$0x2308] =	vst v0  }
0x211: {  	[tilespmem:$0x2318] =	vst v0  }
0x212: {  	[tilespmem:$0x2328] =	vst v0  }
0x213: {  	[tilespmem:$0x2338] =	vst v0  }
0x214: {  	[tilespmem:$0x2348] =	vst v0  }
0x215: {  	[tilespmem:$0x2358] =	vst v0  }
0x216: {  	[tilespmem:$0x2368] =	vst v0  }
0x217: {  	[tilespmem:$0x2378] =	vst v0  }
0x218: {  	[tilespmem:$0x2388] =	vst v0  }
0x219: {  	[tilespmem:$0x2398] =	vst v0  }
0x21a: {  	[tilespmem:$0x23A8] =	vst v0  }
0x21b: {  	[tilespmem:$0x23B8] =	vst v0  }
0x21c: {  	[tilespmem:$0x23C8] =	vst v0  }
0x21d: {  	[tilespmem:$0x23D8] =	vst v0  }
0x21e: {  	[tilespmem:$0x23E8] =	vst v0  }
0x21f: {  	[tilespmem:$0x23F8] =	vst v0  }
0x220: {  	[tilespmem:$0x2408] =	vst v0  }
0x221: {  	[tilespmem:$0x2418] =	vst v0  }
0x222: {  	[tilespmem:$0x2428] =	vst v0  }
0x223: {  	[tilespmem:$0x2438] =	vst v0  }
0x224: {  	[tilespmem:$0x2468] =	vst v0  }
0x225: {  	[tilespmem:$0x2478] =	vst v0  }
0x226: {  	[tilespmem:$0x2488] =	vst v0  }
0x227: {  	[tilespmem:$0x2498] =	vst v0  }
0x228: {  	[tilespmem:$0x24A8] =	vst v0  }
0x229: {  	[tilespmem:$0x24B8] =	vst v0  }
0x22a: {  	[tilespmem:$0x24C8] =	vst v0  }
0x22b: {  	[tilespmem:$0x24D8] =	vst v0  }
0x22c: {  	[tilespmem:$0x24E8] =	vst v0  }
0x22d: {  	[tilespmem:$0x24F8] =	vst v0  }
0x22e: {  	[tilespmem:$0x2508] =	vst v0  }
0x22f: {  	[tilespmem:$0x2518] =	vst v0  }
0x230: {  	[tilespmem:$0x2528] =	vst v0  }
0x231: {  	[tilespmem:$0x2538] =	vst v0  }
0x232: {  	[tilespmem:$0x2548] =	vst v0  }
0x233: {  	[tilespmem:$0x2558] =	vst v0  }
0x234: {  	[tilespmem:$0x2568] =	vst v0  }
0x235: {  	[tilespmem:$0x2578] =	vst v0  }
0x236: {  	[tilespmem:$0x2588] =	vst v0  }
0x237: {  	[tilespmem:$0x2598] =	vst v0  }
0x238: {  	[tilespmem:$0x25A8] =	vst v0  }
0x239: {  	[tilespmem:$0x25B8] =	vst v0  }
0x23a: {  	[tilespmem:$0x25C8] =	vst v0  }
0x23b: {  	[tilespmem:$0x25D8] =	vst v0  }
0x23c: {  	[tilespmem:$0x25E8] =	vst v0  }
0x23d: {  	[tilespmem:$0x25F8] =	vst v0  }
0x23e: {  	[tilespmem:$0x2608] =	vst v0  }
0x23f: {  	[tilespmem:$0x2618] =	vst v0  }
0x240: {  	[tilespmem:$0x2628] =	vst v0  }
0x241: {  	[tilespmem:$0x2638] =	vst v0  }
0x242: {  	[tilespmem:$0x2648] =	vst v0  }
0x243: {  	[tilespmem:$0x2658] =	vst v0  }
0x244: {  	[tilespmem:$0x2668] =	vst v0  }
0x245: {  	[tilespmem:$0x2678] =	vst v0  }
0x246: {  	[tilespmem:$0x2688] =	vst v0  }
0x247: {  	[tilespmem:$0x2698] =	vst v0  }
0x248: {  	[tilespmem:$0x26A8] =	vst v0  }
0x249: {  	[tilespmem:$0x26B8] =	vst v0  }
0x24a: {  	[tilespmem:$0x26C8] =	vst v0  }
0x24b: {  	[tilespmem:$0x26D8] =	vst v0  }
0x24c: {  	[tilespmem:$0x26E8] =	vst v0  }
0x24d: {  	[tilespmem:$0x26F8] =	vst v0  }
0x24e: {  	[tilespmem:$0x2708] =	vst v0  }
0x24f: {  	[tilespmem:$0x2718] =	vst v0  }
0x250: {  	[tilespmem:$0x2728] =	vst v0  }
0x251: {  	[tilespmem:$0x2738] =	vst v0  }
0x252: {  	[tilespmem:$0x2748] =	vst v0  }
0x253: {  	[tilespmem:$0x2758] =	vst v0  }
0x254: {  	[tilespmem:$0x2768] =	vst v0  }
0x255: {  	[tilespmem:$0x2778] =	vst v0  }
0x256: {  	[tilespmem:$0x2788] =	vst v0  }
0x257: {  	[tilespmem:$0x2798] =	vst v0  }
0x258: {  	[tilespmem:$0x27A8] =	vst v0  }
0x259: {  	[tilespmem:$0x27B8] =	vst v0  }
0x25a: {  	[tilespmem:$0x27C8] =	vst v0  }
0x25b: {  	[tilespmem:$0x27D8] =	vst v0  }
0x25c: {  	[tilespmem:$0x27E8] =	vst v0  }
0x25d: {  	[tilespmem:$0x27F8] =	vst v0  }
0x25e: {  	[tilespmem:$0x2808] =	vst v0  }
0x25f: {  	[tilespmem:$0x2818] =	vst v0  }
0x260: {  	[tilespmem:$0x2828] =	vst v0  }
0x261: {  	[tilespmem:$0x2838] =	vst v0  }
0x262: {  	[tilespmem:$0x2848] =	vst v0  }
0x263: {  	[tilespmem:$0x2858] =	vst v0  }
0x264: {  	[tilespmem:$0x2868] =	vst v0  }
0x265: {  	[tilespmem:$0x2878] =	vst v0  }
0x266: {  	[tilespmem:$0x2888] =	vst v0  }
0x267: {  	[tilespmem:$0x2898] =	vst v0  }
0x268: {  	[tilespmem:$0x28A8] =	vst v0  }
0x269: {  	[tilespmem:$0x28B8] =	vst v0  }
0x26a: {  	[tilespmem:$0x28C8] =	vst v0  }
0x26b: {  	[tilespmem:$0x28D8] =	vst v0  }
0x26c: {  	[tilespmem:$0x28E8] =	vst v0  }
0x26d: {  	[tilespmem:$0x28F8] =	vst v0  }
0x26e: {  	[tilespmem:$0x2908] =	vst v0  }
0x26f: {  	[tilespmem:$0x2918] =	vst v0  }
0x270: {  	[tilespmem:$0x2928] =	vst v0  }
0x271: {  	[tilespmem:$0x2938] =	vst v0  }
0x272: {  	[tilespmem:$0x2948] =	vst v0  }
0x273: {  	[tilespmem:$0x2958] =	vst v0  }
0x274: {  	[tilespmem:$0x2968] =	vst v0  }
0x275: {  	[tilespmem:$0x2978] =	vst v0  }
0x276: {  	[tilespmem:$0x2988] =	vst v0  }
0x277: {  	[tilespmem:$0x2998] =	vst v0  }
0x278: {  	[tilespmem:$0x29A8] =	vst v0  }
0x279: {  	[tilespmem:$0x29B8] =	vst v0  }
0x27a: {  	[tilespmem:$0x29C8] =	vst v0  }
0x27b: {  	[tilespmem:$0x29D8] =	vst v0  }
0x27c: {  	[tilespmem:$0x29E8] =	vst v0  }
0x27d: {  	[tilespmem:$0x29F8] =	vst v0  }
0x27e: {  	[tilespmem:$0x2A08] =	vst v0  }
0x27f: {  	[tilespmem:$0x2A18] =	vst v0  }
0x280: {  	[tilespmem:$0x2A28] =	vst v0  }
0x281: {  	[tilespmem:$0x2A38] =	vst v0  }
0x282: {  	[tilespmem:$0x2A48] =	vst v0  }
0x283: {  	[tilespmem:$0x2A58] =	vst v0  }
0x284: {  	[tilespmem:$0x2A68] =	vst v0  }
0x285: {  	[tilespmem:$0x2A78] =	vst v0  }
0x286: {  	[tilespmem:$0x2A88] =	vst v0  }
0x287: {  	[tilespmem:$0x2A98] =	vst v0  }
0x288: {  	[tilespmem:$0x2AA8] =	vst v0  }
0x289: {  	[tilespmem:$0x2AB8] =	vst v0  }
0x28a: {  	[tilespmem:$0x2AC8] =	vst v0  }
0x28b: {  	[tilespmem:$0x2AD8] =	vst v0  }
0x28c: {  	[tilespmem:$0x2AE8] =	vst v0  }
0x28d: {  	[tilespmem:$0x2AF8] =	vst v0  }
0x28e: {  	[tilespmem:$0x2B08] =	vst v0  }
0x28f: {  	[tilespmem:$0x2B18] =	vst v0  }
0x290: {  	[tilespmem:$0x2B28] =	vst v0  }
0x291: {  	[tilespmem:$0x2B38] =	vst v0  }
0x292: {  	[tilespmem:$0x2B48] =	vst v0  }
0x293: {  	[tilespmem:$0x2B58] =	vst v0  }
0x294: {  	[tilespmem:$0x2B68] =	vst v0  }
0x295: {  	[tilespmem:$0x2B78] =	vst v0  }
0x296: {  	[tilespmem:$0x2B88] =	vst v0  }
0x297: {  	[tilespmem:$0x2B98] =	vst v0  }
0x298: {  	[tilespmem:$0x2BA8] =	vst v0  }
0x299: {  	[tilespmem:$0x2BB8] =	vst v0  }
0x29a: {  	[tilespmem:$0x2BC8] =	vst v0  }
0x29b: {  	[tilespmem:$0x2BD8] =	vst v0  }
0x29c: {  	[tilespmem:$0x2BE8] =	vst v0  }
0x29d: {  	[tilespmem:$0x2BF8] =	vst v0  }
0x29e: {  	[tilespmem:$0x2C08] =	vst v0  }
0x29f: {  	[tilespmem:$0x2C18] =	vst v0  }
0x2a0: {  	[tilespmem:$0x2C28] =	vst v0  }
0x2a1: {  	[tilespmem:$0x2C38] =	vst v0  }
0x2a2: {  	[tilespmem:$0x2C48] =	vst v0  }
0x2a3: {  	[tilespmem:$0x2C58] =	vst v0  }
0x2a4: {  	[tilespmem:$0x2C68] =	vst v0  }
0x2a5: {  	[tilespmem:$0x2C78] =	vst v0  }
0x2a6: {  	[tilespmem:$0x2C88] =	vst v0  }
0x2a7: {  	[tilespmem:$0x2C98] =	vst v0  }
0x2a8: {  	[tilespmem:$0x2CA8] =	vst v0  }
0x2a9: {  	[tilespmem:$0x2CB8] =	vst v0  }
0x2aa: {  	[tilespmem:$0x2CC8] =	vst v0  }
0x2ab: {  	[tilespmem:$0x2CD8] =	vst v0  }
0x2ac: {  	[tilespmem:$0x2CE8] =	vst v0  }
0x2ad: {  	[tilespmem:$0x2CF8] =	vst v0  }
0x2ae: {  	[tilespmem:$0x2D08] =	vst v0  }
0x2af: {  	[tilespmem:$0x2D18] =	vst v0  }
0x2b0: {  	[tilespmem:$0x2D28] =	vst v0  }
0x2b1: {  	[tilespmem:$0x2D38] =	vst v0  }
0x2b2: {  	[tilespmem:$0x2D48] =	vst v0  }
0x2b3: {  	[tilespmem:$0x2D58] =	vst v0  }
0x2b4: {  	[tilespmem:$0x2D68] =	vst v0  }
0x2b5: {  	[tilespmem:$0x2D78] =	vst v0  }
0x2b6: {  	[tilespmem:$0x2D88] =	vst v0  }
0x2b7: {  	[tilespmem:$0x2D98] =	vst v0  }
0x2b8: {  	[tilespmem:$0x2DA8] =	vst v0  }
0x2b9: {  	[tilespmem:$0x2DB8] =	vst v0  }
0x2ba: {  	[tilespmem:$0x2DC8] =	vst v0  }
0x2bb: {  	[tilespmem:$0x2DD8] =	vst v0  }
0x2bc: {  	[tilespmem:$0x2DE8] =	vst v0  }
0x2bd: {  	[tilespmem:$0x2DF8] =	vst v0  }
0x2be: {  	[tilespmem:$0x2E08] =	vst v0  }
0x2bf: {  	[tilespmem:$0x2E18] =	vst v0  }
0x2c0: {  	[tilespmem:$0x2E28] =	vst v0  }
0x2c1: {  	[tilespmem:$0x2E38] =	vst v0  }
0x2c2: {  	[tilespmem:$0x2E48] =	vst v0  }
0x2c3: {  	[tilespmem:$0x2E58] =	vst v0  }
0x2c4: {  	[tilespmem:$0x2E68] =	vst v0  }
0x2c5: {  	[tilespmem:$0x2E78] =	vst v0  }
0x2c6: {  	[tilespmem:$0x2E88] =	vst v0  }
0x2c7: {  	[tilespmem:$0x2E98] =	vst v0  }
0x2c8: {  	[tilespmem:$0x2EA8] =	vst v0  }
0x2c9: {  	[tilespmem:$0x2EB8] =	vst v0  }
0x2ca: {  	[tilespmem:$0x2EC8] =	vst v0  }
0x2cb: {  	[tilespmem:$0x2ED8] =	vst v0  }
0x2cc: {  	[tilespmem:$0x2EE8] =	vst v0  }
0x2cd: {  	[tilespmem:$0x2EF8] =	vst v0  }
0x2ce: {  	[tilespmem:$0x2F08] =	vst v0  }
0x2cf: {  	[tilespmem:$0x2F18] =	vst v0  }
0x2d0: {  	[tilespmem:$0x2F28] =	vst v0  }
0x2d1: {  	[tilespmem:$0x2F38] =	vst v0  }
0x2d2: {  	[tilespmem:$0x2F48] =	vst v0  }
0x2d3: {  	[tilespmem:$0x2F58] =	vst v0  }
0x2d4: {  	[tilespmem:$0x2F68] =	vst v0  }
0x2d5: {  	[tilespmem:$0x2F78] =	vst v0  }
0x2d6: {  	[tilespmem:$0x2F88] =	vst v0  }
0x2d7: {  	[tilespmem:$0x2F98] =	vst v0  }
0x2d8: {  	[tilespmem:$0x2FA8] =	vst v0  }
0x2d9: {  	[tilespmem:$0x2FB8] =	vst v0  }
0x2da: {  	[tilespmem:$0x2FC8] =	vst v0  }
0x2db: {  	[tilespmem:$0x2FD8] =	vst v0  }
0x2dc: {  	[tilespmem:$0x2FE8] =	vst v0  }
0x2dd: {  	[tilespmem:$0x2FF8] =	vst v0  }
0x2de: {  	[tilespmem:$0x3008] =	vst v0  }
0x2df: {  	[tilespmem:$0x3018] =	vst v0  }
0x2e0: {  	[tilespmem:$0x3028] =	vst v0  }
0x2e1: {  	[tilespmem:$0x3038] =	vst v0  }
0x2e2: {  	[tilespmem:$0x3048] =	vst v0  }
0x2e3: {  	[tilespmem:$0x3058] =	vst v0  }
0x2e4: {  	[tilespmem:$0x3068] =	vst v0  }
0x2e5: {  	[tilespmem:$0x3078] =	vst v0  }
0x2e6: {  	[tilespmem:$0x3088] =	vst v0  }
0x2e7: {  	[tilespmem:$0x3098] =	vst v0  }
0x2e8: {  	[tilespmem:$0x30A8] =	vst v0  }
0x2e9: {  	[tilespmem:$0x30B8] =	vst v0  }
0x2ea: {  	[tilespmem:$0x30C8] =	vst v0  }
0x2eb: {  	[tilespmem:$0x30D8] =	vst v0  }
0x2ec: {  	[tilespmem:$0x30E8] =	vst v0  }
0x2ed: {  	[tilespmem:$0x30F8] =	vst v0  }
0x2ee: {  	[tilespmem:$0x3108] =	vst v0  }
0x2ef: {  	[tilespmem:$0x3118] =	vst v0  }
0x2f0: {  	[tilespmem:$0x3128] =	vst v0  }
0x2f1: {  	[tilespmem:$0x3138] =	vst v0  }
0x2f2: {  	[tilespmem:$0x3148] =	vst v0  }
0x2f3: {  	[tilespmem:$0x3158] =	vst v0  }
0x2f4: {  	[tilespmem:$0x3168] =	vst v0  }
0x2f5: {  	[tilespmem:$0x3178] =	vst v0  }
0x2f6: {  	[tilespmem:$0x3188] =	vst v0  }
0x2f7: {  	[tilespmem:$0x3198] =	vst v0  }
0x2f8: {  	[tilespmem:$0x31A8] =	vst v0  }
0x2f9: {  	[tilespmem:$0x31B8] =	vst v0  }
0x2fa: {  	[tilespmem:$0x31C8] =	vst v0  }
0x2fb: {  	[tilespmem:$0x31D8] =	vst v0  }
0x2fc: {  	[tilespmem:$0x31E8] =	vst v0  }
0x2fd: {  	[tilespmem:$0x31F8] =	vst v0  }
0x2fe: {  	[tilespmem:$0x3208] =	vst v0  }
0x2ff: {  	[tilespmem:$0x3218] =	vst v0  }
0x300: {  	[tilespmem:$0x3228] =	vst v0  }
0x301: {  	[tilespmem:$0x3238] =	vst v0  }
0x302: {  	[tilespmem:$0x3248] =	vst v0  }
0x303: {  	[tilespmem:$0x3258] =	vst v0  }
0x304: {  	[tilespmem:$0x3268] =	vst v0  }
0x305: {  	[tilespmem:$0x3278] =	vst v0  }
0x306: {  	[tilespmem:$0x3288] =	vst v0  }
0x307: {  	[tilespmem:$0x3298] =	vst v0  }
0x308: {  	[tilespmem:$0x32A8] =	vst v0  }
0x309: {  	[tilespmem:$0x32B8] =	vst v0  }
0x30a: {  	[tilespmem:$0x32C8] =	vst v0  }
0x30b: {  	[tilespmem:$0x32D8] =	vst v0  }
0x30c: {  	[tilespmem:$0x32E8] =	vst v0  }
0x30d: {  	[tilespmem:$0x32F8] =	vst v0  }
0x30e: {  	[tilespmem:$0x3308] =	vst v0  }
0x30f: {  	[tilespmem:$0x3318] =	vst v0  }
0x310: {  	[tilespmem:$0x3328] =	vst v0  }
0x311: {  	[tilespmem:$0x3338] =	vst v0  }
0x312: {  	[tilespmem:$0x3348] =	vst v0  }
0x313: {  	[tilespmem:$0x3358] =	vst v0  }
0x314: {  	[tilespmem:$0x3368] =	vst v0  }
0x315: {  	[tilespmem:$0x3378] =	vst v0  }
0x316: {  	[tilespmem:$0x3388] =	vst v0  }
0x317: {  	[tilespmem:$0x3398] =	vst v0  }
0x318: {  	[tilespmem:$0x33A8] =	vst v0  }
0x319: {  	[tilespmem:$0x33B8] =	vst v0  }
0x31a: {  	[tilespmem:$0x33C8] =	vst v0  }
0x31b: {  	[tilespmem:$0x33D8] =	vst v0  }
0x31c: {  	[tilespmem:$0x33E8] =	vst v0  }
0x31d: {  	[tilespmem:$0x33F8] =	vst v0  }
0x31e: {  	[tilespmem:$0x3408] =	vst v0  }
0x31f: {  	[tilespmem:$0x3418] =	vst v0  }
0x320: {  	[tilespmem:$0x3428] =	vst v0  }
0x321: {  	[tilespmem:$0x3438] =	vst v0  }
0x322: {  	[tilespmem:$0x3448] =	vst v0  }
0x323: {  	[tilespmem:$0x3458] =	vst v0  }
0x324: {  	[tilespmem:$0x4388] =	vst v0  }
0x325: {  	[tilespmem:$0x4398] =	vst v0  }
0x326: {  	[tilespmem:$0x3468] =	vst v0  }
0x327: {  	[tilespmem:$0x3478] =	vst v0  }
0x328: {  	[tilespmem:$0x3488] =	vst v0  }
0x329: {  	[tilespmem:$0x3498] =	vst v0  }
0x32a: {  	[tilespmem:$0x34A8] =	vst v0  }
0x32b: {  	[tilespmem:$0x34B8] =	vst v0  }
0x32c: {  	[tilespmem:$0x34C8] =	vst v0  }
0x32d: {  	[tilespmem:$0x34D8] =	vst v0  }
0x32e: {  	[tilespmem:$0x34E8] =	vst v0  }
0x32f: {  	[tilespmem:$0x34F8] =	vst v0  }
0x330: {  	[tilespmem:$0x3508] =	vst v0  }
0x331: {  	[tilespmem:$0x3518] =	vst v0  }
0x332: {  	[tilespmem:$0x3528] =	vst v0  }
0x333: {  	[tilespmem:$0x3538] =	vst v0  }
0x334: {  	[tilespmem:$0x3548] =	vst v0  }
0x335: {  	[tilespmem:$0x3558] =	vst v0  }
0x336: {  	[tilespmem:$0x3568] =	vst v0  }
0x337: {  	[tilespmem:$0x3578] =	vst v0  }
0x338: {  	[tilespmem:$0x3588] =	vst v0  }
0x339: {  	[tilespmem:$0x3598] =	vst v0  }
0x33a: {  	[tilespmem:$0x35A8] =	vst v0  }
0x33b: {  	[tilespmem:$0x35B8] =	vst v0  }
0x33c: {  	[tilespmem:$0x35C8] =	vst v0  }
0x33d: {  	[tilespmem:$0x35D8] =	vst v0  }
0x33e: {  	[tilespmem:$0x35E8] =	vst v0  }
0x33f: {  	[tilespmem:$0x35F8] =	vst v0  }
0x340: {  	[tilespmem:$0x3608] =	vst v0  }
0x341: {  	[tilespmem:$0x3618] =	vst v0  }
0x342: {  	[tilespmem:$0x3628] =	vst v0  }
0x343: {  	[tilespmem:$0x3638] =	vst v0  }
0x344: {  	[tilespmem:$0x3648] =	vst v0  }
0x345: {  	[tilespmem:$0x3658] =	vst v0  }
0x346: {  	[tilespmem:$0x3668] =	vst v0  }
0x347: {  	[tilespmem:$0x3678] =	vst v0  }
0x348: {  	[tilespmem:$0x3688] =	vst v0  }
0x349: {  	[tilespmem:$0x3698] =	vst v0  }
0x34a: {  	[tilespmem:$0x36A8] =	vst v0  }
0x34b: {  	[tilespmem:$0x36B8] =	vst v0  }
0x34c: {  	[tilespmem:$0x36C8] =	vst v0  }
0x34d: {  	[tilespmem:$0x36D8] =	vst v0  }
0x34e: {  	[tilespmem:$0x36E8] =	vst v0  }
0x34f: {  	[tilespmem:$0x36F8] =	vst v0  }
0x350: {  	[tilespmem:$0x3708] =	vst v0  }
0x351: {  	[tilespmem:$0x3718] =	vst v0  }
0x352: {  	[tilespmem:$0x3728] =	vst v0  }
0x353: {  	[tilespmem:$0x3738] =	vst v0  }
0x354: {  	[tilespmem:$0x3748] =	vst v0  }
0x355: {  	[tilespmem:$0x3758] =	vst v0  }
0x356: {  	[tilespmem:$0x3768] =	vst v0  }
0x357: {  	[tilespmem:$0x3778] =	vst v0  }
0x358: {  	[tilespmem:$0x3788] =	vst v0  }
0x359: {  	[tilespmem:$0x3798] =	vst v0  }
0x35a: {  	[tilespmem:$0x37A8] =	vst v0  }
0x35b: {  	[tilespmem:$0x37B8] =	vst v0  }
0x35c: {  	[tilespmem:$0x37C8] =	vst v0  }
0x35d: {  	[tilespmem:$0x37D8] =	vst v0  }
0x35e: {  	[tilespmem:$0x37E8] =	vst v0  }
0x35f: {  	[tilespmem:$0x37F8] =	vst v0  }
0x360: {  	[tilespmem:$0x3808] =	vst v0  }
0x361: {  	[tilespmem:$0x3818] =	vst v0  }
0x362: {  	[tilespmem:$0x3828] =	vst v0  }
0x363: {  	[tilespmem:$0x3838] =	vst v0  }
0x364: {  	[tilespmem:$0x3848] =	vst v0  }
0x365: {  	[tilespmem:$0x3858] =	vst v0  }
0x366: {  	[tilespmem:$0x3868] =	vst v0  }
0x367: {  	[tilespmem:$0x3878] =	vst v0  }
0x368: {  	[tilespmem:$0x3888] =	vst v0  }
0x369: {  	[tilespmem:$0x3898] =	vst v0  }
0x36a: {  	[tilespmem:$0x38A8] =	vst v0  }
0x36b: {  	[tilespmem:$0x38B8] =	vst v0  }
0x36c: {  	[tilespmem:$0x38C8] =	vst v0  }
0x36d: {  	[tilespmem:$0x38D8] =	vst v0  }
0x36e: {  	[tilespmem:$0x38E8] =	vst v0  }
0x36f: {  	[tilespmem:$0x38F8] =	vst v0  }
0x370: {  	[tilespmem:$0x3908] =	vst v0  }
0x371: {  	[tilespmem:$0x3918] =	vst v0  }
0x372: {  	[tilespmem:$0x3928] =	vst v0  }
0x373: {  	[tilespmem:$0x3938] =	vst v0  }
0x374: {  	[tilespmem:$0x3948] =	vst v0  }
0x375: {  	[tilespmem:$0x3958] =	vst v0  }
0x376: {  	[tilespmem:$0x3968] =	vst v0  }
0x377: {  	[tilespmem:$0x3978] =	vst v0  }
0x378: {  	[tilespmem:$0x3988] =	vst v0  }
0x379: {  	[tilespmem:$0x3998] =	vst v0  }
0x37a: {  	[tilespmem:$0x39A8] =	vst v0  }
0x37b: {  	[tilespmem:$0x39B8] =	vst v0  }
0x37c: {  	[tilespmem:$0x39C8] =	vst v0  }
0x37d: {  	[tilespmem:$0x39D8] =	vst v0  }
0x37e: {  	[tilespmem:$0x39E8] =	vst v0  }
0x37f: {  	[tilespmem:$0x39F8] =	vst v0  }
0x380: {  	[tilespmem:$0x3A08] =	vst v0  }
0x381: {  	[tilespmem:$0x3A18] =	vst v0  }
0x382: {  	[tilespmem:$0x3A28] =	vst v0  }
0x383: {  	[tilespmem:$0x3A38] =	vst v0  }
0x384: {  	[tilespmem:$0x3A48] =	vst v0  }
0x385: {  	[tilespmem:$0x3A58] =	vst v0  }
0x386: {  	[tilespmem:$0x3A68] =	vst v0  }
0x387: {  	[tilespmem:$0x3A78] =	vst v0  }
0x388: {  	[tilespmem:$0x3A88] =	vst v0  }
0x389: {  	[tilespmem:$0x3A98] =	vst v0  }
0x38a: {  	[tilespmem:$0x3AA8] =	vst v0  }
0x38b: {  	[tilespmem:$0x3AB8] =	vst v0  }
0x38c: {  	[tilespmem:$0x3AC8] =	vst v0  }
0x38d: {  	[tilespmem:$0x3AD8] =	vst v0  }
0x38e: {  	[tilespmem:$0x3AE8] =	vst v0  }
0x38f: {  	[tilespmem:$0x3AF8] =	vst v0  }
0x390: {  	[tilespmem:$0x3B08] =	vst v0  }
0x391: {  	[tilespmem:$0x3B18] =	vst v0  }
0x392: {  	[tilespmem:$0x3B28] =	vst v0  }
0x393: {  	[tilespmem:$0x3B38] =	vst v0  }
0x394: {  	[tilespmem:$0x3B48] =	vst v0  }
0x395: {  	[tilespmem:$0x3B58] =	vst v0  }
0x396: {  	[tilespmem:$0x3B68] =	vst v0  }
0x397: {  	[tilespmem:$0x3B78] =	vst v0  }
0x398: {  	[tilespmem:$0x3B88] =	vst v0  }
0x399: {  	[tilespmem:$0x3B98] =	vst v0  }
0x39a: {  	[tilespmem:$0x3BA8] =	vst v0  }
0x39b: {  	[tilespmem:$0x3BB8] =	vst v0  }
0x39c: {  	[tilespmem:$0x3BC8] =	vst v0  }
0x39d: {  	[tilespmem:$0x3BD8] =	vst v0  }
0x39e: {  	[tilespmem:$0x3BE8] =	vst v0  }
0x39f: {  	[tilespmem:$0x3BF8] =	vst v0  }
0x3a0: {  	[tilespmem:$0x3C08] =	vst v0  }
0x3a1: {  	[tilespmem:$0x3C18] =	vst v0  }
0x3a2: {  	[tilespmem:$0x3C28] =	vst v0  }
0x3a3: {  	[tilespmem:$0x3C38] =	vst v0  }
0x3a4: {  	[tilespmem:$0x3C48] =	vst v0  }
0x3a5: {  	[tilespmem:$0x3C58] =	vst v0  }
0x3a6: {  	[tilespmem:$0x3C68] =	vst v0  }
0x3a7: {  	[tilespmem:$0x3C78] =	vst v0  }
0x3a8: {  	[tilespmem:$0x3C88] =	vst v0  }
0x3a9: {  	[tilespmem:$0x3C98] =	vst v0  }
0x3aa: {  	[tilespmem:$0x3CA8] =	vst v0  }
0x3ab: {  	[tilespmem:$0x3CB8] =	vst v0  }
0x3ac: {  	[tilespmem:$0x3CC8] =	vst v0  }
0x3ad: {  	[tilespmem:$0x3CD8] =	vst v0  }
0x3ae: {  	[tilespmem:$0x3CE8] =	vst v0  }
0x3af: {  	[tilespmem:$0x3CF8] =	vst v0  }
0x3b0: {  	[tilespmem:$0x3D08] =	vst v0  }
0x3b1: {  	[tilespmem:$0x3D18] =	vst v0  }
0x3b2: {  	[tilespmem:$0x3D28] =	vst v0  }
0x3b3: {  	[tilespmem:$0x3D38] =	vst v0  }
0x3b4: {  	[tilespmem:$0x3D48] =	vst v0  }
0x3b5: {  	[tilespmem:$0x3D58] =	vst v0  }
0x3b6: {  	[tilespmem:$0x3D68] =	vst v0  }
0x3b7: {  	[tilespmem:$0x3D78] =	vst v0  }
0x3b8: {  	[tilespmem:$0x3D88] =	vst v0  }
0x3b9: {  	[tilespmem:$0x3D98] =	vst v0  }
0x3ba: {  	[tilespmem:$0x3DA8] =	vst v0  }
0x3bb: {  	[tilespmem:$0x3DB8] =	vst v0  }
0x3bc: {  	[tilespmem:$0x3DC8] =	vst v0  }
0x3bd: {  	[tilespmem:$0x3DD8] =	vst v0  }
0x3be: {  	[tilespmem:$0x3DE8] =	vst v0  }
0x3bf: {  	[tilespmem:$0x3DF8] =	vst v0  }
0x3c0: {  	[tilespmem:$0x3E08] =	vst v0  }
0x3c1: {  	[tilespmem:$0x3E18] =	vst v0  }
0x3c2: {  	[tilespmem:$0x3E28] =	vst v0  }
0x3c3: {  	[tilespmem:$0x3E38] =	vst v0  }
0x3c4: {  	[tilespmem:$0x3E48] =	vst v0  }
0x3c5: {  	[tilespmem:$0x3E58] =	vst v0  }
0x3c6: {  	[tilespmem:$0x3E68] =	vst v0  }
0x3c7: {  	[tilespmem:$0x3E78] =	vst v0  }
0x3c8: {  	[tilespmem:$0x3E88] =	vst v0  }
0x3c9: {  	[tilespmem:$0x3E98] =	vst v0  }
0x3ca: {  	[tilespmem:$0x3EA8] =	vst v0  }
0x3cb: {  	[tilespmem:$0x3EB8] =	vst v0  }
0x3cc: {  	[tilespmem:$0x3EC8] =	vst v0  }
0x3cd: {  	[tilespmem:$0x3ED8] =	vst v0  }
0x3ce: {  	[tilespmem:$0x3EE8] =	vst v0  }
0x3cf: {  	[tilespmem:$0x3EF8] =	vst v0  }
0x3d0: {  	[tilespmem:$0x3F08] =	vst v0  }
0x3d1: {  	[tilespmem:$0x3F18] =	vst v0  }
0x3d2: {  	[tilespmem:$0x3F28] =	vst v0  }
0x3d3: {  	[tilespmem:$0x3F38] =	vst v0  }
0x3d4: {  	[tilespmem:$0x3F48] =	vst v0  }
0x3d5: {  	[tilespmem:$0x3F58] =	vst v0  }
0x3d6: {  	[tilespmem:$0x3F68] =	vst v0  }
0x3d7: {  	[tilespmem:$0x3F78] =	vst v0  }
0x3d8: {  	[tilespmem:$0x3F88] =	vst v0  }
0x3d9: {  	[tilespmem:$0x3F98] =	vst v0  }
0x3da: {  	[tilespmem:$0x3FA8] =	vst v0  }
0x3db: {  	[tilespmem:$0x3FB8] =	vst v0  }
0x3dc: {  	[tilespmem:$0x3FC8] =	vst v0  }
0x3dd: {  	[tilespmem:$0x3FD8] =	vst v0  }
0x3de: {  	[tilespmem:$0x3FE8] =	vst v0  }
0x3df: {  	[tilespmem:$0x3FF8] =	vst v0  }
0x3e0: {  	[tilespmem:$0x4008] =	vst v0  }
0x3e1: {  	[tilespmem:$0x4018] =	vst v0  }
0x3e2: {  	[tilespmem:$0x4028] =	vst v0  }
0x3e3: {  	[tilespmem:$0x4038] =	vst v0  }
0x3e4: {  	[tilespmem:$0x4048] =	vst v0  }
0x3e5: {  	[tilespmem:$0x4058] =	vst v0  }
0x3e6: {  	[tilespmem:$0x4068] =	vst v0  }
0x3e7: {  	[tilespmem:$0x4078] =	vst v0  }
0x3e8: {  	[tilespmem:$0x4088] =	vst v0  }
0x3e9: {  	[tilespmem:$0x4098] =	vst v0  }
0x3ea: {  	[tilespmem:$0x40A8] =	vst v0  }
0x3eb: {  	[tilespmem:$0x40B8] =	vst v0  }
0x3ec: {  	[tilespmem:$0x40C8] =	vst v0  }
0x3ed: {  	[tilespmem:$0x40D8] =	vst v0  }
0x3ee: {  	[tilespmem:$0x40E8] =	vst v0  }
0x3ef: {  	[tilespmem:$0x40F8] =	vst v0  }
0x3f0: {  	[tilespmem:$0x4108] =	vst v0  }
0x3f1: {  	[tilespmem:$0x4118] =	vst v0  }
0x3f2: {  	[tilespmem:$0x4128] =	vst v0  }
0x3f3: {  	[tilespmem:$0x4138] =	vst v0  }
0x3f4: {  	[tilespmem:$0x4148] =	vst v0  }
0x3f5: {  	[tilespmem:$0x4158] =	vst v0  }
0x3f6: {  	[tilespmem:$0x4168] =	vst v0  }
0x3f7: {  	[tilespmem:$0x4178] =	vst v0  }
0x3f8: {  	[tilespmem:$0x4188] =	vst v0  }
0x3f9: {  	[tilespmem:$0x4198] =	vst v0  }
0x3fa: {  	[tilespmem:$0x41A8] =	vst v0  }
0x3fb: {  	[tilespmem:$0x41B8] =	vst v0  }
0x3fc: {  	[tilespmem:$0x41C8] =	vst v0  }
0x3fd: {  	[tilespmem:$0x41D8] =	vst v0  }
0x3fe: {  	[tilespmem:$0x41E8] =	vst v0  }
0x3ff: {  	[tilespmem:$0x41F8] =	vst v0  }
0x400: {  	[tilespmem:$0x4208] =	vst v0  }
0x401: {  	[tilespmem:$0x4218] =	vst v0  }
0x402: {  	[tilespmem:$0x4228] =	vst v0  }
0x403: {  	[tilespmem:$0x4238] =	vst v0  }
0x404: {  	[tilespmem:$0x4248] =	vst v0  }
0x405: {  	[tilespmem:$0x4258] =	vst v0  }
0x406: {  	[tilespmem:$0x4268] =	vst v0  }
0x407: {  	[tilespmem:$0x4278] =	vst v0  }
0x408: {  	[tilespmem:$0x4288] =	vst v0  }
0x409: {  	[tilespmem:$0x4298] =	vst v0  }
0x40a: {  	[tilespmem:$0x42A8] =	vst v0  }
0x40b: {  	[tilespmem:$0x42B8] =	vst v0  }
0x40c: {  	[tilespmem:$0x42C8] =	vst v0  }
0x40d: {  	[tilespmem:$0x42D8] =	vst v0  }
0x40e: {  	[tilespmem:$0x42E8] =	vst v0  }
0x40f: {  	[tilespmem:$0x42F8] =	vst v0  }
0x410: {  	[tilespmem:$0x4308] =	vst v0  }
0x411: {  	[tilespmem:$0x4318] =	vst v0  }
0x412: {  	[tilespmem:$0x4328] =	vst v0  }
0x413: {  	[tilespmem:$0x4338] =	vst v0  }
0x414: {  	[tilespmem:$0x4348] =	vst v0  }
0x415: {  	[tilespmem:$0x4358] =	vst v0  }
0x416: {  	[tilespmem:$0x4368] =	vst v0  }
0x417: {  	[tilespmem:$0x4378] =	vst v0  }
0x418: {  	[tilespmem:$0x43A8] =	vst v0  }
0x419: {  	[tilespmem:$0x43B8] =	vst v0  }
0x41a: {  	[tilespmem:$0x43C8] =	vst v0  }
0x41b: {  	[tilespmem:$0x43D8] =	vst v0  }
0x41c: {  	[tilespmem:$0x43E8] =	vst v0  }
0x41d: {  	[tilespmem:$0x43F8] =	vst v0  }
0x41e: {  	[tilespmem:$0x4408] =	vst v0  }
0x41f: {  	[tilespmem:$0x4418] =	vst v0  }
0x420: {  	[tilespmem:$0x4428] =	vst v0  }
0x421: {  	[tilespmem:$0x4438] =	vst v0  }
0x422: {  	[tilespmem:$0x4448] =	vst v0  }
0x423: {  	[tilespmem:$0x4458] =	vst v0  }
0x424: {  	[tilespmem:$0x4468] =	vst v0  }
0x425: {  	[tilespmem:$0x4478] =	vst v0  }
0x426: {  	[tilespmem:$0x4488] =	vst v0  }
0x427: {  	[tilespmem:$0x4498] =	vst v0  }
0x428: {  	[tilespmem:$0x44A8] =	vst v0  }
0x429: {  	[tilespmem:$0x44B8] =	vst v0  }
0x42a: {  	[tilespmem:$0x44C8] =	vst v0  }
0x42b: {  	[tilespmem:$0x44D8] =	vst v0  }
0x42c: {  	[tilespmem:$0x44E8] =	vst v0  }
0x42d: {  	[tilespmem:$0x44F8] =	vst v0  }
0x42e: {  	[tilespmem:$0x4508] =	vst v0  }
0x42f: {  	[tilespmem:$0x4518] =	vst v0  }
0x430: {  	[tilespmem:$0x4528] =	vst v0  }
0x431: {  	[tilespmem:$0x4538] =	vst v0  }
0x432: {  	[tilespmem:$0x4548] =	vst v0  }
0x433: {  	[tilespmem:$0x4558] =	vst v0  }
0x434: {  	[tilespmem:$0x4568] =	vst v0  }
0x435: {  	[tilespmem:$0x4578] =	vst v0  }
0x436: {  	[tilespmem:$0x4588] =	vst v0  }
0x437: {  	[tilespmem:$0x4598] =	vst v0  }
0x438: {  	[tilespmem:$0x45A8] =	vst v0  }
0x439: {  	[tilespmem:$0x45B8] =	vst v0  }
0x43a: {  	[tilespmem:$0x45C8] =	vst v0  }
0x43b: {  	[tilespmem:$0x45D8] =	vst v0  }
0x43c: {  	[tilespmem:$0x45E8] =	vst v0  }
0x43d: {  	[tilespmem:$0x45F8] =	vst v0  }
0x43e: {  	[tilespmem:$0x4608] =	vst v0  }
0x43f: {  	[tilespmem:$0x4618] =	vst v0  }
0x440: {  	[tilespmem:$0x4628] =	vst v0  }
0x441: {  	[tilespmem:$0x4638] =	vst v0  }
0x442: {  	[tilespmem:$0x4648] =	vst v0  }
0x443: {  	[tilespmem:$0x4658] =	vst v0  }
0x444: {  	[tilespmem:$0x4668] =	vst v0  }
0x445: {  	[tilespmem:$0x4678] =	vst v0  }
0x446: {  	[tilespmem:$0x4688] =	vst v0  }
0x447: {  	[tilespmem:$0x4698] =	vst v0  }
0x448: {  	[tilespmem:$0x46A8] =	vst v0  }
0x449: {  	[tilespmem:$0x46B8] =	vst v0  }
0x44a: {  	[tilespmem:$0x46C8] =	vst v0  }
0x44b: {  	[tilespmem:$0x46D8] =	vst v0  }
0x44c: {  	[tilespmem:$0x46E8] =	vst v0  }
0x44d: {  	[tilespmem:$0x46F8] =	vst v0  }
0x44e: {  	[tilespmem:$0x4708] =	vst v0  }
0x44f: {  	[tilespmem:$0x4718] =	vst v0  }
0x450: {  	[tilespmem:$0x4728] =	vst v0  }
0x451: {  	[tilespmem:$0x4738] =	vst v0  }
0x452: {  	[tilespmem:$0x4748] =	vst v0  }
0x453: {  	[tilespmem:$0x4758] =	vst v0  }
0x454: {  	[tilespmem:$0x4768] =	vst v0  }
0x455: {  	[tilespmem:$0x4778] =	vst v0  }
0x456: {  	[tilespmem:$0x4788] =	vst v0  }
0x457: {  	[tilespmem:$0x4798] =	vst v0  }
0x458: {  	[tilespmem:$0x47A8] =	vst v0  }
0x459: {  	[tilespmem:$0x47B8] =	vst v0  }
0x45a: {  	[tilespmem:$0x47C8] =	vst v0  }
0x45b: {  	[tilespmem:$0x47D8] =	vst v0  }
0x45c: {  	[tilespmem:$0x47E8] =	vst v0  }
0x45d: {  	[tilespmem:$0x47F8] =	vst v0  }
0x45e: {  	[tilespmem:$0x4808] =	vst v0  }
0x45f: {  	[tilespmem:$0x4818] =	vst v0  }
0x460: {  	[tilespmem:$0x4828] =	vst v0  }
0x461: {  	[tilespmem:$0x4838] =	vst v0  }
0x462: {  	[tilespmem:$0x4848] =	vst v0  }
0x463: {  	[tilespmem:$0x4858] =	vst v0  }
0x464: {  	[tilespmem:$0x4868] =	vst v0  }
0x465: {  	[tilespmem:$0x4878] =	vst v0  }
0x466: {  	[tilespmem:$0x4888] =	vst v0  }
0x467: {  	[tilespmem:$0x4898] =	vst v0  }
0x468: {  	[tilespmem:$0x48A8] =	vst v0  }
0x469: {  	[tilespmem:$0x48B8] =	vst v0  }
0x46a: {  	[tilespmem:$0x48C8] =	vst v0  }
0x46b: {  	[tilespmem:$0x48D8] =	vst v0  }
0x46c: {  	[tilespmem:$0x48E8] =	vst v0  }
0x46d: {  	[tilespmem:$0x48F8] =	vst v0  }
0x46e: {  	[tilespmem:$0x4908] =	vst v0  }
0x46f: {  	[tilespmem:$0x4918] =	vst v0  }
0x470: {  	[tilespmem:$0x4928] =	vst v0  }
0x471: {  	[tilespmem:$0x4938] =	vst v0  }
0x472: {  	[tilespmem:$0x4948] =	vst v0  }
0x473: {  	[tilespmem:$0x4958] =	vst v0  }
0x474: {  	[tilespmem:$0x4968] =	vst v0  }
0x475: {  	[tilespmem:$0x4978] =	vst v0  }
0x476: {  	[tilespmem:$0x4988] =	vst v0  }
0x477: {  	[tilespmem:$0x4998] =	vst v0  }
0x478: {  	[tilespmem:$0x49A8] =	vst v0  }
0x479: {  	[tilespmem:$0x49B8] =	vst v0  }
0x47a: {  	[tilespmem:$0x49C8] =	vst v0  }
0x47b: {  	[tilespmem:$0x49D8] =	vst v0  }
0x47c: {  	[tilespmem:$0x49E8] =	vst v0  }
0x47d: {  	[tilespmem:$0x49F8] =	vst v0  }
0x47e: {  	[tilespmem:$0x4A08] =	vst v0  }
0x47f: {  	[tilespmem:$0x4A18] =	vst v0  }
0x480: {  	[tilespmem:$0x4A28] =	vst v0  }
0x481: {  	[tilespmem:$0x4A38] =	vst v0  }
0x482: {  	[tilespmem:$0x4A48] =	vst v0  }
0x483: {  	[tilespmem:$0x4A58] =	vst v0  }
0x484: {  	[tilespmem:$0x4A68] =	vst v0  }
0x485: {  	[tilespmem:$0x4A78] =	vst v0  }
0x486: {  	[tilespmem:$0x4A88] =	vst v0  }
0x487: {  	[tilespmem:$0x4A98] =	vst v0  }
0x488: {  	[tilespmem:$0x4AA8] =	vst v0  }
0x489: {  	[tilespmem:$0x4AB8] =	vst v0  }
0x48a: {  	[tilespmem:$0x4AC8] =	vst v0  }
0x48b: {  	[tilespmem:$0x4AD8] =	vst v0  }
0x48c: {  	[tilespmem:$0x4AE8] =	vst v0  }
0x48d: {  	[tilespmem:$0x4AF8] =	vst v0  }
0x48e: {  	[tilespmem:$0x4B08] =	vst v0  }
0x48f: {  	[tilespmem:$0x4B18] =	vst v0  }
0x490: {  	[tilespmem:$0x4B28] =	vst v0  }
0x491: {  	[tilespmem:$0x4B38] =	vst v0  }
0x492: {  	[tilespmem:$0x4B48] =	vst v0  }
0x493: {  	[tilespmem:$0x4B58] =	vst v0  }
0x494: {  	[tilespmem:$0x4B68] =	vst v0  }
0x495: {  	[tilespmem:$0x4B78] =	vst v0  }
0x496: {  	[tilespmem:$0x4B88] =	vst v0  }
0x497: {  	[tilespmem:$0x4B98] =	vst v0  }
0x498: {  	[tilespmem:$0x4BA8] =	vst v0  }
0x499: {  	[tilespmem:$0x4BB8] =	vst v0  }
0x49a: {  	[tilespmem:$0x4BC8] =	vst v0  }
0x49b: {  	[tilespmem:$0x4BD8] =	vst v0  }
0x49c: {  	[tilespmem:$0x4BE8] =	vst v0  }
0x49d: {  	[tilespmem:$0x4BF8] =	vst v0  }
0x49e: {  	[tilespmem:$0x4C08] =	vst v0  }
0x49f: {  	[tilespmem:$0x4C18] =	vst v0  }
0x4a0: {  	[tilespmem:$0x4C28] =	vst v0  }
0x4a1: {  	[tilespmem:$0x4C38] =	vst v0  }
0x4a2: {  	[tilespmem:$0x4C48] =	vst v0  }
0x4a3: {  	[tilespmem:$0x4C58] =	vst v0  }
0x4a4: {  	[tilespmem:$0x4C68] =	vst v0  }
0x4a5: {  	[tilespmem:$0x4C78] =	vst v0  }
0x4a6: {  	[tilespmem:$0x4C88] =	vst v0  }
0x4a7: {  	[tilespmem:$0x4C98] =	vst v0  }
0x4a8: {  	[tilespmem:$0x4CA8] =	vst v0  }
0x4a9: {  	[tilespmem:$0x4CB8] =	vst v0  }
0x4aa: {  	[tilespmem:$0x4CC8] =	vst v0  }
0x4ab: {  	[tilespmem:$0x4CD8] =	vst v0  }
0x4ac: {  	[tilespmem:$0x4CE8] =	vst v0  }
0x4ad: {  	[tilespmem:$0x4CF8] =	vst v0  }
0x4ae: {  	[tilespmem:$0x4D08] =	vst v0  }
0x4af: {  	[tilespmem:$0x4D18] =	vst v0  }
0x4b0: {  	[tilespmem:$0x4D28] =	vst v0  }
0x4b1: {  	[tilespmem:$0x4D38] =	vst v0  }
0x4b2: {  	[tilespmem:$0x4D48] =	vst v0  }
0x4b3: {  	[tilespmem:$0x4D58] =	vst v0  }
0x4b4: {  	[tilespmem:$0x4D68] =	vst v0  }
0x4b5: {  	[tilespmem:$0x4D78] =	vst v0  }
0x4b6: {  	[tilespmem:$0x4D88] =	vst v0  }
0x4b7: {  	[tilespmem:$0x4D98] =	vst v0  }
0x4b8: {  	[tilespmem:$0x4DA8] =	vst v0  }
0x4b9: {  	[tilespmem:$0x4DB8] =	vst v0  }
0x4ba: {  	[tilespmem:$0x4DC8] =	vst v0  }
0x4bb: {  	[tilespmem:$0x4DD8] =	vst v0  }
0x4bc: {  	[tilespmem:$0x4DE8] =	vst v0  }
0x4bd: {  	[tilespmem:$0x4DF8] =	vst v0  }
0x4be: {  	[tilespmem:$0x4E08] =	vst v0  }
0x4bf: {  	[tilespmem:$0x4E18] =	vst v0  }
0x4c0: {  	[tilespmem:$0x4E28] =	vst v0  }
0x4c1: {  	[tilespmem:$0x4E38] =	vst v0  }
0x4c2: {  	[tilespmem:$0x4E48] =	vst v0  }
0x4c3: {  	[tilespmem:$0x4E58] =	vst v0  }
0x4c4: {  	[tilespmem:$0x4E68] =	vst v0  }
0x4c5: {  	[tilespmem:$0x4E78] =	vst v0  }
0x4c6: {  	[tilespmem:$0x4E88] =	vst v0  }
0x4c7: {  	[tilespmem:$0x4E98] =	vst v0  }
0x4c8: {  	[tilespmem:$0x4EA8] =	vst v0  }
0x4c9: {  	[tilespmem:$0x4EB8] =	vst v0  }
0x4ca: {  	[tilespmem:$0x4EC8] =	vst v0  }
0x4cb: {  	[tilespmem:$0x4ED8] =	vst v0  }
0x4cc: {  	[tilespmem:$0x4EE8] =	vst v0  }
0x4cd: {  	[tilespmem:$0x4EF8] =	vst v0  }
0x4ce: {  	[tilespmem:$0x4F08] =	vst v0  }
0x4cf: {  	[tilespmem:$0x4F18] =	vst v0  }
0x4d0: {  	[tilespmem:$0x4F28] =	vst v0  }
0x4d1: {  	[tilespmem:$0x4F38] =	vst v0  }
0x4d2: {  	[tilespmem:$0x4F48] =	vst v0  }
0x4d3: {  	[tilespmem:$0x4F58] =	vst v0  }
0x4d4: {  	[tilespmem:$0x4F68] =	vst v0  }
0x4d5: {  	[tilespmem:$0x4F78] =	vst v0  }
0x4d6: {  	[tilespmem:$0x4F88] =	vst v0  }
0x4d7: {  	[tilespmem:$0x4F98] =	vst v0  }
0x4d8: {  	[tilespmem:$0x4FA8] =	vst v0  }
0x4d9: {  	[tilespmem:$0x4FB8] =	vst v0  }
0x4da: {  	[tilespmem:$0x4FC8] =	vst v0  }
0x4db: {  	[tilespmem:$0x4FD8] =	vst v0  }
0x4dc: {  	[tilespmem:$0x4FE8] =	vst v0  }
0x4dd: {  	[tilespmem:$0x4FF8] =	vst v0  }
0x4de: {  	[tilespmem:$0x5008] =	vst v0  }
0x4df: {  	[tilespmem:$0x5018] =	vst v0  }
0x4e0: {  	[tilespmem:$0x5028] =	vst v0  }
0x4e1: {  	[tilespmem:$0x5038] =	vst v0  }
0x4e2: {  	[tilespmem:$0x5048] =	vst v0  }
0x4e3: {  	[tilespmem:$0x5058] =	vst v0  }
0x4e4: {  	[tilespmem:$0x5068] =	vst v0  }
0x4e5: {  	[tilespmem:$0x5078] =	vst v0  }
0x4e6: {  	[tilespmem:$0x5088] =	vst v0  }
0x4e7: {  	[tilespmem:$0x5098] =	vst v0  }
0x4e8: {  	[tilespmem:$0x50A8] =	vst v0  }
0x4e9: {  	[tilespmem:$0x50B8] =	vst v0  }
0x4ea: {  	[tilespmem:$0x50C8] =	vst v0  }
0x4eb: {  	[tilespmem:$0x50D8] =	vst v0  }
0x4ec: {  	[tilespmem:$0x50E8] =	vst v0  }
0x4ed: {  	[tilespmem:$0x50F8] =	vst v0  }
0x4ee: {  	[tilespmem:$0x5108] =	vst v0  }
0x4ef: {  	[tilespmem:$0x5118] =	vst v0  }
0x4f0: {  	[tilespmem:$0x5128] =	vst v0  }
0x4f1: {  	[tilespmem:$0x5138] =	vst v0  }
0x4f2: {  	[tilespmem:$0x5148] =	vst v0  }
0x4f3: {  	[tilespmem:$0x5158] =	vst v0  }
0x4f4: {  	[tilespmem:$0x5168] =	vst v0  }
0x4f5: {  	[tilespmem:$0x5178] =	vst v0  }
0x4f6: {  	[tilespmem:$0x5188] =	vst v0  }
0x4f7: {  	[tilespmem:$0x5198] =	vst v0  }
0x4f8: {  	[tilespmem:$0x51A8] =	vst v0  }
0x4f9: {  	[tilespmem:$0x51B8] =	vst v0  }
0x4fa: {  	[tilespmem:$0x51C8] =	vst v0  }
0x4fb: {  	[tilespmem:$0x51D8] =	vst v0  }
0x4fc: {  	[tilespmem:$0x51E8] =	vst v0  }
0x4fd: {  	[tilespmem:$0x51F8] =	vst v0  }
0x4fe: {  	[tilespmem:$0x5208] =	vst v0  }
0x4ff: {  	[tilespmem:$0x5218] =	vst v0  }
0x500: {  	[tilespmem:$0x5228] =	vst v0  }
0x501: {  	[tilespmem:$0x5238] =	vst v0  }
0x502: {  	[tilespmem:$0x5248] =	vst v0  }
0x503: {  	[tilespmem:$0x5258] =	vst v0  }
0x504: {  	[tilespmem:$0x5268] =	vst v0  }
0x505: {  	[tilespmem:$0x5278] =	vst v0  }
0x506: {  	[tilespmem:$0x5288] =	vst v0  }
0x507: {  	[tilespmem:$0x5298] =	vst v0  }
0x508: {  	[tilespmem:$0x52A8] =	vst v0  }
0x509: {  	[tilespmem:$0x52B8] =	vst v0  }
0x50a: {  	[tilespmem:$0x52C8] =	vst v0  }
0x50b: {  	[tilespmem:$0x52D8] =	vst v0  }
0x50c: {  	[tilespmem:$0x52E8] =	vst v0  }
0x50d: {  	[tilespmem:$0x52F8] =	vst v0  }
0x50e: {  	[tilespmem:$0x5308] =	vst v0  }
0x50f: {  	[tilespmem:$0x5318] =	vst v0  }
0x510: {  	[tilespmem:$0x5328] =	vst v0  }
0x511: {  	[tilespmem:$0x5338] =	vst v0  }
0x512: {  	[tilespmem:$0x5348] =	vst v0  }
0x513: {  	[tilespmem:$0x5358] =	vst v0  }
0x514: {  	[tilespmem:$0x5368] =	vst v0  }
0x515: {  	[tilespmem:$0x5378] =	vst v0  }
0x516: {  	[tilespmem:$0x5388] =	vst v0  }
0x517: {  	[tilespmem:$0x5398] =	vst v0  }
0x518: {  	[tilespmem:$0x5458] =	vst v0  }
0x519: {  	[tilespmem:$0x6288] =	vst v0  }
0x51a: {  	[tilespmem:$0x6278] =	vst v0  }
0x51b: {  	[tilespmem:$0x6268] =	vst v0  }
0x51c: {  	[tilespmem:$0x6258] =	vst v0  }
0x51d: {  	[tilespmem:$0x6248] =	vst v0  }
0x51e: {  	[tilespmem:$0x6238] =	vst v0  }
0x51f: {  	[tilespmem:$0x6228] =	vst v0  }
0x520: {  	[tilespmem:$0x6218] =	vst v0  }
0x521: {  	[tilespmem:$0x6208] =	vst v0  }
0x522: {  	[tilespmem:$0x61F8] =	vst v0  }
0x523: {  	[tilespmem:$0x61E8] =	vst v0  }
0x524: {  	[tilespmem:$0x61D8] =	vst v0  }
0x525: {  	[tilespmem:$0x61C8] =	vst v0  }
0x526: {  	[tilespmem:$0x61B8] =	vst v0  }
0x527: {  	[tilespmem:$0x61A8] =	vst v0  }
0x528: {  	[tilespmem:$0x6198] =	vst v0  }
0x529: {  	[tilespmem:$0x6188] =	vst v0  }
0x52a: {  	[tilespmem:$0x6178] =	vst v0  }
0x52b: {  	[tilespmem:$0x6168] =	vst v0  }
0x52c: {  	[tilespmem:$0x6158] =	vst v0  }
0x52d: {  	[tilespmem:$0x6148] =	vst v0  }
0x52e: {  	[tilespmem:$0x6138] =	vst v0  }
0x52f: {  	[tilespmem:$0x6128] =	vst v0  }
0x530: {  	[tilespmem:$0x6118] =	vst v0  }
0x531: {  	[tilespmem:$0x6108] =	vst v0  }
0x532: {  	[tilespmem:$0x60F8] =	vst v0  }
0x533: {  	[tilespmem:$0x60E8] =	vst v0  }
0x534: {  	[tilespmem:$0x60D8] =	vst v0  }
0x535: {  	[tilespmem:$0x60C8] =	vst v0  }
0x536: {  	[tilespmem:$0x60B8] =	vst v0  }
0x537: {  	[tilespmem:$0x60A8] =	vst v0  }
0x538: {  	[tilespmem:$0x6098] =	vst v0  }
0x539: {  	[tilespmem:$0x6088] =	vst v0  }
0x53a: {  	[tilespmem:$0x6078] =	vst v0  }
0x53b: {  	[tilespmem:$0x6068] =	vst v0  }
0x53c: {  	[tilespmem:$0x6058] =	vst v0  }
0x53d: {  	[tilespmem:$0x6048] =	vst v0  }
0x53e: {  	[tilespmem:$0x6038] =	vst v0  }
0x53f: {  	[tilespmem:$0x6028] =	vst v0  }
0x540: {  	[tilespmem:$0x6018] =	vst v0  }
0x541: {  	[tilespmem:$0x6008] =	vst v0  }
0x542: {  	[tilespmem:$0x5FF8] =	vst v0  }
0x543: {  	[tilespmem:$0x5FE8] =	vst v0  }
0x544: {  	[tilespmem:$0x5FD8] =	vst v0  }
0x545: {  	[tilespmem:$0x5FC8] =	vst v0  }
0x546: {  	[tilespmem:$0x5FB8] =	vst v0  }
0x547: {  	[tilespmem:$0x5FA8] =	vst v0  }
0x548: {  	[tilespmem:$0x5F98] =	vst v0  }
0x549: {  	[tilespmem:$0x5F88] =	vst v0  }
0x54a: {  	[tilespmem:$0x5F78] =	vst v0  }
0x54b: {  	[tilespmem:$0x5F68] =	vst v0  }
0x54c: {  	[tilespmem:$0x5F58] =	vst v0  }
0x54d: {  	[tilespmem:$0x5F48] =	vst v0  }
0x54e: {  	[tilespmem:$0x5F38] =	vst v0  }
0x54f: {  	[tilespmem:$0x5F28] =	vst v0  }
0x550: {  	[tilespmem:$0x5F18] =	vst v0  }
0x551: {  	[tilespmem:$0x5F08] =	vst v0  }
0x552: {  	[tilespmem:$0x5EF8] =	vst v0  }
0x553: {  	[tilespmem:$0x5EE8] =	vst v0  }
0x554: {  	[tilespmem:$0x5ED8] =	vst v0  }
0x555: {  	[tilespmem:$0x5EC8] =	vst v0  }
0x556: {  	[tilespmem:$0x5EB8] =	vst v0  }
0x557: {  	[tilespmem:$0x5EA8] =	vst v0  }
0x558: {  	[tilespmem:$0x5E98] =	vst v0  }
0x559: {  	[tilespmem:$0x5E88] =	vst v0  }
0x55a: {  	[tilespmem:$0x5E78] =	vst v0  }
0x55b: {  	[tilespmem:$0x5E68] =	vst v0  }
0x55c: {  	[tilespmem:$0x5E58] =	vst v0  }
0x55d: {  	[tilespmem:$0x5E48] =	vst v0  }
0x55e: {  	[tilespmem:$0x5E38] =	vst v0  }
0x55f: {  	[tilespmem:$0x5E28] =	vst v0  }
0x560: {  	[tilespmem:$0x5E18] =	vst v0  }
0x561: {  	[tilespmem:$0x5E08] =	vst v0  }
0x562: {  	[tilespmem:$0x5DF8] =	vst v0  }
0x563: {  	[tilespmem:$0x5DE8] =	vst v0  }
0x564: {  	[tilespmem:$0x5DD8] =	vst v0  }
0x565: {  	[tilespmem:$0x5DC8] =	vst v0  }
0x566: {  	[tilespmem:$0x5DB8] =	vst v0  }
0x567: {  	[tilespmem:$0x5DA8] =	vst v0  }
0x568: {  	[tilespmem:$0x5D98] =	vst v0  }
0x569: {  	[tilespmem:$0x5D88] =	vst v0  }
0x56a: {  	[tilespmem:$0x5D78] =	vst v0  }
0x56b: {  	[tilespmem:$0x5D68] =	vst v0  }
0x56c: {  	[tilespmem:$0x5D58] =	vst v0  }
0x56d: {  	[tilespmem:$0x5D48] =	vst v0  }
0x56e: {  	[tilespmem:$0x5D38] =	vst v0  }
0x56f: {  	[tilespmem:$0x5D28] =	vst v0  }
0x570: {  	[tilespmem:$0x5D18] =	vst v0  }
0x571: {  	[tilespmem:$0x5D08] =	vst v0  }
0x572: {  	[tilespmem:$0x5CF8] =	vst v0  }
0x573: {  	[tilespmem:$0x5CE8] =	vst v0  }
0x574: {  	[tilespmem:$0x5CD8] =	vst v0  }
0x575: {  	[tilespmem:$0x5CC8] =	vst v0  }
0x576: {  	[tilespmem:$0x5CB8] =	vst v0  }
0x577: {  	[tilespmem:$0x5CA8] =	vst v0  }
0x578: {  	[tilespmem:$0x5C98] =	vst v0  }
0x579: {  	[tilespmem:$0x5C88] =	vst v0  }
0x57a: {  	[tilespmem:$0x5C78] =	vst v0  }
0x57b: {  	[tilespmem:$0x5C68] =	vst v0  }
0x57c: {  	[tilespmem:$0x5C58] =	vst v0  }
0x57d: {  	[tilespmem:$0x5C48] =	vst v0  }
0x57e: {  	[tilespmem:$0x5C38] =	vst v0  }
0x57f: {  	[tilespmem:$0x5C28] =	vst v0  }
0x580: {  	[tilespmem:$0x5C18] =	vst v0  }
0x581: {  	[tilespmem:$0x5C08] =	vst v0  }
0x582: {  	[tilespmem:$0x5BF8] =	vst v0  }
0x583: {  	[tilespmem:$0x5BE8] =	vst v0  }
0x584: {  	[tilespmem:$0x5BD8] =	vst v0  }
0x585: {  	[tilespmem:$0x5BC8] =	vst v0  }
0x586: {  	[tilespmem:$0x5BB8] =	vst v0  }
0x587: {  	[tilespmem:$0x5BA8] =	vst v0  }
0x588: {  	[tilespmem:$0x5B98] =	vst v0  }
0x589: {  	[tilespmem:$0x5B88] =	vst v0  }
0x58a: {  	[tilespmem:$0x5B78] =	vst v0  }
0x58b: {  	[tilespmem:$0x5B68] =	vst v0  }
0x58c: {  	[tilespmem:$0x5B58] =	vst v0  }
0x58d: {  	[tilespmem:$0x5B48] =	vst v0  }
0x58e: {  	[tilespmem:$0x5B38] =	vst v0  }
0x58f: {  	[tilespmem:$0x5B28] =	vst v0  }
0x590: {  	[tilespmem:$0x5B18] =	vst v0  }
0x591: {  	[tilespmem:$0x5B08] =	vst v0  }
0x592: {  	[tilespmem:$0x5AF8] =	vst v0  }
0x593: {  	[tilespmem:$0x5AE8] =	vst v0  }
0x594: {  	[tilespmem:$0x5AD8] =	vst v0  }
0x595: {  	[tilespmem:$0x5AC8] =	vst v0  }
0x596: {  	[tilespmem:$0x5AB8] =	vst v0  }
0x597: {  	[tilespmem:$0x5AA8] =	vst v0  }
0x598: {  	[tilespmem:$0x5A98] =	vst v0  }
0x599: {  	[tilespmem:$0x5A88] =	vst v0  }
0x59a: {  	[tilespmem:$0x5A78] =	vst v0  }
0x59b: {  	[tilespmem:$0x5A68] =	vst v0  }
0x59c: {  	[tilespmem:$0x5A58] =	vst v0  }
0x59d: {  	[tilespmem:$0x5A48] =	vst v0  }
0x59e: {  	[tilespmem:$0x5A38] =	vst v0  }
0x59f: {  	[tilespmem:$0x5A28] =	vst v0  }
0x5a0: {  	[tilespmem:$0x5A18] =	vst v0  }
0x5a1: {  	[tilespmem:$0x5A08] =	vst v0  }
0x5a2: {  	[tilespmem:$0x59F8] =	vst v0  }
0x5a3: {  	[tilespmem:$0x59E8] =	vst v0  }
0x5a4: {  	[tilespmem:$0x59D8] =	vst v0  }
0x5a5: {  	[tilespmem:$0x59C8] =	vst v0  }
0x5a6: {  	[tilespmem:$0x59B8] =	vst v0  }
0x5a7: {  	[tilespmem:$0x59A8] =	vst v0  }
0x5a8: {  	[tilespmem:$0x5998] =	vst v0  }
0x5a9: {  	[tilespmem:$0x5988] =	vst v0  }
0x5aa: {  	[tilespmem:$0x5978] =	vst v0  }
0x5ab: {  	[tilespmem:$0x5968] =	vst v0  }
0x5ac: {  	[tilespmem:$0x5958] =	vst v0  }
0x5ad: {  	[tilespmem:$0x5948] =	vst v0  }
0x5ae: {  	[tilespmem:$0x5938] =	vst v0  }
0x5af: {  	[tilespmem:$0x5928] =	vst v0  }
0x5b0: {  	[tilespmem:$0x5918] =	vst v0  }
0x5b1: {  	[tilespmem:$0x5908] =	vst v0  }
0x5b2: {  	[tilespmem:$0x58F8] =	vst v0  }
0x5b3: {  	[tilespmem:$0x58E8] =	vst v0  }
0x5b4: {  	[tilespmem:$0x58D8] =	vst v0  }
0x5b5: {  	[tilespmem:$0x58C8] =	vst v0  }
0x5b6: {  	[tilespmem:$0x58B8] =	vst v0  }
0x5b7: {  	[tilespmem:$0x58A8] =	vst v0  }
0x5b8: {  	[tilespmem:$0x5898] =	vst v0  }
0x5b9: {  	[tilespmem:$0x5888] =	vst v0  }
0x5ba: {  	[tilespmem:$0x5878] =	vst v0  }
0x5bb: {  	[tilespmem:$0x5868] =	vst v0  }
0x5bc: {  	[tilespmem:$0x5858] =	vst v0  }
0x5bd: {  	[tilespmem:$0x5848] =	vst v0  }
0x5be: {  	[tilespmem:$0x5838] =	vst v0  }
0x5bf: {  	[tilespmem:$0x5828] =	vst v0  }
0x5c0: {  	[tilespmem:$0x5818] =	vst v0  }
0x5c1: {  	[tilespmem:$0x5808] =	vst v0  }
0x5c2: {  	[tilespmem:$0x57F8] =	vst v0  }
0x5c3: {  	[tilespmem:$0x57E8] =	vst v0  }
0x5c4: {  	[tilespmem:$0x57D8] =	vst v0  }
0x5c5: {  	[tilespmem:$0x57C8] =	vst v0  }
0x5c6: {  	[tilespmem:$0x57B8] =	vst v0  }
0x5c7: {  	[tilespmem:$0x57A8] =	vst v0  }
0x5c8: {  	[tilespmem:$0x5798] =	vst v0  }
0x5c9: {  	[tilespmem:$0x5788] =	vst v0  }
0x5ca: {  	[tilespmem:$0x5778] =	vst v0  }
0x5cb: {  	[tilespmem:$0x5768] =	vst v0  }
0x5cc: {  	[tilespmem:$0x5758] =	vst v0  }
0x5cd: {  	[tilespmem:$0x5748] =	vst v0  }
0x5ce: {  	[tilespmem:$0x5738] =	vst v0  }
0x5cf: {  	[tilespmem:$0x5728] =	vst v0  }
0x5d0: {  	[tilespmem:$0x5718] =	vst v0  }
0x5d1: {  	[tilespmem:$0x5708] =	vst v0  }
0x5d2: {  	[tilespmem:$0x56F8] =	vst v0  }
0x5d3: {  	[tilespmem:$0x56E8] =	vst v0  }
0x5d4: {  	[tilespmem:$0x56D8] =	vst v0  }
0x5d5: {  	[tilespmem:$0x56C8] =	vst v0  }
0x5d6: {  	[tilespmem:$0x56B8] =	vst v0  }
0x5d7: {  	[tilespmem:$0x56A8] =	vst v0  }
0x5d8: {  	[tilespmem:$0x5698] =	vst v0  }
0x5d9: {  	[tilespmem:$0x5688] =	vst v0  }
0x5da: {  	[tilespmem:$0x5678] =	vst v0  }
0x5db: {  	[tilespmem:$0x5668] =	vst v0  }
0x5dc: {  	[tilespmem:$0x5658] =	vst v0  }
0x5dd: {  	[tilespmem:$0x5648] =	vst v0  }
0x5de: {  	[tilespmem:$0x5638] =	vst v0  }
0x5df: {  	[tilespmem:$0x5628] =	vst v0  }
0x5e0: {  	[tilespmem:$0x5618] =	vst v0  }
0x5e1: {  	[tilespmem:$0x5608] =	vst v0  }
0x5e2: {  	[tilespmem:$0x55F8] =	vst v0  }
0x5e3: {  	[tilespmem:$0x55E8] =	vst v0  }
0x5e4: {  	[tilespmem:$0x55D8] =	vst v0  }
0x5e5: {  	[tilespmem:$0x55C8] =	vst v0  }
0x5e6: {  	[tilespmem:$0x55B8] =	vst v0  }
0x5e7: {  	[tilespmem:$0x55A8] =	vst v0  }
0x5e8: {  	[tilespmem:$0x5598] =	vst v0  }
0x5e9: {  	[tilespmem:$0x5588] =	vst v0  }
0x5ea: {  	[tilespmem:$0x5578] =	vst v0  }
0x5eb: {  	[tilespmem:$0x5568] =	vst v0  }
0x5ec: {  	[tilespmem:$0x5558] =	vst v0  }
0x5ed: {  	[tilespmem:$0x5548] =	vst v0  }
0x5ee: {  	[tilespmem:$0x5538] =	vst v0  }
0x5ef: {  	[tilespmem:$0x5528] =	vst v0  }
0x5f0: {  	[tilespmem:$0x5518] =	vst v0  }
0x5f1: {  	[tilespmem:$0x5508] =	vst v0  }
0x5f2: {  	[tilespmem:$0x54F8] =	vst v0  }
0x5f3: {  	[tilespmem:$0x54E8] =	vst v0  }
0x5f4: {  	[tilespmem:$0x54D8] =	vst v0  }
0x5f5: {  	[tilespmem:$0x54C8] =	vst v0  }
0x5f6: {  	[tilespmem:$0x54B8] =	vst v0  }
0x5f7: {  	s6 =	stileid.u32;
	[tilespmem:$0x54A8] =	vst v0  }
0x5f8: {  	s24 =	smul.u32 $0x46, s6;
	[tilespmem:$0x5498] =	vst v0  }
0x5f9: {  	s1 =	smin.u32 s6, $0x5;
	[tilespmem:$0x5488] =	vst v0  }
0x5fa: {  	[tilespmem:$0x5478] =	vst v0;
	s0 =	sadd.s32 s1, s24  }
0x5fb: {  	p0 =	slt.u32 s6, $0x5;
	[tilespmem:$0x5468] =	vst v0;
	s1 =	simm.s32 $0x1630;
	s18 =	smul.u32 $0x50, s0  }
0x5fc: {  	s1 =	simm.s32 @!p0 $0x15E0;
	[tilespmem:$0x5438] =	vst v0  }
0x5fd: {  	[tilespmem:$0x5448] =	vst v0;
	s0 =	sadd.s32 s1, s18  }
0x5fe: {  	[tilespmem:$0x5428] =	vst v0;
	s7 =	smin.u32 s0, $0x15F90  }
0x5ff: {  	s5 =	simm.s32 $0x2;
	[tilespmem:$0x53B8] =	vst v0;
	s0 =	ssub.s32 s7, s18  }
0x600: {  	s8 =	simm.s32 $0x7;
	s29 =	simm.s32 $0x8;
	[tilespmem:$0x5418] =	vst v0;
	p0 =	sgt.s32 s0, $0x0  }
0x601: {  	s31 =	simm.s32 $0x9;
	s22 =	simm.s32 $0x0;
	[tilespmem:$0x5408] =	vst v0;
	s0 =	simm.s32 @!p0 $0x0  }
0x602: {  	p1 =	por $0x0, $0x0;
	s16 =	simm.s32 $0x80;
	[tilespmem:$0x53F8] =	vst v0;
	s25 =	smulhi.u32 $0x66666667, s0  }
0x603: {  	s17 =	simm.s32 $0x400;
	s2 =	simm.s32 $0xA;
	s19 =	simm.s32 $0x0;
	[tilespmem:$0x53E8] =	vst v0  }
0x604: {  	s21 =	simm.s32 $0x0;
	s30 =	smul.u32 $0x980, s6;
	[tilespmem:$0x53D8] =	vst v0;
	s1 =	sshrl.u32 s25, $0x5  }
0x605: {  	s4 =	sadd.s32 $0x13200, s3;
	s26 =	sadd.s32 $0xC600, s3;
	[tilespmem:$0x53C8] =	vst v0;
	s28 =	smul.u32 $0x50, s1  }
.Ltmp0:
0x606: {  	s3 =	sadd.s32 $0x88C00, s3;
	[tilespmem:$0x53A8] =	vst v0;
	[sflag:s5] =	ssyncpa.u1 $0x0;
	v0 =	vimm.s32 $0xFFFFFFFF;
	(pc) =	sbr.rel .LBB2_1-.Ltmp0, $4  }
0x607: {  	[tilespmem:$0xC2C8] =	vst v0;
	[sflag:s8] =	ssyncpa.u1 $0x0;
	p0 =	sne.s32 s0, s28;
	s0 =	simm.s32 $0x1  }
0x608: {  	[dreg:$0x3] =	wrdreg s26;
	[sflag:s29] =	ssyncpa.u1 $0x0;
	s0 =	simm.s32 @!p0 $0x0  }
0x609: {  	s14 =	sshrl.u32 s30, $0x2;
	[sflag:s31] =	ssyncpa.u1 $0x0;
	s13 =	sadd.s32 s0, s1  }
0x60a: {  	v0 =	vlaneseq.u32;
	s20 =	smov.u32 s18;
	p0 =	por $0x1, $0x1;
	s12 =	sadd.s32 $0x1, s13  }
.LBB2_28:
0x60b: {  	s0 =	sshrl.u32 s31, $0x2;
	s2 =	simm.s32 $0xA  }
.LBB2_30:
0x60c: {  	_ =	swait.ge [sflag:s2], s0  }
0x60d: {  	s31 =	ssub.s32 $0x0, s0;
	v1 =	vmov s24;
	vm0 =	veq.s32 v0, $0x0;
	[sflag:s2] =	ssyncset.done $0x0  }
0x60e: {  	vm15 =	veq.s32 v0, $0x2;
	v1 =	vsel vm0, s30, v1;
	[sflag:s2] =	ssyncadd.s32 s31  }
0x60f: {  	v1 =	vsel vm15, s22, v1;
	[sflag:s2] =	ssyncpa.u1 $0x1  }
0x610: {  	[tilespmem:$0xC2C8] =	vst v1  }
.LBB2_31:
0x611: {  	s0 =	sadd.s32 $0x50, s20  }
0x612: {  	s1 =	smov.u32 s18;
	p2 =	slt.s32 s0, s7  }
0x613: {  	s1 =	smov.u32 @p2 s0;
	p2 =	sne.s32 s21, s12  }
.Ltmp1:
0x614: {  	_ = 	snop;
	(pc) =	sbr.rel @!p2 .LBB2_32-.Ltmp1, $4  }
0x615: {  	_ = 	snop  }
0x616: {  	s22 =	smov.u32 s19  }
0x617: {  	s31 =	sadd.s32 $0x1, s21;
	s19 =	smov.u32 s20;
	p0 =	por !p0, !p0  }
0x618: {  	p1 =	por !p1, !p1;
	s21 =	smov.u32 s31;
	s20 =	smov.u32 s1  }
.LBB2_1:
0x619: {  	p2 =	sge.u32 s21, s13  }
0x61a: {  	s0 =	smulhi.u32 @!p2 $0xAAAAAAAB, s21  }
0x61b: {  	s1 =	smov.u32 s20;
	p3 =	sgt.s32 @!p2 s20, $0x15F40  }
0x61c: {  	s5 =	sshra.s32 @!p2 s20, $0x1F;
	p3 =	por !p3, p2;
	s0 =	sshrl.u32 @!p2 s0, $0x1  }
0x61d: {  	s5 =	sand.u32 @!p2 s5, s20;
	s1 =	simm.s32 @p3 $0x15F40;
	s0 =	smul.u32 @!p2 $0x3, s0  }
0x61e: {  	s1 =	ssub.s32 @!p2 s1, s5  }
0x61f: {  	s1 =	sadd.s32 @!p2 $0xFFFEA0C0, s1;
	s0 =	ssub.s32 @!p2 s21, s0  }
0x620: {  	s5 =	sshll.u32 @!p2 s1, $0x2;
	p3 =	sgt.s32 @!p2 s1, $0x4F;
	s0 =	smul.u32 @!p2 $0x140, s0  }
0x621: {  	s8 =	sand.u32 @!p2 $0x7, s20;
	s1 =	ssub.s32 @!p2 $0x140, s5;
	p3 =	por !p3, p2  }
0x622: {  	s5 =	sshrl.u32 @!p2 s20, $0x3;
	s1 =	sshrl.u32 @!p2 s1, $0x2;
	s0 =	sshrl.u32 @!p2 s0, $0x2  }
0x623: {  	s5 =	sadd.s32 @!p2 s10, s5;
	s1 =	simm.s32 @!p3 $0x0;
	s0 =	sadd.s32 @!p2 $0xE8F8, s0  }
0x624: {  	[tilespmem:s0], [sflag:$0x8] =	stream.linear.gather @!p2 [hbm4b:s5+s8], s1, $0x38;
	[tilespmem:$0x1DA88] =	vst v63  }
0x625: {  	s0 =	sadd.s32 $0xFFFFFFFF, s21  }
0x626: {  	p2 =	sge.u32 s0, s13  }
.Ltmp2:
0x627: {  	_ = 	snop;
	(pc) =	sbr.rel @p2 .LBB2_13-.Ltmp2, $1  }
0x628: {  	_ =	sdelay $0x3  }
0x629: {  	p2 =	sgt.s32 s19, $0x15F40;
	s5 =	smov.u32 s19;
	s8 =	sshra.s32 s19, $0x1F  }
0x62a: {  	s5 =	simm.s32 @!p2 $0x15F40;
	s8 =	sand.u32 s8, s19  }
0x62b: {  	s5 =	ssub.s32 s5, s8  }
0x62c: {  	s23 =	smulhi.u32 $0xAAAAAAAB, s0;
	s5 =	sadd.s32 $0xFFFEA0C0, s5  }
0x62d: {  	s24 =	sand.u32 $0x1, s0;
	s9 =	sshll.u32 s5, $0x2  }
0x62e: {  	s26 =	smul.u32 $0x140, s24;
	s8 =	sshrl.u32 s23, $0x1;
	s9 =	ssub.s32 $0x140, s9  }
0x62f: {  	s8 =	smul.u32 $0x3, s8;
	p2 =	sgt.s32 s5, $0x4F;
	s5 =	sshrl.u32 s9, $0x2  }
0x630: {  	s6 =	simm.s32 $0x8;
	s24 =	sshrl.u32 s19, $0x3;
	s5 =	simm.s32 @p2 $0x0  }
0x631: {  	s25 =	ssub.s32 s0, s8;
	s8 =	sshrl.u32 s26, $0x2;
	_ =	swait.ge [sflag:s6], s5  }
0x632: {  	s0 =	smul.u32 $0x140, s25;
	s29 =	ssub.s32 $0x0, s5;
	[sflag:s6] =	ssyncset.done $0x0  }
0x633: {  	s8 =	sadd.s32 $0xE9E8, s8;
	s30 =	rddreg [dreg:$0x3];
	[sflag:s6] =	ssyncadd.s32 s29  }
0x634: {  	s31 =	sadd.s32 s30, s24;
	s6 =	sand.u32 $0x7, s19;
	s24 =	sshrl.u32 s0, $0x2  }
0x635: {  	[tilespmem:s8], [sflag:$0x9] =	stream.linear.gather [hbm4b:s31+s6], s5, $0x38;
	[tilespmem:$0x1DA88] =	vst v63  }
0x636: {  	v1 =	vld.msk [tilespmem:s24+$0xE8F8], $0xffff;
	_ =	sdelay $0x3  }
0x637: {  	s9 =	simm.s32 $0x0  }
0x638: {  	(v2sf) =	vpush v1, s9;
	_ =	sdelay $0x5  }
0x639: {  	s11 =	simm.s32 $0x1  }
0x63a: {  	(v2sf) =	vpush v1, s11;
	_ =	sdelay $0x3  }
0x63b: {  	s1 =	simm.s32 $0x1  }
0x63c: {  	s1 =	simm.s32 @!p0 $0x0;
	s30 =	simm.s32 $0x2  }
0x63d: {  	s1 =	smul.u32 $0x1E000, s1;
	(v2sf) =	vpush v1, s30  }
0x63e: {  	s31 =	simm.s32 $0x3  }
0x63f: {  	s1 =	sshrl.u32 s1, $0x2;
	s15 =	spop (v2sf);
	(v2sf) =	vpush v1, s31  }
0x640: {  	s23 =	sadd.s32 $0x14A88, s1;
	s26 =	sadd.s32 $0x11A88, s1  }
0x641: {  	s28 =	sor.u32 $0x10288, s1;
	s25 =	sadd.s32 $0x13288, s1;
	s29 =	sshrl.u32 s15, $0x3  }
0x642: {  	s0 =	sadd.s32 $0xEA88, s1;
	s1 =	sshll.u32 s15, $0x7;
	s5 =	smul.u32 $0xC00, s29  }
0x643: {  	s1 =	sand.u32 $0x380, s1  }
0x644: {  	s1 =	sor.u32 s1, s5  }
0x645: {  	s1 =	sshrl.u32 s1, $0x3  }
0x646: {  	s5 =	spop (v2sf);
	s1 =	sadd.s32 s3, s1  }
0x647: {  	[tilespmem:s0], [sflag:$0x7] =	stream.strided.gather [hbm4b:s1+s16], $0x180, s17, s16, $0x38;
	[tilespmem:$0x1DA88] =	vst v63  }
0x648: {  	s9 =	sshrl.u32 s5, $0x3;
	s1 =	simm.s32 $0x4  }
.LBB2_3:
0x649: {  	(v2sf) =	vpush v1, s1;
	s8 =	smul.u32 $0xC00, s9;
	s5 =	sshll.u32 s5, $0x7;
	p2 =	seq.s32 s1, $0xF  }
.Ltmp3:
0x64a: {  	s1 =	sadd.s32 $0x1, s1;
	s5 =	sand.u32 $0x380, s5;
	(pc) =	sbr.rel @!p2 .LBB2_3-.Ltmp3, $4  }
0x64b: {  	s8 =	sor.u32 s5, s8  }
0x64c: {  	s5 =	spop (v2sf);
	s8 =	sshrl.u32 s8, $0x3  }
0x64d: {  	s0 =	sadd.s32 $0x180, s0;
	s9 =	sshrl.u32 s5, $0x3;
	s8 =	sadd.s32 s3, s8  }
0x64e: {  	[tilespmem:s0], [sflag:$0x7] =	stream.strided.gather [hbm4b:s8+s16], $0x180, s17, s16, $0x38;
	[tilespmem:$0x1DA88] =	vst v63  }
0x64f: {  	s1 =	smul.u32 $0xC00, s9;
	s5 =	sshll.u32 s5, $0x7  }
0x650: {  	s5 =	sand.u32 $0x380, s5  }
0x651: {  	s29 =	spop (v2sf);
	s0 =	sadd.s32 $0x180, s0;
	s1 =	sor.u32 s5, s1  }
0x652: {  	s8 =	sshrl.u32 s29, $0x3;
	s5 =	sshll.u32 s29, $0x7;
	s1 =	sshrl.u32 s1, $0x3  }
0x653: {  	s30 =	smul.u32 $0xC00, s8;
	s5 =	sand.u32 $0x380, s5;
	s1 =	sadd.s32 s3, s1  }
0x654: {  	[tilespmem:s0], [sflag:$0x7] =	stream.strided.gather [hbm4b:s1+s16], $0x180, s17, s16, $0x38;
	[tilespmem:$0x1DA88] =	vst v63  }
0x655: {  	s1 =	sor.u32 s5, s30  }
0x656: {  	s1 =	sshrl.u32 s1, $0x3  }
0x657: {  	s0 =	sadd.s32 $0x180, s0;
	s1 =	sadd.s32 s3, s1  }
0x658: {  	[tilespmem:s0], [sflag:$0x7] =	stream.strided.gather [hbm4b:s1+s16], $0x180, s17, s16, $0x38;
	[tilespmem:$0x1DA88] =	vst v63  }
0x659: {  	s31 =	spop (v2sf)  }
0x65a: {  	s6 =	sshrl.u32 s31, $0x3  }
0x65b: {  	s5 =	sshll.u32 s31, $0x7;
	s8 =	smul.u32 $0xC00, s6  }
0x65c: {  	s5 =	sand.u32 $0x380, s5  }
0x65d: {  	s1 =	sor.u32 s5, s8  }
0x65e: {  	s1 =	sshrl.u32 s1, $0x3  }
0x65f: {  	s0 =	sadd.s32 $0x180, s0;
	s1 =	sadd.s32 s3, s1  }
0x660: {  	[tilespmem:s0], [sflag:$0x7] =	stream.strided.gather [hbm4b:s1+s16], $0x180, s17, s16, $0x38;
	[tilespmem:$0x1DA88] =	vst v63  }
0x661: {  	v1 =	vld.msk [tilespmem:s24+$0xE908], $0xffff;
	_ =	sdelay $0x3  }
0x662: {  	s9 =	simm.s32 $0x0  }
0x663: {  	(v2sf) =	vpush v1, s9;
	_ =	sdelay $0x7  }
0x664: {  	s11 =	simm.s32 $0x1  }
0x665: {  	(v2sf) =	vpush v1, s11;
	_ =	sdelay $0x4  }
0x666: {  	s30 =	simm.s32 $0x2  }
0x667: {  	s15 =	spop (v2sf);
	(v2sf) =	vpush v1, s30  }
0x668: {  	s31 =	simm.s32 $0x3  }
0x669: {  	(v2sf) =	vpush v1, s31;
	_ =	sdelay $0x1  }
0x66a: {  	s29 =	sshrl.u32 s15, $0x3  }
0x66b: {  	s0 =	sshll.u32 s15, $0x7;
	s1 =	smul.u32 $0xC00, s29  }
0x66c: {  	s0 =	sand.u32 $0x380, s0  }
0x66d: {  	s0 =	sor.u32 s0, s1  }
0x66e: {  	s0 =	sshrl.u32 s0, $0x3  }
0x66f: {  	s1 =	spop (v2sf);
	s0 =	sadd.s32 s3, s0  }
0x670: {  	[tilespmem:s28], [sflag:$0x7] =	stream.strided.gather [hbm4b:s0+s16], $0x180, s17, s16, $0x38;
	[tilespmem:$0x1DA88] =	vst v63  }
0x671: {  	s5 =	sshrl.u32 s1, $0x3;
	s0 =	simm.s32 $0x4  }
.LBB2_5:
0x672: {  	(v2sf) =	vpush v1, s0;
	s5 =	smul.u32 $0xC00, s5;
	s1 =	sshll.u32 s1, $0x7;
	p2 =	sne.s32 s0, $0xF  }
.Ltmp4:
0x673: {  	s0 =	sadd.s32 $0x1, s0;
	s1 =	sand.u32 $0x380, s1;
	(pc) =	sbr.rel @p2 .LBB2_5-.Ltmp4, $4  }
0x674: {  	s5 =	sor.u32 s1, s5  }
0x675: {  	s1 =	spop (v2sf);
	s8 =	sshrl.u32 s5, $0x3  }
0x676: {  	s28 =	sadd.s32 $0x180, s28;
	s5 =	sshrl.u32 s1, $0x3;
	s8 =	sadd.s32 s3, s8  }
0x677: {  	[tilespmem:s28], [sflag:$0x7] =	stream.strided.gather [hbm4b:s8+s16], $0x180, s17, s16, $0x38;
	[tilespmem:$0x1DA88] =	vst v63  }
0x678: {  	s0 =	smul.u32 $0xC00, s5;
	s1 =	sshll.u32 s1, $0x7  }
0x679: {  	s1 =	sand.u32 $0x380, s1  }
0x67a: {  	s11 =	spop (v2sf);
	s8 =	sadd.s32 $0x180, s28;
	s0 =	sor.u32 s1, s0  }
0x67b: {  	s15 =	sshrl.u32 s11, $0x3;
	s1 =	sshll.u32 s11, $0x7;
	s0 =	sshrl.u32 s0, $0x3  }
0x67c: {  	s29 =	smul.u32 $0xC00, s15;
	s1 =	sand.u32 $0x380, s1;
	s0 =	sadd.s32 s3, s0  }
0x67d: {  	[tilespmem:s8], [sflag:$0x7] =	stream.strided.gather [hbm4b:s0+s16], $0x180, s17, s16, $0x38;
	[tilespmem:$0x1DA88] =	vst v63  }
0x67e: {  	s0 =	sor.u32 s1, s29  }
0x67f: {  	s0 =	sshrl.u32 s0, $0x3  }
0x680: {  	s8 =	sadd.s32 $0x180, s8;
	s0 =	sadd.s32 s3, s0  }
0x681: {  	[tilespmem:s8], [sflag:$0x7] =	stream.strided.gather [hbm4b:s0+s16], $0x180, s17, s16, $0x38;
	[tilespmem:$0x1DA88] =	vst v63  }
0x682: {  	s30 =	spop (v2sf)  }
0x683: {  	s31 =	sshrl.u32 s30, $0x3  }
0x684: {  	s1 =	sshll.u32 s30, $0x7;
	s6 =	smul.u32 $0xC00, s31  }
0x685: {  	s1 =	sand.u32 $0x380, s1  }
0x686: {  	s0 =	sor.u32 s1, s6  }
0x687: {  	s0 =	sshrl.u32 s0, $0x3  }
0x688: {  	s9 =	sadd.s32 $0x180, s8;
	s0 =	sadd.s32 s3, s0  }
0x689: {  	[tilespmem:s9], [sflag:$0x7] =	stream.strided.gather [hbm4b:s0+s16], $0x180, s17, s16, $0x38;
	[tilespmem:$0x1DA88] =	vst v63  }
0x68a: {  	v1 =	vld.msk [tilespmem:s24+$0xE918], $0xffff;
	_ =	sdelay $0x3  }
0x68b: {  	s11 =	simm.s32 $0x0  }
0x68c: {  	(v2sf) =	vpush v1, s11;
	_ =	sdelay $0x7  }
0x68d: {  	s15 =	simm.s32 $0x1  }
0x68e: {  	(v2sf) =	vpush v1, s15;
	_ =	sdelay $0x4  }
0x68f: {  	s30 =	simm.s32 $0x2  }
0x690: {  	s28 =	spop (v2sf);
	(v2sf) =	vpush v1, s30  }
0x691: {  	s31 =	simm.s32 $0x3  }
0x692: {  	(v2sf) =	vpush v1, s31;
	_ =	sdelay $0x1  }
0x693: {  	s29 =	sshrl.u32 s28, $0x3  }
0x694: {  	s0 =	sshll.u32 s28, $0x7;
	s1 =	smul.u32 $0xC00, s29  }
0x695: {  	s0 =	sand.u32 $0x380, s0  }
0x696: {  	s0 =	sor.u32 s0, s1  }
0x697: {  	s0 =	sshrl.u32 s0, $0x3  }
0x698: {  	s1 =	spop (v2sf);
	s0 =	sadd.s32 s3, s0  }
0x699: {  	[tilespmem:s26], [sflag:$0x7] =	stream.strided.gather [hbm4b:s0+s16], $0x180, s17, s16, $0x38;
	[tilespmem:$0x1DA88] =	vst v63  }
0x69a: {  	s5 =	sshrl.u32 s1, $0x3;
	s0 =	simm.s32 $0x4  }
.LBB2_7:
0x69b: {  	(v2sf) =	vpush v1, s0;
	s5 =	smul.u32 $0xC00, s5;
	s1 =	sshll.u32 s1, $0x7;
	p2 =	sne.s32 s0, $0xF  }
.Ltmp5:
0x69c: {  	s0 =	sadd.s32 $0x1, s0;
	s1 =	sand.u32 $0x380, s1;
	(pc) =	sbr.rel @p2 .LBB2_7-.Ltmp5, $4  }
0x69d: {  	s5 =	sor.u32 s1, s5  }
0x69e: {  	s1 =	spop (v2sf);
	s8 =	sshrl.u32 s5, $0x3  }
0x69f: {  	s26 =	sadd.s32 $0x180, s26;
	s5 =	sshrl.u32 s1, $0x3;
	s8 =	sadd.s32 s3, s8  }
0x6a0: {  	[tilespmem:s26], [sflag:$0x7] =	stream.strided.gather [hbm4b:s8+s16], $0x180, s17, s16, $0x38;
	[tilespmem:$0x1DA88] =	vst v63  }
0x6a1: {  	s0 =	smul.u32 $0xC00, s5;
	s1 =	sshll.u32 s1, $0x7  }
0x6a2: {  	s1 =	sand.u32 $0x380, s1  }
0x6a3: {  	s28 =	spop (v2sf);
	s8 =	sadd.s32 $0x180, s26;
	s0 =	sor.u32 s1, s0  }
0x6a4: {  	s29 =	sshrl.u32 s28, $0x3;
	s1 =	sshll.u32 s28, $0x7;
	s0 =	sshrl.u32 s0, $0x3  }
0x6a5: {  	s30 =	smul.u32 $0xC00, s29;
	s1 =	sand.u32 $0x380, s1;
	s0 =	sadd.s32 s3, s0  }
0x6a6: {  	[tilespmem:s8], [sflag:$0x7] =	stream.strided.gather [hbm4b:s0+s16], $0x180, s17, s16, $0x38;
	[tilespmem:$0x1DA88] =	vst v63  }
0x6a7: {  	s0 =	sor.u32 s1, s30  }
0x6a8: {  	s0 =	sshrl.u32 s0, $0x3  }
0x6a9: {  	s8 =	sadd.s32 $0x180, s8;
	s0 =	sadd.s32 s3, s0  }
0x6aa: {  	[tilespmem:s8], [sflag:$0x7] =	stream.strided.gather [hbm4b:s0+s16], $0x180, s17, s16, $0x38;
	[tilespmem:$0x1DA88] =	vst v63  }
0x6ab: {  	s31 =	spop (v2sf)  }
0x6ac: {  	s6 =	sshrl.u32 s31, $0x3  }
0x6ad: {  	s1 =	sshll.u32 s31, $0x7;
	s9 =	smul.u32 $0xC00, s6  }
0x6ae: {  	s1 =	sand.u32 $0x380, s1  }
0x6af: {  	s0 =	sor.u32 s1, s9  }
0x6b0: {  	s0 =	sshrl.u32 s0, $0x3  }
0x6b1: {  	s11 =	sadd.s32 $0x180, s8;
	s0 =	sadd.s32 s3, s0  }
0x6b2: {  	[tilespmem:s11], [sflag:$0x7] =	stream.strided.gather [hbm4b:s0+s16], $0x180, s17, s16, $0x38;
	[tilespmem:$0x1DA88] =	vst v63  }
0x6b3: {  	v1 =	vld.msk [tilespmem:s24+$0xE928], $0xffff;
	_ =	sdelay $0x3  }
0x6b4: {  	s15 =	simm.s32 $0x0  }
0x6b5: {  	(v2sf) =	vpush v1, s15;
	_ =	sdelay $0x7  }
0x6b6: {  	s26 =	simm.s32 $0x1  }
0x6b7: {  	(v2sf) =	vpush v1, s26;
	_ =	sdelay $0x4  }
0x6b8: {  	s30 =	simm.s32 $0x2  }
0x6b9: {  	s28 =	spop (v2sf);
	(v2sf) =	vpush v1, s30  }
0x6ba: {  	s31 =	simm.s32 $0x3  }
0x6bb: {  	(v2sf) =	vpush v1, s31;
	_ =	sdelay $0x1  }
0x6bc: {  	s29 =	sshrl.u32 s28, $0x3  }
0x6bd: {  	s0 =	sshll.u32 s28, $0x7;
	s1 =	smul.u32 $0xC00, s29  }
0x6be: {  	s0 =	sand.u32 $0x380, s0  }
0x6bf: {  	s0 =	sor.u32 s0, s1  }
0x6c0: {  	s0 =	sshrl.u32 s0, $0x3  }
0x6c1: {  	s1 =	spop (v2sf);
	s0 =	sadd.s32 s3, s0  }
0x6c2: {  	[tilespmem:s25], [sflag:$0x7] =	stream.strided.gather [hbm4b:s0+s16], $0x180, s17, s16, $0x38;
	[tilespmem:$0x1DA88] =	vst v63  }
0x6c3: {  	s5 =	sshrl.u32 s1, $0x3;
	s0 =	simm.s32 $0x4  }
.LBB2_9:
0x6c4: {  	(v2sf) =	vpush v1, s0;
	s5 =	smul.u32 $0xC00, s5;
	s1 =	sshll.u32 s1, $0x7;
	p2 =	sne.s32 s0, $0xF  }
.Ltmp6:
0x6c5: {  	s0 =	sadd.s32 $0x1, s0;
	s1 =	sand.u32 $0x380, s1;
	(pc) =	sbr.rel @p2 .LBB2_9-.Ltmp6, $4  }
0x6c6: {  	s5 =	sor.u32 s1, s5  }
0x6c7: {  	s1 =	spop (v2sf);
	s8 =	sshrl.u32 s5, $0x3  }
0x6c8: {  	s25 =	sadd.s32 $0x180, s25;
	s5 =	sshrl.u32 s1, $0x3;
	s8 =	sadd.s32 s3, s8  }
0x6c9: {  	[tilespmem:s25], [sflag:$0x7] =	stream.strided.gather [hbm4b:s8+s16], $0x180, s17, s16, $0x38;
	[tilespmem:$0x1DA88] =	vst v63  }
0x6ca: {  	s0 =	smul.u32 $0xC00, s5;
	s1 =	sshll.u32 s1, $0x7  }
0x6cb: {  	s1 =	sand.u32 $0x380, s1  }
0x6cc: {  	s30 =	spop (v2sf);
	s8 =	sadd.s32 $0x180, s25;
	s0 =	sor.u32 s1, s0  }
0x6cd: {  	s31 =	sshrl.u32 s30, $0x3;
	s1 =	sshll.u32 s30, $0x7;
	s0 =	sshrl.u32 s0, $0x3  }
0x6ce: {  	s5 =	smul.u32 $0xC00, s31;
	s1 =	sand.u32 $0x380, s1;
	s0 =	sadd.s32 s3, s0  }
0x6cf: {  	[tilespmem:s8], [sflag:$0x7] =	stream.strided.gather [hbm4b:s0+s16], $0x180, s17, s16, $0x38;
	[tilespmem:$0x1DA88] =	vst v63  }
0x6d0: {  	s0 =	sor.u32 s1, s5  }
0x6d1: {  	s0 =	sshrl.u32 s0, $0x3  }
0x6d2: {  	s8 =	sadd.s32 $0x180, s8;
	s0 =	sadd.s32 s3, s0  }
0x6d3: {  	[tilespmem:s8], [sflag:$0x7] =	stream.strided.gather [hbm4b:s0+s16], $0x180, s17, s16, $0x38;
	[tilespmem:$0x1DA88] =	vst v63  }
0x6d4: {  	s6 =	spop (v2sf)  }
0x6d5: {  	s9 =	sshrl.u32 s6, $0x3  }
0x6d6: {  	s1 =	sshll.u32 s6, $0x7;
	s11 =	smul.u32 $0xC00, s9  }
0x6d7: {  	s1 =	sand.u32 $0x380, s1  }
0x6d8: {  	s0 =	sor.u32 s1, s11  }
0x6d9: {  	s0 =	sshrl.u32 s0, $0x3  }
0x6da: {  	s15 =	sadd.s32 $0x180, s8;
	s0 =	sadd.s32 s3, s0  }
0x6db: {  	[tilespmem:s15], [sflag:$0x7] =	stream.strided.gather [hbm4b:s0+s16], $0x180, s17, s16, $0x38;
	[tilespmem:$0x1DA88] =	vst v63  }
0x6dc: {  	v1 =	vld.msk [tilespmem:s24+$0xE938], $0xffff;
	_ =	sdelay $0x3  }
0x6dd: {  	s25 =	simm.s32 $0x0  }
0x6de: {  	(v2sf) =	vpush v1, s25;
	_ =	sdelay $0x7  }
0x6df: {  	s26 =	simm.s32 $0x1  }
0x6e0: {  	(v2sf) =	vpush v1, s26;
	_ =	sdelay $0x4  }
0x6e1: {  	s30 =	simm.s32 $0x2  }
0x6e2: {  	s28 =	spop (v2sf);
	(v2sf) =	vpush v1, s30  }
0x6e3: {  	s31 =	simm.s32 $0x3  }
0x6e4: {  	(v2sf) =	vpush v1, s31;
	_ =	sdelay $0x1  }
0x6e5: {  	s29 =	sshrl.u32 s28, $0x3  }
0x6e6: {  	s0 =	sshll.u32 s28, $0x7;
	s1 =	smul.u32 $0xC00, s29  }
0x6e7: {  	s0 =	sand.u32 $0x380, s0  }
0x6e8: {  	s0 =	sor.u32 s0, s1  }
0x6e9: {  	s0 =	sshrl.u32 s0, $0x3  }
0x6ea: {  	s1 =	spop (v2sf);
	s0 =	sadd.s32 s3, s0  }
0x6eb: {  	[tilespmem:s23], [sflag:$0x7] =	stream.strided.gather [hbm4b:s0+s16], $0x180, s17, s16, $0x38;
	[tilespmem:$0x1DA88] =	vst v63  }
0x6ec: {  	s5 =	sshrl.u32 s1, $0x3;
	s0 =	simm.s32 $0x4  }
.LBB2_11:
0x6ed: {  	(v2sf) =	vpush v1, s0;
	s5 =	smul.u32 $0xC00, s5;
	s1 =	sshll.u32 s1, $0x7;
	p2 =	seq.s32 s0, $0xF  }
.Ltmp7:
0x6ee: {  	s0 =	sadd.s32 $0x1, s0;
	s1 =	sand.u32 $0x380, s1;
	(pc) =	sbr.rel @!p2 .LBB2_11-.Ltmp7, $4  }
0x6ef: {  	s5 =	sor.u32 s1, s5  }
0x6f0: {  	s1 =	spop (v2sf);
	s8 =	sshrl.u32 s5, $0x3  }
0x6f1: {  	s23 =	sadd.s32 $0x180, s23;
	s5 =	sshrl.u32 s1, $0x3;
	s8 =	sadd.s32 s3, s8  }
0x6f2: {  	[tilespmem:s23], [sflag:$0x7] =	stream.strided.gather [hbm4b:s8+s16], $0x180, s17, s16, $0x38;
	[tilespmem:$0x1DA88] =	vst v63  }
0x6f3: {  	s0 =	smul.u32 $0xC00, s5;
	s1 =	sshll.u32 s1, $0x7  }
0x6f4: {  	s1 =	sand.u32 $0x380, s1  }
0x6f5: {  	s24 =	spop (v2sf);
	s8 =	sadd.s32 $0x180, s23;
	s0 =	sor.u32 s1, s0  }
0x6f6: {  	s25 =	sshrl.u32 s24, $0x3;
	s1 =	sshll.u32 s24, $0x7;
	s0 =	sshrl.u32 s0, $0x3  }
0x6f7: {  	s26 =	smul.u32 $0xC00, s25;
	s1 =	sand.u32 $0x380, s1;
	s0 =	sadd.s32 s3, s0  }
0x6f8: {  	[tilespmem:s8], [sflag:$0x7] =	stream.strided.gather [hbm4b:s0+s16], $0x180, s17, s16, $0x38;
	[tilespmem:$0x1DA88] =	vst v63  }
0x6f9: {  	s0 =	sor.u32 s1, s26  }
0x6fa: {  	s0 =	sshrl.u32 s0, $0x3  }
0x6fb: {  	s8 =	sadd.s32 $0x180, s8;
	s0 =	sadd.s32 s3, s0  }
0x6fc: {  	[tilespmem:s8], [sflag:$0x7] =	stream.strided.gather [hbm4b:s0+s16], $0x180, s17, s16, $0x38;
	[tilespmem:$0x1DA88] =	vst v63  }
0x6fd: {  	s28 =	spop (v2sf)  }
0x6fe: {  	s29 =	sshrl.u32 s28, $0x3  }
0x6ff: {  	s1 =	sshll.u32 s28, $0x7;
	s30 =	smul.u32 $0xC00, s29  }
0x700: {  	s1 =	sand.u32 $0x380, s1  }
0x701: {  	s0 =	sor.u32 s1, s30  }
0x702: {  	s0 =	sshrl.u32 s0, $0x3  }
0x703: {  	s31 =	sadd.s32 $0x180, s8;
	s0 =	sadd.s32 s3, s0  }
0x704: {  	[tilespmem:s31], [sflag:$0x7] =	stream.strided.gather [hbm4b:s0+s16], $0x180, s17, s16, $0x38;
	[tilespmem:$0x1DA88] =	vst v63  }
.LBB2_13:
0x705: {  	p2 =	slt.u32 s21, $0x2  }
.Ltmp8:
0x706: {  	_ = 	snop;
	(pc) =	sbr.rel @p2 .LBB2_31-.Ltmp8, $1  }
0x707: {  	_ =	sdelay $0x3  }
0x708: {  	p2 =	sgt.s32 s22, $0x15F40;
	s0 =	smov.u32 s22;
	s1 =	sshra.s32 s22, $0x1F  }
0x709: {  	s0 =	simm.s32 @!p2 $0x15F40;
	s1 =	sand.u32 s1, s22  }
0x70a: {  	s0 =	ssub.s32 s0, s1  }
0x70b: {  	s0 =	sadd.s32 $0xFFFEA0C0, s0  }
0x70c: {  	s5 =	simm.s32 $0x7;
	s26 =	sshll.u32 s0, $0x2  }
0x70d: {  	_ =	swait.ge [sflag:s5], $0x7800;
	s1 =	ssub.s32 $0x140, s26  }
0x70e: {  	[sflag:s5] =	ssyncset.done $0x0;
	p2 =	sgt.s32 s0, $0x4F;
	s0 =	sshrl.u32 s1, $0x2  }
0x70f: {  	s29 =	simm.s32 $0x9;
	[sflag:s5] =	ssyncadd.s32 $0xFFFF8800;
	s0 =	simm.s32 @p2 $0x0  }
0x710: {  	_ =	swait.ge [sflag:s29], s0  }
0x711: {  	s0 =	ssub.s32 $0x0, s0;
	[sflag:s29] =	ssyncset.done $0x0  }
0x712: {  	[sflag:s29] =	ssyncadd.s32 s0  }
0x713: {  	v1 =	vld [tilespmem:$0xC2C8];
	_ =	sdelay $0x4  }
0x714: {  	(v2sf) =	vpush v1, $0x0  }
0x715: {  	(v2sf) =	vpush v1, $0x1  }
0x716: {  	(v2sf) =	vpush v1, $0x2;
	_ =	sdelay $0x3  }
0x717: {  	s0 =	sadd.s32 $0x50, s22  }
0x718: {  	s1 =	ssub.s32 $0x15F90, s22;
	p2 =	slt.s32 s7, s0  }
0x719: {  	s0 =	smov.u32 @p2 s7;
	p2 =	sgt.s32 s1, $0x0  }
0x71a: {  	s0 =	ssub.s32 s0, s22;
	s1 =	simm.s32 @!p2 $0x0  }
0x71b: {  	p2 =	slt.s32 s1, s0  }
0x71c: {  	s0 =	smov.u32 @p2 s1  }
0x71d: {  	s25 =	simm.s32 $0x1;
	p2 =	slt.s32 s0, $0x1  }
.Ltmp9:
0x71e: {  	s25 =	simm.s32 @!p1 $0x0;
	(pc) =	sbr.rel @p2 .LBB2_18-.Ltmp9, $4  }
0x71f: {  	s30 =	smul.u32 $0x140, s25  }
0x720: {  	s26 =	spop (v2sf)  }
0x721: {  	s31 =	sshrl.u32 s30, $0x2;
	s28 =	spop (v2sf)  }
0x722: {  	s23 =	sadd.s32 $0xE9E8, s31;
	s22 =	spop (v2sf)  }
0x723: {  	s1 =	smin.u32 s0, $0x10  }
0x724: {  	v1 =	vmov s1  }
0x725: {  	vm1 =	vgt.u32 v1, v0;
	_ =	sdelay $0x1  }
0x726: {  	p3 =	sgt.s32 s0, $0x10  }
.Ltmp10:
0x727: {  	_ = 	snop;
	(pc) =	sbr.rel @!p3 .LBB2_17-.Ltmp10, $3  }
0x728: {  	_ =	sdelay $0x1  }
0x729: {  	v1 =	vld.msk [tilespmem:s23+$0x0 ss:$0x1], vm1  }
0x72a: {  	s24 =	simm.s32 $0x10;
	s5 =	smov.u32 s23;
	s1 =	sadd.s32 $0xFFFFFFF0, s0;
	vm0 =	vmmov vm1  }
.LBB2_16:
0x72b: {  	s8 =	smin.u32 s1, $0x10;
	s24 =	sadd.s32 $0x10, s24  }
0x72c: {  	v2 =	vmov s8;
	p3 =	slt.s32 s24, s0  }
0x72d: {  	vm1 =	vgt.u32 v2, v0  }
0x72e: {  	v2 =	vshrl.u32 v1, $0x3  }
0x72f: {  	v1 =	vshll.u32 v1, $0x4;
	v2 =	vmul.u32 $0x180, v2  }
0x730: {  	v1 =	vand.u32 $0x70, v1  }
.Ltmp11:
0x731: {  	v1 =	vor.u32 v1, v2;
	(pc) =	sbr.rel @p3 .LBB2_16-.Ltmp11, $3  }
0x732: {  	[tilespmem:s5+$0x0] =	vst.msk vm0, v1;
	s5 =	sadd.s32 $0x10, s5;
	vm0 =	vmmov vm1  }
0x733: {  	v1 =	vld.msk [tilespmem:s5+$0x0 ss:$0x1], vm1;
	_ =	sdelay $0x1  }
0x734: {  	s1 =	sadd.s32 $0xFFFFFFF0, s1  }
.LBB2_17:
0x735: {  	_ =	sdelay $0x2  }
0x736: {  	v2 =	vshrl.u32 v1, $0x3  }
0x737: {  	v1 =	vshll.u32 v1, $0x4;
	v2 =	vmul.u32 $0x180, v2  }
0x738: {  	v1 =	vand.u32 $0x70, v1  }
0x739: {  	v1 =	vor.u32 v1, v2  }
0x73a: {  	[tilespmem:s5+$0x0] =	vst.msk vm0, v1  }
.LBB2_18:
0x73b: {  	s1 =	sand.u32 $0x1, s21  }
0x73c: {  	s1 =	smul.u32 $0x50, s1  }
0x73d: {  	p3 =	sne.s32 s28, $0xFFFFFFFF  }
0x73e: {  	v1 =	vld.msk @!p3 [tilespmem:s1+$0xE9E8], $0x1;
	_ =	sdelay $0x4  }
0x73f: {  	(v2sf) =	vpush @!p3 v1, $0x0;
	_ =	sdelay $0xc  }
.Ltmp12:
0x740: {  	_ = 	snop;
	(pc) =	sbr.rel @p2 .LBB2_29-.Ltmp12, $4  }
0x741: {  	_ = 	snop  }
0x742: {  	s29 =	spop @!p3 (v2sf)  }
0x743: {  	s22 =	simm.s32 @!p3 $0x0;
	s24 =	smov.u32 s29  }
0x744: {  	[sflag:s2] =	ssyncpa.u1 $0x0;
	s29 =	smov.u32 @p3 s26;
	s24 =	smov.u32 @p3 s28  }
0x745: {  	v1 =	vld.msk [tilespmem:s23+$0x0], $0x1;
	_ =	sdelay $0x4  }
0x746: {  	(v2sf) =	vpush v1, $0x0;
	_ =	sdelay $0xe  }
0x747: {  	s30 =	spop (v2sf)  }
0x748: {  	s6 =	smov.u32 s10;
	s1 =	smul.u32 $0x1E000, s25;
	p2 =	seq.s32 s29, s30  }
0x749: {  	s25 =	simm.s32 $0x0;
	s26 =	ssub.s32 $0x0, s0;
	p3 =	sgt.s32 @!p2 s29, $0x0  }
0x74a: {  	s9 =	smov.u32 s29;
	s8 =	smul.u32 @!p2 $0x4C0, s25;
	p3 =	por !p3, p2  }
0x74b: {  	s0 =	sadd.s32 $0x1, s26;
	s1 =	sshrl.u32 s1, $0x2;
	s9 =	simm.s32 @p3 $0x0  }
0x74c: {  	s28 =	sadd.s32 $0xEB18, s1;
	s8 =	sshra.s32 @!p2 s8, $0x2;
	s9 =	smin.u32 @!p2 s9, $0x751FA  }
0x74d: {  	p3 =	seq.s32 s0, $0x0;
	s31 =	sadd.s32 @!p2 $0x6298, s8;
	s1 =	sand.u32 @!p2 $0x7FFF8, s9  }
0x74e: {  	s10 =	sadd.s32 @!p2 $0x80, s9;
	s11 =	sadd.s32 @!p2 s4, s1;
	s1 =	sand.u32 @!p2 $0x7, s9  }
0x74f: {  	[tilespmem:s31], [sflag:$0x2] =	stream.linear.gather @!p2 [hbm4b:s11+s1], $0x80, $0x38;
	[tilespmem:$0x1DA88] =	vst v63  }
.Ltmp13:
0x750: {  	s5 =	simm.s32 @!p2 $0x1;
	s10 =	sand.u32 @!p2 $0xFFFF8, s10;
	(pc) =	sbr.rel @p3 .LBB2_21-.Ltmp13, $4  }
0x751: {  	s9 =	sadd.s32 @!p2 $0x100, s9;
	s11 =	sadd.s32 @!p2 $0x6318, s8;
	s10 =	sadd.s32 @!p2 s4, s10  }
0x752: {  	[tilespmem:s11], [sflag:$0x2] =	stream.linear.gather @!p2 [hbm4b:s10+s1], $0x80, $0x38;
	[tilespmem:$0x1DA88] =	vst v63  }
0x753: {  	s2 =	smov.u32 s12;
	s5 =	smov.u32 @p2 s25;
	s10 =	sand.u32 @!p2 $0xFFFF8, s9  }
0x754: {  	s31 =	sadd.s32 $0x1, s23;
	s9 =	sadd.s32 @!p2 $0x6398, s8;
	s8 =	sadd.s32 @!p2 s4, s10  }
.LBB2_20:
0x755: {  	s10 =	smov.u32 s5  }
0x756: {  	[tilespmem:s9], [sflag:$0x2] =	stream.linear.gather @!p2 [hbm4b:s8+s1], $0x2C, $0x38;
	[tilespmem:$0x1DA88] =	vst v63  }
0x757: {  	s0 =	sadd.s32 $0x1, s0;
	s1 =	smov.u32 s30  }
0x758: {  	p3 =	seq.s32 s0, $0x0;
	v1 =	vld.msk [tilespmem:s31+$0x0], $0x1;
	_ =	sdelay $0x4  }
0x759: {  	(v2sf) =	vpush v1, $0x0;
	_ =	sdelay $0xe  }
0x75a: {  	s30 =	spop (v2sf)  }
0x75b: {  	p2 =	seq.s32 s1, s30  }
0x75c: {  	p4 =	sgt.s32 @!p2 s1, $0x0  }
0x75d: {  	s8 =	smul.u32 @!p2 $0x4C0, s5;
	s5 =	sadd.s32 @!p2 $0x1, s5;
	p4 =	por !p4, p2  }
0x75e: {  	s5 =	smov.u32 @p2 s10;
	s1 =	simm.s32 @p4 $0x0  }
0x75f: {  	s8 =	sshra.s32 @!p2 s8, $0x2;
	s1 =	smin.u32 @!p2 s1, $0x751FA  }
0x760: {  	s9 =	sadd.s32 @!p2 $0x6298, s8;
	s10 =	sadd.s32 @!p2 $0x6318, s8;
	s11 =	sand.u32 @!p2 $0x7FFF8, s1  }
0x761: {  	s12 =	sadd.s32 @!p2 $0x80, s1;
	s15 =	sadd.s32 @!p2 $0x100, s1;
	s1 =	sand.u32 @!p2 $0x7, s1  }
.Ltmp14:
0x762: {  	s11 =	sadd.s32 @!p2 s4, s11;
	s12 =	sand.u32 @!p2 $0xFFFF8, s12;
	(pc) =	sbr.rel @!p3 .LBB2_20-.Ltmp14, $4  }
0x763: {  	[tilespmem:s9], [sflag:$0x2] =	stream.linear.gather @!p2 [hbm4b:s11+s1], $0x80, $0x38;
	[tilespmem:$0x1DA88] =	vst v63  }
0x764: {  	s11 =	sadd.s32 @!p2 s4, s12;
	s12 =	sand.u32 @!p2 $0xFFFF8, s15;
	s9 =	sadd.s32 @!p2 $0x6398, s8  }
0x765: {  	[tilespmem:s10], [sflag:$0x2] =	stream.linear.gather @!p2 [hbm4b:s11+s1], $0x80, $0x38;
	[tilespmem:$0x1DA88] =	vst v63  }
0x766: {  	s31 =	sadd.s32 $0x1, s31;
	s8 =	sadd.s32 @!p2 s4, s12  }
.LBB2_21:
0x767: {  	s0 =	smul.u32 $0x4B0, s5  }
0x768: {  	[tilespmem:s9], [sflag:$0x2] =	stream.linear.gather @!p2 [hbm4b:s8+s1], $0x2C, $0x38;
	[tilespmem:$0x1DA88] =	vst v63  }
.Ltmp15:
0x769: {  	_ = 	snop;
	(pc) =	sbr.rel .LBB2_22-.Ltmp15, $4  }
0x76a: {  	s30 =	simm.s32 $0x2;
	s0 =	sshrl.u32 s0, $0x2  }
0x76b: {  	s31 =	simm.s32 $0x0;
	_ =	swait.ge [sflag:s30], s0  }
0x76c: {  	s10 =	smov.u32 s6;
	s0 =	ssub.s32 $0x0, s0;
	[sflag:s30] =	ssyncset.done $0x0  }
0x76d: {  	s12 =	smov.u32 s2;
	s2 =	simm.s32 $0x1;
	[sflag:s30] =	ssyncadd.s32 s0  }
.LBB2_23:
0x76e: {  	v1 =	vld [tilespmem:s28+$0xFFFFFF70];
	_ =	sdelay $0x4  }
0x76f: {  	[tilespmem:s0+$0x268] =	vst.add.f32.msk $0xffff, v1  }
0x770: {  	v1 =	vld [tilespmem:s28+$0xFFFFFF80];
	_ =	sdelay $0x4  }
0x771: {  	[tilespmem:s0+$0x278] =	vst.add.f32.msk $0xffff, v1  }
0x772: {  	v1 =	vld [tilespmem:s28+$0xFFFFFF90];
	_ =	sdelay $0x4  }
0x773: {  	[tilespmem:s0+$0x288] =	vst.add.f32.msk $0xffff, v1  }
0x774: {  	v1 =	vld [tilespmem:s28+$0xFFFFFFA0];
	_ =	sdelay $0x4  }
0x775: {  	[tilespmem:s0+$0x298] =	vst.add.f32.msk $0xffff, v1  }
0x776: {  	v1 =	vld [tilespmem:s28+$0xFFFFFFB0];
	_ =	sdelay $0x4  }
0x777: {  	[tilespmem:s0+$0x2A8] =	vst.add.f32.msk $0xffff, v1  }
0x778: {  	v1 =	vld [tilespmem:s28+$0xFFFFFFC0];
	_ =	sdelay $0x4  }
0x779: {  	[tilespmem:s0+$0x2B8] =	vst.add.f32.msk $0xffff, v1  }
0x77a: {  	v1 =	vld [tilespmem:s28+$0xFFFFFFD0];
	_ =	sdelay $0x4  }
0x77b: {  	[tilespmem:s0+$0x2C8] =	vst.add.f32.msk $0xffff, v1  }
0x77c: {  	v1 =	vld [tilespmem:s28+$0xFFFFFFE0];
	_ =	sdelay $0x4  }
0x77d: {  	[tilespmem:s0+$0x2D8] =	vst.add.f32.msk $0xffff, v1  }
0x77e: {  	v1 =	vld [tilespmem:s28+$0xFFFFFFF0];
	_ =	sdelay $0x4  }
0x77f: {  	[tilespmem:s0+$0x2E8] =	vst.add.f32.msk $0xffff, v1  }
0x780: {  	v1 =	vld [tilespmem:s28+$0x0];
	_ =	sdelay $0x4  }
0x781: {  	[tilespmem:s0+$0x2F8] =	vst.add.f32.msk $0xffff, v1  }
0x782: {  	v1 =	vld [tilespmem:s28+$0x10];
	_ =	sdelay $0x4  }
0x783: {  	[tilespmem:s0+$0x308] =	vst.add.f32.msk $0xffff, v1  }
0x784: {  	v1 =	vld [tilespmem:s28+$0x20];
	_ =	sdelay $0x4  }
0x785: {  	[tilespmem:s0+$0x318] =	vst.add.f32.msk $0xffff, v1  }
0x786: {  	v1 =	vld [tilespmem:s28+$0x30];
	_ =	sdelay $0x4  }
0x787: {  	[tilespmem:s0+$0x328] =	vst.add.f32.msk $0xffff, v1  }
0x788: {  	v1 =	vld [tilespmem:s28+$0x40];
	_ =	sdelay $0x4  }
0x789: {  	[tilespmem:s0+$0x338] =	vst.add.f32.msk $0xffff, v1  }
0x78a: {  	v1 =	vld [tilespmem:s28+$0x50];
	_ =	sdelay $0x4  }
0x78b: {  	[tilespmem:s0+$0x348] =	vst.add.f32.msk $0xffff, v1  }
0x78c: {  	v1 =	vld [tilespmem:s28+$0x60];
	_ =	sdelay $0x4  }
0x78d: {  	[tilespmem:s0+$0x358] =	vst.add.f32.msk $0xffff, v1  }
0x78e: {  	v1 =	vld [tilespmem:s28+$0x70];
	_ =	sdelay $0x4  }
0x78f: {  	[tilespmem:s0+$0x368] =	vst.add.f32.msk $0xffff, v1  }
0x790: {  	v1 =	vld [tilespmem:s28+$0x80];
	_ =	sdelay $0x4  }
0x791: {  	[tilespmem:s0+$0x378] =	vst.add.f32.msk $0xffff, v1  }
0x792: {  	v1 =	vld.msk [tilespmem:s28+$0x90], $0xfff;
	_ =	sdelay $0x4  }
0x793: {  	[tilespmem:s0+$0x388] =	vst.add.f32.msk $0xfff, v1  }
.LBB2_27:
0x794: {  	s26 =	sadd.s32 $0x1, s26  }
0x795: {  	p2 =	seq.s32 s26, $0x0  }
.Ltmp16:
0x796: {  	_ = 	snop;
	(pc) =	sbr.rel @p2 .LBB2_28-.Ltmp16, $2  }
0x797: {  	_ =	sdelay $0x2  }
0x798: {  	s23 =	sadd.s32 $0x1, s23;
	s28 =	sadd.s32 $0x180, s28;
	s29 =	smov.u32 s30  }
.LBB2_22:
0x799: {  	v1 =	vld.msk [tilespmem:s23+$0x0], $0x1;
	_ =	sdelay $0x4  }
0x79a: {  	(v2sf) =	vpush v1, $0x0;
	_ =	sdelay $0xe  }
0x79b: {  	s30 =	spop (v2sf)  }
0x79c: {  	p2 =	sne.s32 s29, s30  }
.Ltmp17:
0x79d: {  	_ = 	snop;
	(pc) =	sbr.rel @!p2 .LBB2_23-.Ltmp17, $3  }
0x79e: {  	_ = 	snop  }
0x79f: {  	s0 =	smul.u32 $0x4C0, s22;
	_ =	sdelay $0x1  }
0x7a0: {  	s0 =	sshra.s32 s0, $0x2  }
0x7a1: {  	p2 =	seq.s32 s29, s24  }
.Ltmp18:
0x7a2: {  	_ = 	snop;
	(pc) =	sbr.rel @!p2 .LBB2_25-.Ltmp18, $1  }
0x7a3: {  	_ =	sdelay $0x3  }
.Ltmp19:
0x7a4: {  	s0 =	sadd.s32 $0x268, s0;
	(pc) =	sbr.rel .LBB2_26-.Ltmp19, $4  }
0x7a5: {  	[spmem:s14] =	stream.linear.scatter [tilespmem:s0], [sflag:$0x1], $0x12C, $0x38;
	[tilespmem:$0x1DA88] =	vst v63  }
0x7a6: {  	_ =	swait.ge [sflag:s2], $0x12C  }
0x7a7: {  	[sflag:s2] =	ssyncset.done $0x0  }
0x7a8: {  	[sflag:s2] =	ssyncadd.s32 $0xFFFFFED4  }
.LBB2_25:
0x7a9: {  	s1 =	smul.u32 $0x4C0, s25;
	_ =	sdelay $0x1  }
0x7aa: {  	s1 =	sshra.s32 s1, $0x2  }
0x7ab: {  	v1 =	vld [tilespmem:s1+$0x6298];
	_ =	sdelay $0x4  }
0x7ac: {  	[tilespmem:s0+$0x268] =	vst.add.f32.msk $0xffff, v1  }
0x7ad: {  	v1 =	vld [tilespmem:s1+$0x62A8];
	_ =	sdelay $0x4  }
0x7ae: {  	[tilespmem:s0+$0x278] =	vst.add.f32.msk $0xffff, v1  }
0x7af: {  	v1 =	vld [tilespmem:s1+$0x62B8];
	_ =	sdelay $0x4  }
0x7b0: {  	[tilespmem:s0+$0x288] =	vst.add.f32.msk $0xffff, v1  }
0x7b1: {  	v1 =	vld [tilespmem:s1+$0x62C8];
	_ =	sdelay $0x4  }
0x7b2: {  	[tilespmem:s0+$0x298] =	vst.add.f32.msk $0xffff, v1  }
0x7b3: {  	v1 =	vld [tilespmem:s1+$0x62D8];
	_ =	sdelay $0x4  }
0x7b4: {  	[tilespmem:s0+$0x2A8] =	vst.add.f32.msk $0xffff, v1  }
0x7b5: {  	v1 =	vld [tilespmem:s1+$0x62E8];
	_ =	sdelay $0x4  }
0x7b6: {  	[tilespmem:s0+$0x2B8] =	vst.add.f32.msk $0xffff, v1  }
0x7b7: {  	v1 =	vld [tilespmem:s1+$0x62F8];
	_ =	sdelay $0x4  }
0x7b8: {  	[tilespmem:s0+$0x2C8] =	vst.add.f32.msk $0xffff, v1  }
0x7b9: {  	v1 =	vld [tilespmem:s1+$0x6308];
	_ =	sdelay $0x4  }
0x7ba: {  	[tilespmem:s0+$0x2D8] =	vst.add.f32.msk $0xffff, v1  }
0x7bb: {  	v1 =	vld [tilespmem:s1+$0x6318];
	_ =	sdelay $0x4  }
0x7bc: {  	[tilespmem:s0+$0x2E8] =	vst.add.f32.msk $0xffff, v1  }
0x7bd: {  	v1 =	vld [tilespmem:s1+$0x6328];
	_ =	sdelay $0x4  }
0x7be: {  	[tilespmem:s0+$0x2F8] =	vst.add.f32.msk $0xffff, v1  }
0x7bf: {  	v1 =	vld [tilespmem:s1+$0x6338];
	_ =	sdelay $0x4  }
0x7c0: {  	[tilespmem:s0+$0x308] =	vst.add.f32.msk $0xffff, v1  }
0x7c1: {  	v1 =	vld [tilespmem:s1+$0x6348];
	_ =	sdelay $0x4  }
0x7c2: {  	[tilespmem:s0+$0x318] =	vst.add.f32.msk $0xffff, v1  }
0x7c3: {  	v1 =	vld [tilespmem:s1+$0x6358];
	_ =	sdelay $0x4  }
0x7c4: {  	[tilespmem:s0+$0x328] =	vst.add.f32.msk $0xffff, v1  }
0x7c5: {  	v1 =	vld [tilespmem:s1+$0x6368];
	_ =	sdelay $0x4  }
0x7c6: {  	[tilespmem:s0+$0x338] =	vst.add.f32.msk $0xffff, v1  }
0x7c7: {  	v1 =	vld [tilespmem:s1+$0x6378];
	_ =	sdelay $0x4  }
0x7c8: {  	[tilespmem:s0+$0x348] =	vst.add.f32.msk $0xffff, v1  }
0x7c9: {  	v1 =	vld [tilespmem:s1+$0x6388];
	_ =	sdelay $0x4  }
0x7ca: {  	[tilespmem:s0+$0x358] =	vst.add.f32.msk $0xffff, v1  }
0x7cb: {  	v1 =	vld [tilespmem:s1+$0x6398];
	_ =	sdelay $0x4  }
0x7cc: {  	[tilespmem:s0+$0x368] =	vst.add.f32.msk $0xffff, v1  }
0x7cd: {  	v1 =	vld [tilespmem:s1+$0x63A8];
	_ =	sdelay $0x4  }
0x7ce: {  	[tilespmem:s0+$0x378] =	vst.add.f32.msk $0xffff, v1  }
0x7cf: {  	v1 =	vld.msk [tilespmem:s1+$0x63B8], $0xfff;
	_ =	sdelay $0x2  }
0x7d0: {  	p2 =	sgt.u32 s29, $0x751FA  }
0x7d1: {  	s1 =	sand.u32 @!p2 $0x7FFF8, s29  }
0x7d2: {  	s5 =	sadd.s32 $0x268, s0;
	s8 =	sand.u32 @!p2 $0x7, s29;
	s1 =	sadd.s32 @!p2 s4, s1;
	[tilespmem:s0+$0x388] =	vst.add.f32.msk $0xfff, v1  }
0x7d3: {  	[hbm4b:s1+s8] =	stream.linear.scatter @!p2 [tilespmem:s5], [sflag:$0xA], $0x80, $0x38;
	[tilespmem:$0x1DA88] =	vst v63  }
0x7d4: {  	s1 =	sadd.s32 @!p2 $0x80, s29  }
0x7d5: {  	s1 =	sand.u32 @!p2 $0xFFFF8, s1  }
0x7d6: {  	s5 =	sadd.s32 $0x2E8, s0;
	s1 =	sadd.s32 @!p2 s4, s1  }
0x7d7: {  	[hbm4b:s1+s8] =	stream.linear.scatter @!p2 [tilespmem:s5], [sflag:$0xA], $0x80, $0x38;
	[tilespmem:$0x1DA88] =	vst v63  }
0x7d8: {  	s1 =	sadd.s32 @!p2 $0x100, s29  }
0x7d9: {  	s1 =	sand.u32 @!p2 $0xFFFF8, s1  }
0x7da: {  	s0 =	sadd.s32 $0x368, s0;
	s1 =	sadd.s32 @!p2 s4, s1  }
0x7db: {  	[hbm4b:s1+s8] =	stream.linear.scatter @!p2 [tilespmem:s0], [sflag:$0xA], $0x2C, $0x38;
	[tilespmem:$0x1DA88] =	vst v63  }
0x7dc: {  	s0 =	simm.s32 $0x0  }
0x7dd: {  	s0 =	simm.s32 @!p2 $0x4B0  }
0x7de: {  	s31 =	sadd.s32 s0, s31  }
.LBB2_26:
0x7df: {  	s0 =	sadd.s32 $0x1, s22  }
0x7e0: {  	s1 =	smulhi.u32 $0xCCCCCCCD, s0;
	_ =	sdelay $0x1  }
0x7e1: {  	s1 =	sshrl.u32 s1, $0x6  }
0x7e2: {  	s1 =	smul.u32 $0x50, s1  }
0x7e3: {  	v1 =	vld [tilespmem:s28+$0xFFFFFF70]  }
0x7e4: {  	s22 =	ssub.s32 s0, s1  }
0x7e5: {  	s0 =	smul.u32 $0x4C0, s22;
	_ =	sdelay $0x1  }
0x7e6: {  	s0 =	sshrl.u32 s0, $0x2  }
0x7e7: {  	[tilespmem:s0+$0x268] =	vst v1  }
0x7e8: {  	v1 =	vld [tilespmem:s28+$0xFFFFFF80];
	_ =	sdelay $0x4  }
0x7e9: {  	[tilespmem:s0+$0x278] =	vst v1  }
0x7ea: {  	v1 =	vld [tilespmem:s28+$0xFFFFFF90];
	_ =	sdelay $0x4  }
0x7eb: {  	[tilespmem:s0+$0x288] =	vst v1  }
0x7ec: {  	v1 =	vld [tilespmem:s28+$0xFFFFFFA0];
	_ =	sdelay $0x4  }
0x7ed: {  	[tilespmem:s0+$0x298] =	vst v1  }
0x7ee: {  	v1 =	vld [tilespmem:s28+$0xFFFFFFB0];
	_ =	sdelay $0x4  }
0x7ef: {  	[tilespmem:s0+$0x2A8] =	vst v1  }
0x7f0: {  	v1 =	vld [tilespmem:s28+$0xFFFFFFC0];
	_ =	sdelay $0x4  }
0x7f1: {  	[tilespmem:s0+$0x2B8] =	vst v1  }
0x7f2: {  	v1 =	vld [tilespmem:s28+$0xFFFFFFD0];
	_ =	sdelay $0x4  }
0x7f3: {  	[tilespmem:s0+$0x2C8] =	vst v1  }
0x7f4: {  	v1 =	vld [tilespmem:s28+$0xFFFFFFE0];
	_ =	sdelay $0x4  }
0x7f5: {  	[tilespmem:s0+$0x2D8] =	vst v1  }
0x7f6: {  	v1 =	vld [tilespmem:s28+$0xFFFFFFF0];
	_ =	sdelay $0x4  }
0x7f7: {  	[tilespmem:s0+$0x2E8] =	vst v1  }
0x7f8: {  	v1 =	vld [tilespmem:s28+$0x0];
	_ =	sdelay $0x4  }
0x7f9: {  	[tilespmem:s0+$0x2F8] =	vst v1  }
0x7fa: {  	v1 =	vld [tilespmem:s28+$0x10];
	_ =	sdelay $0x4  }
0x7fb: {  	[tilespmem:s0+$0x308] =	vst v1  }
0x7fc: {  	v1 =	vld [tilespmem:s28+$0x20];
	_ =	sdelay $0x4  }
0x7fd: {  	[tilespmem:s0+$0x318] =	vst v1  }
0x7fe: {  	v1 =	vld [tilespmem:s28+$0x30];
	_ =	sdelay $0x4  }
0x7ff: {  	[tilespmem:s0+$0x328] =	vst v1  }
0x800: {  	v1 =	vld [tilespmem:s28+$0x40];
	_ =	sdelay $0x4  }
0x801: {  	[tilespmem:s0+$0x338] =	vst v1  }
0x802: {  	v1 =	vld [tilespmem:s28+$0x50];
	_ =	sdelay $0x4  }
0x803: {  	[tilespmem:s0+$0x348] =	vst v1  }
0x804: {  	v1 =	vld [tilespmem:s28+$0x60];
	_ =	sdelay $0x4  }
0x805: {  	[tilespmem:s0+$0x358] =	vst v1  }
0x806: {  	v1 =	vld [tilespmem:s28+$0x70];
	_ =	sdelay $0x4  }
0x807: {  	[tilespmem:s0+$0x368] =	vst v1  }
0x808: {  	v1 =	vld [tilespmem:s28+$0x80];
	_ =	sdelay $0x4  }
0x809: {  	[tilespmem:s0+$0x378] =	vst v1  }
0x80a: {  	v1 =	vld.msk [tilespmem:s28+$0x90], $0xfff  }
.Ltmp20:
0x80b: {  	_ = 	snop;
	(pc) =	sbr.rel .LBB2_27-.Ltmp20, $2  }
0x80c: {  	_ =	sdelay $0x2  }
0x80d: {  	s25 =	sadd.s32 $0x1, s25;
	[tilespmem:s0+$0x388] =	vst.msk $0xfff, v1  }
.LBB2_29:
.Ltmp21:
0x80e: {  	(pc) =	sbr.rel .LBB2_30-.Ltmp21, $4  }
0x80f: {  	_ = 	snop  }
0x810: {  	s0 =	simm.s32 $0x2  }
0x811: {  	_ =	swait.ge [sflag:s0], $0x0  }
0x812: {  	s30 =	smov.u32 s29;
	[sflag:s0] =	ssyncset.done $0x0;
	s0 =	simm.s32 $0x0  }
.LBB2_32:
0x813: {  	_ =	sfence.sel $0x180000  }
0x814: {  	s0 =	simm.s32 $0x7;
	[bflag:$0x0] =	sbarrier.arrive $0xFFFF  }
0x815: {  	s25 =	simm.s32 $0x8;
	[sflag:s0] =	ssyncpa.u1 $0x1  }
0x816: {  	s26 =	simm.s32 $0x9;
	[sflag:s25] =	ssyncpa.u1 $0x1  }
0x817: {  	s28 =	simm.s32 $0x2;
	[sflag:s26] =	ssyncpa.u1 $0x1  }
0x818: {  	[sflag:s28] =	ssyncpa.u1 $0x1  }
0x819: {  	v0 =	vld [tilespmem:$0xC2C8];
	_ =	sdelay $0x4  }
0x81a: {  	(v2sf) =	vpush v0, $0x0  }
0x81b: {  	(v2sf) =	vpush v0, $0x1  }
0x81c: {  	(v2sf) =	vpush v0, $0x2;
	_ =	sdelay $0xc  }
0x81d: {  	s0 =	spop (v2sf)  }
0x81e: {  	s1 =	spop (v2sf)  }
0x81f: {  	s2 =	smov.u32 s0;
	p0 =	sne.s32 s0, s1;
	s3 =	spop (v2sf)  }
0x820: {  	s2 =	simm.s32 @!p0 $0xFFFFFFFF;
	p0 =	seq.s32 s3, $0xFFFFFFFF  }
0x821: {  	v2 =	vimm.s32 $0x1;
	v3 =	vlaneseq.u32;
	v1 =	vmov s2;
	p1 =	sne.s32 @!p0 s0, s1  }
0x822: {  	s7 =	stileid.u32;
	v0 =	vperm.xlane v0, v2;
	s0 =	simm.s32 @!p0 $0x1;
	v1 =	vperm.xlane v1, v3;
	p1 =	por !p1, p0  }
0x823: {  	vm0 =	vcmask $0x3F04;
	s2 =	sshll.u32 s7, $0x1;
	s1 =	smul.u32 @!p0 $0x4C0, s3;
	s0 =	simm.s32 @p1 $0x0  }
0x824: {  	s6 =	simm.s32 $0xC2C8;
	v0 =	vsel vm0, v1, v0;
	s0 =	sor.u32 @!p0 s0, s2  }
0x825: {  	s5 =	sor.u32 $0x2600, s2;
	s1 =	sshra.s32 @!p0 s1, $0x2;
	[tilespmem:$0xC2C8] =	vst v0;
	s0 =	smul.u32 @!p0 $0x4C0, s0  }
0x826: {  	[spmem:s5] =	stream.linear.scatter [tilespmem:s6], [sflag:$0x1], $0x2, $0x38;
	[tilespmem:$0x1DA88] =	vst v63  }
0x827: {  	s1 =	sadd.s32 @!p0 $0x268, s1;
	s0 =	sshrl.u32 @!p0 s0, $0x2  }
0x828: {  	[spmem:s0] =	stream.linear.scatter @!p0 [tilespmem:s1], [sflag:$0x1], $0x130, $0x38;
	[tilespmem:$0x1DA88] =	vst v63  }
0x829: {  	s1 =	simm.s32 @!p0 $0x132  }
0x82a: {  	s0 =	simm.s32 $0x1;
	s1 =	simm.s32 @p0 $0x2  }
0x82b: {  	_ =	swait.ge [sflag:s0], s1  }
0x82c: {  	s1 =	ssub.s32 $0x0, s1;
	[sflag:s0] =	ssyncset.done $0x0  }
0x82d: {  	[sflag:s0] =	ssyncadd.s32 s1  }
0x82e: {  	_ =	sfence.stream.spmem  }
0x82f: {  	s29 =	simm.s32 $0x3;
	[bflag:$0x0] =	sbarrier.arrive $0xFFFF  }
0x830: {  	s30 =	simm.s32 $0x4;
	[sflag:s29] =	ssyncpa.u1 $0x1  }
0x831: {  	s31 =	simm.s32 $0x3C;
	[sflag:s30] =	ssyncpa.u1 $0x1  }
0x832: {  	p0 =	sne.s32 s7, $0x0;
	[sflag:s31] =	ssyncpa.u1 $0x1  }
0x833: {  	_ =	sfence @p0  }
0x834: {  	[sflag:s0] =	ssyncpa.u1 @p0 $0x1  }
0x835: {  	_ =	strace @p0 $0x9000004D  }
0x836: {  	[bflag:$0x2] =	sbarrier.arrive @p0 $0xFFFF  }
0x837: {  	_ =	shalt @p0  }
.LBB2_33:
0x838: {  	_ =	sfence.stream.spmem;
	s0 =	simm.s32 $0x5  }
0x839: {  	s1 =	simm.s32 $0x2600;
	s2 =	simm.s32 $0xC2D8;
	[sflag:s0] =	ssyncpa.u1 $0x0  }
0x83a: {  	[tilespmem:s2], [sflag:$0x5] =	stream.linear.gather [spmem:s1], $0x20, $0x38;
	[tilespmem:$0x1DA88] =	vst v63  }
0x83b: {  	s30 =	simm.s32 $0xC2F8;
	s1 =	simm.s32 $0x0  }
0x83c: {  	[tilespmem:s30], [sflag:$0x5] =	stream.linear.gather [spmem:s1], $0x2600, $0x38;
	[tilespmem:$0x1DA88] =	vst v63  }
.Ltmp22:
0x83d: {  	_ = 	snop;
	(pc) =	sbr.rel .LBB2_34-.Ltmp22, $4  }
0x83e: {  	_ =	swait.ge [sflag:s0], $0x2620  }
0x83f: {  	[sflag:s0] =	ssyncset.done $0x0  }
0x840: {  	s31 =	simm.s32 $0x6;
	[sflag:s0] =	ssyncadd.s32 $0xFFFFD9E0  }
0x841: {  	s2 =	simm.s32 $0x0;
	[sflag:s31] =	ssyncpa.u1 $0x0  }
.LBB2_40:
0x842: {  	p0 =	slt.u32 s0, $0x751FB  }
0x843: {  	s3 =	sand.u32 @p0 $0x7FFF8, s0  }
0x844: {  	s5 =	sand.u32 @p0 $0x7, s0;
	s6 =	simm.s32 @p0 $0xC198;
	s3 =	sadd.s32 @p0 s4, s3  }
0x845: {  	[tilespmem:s6], [sflag:$0x6] =	stream.linear.gather @p0 [hbm4b:s3+s5], $0x80, $0x38;
	[tilespmem:$0x1DA88] =	vst v63  }
0x846: {  	s3 =	sadd.s32 @p0 $0x80, s0  }
0x847: {  	s0 =	sadd.s32 @p0 $0x100, s0;
	s3 =	sand.u32 @p0 $0xFFFF8, s3  }
0x848: {  	s6 =	simm.s32 @p0 $0xC218;
	s0 =	sand.u32 @p0 $0xFFFF8, s0;
	s3 =	sadd.s32 @p0 s4, s3  }
0x849: {  	[tilespmem:s6], [sflag:$0x6] =	stream.linear.gather @p0 [hbm4b:s3+s5], $0x80, $0x38;
	[tilespmem:$0x1DA88] =	vst v63  }
0x84a: {  	s0 =	sadd.s32 @p0 s4, s0;
	s3 =	simm.s32 @p0 $0xC298  }
0x84b: {  	[tilespmem:s3], [sflag:$0x6] =	stream.linear.gather @p0 [hbm4b:s0+s5], $0x2C, $0x38;
	[tilespmem:$0x1DA88] =	vst v63  }
0x84c: {  	s0 =	simm.s32 @p0 $0x6  }
0x84d: {  	_ =	swait.ge @p0 [sflag:s0], $0x12C  }
0x84e: {  	[sflag:s0] =	ssyncset.done @p0 $0x0  }
0x84f: {  	[sflag:s0] =	ssyncadd.s32 @p0 $0xFFFFFED4  }
0x850: {  	v1 =	vld @p0 [tilespmem:$0xC198];
	_ =	sdelay $0x1  }
0x851: {  	s0 =	smul.u32 @p0 $0x4C0, s2;
	_ =	sdelay $0x1  }
0x852: {  	s3 =	sshra.s32 @p0 s0, $0x2  }
0x853: {  	[tilespmem:s3+$0xC2F8] =	vst.add.f32.msk @p0 $0xffff, v1  }
0x854: {  	v1 =	vld @p0 [tilespmem:$0xC1A8];
	_ =	sdelay $0x4  }
0x855: {  	[tilespmem:s3+$0xC308] =	vst.add.f32.msk @p0 $0xffff, v1  }
0x856: {  	v1 =	vld @p0 [tilespmem:$0xC1B8];
	_ =	sdelay $0x4  }
0x857: {  	[tilespmem:s3+$0xC318] =	vst.add.f32.msk @p0 $0xffff, v1  }
0x858: {  	v1 =	vld @p0 [tilespmem:$0xC1C8];
	_ =	sdelay $0x4  }
0x859: {  	[tilespmem:s3+$0xC328] =	vst.add.f32.msk @p0 $0xffff, v1  }
0x85a: {  	v1 =	vld @p0 [tilespmem:$0xC1D8];
	_ =	sdelay $0x4  }
0x85b: {  	[tilespmem:s3+$0xC338] =	vst.add.f32.msk @p0 $0xffff, v1  }
0x85c: {  	v1 =	vld @p0 [tilespmem:$0xC1E8];
	_ =	sdelay $0x4  }
0x85d: {  	[tilespmem:s3+$0xC348] =	vst.add.f32.msk @p0 $0xffff, v1  }
0x85e: {  	v1 =	vld @p0 [tilespmem:$0xC1F8];
	_ =	sdelay $0x4  }
0x85f: {  	[tilespmem:s3+$0xC358] =	vst.add.f32.msk @p0 $0xffff, v1  }
0x860: {  	v1 =	vld @p0 [tilespmem:$0xC208];
	_ =	sdelay $0x4  }
0x861: {  	[tilespmem:s3+$0xC368] =	vst.add.f32.msk @p0 $0xffff, v1  }
0x862: {  	v1 =	vld @p0 [tilespmem:$0xC218];
	_ =	sdelay $0x4  }
0x863: {  	[tilespmem:s3+$0xC378] =	vst.add.f32.msk @p0 $0xffff, v1  }
0x864: {  	v1 =	vld @p0 [tilespmem:$0xC228];
	_ =	sdelay $0x4  }
0x865: {  	[tilespmem:s3+$0xC388] =	vst.add.f32.msk @p0 $0xffff, v1  }
0x866: {  	v1 =	vld @p0 [tilespmem:$0xC238];
	_ =	sdelay $0x4  }
0x867: {  	[tilespmem:s3+$0xC398] =	vst.add.f32.msk @p0 $0xffff, v1  }
0x868: {  	v1 =	vld @p0 [tilespmem:$0xC248];
	_ =	sdelay $0x4  }
0x869: {  	[tilespmem:s3+$0xC3A8] =	vst.add.f32.msk @p0 $0xffff, v1  }
0x86a: {  	v1 =	vld @p0 [tilespmem:$0xC258];
	_ =	sdelay $0x4  }
0x86b: {  	[tilespmem:s3+$0xC3B8] =	vst.add.f32.msk @p0 $0xffff, v1  }
0x86c: {  	v1 =	vld @p0 [tilespmem:$0xC268];
	_ =	sdelay $0x4  }
0x86d: {  	[tilespmem:s3+$0xC3C8] =	vst.add.f32.msk @p0 $0xffff, v1  }
0x86e: {  	v1 =	vld @p0 [tilespmem:$0xC278];
	_ =	sdelay $0x4  }
0x86f: {  	[tilespmem:s3+$0xC3D8] =	vst.add.f32.msk @p0 $0xffff, v1  }
0x870: {  	v1 =	vld @p0 [tilespmem:$0xC288];
	_ =	sdelay $0x4  }
0x871: {  	[tilespmem:s3+$0xC3E8] =	vst.add.f32.msk @p0 $0xffff, v1  }
0x872: {  	v1 =	vld @p0 [tilespmem:$0xC298];
	_ =	sdelay $0x4  }
0x873: {  	[tilespmem:s3+$0xC3F8] =	vst.add.f32.msk @p0 $0xffff, v1  }
0x874: {  	v1 =	vld @p0 [tilespmem:$0xC2A8];
	_ =	sdelay $0x4  }
0x875: {  	[tilespmem:s3+$0xC408] =	vst.add.f32.msk @p0 $0xffff, v1  }
0x876: {  	v1 =	vld @p0 [tilespmem:$0xC2B8];
	_ =	sdelay $0x2  }
0x877: {  	s5 =	smul.u32 @!p0 $0x4C0, s2;
	_ =	sdelay $0x1  }
0x878: {  	s5 =	smov.u32 @p0 s0;
	[tilespmem:s3+$0xC418] =	vst.add.f32.msk @p0 $0xffff, v1  }
0x879: {  	s0 =	sshra.s32 s5, $0x2;
	[tilespmem:s1+$0xC2D8] =	vst.msk $0x1, v0  }
0x87a: {  	v0 =	vld [tilespmem:s0+$0xC2F8];
	_ =	sdelay $0x1  }
0x87b: {  	s31 =	smul.u32 $0x4C0, s1;
	_ =	sdelay $0x1  }
0x87c: {  	s3 =	sshra.s32 s31, $0x2  }
0x87d: {  	[tilespmem:s3+$0xC2F8] =	vst v0  }
0x87e: {  	v0 =	vld [tilespmem:s0+$0xC308];
	_ =	sdelay $0x4  }
0x87f: {  	[tilespmem:s3+$0xC308] =	vst v0  }
0x880: {  	v0 =	vld [tilespmem:s0+$0xC318];
	_ =	sdelay $0x4  }
0x881: {  	[tilespmem:s3+$0xC318] =	vst v0  }
0x882: {  	v0 =	vld [tilespmem:s0+$0xC328];
	_ =	sdelay $0x4  }
0x883: {  	[tilespmem:s3+$0xC328] =	vst v0  }
0x884: {  	v0 =	vld [tilespmem:s0+$0xC338];
	_ =	sdelay $0x4  }
0x885: {  	[tilespmem:s3+$0xC338] =	vst v0  }
0x886: {  	v0 =	vld [tilespmem:s0+$0xC348];
	_ =	sdelay $0x4  }
0x887: {  	[tilespmem:s3+$0xC348] =	vst v0  }
0x888: {  	v0 =	vld [tilespmem:s0+$0xC358];
	_ =	sdelay $0x4  }
0x889: {  	[tilespmem:s3+$0xC358] =	vst v0  }
0x88a: {  	v0 =	vld [tilespmem:s0+$0xC368];
	_ =	sdelay $0x4  }
0x88b: {  	[tilespmem:s3+$0xC368] =	vst v0  }
0x88c: {  	v0 =	vld [tilespmem:s0+$0xC378];
	_ =	sdelay $0x4  }
0x88d: {  	[tilespmem:s3+$0xC378] =	vst v0  }
0x88e: {  	v0 =	vld [tilespmem:s0+$0xC388];
	_ =	sdelay $0x4  }
0x88f: {  	[tilespmem:s3+$0xC388] =	vst v0  }
0x890: {  	v0 =	vld [tilespmem:s0+$0xC398];
	_ =	sdelay $0x4  }
0x891: {  	[tilespmem:s3+$0xC398] =	vst v0  }
0x892: {  	v0 =	vld [tilespmem:s0+$0xC3A8];
	_ =	sdelay $0x4  }
0x893: {  	[tilespmem:s3+$0xC3A8] =	vst v0  }
0x894: {  	v0 =	vld [tilespmem:s0+$0xC3B8];
	_ =	sdelay $0x4  }
0x895: {  	[tilespmem:s3+$0xC3B8] =	vst v0  }
0x896: {  	v0 =	vld [tilespmem:s0+$0xC3C8];
	_ =	sdelay $0x4  }
0x897: {  	[tilespmem:s3+$0xC3C8] =	vst v0  }
0x898: {  	v0 =	vld [tilespmem:s0+$0xC3D8];
	_ =	sdelay $0x4  }
0x899: {  	[tilespmem:s3+$0xC3D8] =	vst v0  }
0x89a: {  	v0 =	vld [tilespmem:s0+$0xC3E8];
	_ =	sdelay $0x4  }
0x89b: {  	[tilespmem:s3+$0xC3E8] =	vst v0  }
0x89c: {  	v0 =	vld [tilespmem:s0+$0xC3F8];
	_ =	sdelay $0x4  }
0x89d: {  	[tilespmem:s3+$0xC3F8] =	vst v0  }
0x89e: {  	v0 =	vld [tilespmem:s0+$0xC408];
	_ =	sdelay $0x4  }
0x89f: {  	[tilespmem:s3+$0xC408] =	vst v0  }
0x8a0: {  	v0 =	vld [tilespmem:s0+$0xC418];
	_ =	sdelay $0x4  }
0x8a1: {  	s1 =	sadd.s32 $0x1, s1;
	[tilespmem:s3+$0xC418] =	vst v0  }
.LBB2_41:
0x8a2: {  	s2 =	sadd.s32 $0x1, s2  }
0x8a3: {  	p0 =	sne.s32 s2, $0x20  }
.Ltmp23:
0x8a4: {  	_ = 	snop;
	(pc) =	sbr.rel @!p0 .LBB2_42-.Ltmp23, $1  }
0x8a5: {  	_ =	sdelay $0x3  }
.LBB2_34:
0x8a6: {  	v0 =	vld.msk [tilespmem:s2+$0xC2D8], $0x1;
	_ =	sdelay $0x4  }
0x8a7: {  	(v2sf) =	vpush v0, $0x0;
	_ =	sdelay $0xe  }
0x8a8: {  	s0 =	spop (v2sf)  }
0x8a9: {  	p0 =	seq.s32 s0, $0xFFFFFFFF  }
.Ltmp24:
0x8aa: {  	_ = 	snop;
	(pc) =	sbr.rel @p0 .LBB2_41-.Ltmp24, $1  }
0x8ab: {  	_ =	sdelay $0x3  }
0x8ac: {  	p0 =	slt.s32 s1, $0x1  }
.Ltmp25:
0x8ad: {  	_ = 	snop;
	(pc) =	sbr.rel @p0 .LBB2_40-.Ltmp25, $1  }
0x8ae: {  	_ =	sdelay $0x3  }
0x8af: {  	s3 =	simm.s32 $0xC2D8;
	p0 =	por $0x0, $0x0  }
0x8b0: {  	v1 =	vld.msk @!p0 [tilespmem:s3+$0x0], $0x1;
	_ =	sdelay $0x4  }
0x8b1: {  	(v2sf) =	vpush @!p0 v1, $0x0;
	_ =	sdelay $0xd  }
0x8b2: {  	p2 =	sne.s32 s1, $0x1  }
.Ltmp26:
0x8b3: {  	s5 =	spop @!p0 (v2sf);
	(pc) =	sbr.rel @!p2 .LBB2_38-.Ltmp26, $4  }
0x8b4: {  	p1 =	seq.s32 @!p0 s0, s5  }
0x8b5: {  	s5 =	simm.s32 $0x0;
	p1 =	por !p1, p0  }
0x8b6: {  	s7 =	simm.s32 $0xFFFFFFFF;
	s5 =	simm.s32 @p1 $0xFFFFFFFF  }
0x8b7: {  	s6 =	simm.s32 $0x1;
	s5 =	smov.u32 @p0 s7  }
.LBB2_37:
0x8b8: {  	s7 =	smov.u32 s5;
	p0 =	sne.s32 s5, $0xFFFFFFFF  }
0x8b9: {  	s3 =	sadd.s32 $0x1, s3;
	s5 =	smov.u32 s6;
	s6 =	sadd.s32 $0x1, s6  }
0x8ba: {  	p1 =	sne.s32 s1, s6;
	v1 =	vld.msk @!p0 [tilespmem:s3+$0x0], $0x1;
	_ =	sdelay $0x4  }
0x8bb: {  	(v2sf) =	vpush @!p0 v1, $0x0;
	_ =	sdelay $0xe  }
.Ltmp27:
0x8bc: {  	s8 =	spop @!p0 (v2sf);
	(pc) =	sbr.rel @p1 .LBB2_37-.Ltmp27, $4  }
0x8bd: {  	p2 =	seq.s32 @!p0 s0, s8  }
0x8be: {  	p2 =	por !p2, p0  }
0x8bf: {  	s5 =	simm.s32 @p2 $0xFFFFFFFF  }
0x8c0: {  	s5 =	smov.u32 @p0 s7  }
.LBB2_38:
0x8c1: {  	p0 =	seq.s32 s5, $0xFFFFFFFF  }
.Ltmp28:
0x8c2: {  	_ = 	snop;
	(pc) =	sbr.rel @p0 .LBB2_40-.Ltmp28, $1  }
0x8c3: {  	_ =	sdelay $0x3  }
0x8c4: {  	s0 =	smul.u32 $0x4C0, s2;
	_ =	sdelay $0x1  }
0x8c5: {  	s0 =	sshra.s32 s0, $0x2  }
0x8c6: {  	v0 =	vld [tilespmem:s0+$0xC2F8];
	_ =	sdelay $0x1  }
0x8c7: {  	s3 =	smul.u32 $0x4C0, s5;
	_ =	sdelay $0x1  }
0x8c8: {  	s3 =	sshra.s32 s3, $0x2  }
0x8c9: {  	[tilespmem:s3+$0xC2F8] =	vst.add.f32.msk $0xffff, v0  }
0x8ca: {  	v0 =	vld [tilespmem:s0+$0xC308];
	_ =	sdelay $0x4  }
0x8cb: {  	[tilespmem:s3+$0xC308] =	vst.add.f32.msk $0xffff, v0  }
0x8cc: {  	v0 =	vld [tilespmem:s0+$0xC318];
	_ =	sdelay $0x4  }
0x8cd: {  	[tilespmem:s3+$0xC318] =	vst.add.f32.msk $0xffff, v0  }
0x8ce: {  	v0 =	vld [tilespmem:s0+$0xC328];
	_ =	sdelay $0x4  }
0x8cf: {  	[tilespmem:s3+$0xC328] =	vst.add.f32.msk $0xffff, v0  }
0x8d0: {  	v0 =	vld [tilespmem:s0+$0xC338];
	_ =	sdelay $0x4  }
0x8d1: {  	[tilespmem:s3+$0xC338] =	vst.add.f32.msk $0xffff, v0  }
0x8d2: {  	v0 =	vld [tilespmem:s0+$0xC348];
	_ =	sdelay $0x4  }
0x8d3: {  	[tilespmem:s3+$0xC348] =	vst.add.f32.msk $0xffff, v0  }
0x8d4: {  	v0 =	vld [tilespmem:s0+$0xC358];
	_ =	sdelay $0x4  }
0x8d5: {  	[tilespmem:s3+$0xC358] =	vst.add.f32.msk $0xffff, v0  }
0x8d6: {  	v0 =	vld [tilespmem:s0+$0xC368];
	_ =	sdelay $0x4  }
0x8d7: {  	[tilespmem:s3+$0xC368] =	vst.add.f32.msk $0xffff, v0  }
0x8d8: {  	v0 =	vld [tilespmem:s0+$0xC378];
	_ =	sdelay $0x4  }
0x8d9: {  	[tilespmem:s3+$0xC378] =	vst.add.f32.msk $0xffff, v0  }
0x8da: {  	v0 =	vld [tilespmem:s0+$0xC388];
	_ =	sdelay $0x4  }
0x8db: {  	[tilespmem:s3+$0xC388] =	vst.add.f32.msk $0xffff, v0  }
0x8dc: {  	v0 =	vld [tilespmem:s0+$0xC398];
	_ =	sdelay $0x4  }
0x8dd: {  	[tilespmem:s3+$0xC398] =	vst.add.f32.msk $0xffff, v0  }
0x8de: {  	v0 =	vld [tilespmem:s0+$0xC3A8];
	_ =	sdelay $0x4  }
0x8df: {  	[tilespmem:s3+$0xC3A8] =	vst.add.f32.msk $0xffff, v0  }
0x8e0: {  	v0 =	vld [tilespmem:s0+$0xC3B8];
	_ =	sdelay $0x4  }
0x8e1: {  	[tilespmem:s3+$0xC3B8] =	vst.add.f32.msk $0xffff, v0  }
0x8e2: {  	v0 =	vld [tilespmem:s0+$0xC3C8];
	_ =	sdelay $0x4  }
0x8e3: {  	[tilespmem:s3+$0xC3C8] =	vst.add.f32.msk $0xffff, v0  }
0x8e4: {  	v0 =	vld [tilespmem:s0+$0xC3D8];
	_ =	sdelay $0x4  }
0x8e5: {  	[tilespmem:s3+$0xC3D8] =	vst.add.f32.msk $0xffff, v0  }
0x8e6: {  	v0 =	vld [tilespmem:s0+$0xC3E8];
	_ =	sdelay $0x4  }
0x8e7: {  	[tilespmem:s3+$0xC3E8] =	vst.add.f32.msk $0xffff, v0  }
0x8e8: {  	v0 =	vld [tilespmem:s0+$0xC3F8];
	_ =	sdelay $0x4  }
0x8e9: {  	[tilespmem:s3+$0xC3F8] =	vst.add.f32.msk $0xffff, v0  }
0x8ea: {  	v0 =	vld [tilespmem:s0+$0xC408];
	_ =	sdelay $0x4  }
0x8eb: {  	[tilespmem:s3+$0xC408] =	vst.add.f32.msk $0xffff, v0  }
0x8ec: {  	v0 =	vld [tilespmem:s0+$0xC418]  }
.Ltmp29:
0x8ed: {  	_ = 	snop;
	(pc) =	sbr.rel .LBB2_41-.Ltmp29, $2  }
0x8ee: {  	_ =	sdelay $0x2  }
0x8ef: {  	[tilespmem:s3+$0xC418] =	vst.add.f32.msk $0xffff, v0  }
.LBB2_42:
0x8f0: {  	p0 =	slt.s32 s1, $0x1  }
.Ltmp30:
0x8f1: {  	_ = 	snop;
	(pc) =	sbr.rel @p0 .LBB2_46-.Ltmp30, $3  }
0x8f2: {  	_ =	sdelay $0x1  }
0x8f3: {  	s0 =	simm.s32 $0x6  }
0x8f4: {  	[sflag:s0] =	ssyncpa.u1 $0x1;
	s0 =	simm.s32 $0x0  }
0x8f5: {  	s2 =	simm.s32 $0xC2D8  }
0x8f6: {  	v0 =	vld.msk [tilespmem:s2+$0x0], $0x1;
	_ =	sdelay $0x4  }
0x8f7: {  	(v2sf) =	vpush v0, $0x0;
	_ =	sdelay $0xe  }
0x8f8: {  	s3 =	spop (v2sf)  }
0x8f9: {  	s1 =	sadd.s32 $0xFFFFFFFF, s1;
	p0 =	sgt.u32 s3, $0x751FA  }
0x8fa: {  	s2 =	simm.s32 $0xC2F8;
	p1 =	sne.s32 s1, $0x0;
	s5 =	sand.u32 @!p0 $0x7FFF8, s3  }
0x8fb: {  	s6 =	sadd.s32 @!p0 $0x80, s3;
	s7 =	sadd.s32 @!p0 $0x100, s3;
	s3 =	sand.u32 @!p0 $0x7, s3  }
0x8fc: {  	s5 =	sadd.s32 @!p0 s4, s5;
	s6 =	sand.u32 @!p0 $0xFFFF8, s6;
	s7 =	sand.u32 @!p0 $0xFFFF8, s7  }
0x8fd: {  	[hbm4b:s5+s3] =	stream.linear.scatter @!p0 [tilespmem:s2], [sflag:$0x5], $0x80, $0x38;
	[tilespmem:$0x1DA88] =	vst v63  }
.Ltmp31:
0x8fe: {  	s5 =	simm.s32 @!p0 $0xC378;
	s6 =	sadd.s32 @!p0 s4, s6;
	(pc) =	sbr.rel @!p1 .LBB2_45-.Ltmp31, $4  }
0x8ff: {  	[hbm4b:s6+s3] =	stream.linear.scatter @!p0 [tilespmem:s5], [sflag:$0x5], $0x80, $0x38;
	[tilespmem:$0x1DA88] =	vst v63  }
0x900: {  	s5 =	simm.s32 @!p0 $0xC3F8;
	s6 =	sadd.s32 @!p0 s4, s7  }
0x901: {  	[hbm4b:s6+s3] =	stream.linear.scatter @!p0 [tilespmem:s5], [sflag:$0x5], $0x2C, $0x38;
	[tilespmem:$0x1DA88] =	vst v63  }
0x902: {  	s3 =	simm.s32 $0x0;
	s5 =	simm.s32 $0xC2D9  }
.LBB2_44:
0x903: {  	s6 =	simm.s32 $0x0  }
0x904: {  	v0 =	vld.msk [tilespmem:s5+$0x0], $0x1;
	s1 =	sadd.s32 $0xFFFFFFFF, s1;
	s6 =	simm.s32 @!p0 $0x4B0  }
0x905: {  	p1 =	sne.s32 s1, $0x0;
	s0 =	sadd.s32 s0, s6;
	_ =	sdelay $0x3  }
0x906: {  	(v2sf) =	vpush v0, $0x0;
	_ =	sdelay $0xe  }
0x907: {  	s6 =	spop (v2sf)  }
0x908: {  	s2 =	sadd.s32 $0x130, s2;
	p0 =	sgt.u32 s6, $0x751FA  }
0x909: {  	s7 =	sand.u32 @!p0 $0x7FFF8, s6;
	s8 =	sadd.s32 @!p0 $0x80, s6;
	s9 =	sadd.s32 @!p0 $0x100, s6  }
0x90a: {  	s6 =	sand.u32 @!p0 $0x7, s6;
	s7 =	sadd.s32 @!p0 s4, s7;
	s8 =	sand.u32 @!p0 $0xFFFF8, s8  }
0x90b: {  	[hbm4b:s7+s6] =	stream.linear.scatter @!p0 [tilespmem:s2], [sflag:$0x5], $0x80, $0x38;
	[tilespmem:$0x1DA88] =	vst v63  }
.Ltmp32:
0x90c: {  	_ = 	snop;
	(pc) =	sbr.rel @p1 .LBB2_44-.Ltmp32, $4  }
0x90d: {  	s9 =	sand.u32 @!p0 $0xFFFF8, s9;
	s7 =	sadd.s32 @!p0 $0x80, s2;
	s8 =	sadd.s32 @!p0 s4, s8  }
0x90e: {  	[hbm4b:s8+s6] =	stream.linear.scatter @!p0 [tilespmem:s7], [sflag:$0x5], $0x80, $0x38;
	[tilespmem:$0x1DA88] =	vst v63  }
0x90f: {  	s5 =	sadd.s32 $0x1, s5;
	s7 =	sadd.s32 @!p0 $0x100, s2;
	s8 =	sadd.s32 @!p0 s4, s9  }
0x910: {  	[hbm4b:s8+s6] =	stream.linear.scatter @!p0 [tilespmem:s7], [sflag:$0x5], $0x2C, $0x38;
	[tilespmem:$0x1DA88] =	vst v63  }
.LBB2_45:
0x911: {  	s3 =	simm.s32 @!p0 $0x4B0  }
0x912: {  	s0 =	sadd.s32 s0, s3  }
0x913: {  	s0 =	sshrl.u32 s0, $0x2  }
.LBB2_46:
0x914: {  	s1 =	simm.s32 $0x5  }
0x915: {  	_ =	swait.ge [sflag:s1], s0  }
0x916: {  	s29 =	ssub.s32 $0x0, s0;
	[sflag:s1] =	ssyncset.done $0x0  }
0x917: {  	[sflag:s1] =	ssyncadd.s32 s29  }
0x918: {  	[sflag:s1] =	ssyncpa.u1 $0x1  }
0x919: {  	s30 =	simm.s32 $0x1;
	_ =	sfence  }
0x91a: {  	[sflag:s30] =	ssyncpa.u1 $0x1  }
0x91b: {  	_ =	strace $0x9000004D  }
0x91c: {  	[bflag:$0x2] =	sbarrier.arrive $0xFFFF  }
0x91d: {  	s31 =	rddreg [dreg:$0x2]  }
0x91e: {  	s0 =	sadd.s32 $0x100000, s31  }
0x91f: {  	[sflag:s0] =	ssyncadd.tile.s32 $0x1;
	_ =	shalt  }
.Lfunc_end2:
_tile_overlayer_lowered:
.L_overlay_start_2:
0x920: {  	(tag) =	ssettag $0x2  }
0x921: {  	s0 =	rddreg [dreg:$0x0];
	s2 =	stileid.u32  }
0x922: {  	s1 =	rddreg [dreg:$0x1];
	p0 =	sne.s32 s2, $0x0  }
0x923: {  	s3 =	rddreg [dreg:$0x2];
	[bflag:$0x3] =	sbarrier.arrive $0xFFFF;
	s2 =	simm.s32 @!p0 $0x1C01  }
0x924: {  	[timem:s3], [sflag:s2] =	dma.local @!p0 [hbm:s0], s1  }
0x925: {  	s0 =	simm.s32 @!p0 $0x1  }
0x926: {  	_ =	swait.ge @!p0 [sflag:s0], s1  }
0x927: {  	s1 =	ssub.s32 @!p0 $0x0, s1;
	[sflag:s0] =	ssyncset.done @!p0 $0x0  }
0x928: {  	[sflag:s0] =	ssyncadd.s32 @!p0 s1  }
0x929: {  	[bflag:$0x3] =	sbarrier.arrive $0xFFFF  }
0x92a: {  	_ =	shalt  }

// kernel: scatter_offload_async_start.2
scs
__scs_entry_jumppad:
0x0: {  	(pc) =	sbr.rel $0x88, $3  }
0x1: {  	(tag) =	ssettag $0x0;
	lr =	simm.s32 $0x1  }
0x2: {  	[smem:$0x3F87] =	sst lr;
	_ =	strace $0xD0000000  }
0x3: {  	_ = 	snop  }
0x4: {  	_ = 	snop  }
0x5: {  	_ = 	snop  }
0x6: {  	_ = 	snop  }
0x7: {  	_ = 	snop  }
__scs_overlays_trampoline_lowered:
0x8: {  	[smem:$0x3F96] =	sst s0  }
0x9: {  	[smem:$0x3F97] =	sst s1  }
0xa: {  	[smem:$0x3F98] =	sst s2  }
0xb: {  	[smem:$0x3F99] =	sst s3  }
0xc: {  	[smem:$0x3F9A] =	sst s4  }
0xd: {  	[smem:$0x3F9B] =	sst s5  }
0xe: {  	[smem:$0x3F9C] =	sst s6  }
0xf: {  	[smem:$0x3F9D] =	sst s7  }
0x10: {  	[smem:$0x3F9E] =	sst s8  }
0x11: {  	[smem:$0x3F9F] =	sst s9;
	s0 =	simm.s32 @!p0 $0x0  }
0x12: {  	s1 =	sld [smem:$0x3F85];
	s0 =	simm.s32 @p0 $0x1  }
0x13: {  	[smem:$0x3FA0] =	sst s0;
	s0 =	simm.s32 @!p1 $0x0  }
0x14: {  	s2 =	sld [smem:$0x3F84];
	s0 =	simm.s32 @p1 $0x1  }
0x15: {  	[smem:$0x3FA1] =	sst s0;
	s0 =	simm.s32 @!p2 $0x0  }
0x16: {  	s3 =	sld [smem:$0x3FDB];
	s0 =	simm.s32 @p2 $0x1  }
0x17: {  	s4 =	simm.s32 $0x1BF5;
	[smem:$0x3FA3] =	sst s0  }
0x18: {  	s0 =	sld [smem:$0x3F86];
	_ =	swait.ge [sflag:s4], $0x0  }
0x19: {  	s7 =	sld [smem:$0x3F87]  }
0x1a: {  	s8 =	sadd.s32 $0xFFFFE003, lr  }
0x1b: {  	s9 =	sadd.s32 $0xFFFFFEF7, lr;
	s5 =	simm.s32 $0xFFFFFFFF;
	p2 =	slt.u32 s8, $0xFFFFF086  }
0x1c: {  	p1 =	slt.u32 s9, $0xF7A;
	s5 =	simm.s32 @!p2 $0x0  }
0x1d: {  	s5 =	simm.s32 @p1 $0x1;
	p0 =	seq.s32 s7, s2  }
0x1e: {  	s7 =	smul.u32 @!p0 $0xF7A, s2;
	p2 =	seq.s32 @!p0 s5, $0x0  }
0x1f: {  	s9 =	smul.u32 $0xF7A, s1;
	s8 =	simm.s32 @!p0 $0x1BF5;
	p2 =	por !p2, p0  }
0x20: {  	[sflag:s8] =	ssyncset.s32 @!p0 $0xFFFFF086;
	s6 =	sadd.s32 @!p0 s3, s7;
	s7 =	simm.s32 @!p0 $0x108  }
0x21: {  	s3 =	sadd.s32 s3, s9;
	s6 =	sadd.s32 @!p0 $0x88, s6;
	s7 =	simm.s32 @p2 $0x1082  }
0x22: {  	[simem:s7], [sflag:s8] =	dma.local @!p0 [hbm:s6], $0xF7A  }
0x23: {  	s9 =	sor.u32 $0xD0000000, s2;
	s6 =	simm.s32 $0x108;
	_ =	swait.ge @!p0 [sflag:s8], $0x0  }
0x24: {  	s3 =	sadd.s32 $0x88, s3;
	s6 =	simm.s32 @!p1 $0x1082;
	[sflag:s4] =	ssyncset.s32 $0xFFFFF086  }
0x25: {  	[simem:s6], [sflag:s4] =	dma.local [hbm:s3], $0xF7A  }
0x26: {  	[smem:$0x3F87] =	sst s1;
	(tag) =	ssettag s2;
	_ =	strace s9  }
0x27: {  	s1 =	sld [smem:$0x3F97]  }
0x28: {  	s2 =	sld [smem:$0x3F98]  }
0x29: {  	s4 =	sld [smem:$0x3F9A]  }
0x2a: {  	p0 =	seq.s32 s5, $0x0;
	s5 =	sld [smem:$0x3F9B]  }
0x2b: {  	s6 =	sld [smem:$0x3F9C]  }
0x2c: {  	s7 =	sld [smem:$0x3F9D]  }
0x2d: {  	s3 =	simm.s32 $0x108;
	s8 =	sld [smem:$0x3F9E]  }
0x2e: {  	s3 =	simm.s32 @!p0 $0x1082;
	s9 =	sld [smem:$0x3F9F]  }
0x2f: {  	lr =	sadd.s32 s0, s3;
	s0 =	sld [smem:$0x3F96]  }
0x30: {  	s3 =	sld [smem:$0x3F99]  }
0x31: {  	[smem:$0x3FA2] =	sst s10  }
0x32: {  	s10 =	sld [smem:$0x3FA0];
	_ =	sdelay $0x3  }
0x33: {  	p0 =	seq.s32 s10, $0x1;
	s10 =	sld [smem:$0x3FA2];
	_ =	sdelay $0x3  }
0x34: {  	[smem:$0x3FA2] =	sst s10  }
0x35: {  	s10 =	sld [smem:$0x3FA1];
	_ =	sdelay $0x3  }
0x36: {  	p1 =	seq.s32 s10, $0x1;
	s10 =	sld [smem:$0x3FA2];
	_ =	sdelay $0x3  }
0x37: {  	[smem:$0x3FA2] =	sst s10  }
0x38: {  	s10 =	sld [smem:$0x3FA3]  }
0x39: {  	_ = 	snop;
	(pc) =	sbr.ind lr, $3  }
0x3a: {  	_ = 	snop  }
0x3b: {  	_ = 	snop  }
0x3c: {  	p2 =	seq.s32 s10, $0x1;
	s10 =	sld [smem:$0x3FA2]  }
0x3d: {  	_ =	shalt  }
0x3e: {  	_ =	shalt  }
0x3f: {  	_ =	shalt  }
0x40: {  	_ =	shalt  }
0x41: {  	_ =	shalt  }
0x42: {  	_ =	shalt  }
0x43: {  	_ =	shalt  }
0x44: {  	_ =	shalt  }
0x45: {  	_ =	shalt  }
0x46: {  	_ =	shalt  }
0x47: {  	_ =	shalt  }
0x48: {  	_ =	shalt  }
0x49: {  	_ =	shalt  }
0x4a: {  	_ =	shalt  }
0x4b: {  	_ =	shalt  }
0x4c: {  	_ =	shalt  }
0x4d: {  	_ =	shalt  }
0x4e: {  	_ =	shalt  }
0x4f: {  	_ =	shalt  }
0x50: {  	_ =	shalt  }
0x51: {  	_ =	shalt  }
0x52: {  	_ =	shalt  }
0x53: {  	_ =	shalt  }
0x54: {  	_ =	shalt  }
0x55: {  	_ =	shalt  }
0x56: {  	_ =	shalt  }
0x57: {  	_ =	shalt  }
0x58: {  	_ =	shalt  }
0x59: {  	_ =	shalt  }
0x5a: {  	_ =	shalt  }
0x5b: {  	_ =	shalt  }
0x5c: {  	_ =	shalt  }
0x5d: {  	_ =	shalt  }
0x5e: {  	_ =	shalt  }
0x5f: {  	_ =	shalt  }
0x60: {  	_ =	shalt  }
0x61: {  	_ =	shalt  }
0x62: {  	_ =	shalt  }
0x63: {  	_ =	shalt  }
0x64: {  	_ =	shalt  }
0x65: {  	_ =	shalt  }
0x66: {  	_ =	shalt  }
0x67: {  	_ =	shalt  }
0x68: {  	_ =	shalt  }
0x69: {  	_ =	shalt  }
0x6a: {  	_ =	shalt  }
0x6b: {  	_ =	shalt  }
0x6c: {  	_ =	shalt  }
0x6d: {  	_ =	shalt  }
0x6e: {  	_ =	shalt  }
0x6f: {  	_ =	shalt  }
0x70: {  	_ =	shalt  }
0x71: {  	_ =	shalt  }
0x72: {  	_ =	shalt  }
0x73: {  	_ =	shalt  }
0x74: {  	_ =	shalt  }
0x75: {  	_ =	shalt  }
0x76: {  	_ =	shalt  }
0x77: {  	_ =	shalt  }
0x78: {  	_ =	shalt  }
0x79: {  	_ =	shalt  }
0x7a: {  	_ =	shalt  }
0x7b: {  	_ =	shalt  }
0x7c: {  	_ =	shalt  }
0x7d: {  	_ =	shalt  }
0x7e: {  	_ =	shalt  }
0x7f: {  	_ =	shalt  }
0x80: {  	_ =	shalt  }
0x81: {  	_ =	shalt  }
0x82: {  	_ =	shalt  }
0x83: {  	_ =	shalt  }
0x84: {  	_ =	shalt  }
0x85: {  	_ =	shalt  }
0x86: {  	_ =	shalt  }
0x87: {  	_ =	shalt  }
.Lfunc_end0:
.L_simem_size_0:
called_computation.2_lowered:
.L_overlay_start_0:
0x88: {  	s0 =	sld [smem:$0x3FD9]  }
0x89: {  	s1 =	sld [smem:$0x3FFE];
	_ =	sdelay $0x3  }
0x8a: {  	s0 =	sadd.s32 s1, s0  }
0x8b: {  	[smem:$0x3FAE] =	sst s0  }
0x8c: {  	_ = 	snop  }
0x8d: {  	(tm) =	ssettm $0x1  }
0x8e: {  	s15 =	sld [smem:$0x3FFB];
	_ =	sdelay $0x3  }
0x8f: {  	_ =	strace s15  }
0x90: {  	s0 =	sld [smem:$0x3FFC];
	_ =	sdelay $0x3  }
0x91: {  	_ =	strace s0  }
0x92: {  	s0 =	sld [smem:$0x3FFD];
	_ =	sdelay $0x3  }
0x93: {  	_ =	strace s0  }
0x94: {  	_ =	strace $0x8FFFFFFF  }
0x95: {  	s16 =	sld [smem:$0x3FDB];
	_ =	sdelay $0x1  }
0x96: {  	s17 =	simm.s32 $_scs_section_size  }
0x97: {  	s2 =	simm.s32 $_size__tile_overlayer_lowered;
	s3 =	simm.s32 $_tile_overlayer_lowered  }
0x98: {  	s20 =	simm.s32 $0x1BFF;
	s19 =	sshll.u32 s3, $0x1;
	s0 =	sadd.s32 s17, s16  }
0x99: {  	s4 =	simm.s32 $0x0;
	s18 =	sshll.u32 s2, $0x1;
	s2 =	sadd.s32 s19, s0  }
0x9a: {  	[timem:s4], [sflag:s20] =	dma.local [hbm:s2], s18  }
0x9b: {  	_ =	swait.ge [sflag:s20], s18  }
0x9c: {  	s1 =	ssub.s32 $0x0, s18;
	[sflag:s20] =	ssyncset.done $0x0  }
0x9d: {  	[sflag:s20] =	ssyncadd.s32 s1;
	_ =	sdelay $0x1  }
0x9e: {  	s21 =	simm.s32 $0x1B8B  }
0x9f: {  	_ =	swait.ge [sflag:s21], $0x1  }
0xa0: {  	[sflag:s21] =	ssyncset.done $0x0  }
0xa1: {  	s23 =	simm.s32 $0x1B8E;
	s22 =	sld [smem:$0x3FFE];
	[sflag:s21] =	ssyncadd.s32 $0xFFFFFFFF  }
0xa2: {  	s24 =	simm.s32 $execute0_lowered;
	[smem:$0x3FD2] =	sst s23  }
0xa3: {  	s2 =	sshll.u32 s24, $0x1;
	_ =	strace $0x80000049;
	[dreg:$0x1] =	wrdreg $0xFFFFFFFF  }
0xa4: {  	s25 =	simm.s32 $_size_execute0_lowered;
	s0 =	sadd.s32 s0, s2;
	[dreg:$0x0] =	wrdreg $0x0  }
0xa5: {  	s2 =	sshll.u32 s25, $0x1;
	[dreg:$0x2] =	wrdreg s0  }
0xa6: {  	[dreg:$0x3] =	wrdreg s2  }
0xa7: {  	[dreg:$0x4] =	wrdreg $0xC0  }
0xa8: {  	_ =	task [dreg:s4], $0x5FFFF  }
0xa9: {  	[dreg:$0x1] =	wrdreg $0xFFFFFFFF  }
0xaa: {  	[dreg:$0x0] =	wrdreg $0x60  }
0xab: {  	[dreg:$0x2] =	wrdreg s22  }
0xac: {  	[dreg:$0x3] =	wrdreg $0xB  }
0xad: {  	_ =	task.clear_ibuf [dreg:s4], $0x4FFFF;
	_ =	strace $0x90000049  }
0xae: {  	s26 =	simm.s32 $0xB;
	_ =	strace $0x8000004B  }
0xaf: {  	_ =	swait.ge [sflag:s26], $0x1  }
0xb0: {  	[sflag:s26] =	ssyncadd.s32 $0xFFFFFFFF  }
0xb1: {  	_ =	strace $0x9000004B  }
0xb2: {  	_ =	sfence  }
0xb3: {  	s28 =	sld [smem:$0x0];
	_ =	sdelay $0x1  }
0xb4: {  	s29 =	srdreg.scid  }
0xb5: {  	s30 =	sshll.u32 s29, $0xD;
	s31 =	sshrl.u32 s29, $0x2  }
0xb6: {  	s1 =	sand.u32 $0x1, s29;
	s2 =	sand.u32 $0x4000, s30;
	s0 =	sadd.s32 s31, s28  }
0xb7: {  	s1 =	sor.u32 s2, s1;
	s0 =	sshll.u32 s0, $0x11  }
0xb8: {  	s0 =	sor.u32 s0, s1  }
0xb9: {  	s0 =	sadd.s32 $0x8F2B, s0  }
0xba: {  	[sflag:s0] =	ssyncadd.remote.s32 $0x1  }
0xbb: {  	_ =	sfence.sel $0xFFFF  }
0xbc: {  	[dreg:$0x0] =	wrdreg $0xFFFFFFFF;
	(pc) =	sbr.abs _section_cstart, $3  }
0xbd: {  	[dreg:$0x1] =	wrdreg $0xFFFFFFFF  }
0xbe: {  	_ =	task.clear_ibuf [dreg:s4], $0x2FFFF;
	_ =	strace $0x9FFFFFFF  }
0xbf: {  	(tm) =	ssettm $0x7FFFFFFF  }
tec
execute0_lowered:
.L_overlay_start_1:
0x0: {  	(tag) =	ssettag $0x1  }
0x1: {  	s6 =	stileid.u32  }
0x2: {  	s0 =	rddreg [dreg:$0x0];
	_ =	strace $0x8000004A;
	s1 =	smin.u32 s6, $0x9  }
0x3: {  	s2 =	simm.s32 $0x1;
	p0 =	slt.u32 s6, $0x9;
	s1 =	sadd.s32 s6, s1  }
0x4: {  	v1 =	vimm.s32 $0xFFFFFFFF;
	[sflag:s2] =	ssyncpa.u1 $0x0;
	s3 =	smul.u32 $0x4B0, s1;
	s1 =	simm.s32 $0x960  }
0x5: {  	[tilespmem:$0x10] =	vst v1;
	s1 =	simm.s32 @!p0 $0x4B0  }
0x6: {  	v0 =	vimm.f32 $0.0e+00;
	[tilespmem:$0x20] =	vst v1;
	s1 =	sadd.s32 s1, s3  }
0x7: {  	[tilespmem:$0x30] =	vst v0;
	s4 =	smin.u32 s1, $0x7530  }
0x8: {  	[tilespmem:$0x40] =	vst v0;
	s9 =	ssub.s32 s4, s3  }
0x9: {  	[tilespmem:$0x50] =	vst v0;
	p0 =	sgt.s32 s9, $0x0  }
0xa: {  	s7 =	simm.s32 $0x2;
	[tilespmem:$0x60] =	vst v1;
	s9 =	simm.s32 @!p0 $0x0  }
0xb: {  	s8 =	simm.s32 $0x8;
	s31 =	simm.s32 $0x9;
	[tilespmem:$0x70] =	vst v1;
	s30 =	sand.u32 $0xFFF0, s9  }
0xc: {  	s16 =	simm.s32 $0x0;
	s17 =	simm.s32 $0xF0;
	[tilespmem:$0x80] =	vst v1;
	s1 =	sshrl.u32 s30, $0x4  }
0xd: {  	s18 =	simm.s32 $0xFFFFFFFF;
	s19 =	simm.s32 $0xFFFFF7A0;
	v1 =	vimm.s32 $0x0;
	[tilespmem:$0xB0] =	vst v0;
	s5 =	smul.u32 $0x36A, s1  }
0xe: {  	s20 =	simm.s32 $0xFFFFFFFE;
	s21 =	simm.s32 $0xF;
	s25 =	simm.s32 $0x0;
	[tilespmem:$0x90] =	vst v1  }
0xf: {  	[tilespmem:$0xA0] =	vst v1;
	[sflag:s7] =	ssyncpa.u1 $0x0;
	s7 =	simm.s32 $0x7;
	s10 =	sshrl.u32 s5, $0x10  }
0x10: {  	s24 =	simm.s32 $0x0;
	[sflag:s7] =	ssyncpa.u1 $0x0;
	s11 =	smul.u32 $0x4B0, s10  }
0x11: {  	s14 =	sshllo.u32 s6, $0x1;
	[sflag:s8] =	ssyncpa.u1 $0x0;
	s23 =	smov.u32 s3  }
.Ltmp0:
0x12: {  	s1 =	sadd.s32 $0x4200, s0;
	p0 =	sne.s32 s9, s11;
	(pc) =	sbr.rel .LBB2_1-.Ltmp0, $4  }
0x13: {  	s5 =	sadd.s32 $0x11200, s0;
	s0 =	sadd.s32 $0x12200, s0;
	s2 =	simm.s32 @!p0 $0x0  }
0x14: {  	[sflag:s31] =	ssyncpa.u1 $0x0;
	[dreg:$0x2] =	wrdreg s0;
	s9 =	sadd.s32 s10, s2  }
0x15: {  	vm0 =	vmmov $0xffff;
	v2 =	vlaneseq.u32;
	p0 =	por $0x0, $0x0;
	s10 =	sshll.u32 s6, $0x1;
	s11 =	sadd.s32 $0x1, s9  }
0x16: {  	vm1 =	vmxor vm1, vm1;
	vm2 =	vmmov $0x1;
	vm3 =	vcmask $0x3F3C;
	s12 =	sadd.s32 $0x2, s9;
	s13 =	sor.u32 $0x81, s10;
	s15 =	sor.u32 $0x80, s10  }
.LBB2_9:
0x17: {  	p1 =	slt.u32 s24, $0x3  }
0x18: {  	s0 =	simm.s32 @!p1 $0x2  }
0x19: {  	_ =	swait.ge @!p1 [sflag:s0], $0x4B0  }
0x1a: {  	[sflag:s0] =	ssyncset.done @!p1 $0x0  }
0x1b: {  	[sflag:s0] =	ssyncadd.s32 @!p1 $0xFFFFFB50;
	s0 =	simm.s32 @!p1 $0x9  }
0x1c: {  	_ =	swait.ge @!p1 [sflag:s0], $0x10  }
0x1d: {  	[sflag:s0] =	ssyncset.done @!p1 $0x0  }
0x1e: {  	[sflag:s0] =	ssyncadd.s32 @!p1 $0xFFFFFFF0;
	p1 =	sne.s32 s24, s12  }
.Ltmp1:
0x1f: {  	s2 =	sadd.s32 $0x4B0, s23;
	(pc) =	sbr.rel @!p1 .LBB2_10-.Ltmp1, $4  }
0x20: {  	s6 =	smov.u32 s3;
	s31 =	sadd.s32 $0x1, s24;
	s17 =	sadd.s32 $0x4B0, s17  }
0x21: {  	s18 =	sadd.s32 $0x1, s18;
	s25 =	smov.u32 s23;
	p2 =	slt.s32 s2, s4  }
0x22: {  	p0 =	por !p0, !p0;
	s19 =	sadd.s32 $0x4B0, s19;
	s6 =	smov.u32 @p2 s2  }
0x23: {  	s20 =	sadd.s32 $0x1, s20;
	s23 =	smov.u32 s6;
	s24 =	smov.u32 s31  }
.LBB2_1:
0x24: {  	p1 =	sge.u32 s24, s9  }
0x25: {  	s0 =	smulhi.u32 @!p1 $0xAAAAAAAB, s24;
	_ =	sdelay $0x1  }
0x26: {  	s0 =	sshrl.u32 @!p1 s0, $0x1  }
0x27: {  	s0 =	smul.u32 @!p1 $0x3, s0;
	_ =	sdelay $0x1  }
0x28: {  	s0 =	ssub.s32 @!p1 s24, s0  }
0x29: {  	s0 =	smul.u32 @!p1 $0x12C0, s0;
	_ =	sdelay $0x1  }
0x2a: {  	s2 =	sshrl.u32 @!p1 s23, $0x3;
	s0 =	sshrl.u32 @!p1 s0, $0x2  }
0x2b: {  	s22 =	sand.u32 @!p1 $0x7, s23;
	s2 =	sadd.s32 @!p1 s5, s2;
	s0 =	sadd.s32 @!p1 $0x100, s0  }
0x2c: {  	[tilespmem:s0], [sflag:$0x7] =	stream.linear.gather @!p1 [hbm4b:s2+s22], $0x4B0, $0x38;
	[tilespmem:$0x2B50] =	vst v63  }
0x2d: {  	s0 =	sadd.s32 $0xFFFFFFFF, s24  }
0x2e: {  	p1 =	sge.u32 s0, s9  }
.Ltmp2:
0x2f: {  	_ = 	snop;
	(pc) =	sbr.rel @p1 .LBB2_5-.Ltmp2, $1  }
0x30: {  	_ =	sdelay $0x3  }
0x31: {  	s2 =	smulhi.u32 $0xAAAAAAAB, s0;
	_ =	sdelay $0x1  }
0x32: {  	s2 =	sshrl.u32 s2, $0x1  }
0x33: {  	s2 =	smul.u32 $0x3, s2;
	_ =	sdelay $0x1  }
0x34: {  	s2 =	ssub.s32 s0, s2  }
0x35: {  	s2 =	smul.u32 $0x12C0, s2  }
0x36: {  	_ =	swait.ge [sflag:s7], $0x4B0  }
0x37: {  	[sflag:s7] =	ssyncset.done $0x0;
	s2 =	sshrl.u32 s2, $0x2  }
0x38: {  	[sflag:s7] =	ssyncadd.s32 $0xFFFFFB50;
	(ifvalue) =	ssetifvalue $0xFFFFFFFF;
	v3 =	vld.msk [tilespmem:s2+$0x100 ss:$0x1], $0xffff;
	_ =	sdelay $0x2  }
0x39: {  	s30 =	smulhi.u32 $0xAAAAAAAB, s18;
	p1 =	sne.s32 s24, $0x1  }
0x3a: {  	v4 =	vimm.s32 @!p1 $0x0  }
0x3b: {  	s2 =	sshrl.u32 s30, $0x1;
	v4 =	vperm.xlane @!p1 v3, v4  }
0x3c: {  	s22 =	sshll.u32 s24, $0x4;
	s2 =	smul.u32 $0xFFFFC7C0, s2;
	vm4 =	vlt.u32 v3, $0x1400  }
0x3d: {  	s22 =	sand.u32 $0x10, s22;
	v3 =	vnsel vm4, $0xFFFFFFFE, v3;
	vm4 =	vlt.u32 @!p1 v4, $0x1400  }
0x3e: {  	s2 =	sshra.s32 s2, $0x2;
	[tilespmem:s22+$0x60] =	vst v3;
	v3 =	vnsel @!p1 vm4, $0xFFFFFFFE, v4  }
0x3f: {  	s28 =	sadd.s32 s2, s17;
	[tilespmem:$0x80] =	vst @!p1 v3  }
0x40: {  	v3 =	vld.msk [tilespmem:s28+$0x0 ss:$0x1], $0xffff;
	_ =	sdelay $0x4  }
0x41: {  	(xrf1) =	vunique.msk.u32 $0xffff, v3;
	_ =	sdelay $0xd  }
0x42: {  	v4 =	vimm.s32 $0xFFFFFFFF;
	v5, _, _ =	vpop (xrf1)  }
0x43: {  	vm5 =	vne.s32 v3, v4;
	vm4 =	veq.s32 v5, v2  }
0x44: {  	vm6 =	vlt.u32 v3, $0x1400;
	vm4 =	vmand vm5, vm4  }
0x45: {  	vm4 =	vmand vm6, vm4  }
0x46: {  	v4 =	vnsel vm4, $0xFFFFFFFF, v3  }
0x47: {  	s31 =	sand.u32 $0x1, s0  }
0x48: {  	s0 =	simm.s32 $0x4B0;
	p1 =	seq.s32 s31, $0x1  }
0x49: {  	s0 =	simm.s32 @!p1 $0x0  }
0x4a: {  	s26 =	sadd.s32 $0x13B0, s0;
	(ifvalue) =	ssetifvalue $0xFFFFFFFF  }
0x4b: {  	v3 =	vperm.xlane v3, v1;
	[tilespmem:s26], [sflag:$0x8] =	stream.indirect_vreg.gather [hbm4b:s1+s16], $0x1, v4, vm0, $0x4038;
	v4 =	vnsel vm6, $0xFFFFFFFE, v4;
	[tilespmem:$0x2B50] =	vst v63  }
0x4c: {  	s2 =	simm.s32 $0x0;
	s22 =	sadd.s32 $0xFFFFFFF0, s28;
	[tilespmem:s28+$0x0] =	vst v4  }
.LBB2_3:
0x4d: {  	v4 =	vld.msk [tilespmem:s22+$0x0 ss:$0x1], $0xffff;
	s2 =	sadd.s32 $0x10, s2;
	v5 =	vmov v3;
	s28 =	smov.u32 s22  }
0x4e: {  	p1 =	slt.u32 s2, $0x4A0;
	_ =	sdelay $0x4  }
0x4f: {  	v3 =	vperm.xlane v4, v1;
	(xrf1) =	vunique.msk.u32 $0xffff, v4;
	_ =	sdelay $0xd  }
0x50: {  	v6, _, _ =	vpop (xrf1)  }
0x51: {  	vm5 =	vne.s32 v4, v5;
	vm4 =	veq.s32 v6, v2  }
0x52: {  	vm6 =	vlt.u32 v4, $0x1400;
	vm4 =	vmand vm5, vm4  }
0x53: {  	vm4 =	vmand vm6, vm4  }
0x54: {  	v4 =	vnsel vm4, $0xFFFFFFFF, v4  }
.Ltmp3:
0x55: {  	v5 =	vnsel vm6, $0xFFFFFFFE, v4;
	(pc) =	sbr.rel @p1 .LBB2_3-.Ltmp3, $3  }
0x56: {  	_ =	sdelay $0x1  }
0x57: {  	s22 =	sadd.s32 $0xFFFFFFF0, s22;
	s26 =	sadd.s32 $0xFFFFFFF0, s26;
	(ifvalue) =	ssetifvalue $0xFFFFFFFF  }
0x58: {  	[tilespmem:s26], [sflag:$0x8] =	stream.indirect_vreg.gather [hbm4b:s1+s16], $0x1, v4, vm0, $0x4038;
	[tilespmem:s28+$0x0] =	vst v5  }
0x59: {  	s2 =	sshrl.u32 s25, $0x3;
	s6 =	rddreg [dreg:$0x2]  }
0x5a: {  	s0 =	sadd.s32 $0x1870, s0;
	s2 =	sadd.s32 s6, s2  }
0x5b: {  	[tilespmem:s0], [sflag:$0x8] =	stream.linear.gather [hbm:s2], $0x4B0, $0x38;
	[tilespmem:$0x2B50] =	vst v63  }
.LBB2_5:
0x5c: {  	p1 =	slt.u32 s24, $0x2  }
0x5d: {  	p2 =	sge.u32 @!p1 s24, s12  }
0x5e: {  	p1 =	por p1, p2  }
.Ltmp4:
0x5f: {  	_ = 	snop;
	(pc) =	sbr.rel @p1 .LBB2_9-.Ltmp4, $1  }
0x60: {  	_ =	sdelay $0x3  }
0x61: {  	s0 =	sadd.s32 $0xFFFFFFFE, s24  }
0x62: {  	s2 =	smulhi.u32 $0xAAAAAAAB, s0;
	_ =	sdelay $0x1  }
0x63: {  	s2 =	sshrl.u32 s2, $0x1  }
0x64: {  	s2 =	smul.u32 $0x3, s2;
	_ =	sdelay $0x1  }
0x65: {  	s0 =	ssub.s32 s0, s2  }
0x66: {  	_ =	swait.ge [sflag:s8], $0x960;
	s0 =	smul.u32 $0x4B0, s0  }
0x67: {  	p1 =	sne.s32 s24, s11;
	[sflag:s8] =	ssyncset.done $0x0  }
0x68: {  	[sflag:s8] =	ssyncadd.s32 $0xFFFFF6A0;
	s2 =	sadd.s32 @!p1 $0x5AF, s0  }
0x69: {  	[spmem:s13] =	stream.linear.scatter @!p1 [tilespmem:s2], [sflag:$0x1], $0x1, $0x38;
	[tilespmem:$0x2B50] =	vst v63  }
0x6a: {  	s2 =	simm.s32 @!p1 $0x1  }
0x6b: {  	_ =	swait.ge @!p1 [sflag:s2], $0x1  }
0x6c: {  	s22 =	sshll.u32 s24, $0x4;
	[sflag:s2] =	ssyncset.done @!p1 $0x0  }
0x6d: {  	s25 =	sand.u32 $0x10, s22;
	[sflag:s2] =	ssyncadd.s32 @!p1 $0xFFFFFFFF  }
0x6e: {  	s2 =	sxor.u32 $0x10, s25;
	v4 =	vld [tilespmem:s25+$0x10]  }
0x6f: {  	v5 =	vld [tilespmem:s2+$0x60]  }
0x70: {  	v3 =	vld [tilespmem:$0x80];
	_ =	sdelay $0x2  }
0x71: {  	(v2sf) =	vpush v4, $0x0  }
0x72: {  	(v2sf) =	vpush v5, $0x0  }
0x73: {  	(v2sf) =	vpush v3, $0x0;
	_ =	sdelay $0xc  }
0x74: {  	s6 =	spop (v2sf)  }
0x75: {  	s28 =	spop (v2sf)  }
0x76: {  	s26 =	spop (v2sf)  }
0x77: {  	p2 =	seq.s32 s6, s28;
	p3 =	seq.s32 s26, s6  }
0x78: {  	p3 =	por p2, p3  }
0x79: {  	s6 =	sand.u32 $0x1, s24;
	v4 =	vpsel p3, $0xFFFFFFFF, v4  }
0x7a: {  	s28 =	smul.u32 $0x4B0, s6;
	[tilespmem:s25+$0x10] =	vst.msk $0x1, v4  }
0x7b: {  	v4 =	vld [tilespmem:$0x30]  }
0x7c: {  	v5 =	vld [tilespmem:s28+$0x1870]  }
0x7d: {  	v6 =	vld [tilespmem:s25+$0x40];
	_ =	sdelay $0x3  }
0x7e: {  	vm4 =	vmmov vm1;
	v5 =	vadd.f32 v5, v4  }
0x7f: {  	vm5 =	vmmov vm2;
	vm4 =	vmmov @p2 vm2;
	v4 =	vadd.f32 v6, v4  }
0x80: {  	s22 =	sshll.u32 s6, $0x4;
	vm5 =	vmmov @p3 vm1;
	[tilespmem:s28+$0x1870] =	vst.msk vm4, v5  }
0x81: {  	[tilespmem:s22+$0x2B30] =	vst.msk vm5, v4  }
0x82: {  	v4 =	vld [tilespmem:s28+$0x13B0];
	_ =	sdelay $0x3  }
0x83: {  	v5 =	vimm.f32 $0.0e+00  }
0x84: {  	v4 =	vshift.insert v4, v5, s21  }
0x85: {  	s29 =	sor.u32 $0x40, s2  }
0x86: {  	[tilespmem:s29+$0x0] =	vst.msk $0x1, v4  }
0x87: {  	[tilespmem:s28+$0x13BF] =	vst.msk $0x1, v5  }
0x88: {  	v4 =	vld [tilespmem:s0+$0x5A0];
	_ =	sdelay $0x1  }
0x89: {  	s29 =	smulhi.u32 $0xAAAAAAAB, s20;
	s0 =	simm.s32 $0x1  }
0x8a: {  	s0 =	simm.s32 @!p0 $0x0  }
0x8b: {  	s29 =	sshrl.u32 s29, $0x1;
	s0 =	smul.u32 $0x12C0, s0  }
0x8c: {  	s29 =	smul.u32 $0xFFFFC7C0, s29;
	v4 =	vshift.insert v4, v1, s21  }
0x8d: {  	s0 =	sshrl.u32 s0, $0x2  }
0x8e: {  	s29 =	sshra.s32 s29, $0x2;
	s30 =	sadd.s32 $0x1870, s0;
	[tilespmem:s2+$0x10] =	vst.msk $0x1, v4  }
0x8f: {  	s6 =	sadd.s32 s29, s19;
	v6 =	vld [tilespmem:s30+$0x0]  }
0x90: {  	v7 =	vld [tilespmem:s6+$0x0];
	_ =	sdelay $0x3  }
0x91: {  	v5 =	vadd.f32 v6, v5  }
0x92: {  	vm4 =	vne.s32 v7, $0xFFFFFFFF  }
0x93: {  	(xrf2) =	vadd.seg.scan.f32 vm4, v5;
	_ =	sdelay $0x3  }
0x94: {  	s31 =	sadd.s32 $0xF10, s0;
	v5 =	vperm.xlane v4, v1  }
0x95: {  	v6 =	vld [tilespmem:s31+$0x0]  }
0x96: {  	vm5 =	veq.s32 v7, v3;
	vm6 =	veq.s32 v7, v5  }
0x97: {  	vm7 =	vgt.u32 v7, $0xFFFFFFFD;
	vm6 =	vmor vm6, vm5  }
0x98: {  	vm6 =	vmor vm6, vm7  }
0x99: {  	v9 =	vld [tilespmem:$0xA0];
	v7 =	vsel vm6, $0xFFFFFFFF, v7  }
0x9a: {  	v10 =	vld [tilespmem:$0x90];
	v6 =	vsel vm5, $0x0, v6;
	v8, _, _ =	vpop (xrf2)  }
0x9b: {  	v6 =	vadd.f32 v8, v6  }
0x9c: {  	s0 =	sadd.s32 $0x21D0, s0  }
0x9d: {  	vm4 =	vmand vm4, vm3;
	[tilespmem:s0+$0x0] =	vst v6;
	(ifvalue) =	ssetifvalue $0xFFFFFFFF  }
0x9e: {  	vm6 =	veq.s32 v9, $0x1;
	[hbm4b:s1+s16] =	stream.indirect_vreg.scatter [tilespmem:s0], [sflag:$0x2], $0x1, v7, vm0, $0x4038;
	v7 =	vsel vm4, $0x0, v8;
	[tilespmem:$0x2B50] =	vst v63  }
0x9f: {  	s29 =	sadd.s32 $0x2B30, s22;
	s22 =	sadd.s32 $0x10, s6;
	s2 =	simm.s32 $0x0;
	vm4 =	vmor vm6, vm5;
	v6 =	vsel vm5, v8, v10;
	v7 =	vshift.insert v7, v0, s21  }
.LBB2_7:
0xa0: {  	v8 =	vld [tilespmem:s22+$0x0];
	s30 =	sadd.s32 $0x10, s30  }
0xa1: {  	s31 =	sadd.s32 $0x10, s31;
	v9 =	vld [tilespmem:s30+$0x0]  }
0xa2: {  	s2 =	sadd.s32 $0x10, s2;
	v10 =	vld [tilespmem:s31+$0x0]  }
0xa3: {  	p2 =	slt.u32 s2, $0x4A0;
	_ =	sdelay $0x2  }
0xa4: {  	v7 =	vadd.f32 v9, v7  }
0xa5: {  	vm5 =	vne.s32 v8, $0xFFFFFFFF  }
0xa6: {  	vm6 =	vmand vm5, vm3;
	(xrf2) =	vadd.seg.scan.f32 vm5, v7;
	_ =	sdelay $0x5  }
0xa7: {  	vm7 =	veq.s32 v8, v5;
	vm5 =	veq.s32 v8, v3  }
0xa8: {  	vm8 =	vgt.u32 v8, $0xFFFFFFFD;
	vm4 =	vmor vm4, vm5;
	vm7 =	vmor vm7, vm5  }
0xa9: {  	vm7 =	vmor vm7, vm8  }
0xaa: {  	v8 =	vsel vm7, $0xFFFFFFFF, v8  }
.Ltmp5:
0xab: {  	v7 =	vsel vm5, $0x0, v10;
	v9, _, _ =	vpop (xrf2);
	(pc) =	sbr.rel @p2 .LBB2_7-.Ltmp5, $4  }
0xac: {  	v6 =	vsel vm5, v9, v6;
	v10 =	vadd.f32 v9, v7;
	v7 =	vsel vm6, $0x0, v9  }
0xad: {  	s0 =	sadd.s32 $0x10, s0;
	v7 =	vshift.insert v7, v0, s21  }
0xae: {  	s22 =	sadd.s32 $0x10, s22;
	[tilespmem:s0+$0x0] =	vst v10;
	(ifvalue) =	ssetifvalue $0xFFFFFFFF  }
0xaf: {  	[hbm4b:s1+s16] =	stream.indirect_vreg.scatter [tilespmem:s0], [sflag:$0x2], $0x1, v8, vm0, $0x4038;
	[tilespmem:$0x2B50] =	vst v63  }
0xb0: {  	v3 =	vld [tilespmem:s28+$0x2670];
	_ =	sdelay $0x4  }
0xb1: {  	v3 =	vshift.insert v3, v0, s21  }
0xb2: {  	s0 =	simm.s32 $0x30  }
0xb3: {  	[tilespmem:s0+$0x0] =	vst.msk $0x1, v3  }
0xb4: {  	v3 =	vsel vm4, $0x1, v1;
	[tilespmem:$0x90] =	vst v6  }
0xb5: {  	s0 =	sadd.s32 @!p1 $0x267F, s28;
	[tilespmem:$0xA0] =	vst v3  }
0xb6: {  	[spmem:s14] =	stream.linear.scatter @!p1 [tilespmem:s0], [sflag:$0x1], $0x1, $0x38;
	[tilespmem:$0x2B50] =	vst v63  }
0xb7: {  	s0 =	simm.s32 @!p1 $0x1  }
0xb8: {  	v3 =	vmctz.xlane @!p1 vm4;
	_ =	swait.ge @!p1 [sflag:s0], $0x1  }
0xb9: {  	(v2sf) =	vpush @!p1 v4, $0x0  }
0xba: {  	(v2sf) =	vpush @!p1 v3, $0x0;
	_ =	sdelay $0xd  }
0xbb: {  	s2 =	spop @!p1 (v2sf)  }
0xbc: {  	s6 =	spop @!p1 (v2sf)  }
0xbd: {  	p2 =	sne.s32 @!p1 s26, s2;
	p3 =	slt.s32 @!p1 s6, $0xF  }
0xbe: {  	[sflag:s0] =	ssyncset.done @!p1 $0x0;
	p2 =	por p2, p1;
	p3 =	por !p3, p1  }
0xbf: {  	[sflag:s0] =	ssyncadd.s32 @!p1 $0xFFFFFFFF;
	v3 =	vimm.s32 @!p2 $0xFFFFFFFF;
	s6 =	simm.s32 @p3 $0xF  }
0xc0: {  	[tilespmem:$0x80] =	vst @!p2 v3;
	s2 =	sadd.s32 @!p1 $0x90, s6  }
0xc1: {  	[spmem:s10] =	stream.linear.scatter @!p1 [tilespmem:s2], [sflag:$0x1], $0x1, $0x38;
	[tilespmem:$0x2B50] =	vst v63  }
0xc2: {  	_ =	swait.ge @!p1 [sflag:s0], $0x1  }
0xc3: {  	[sflag:s0] =	ssyncset.done @!p1 $0x0  }
0xc4: {  	s2 =	simm.s32 @!p1 $0x80;
	[sflag:s0] =	ssyncadd.s32 @!p1 $0xFFFFFFFF  }
0xc5: {  	[spmem:s15] =	stream.linear.scatter @!p1 [tilespmem:s2], [sflag:$0x1], $0x1, $0x38;
	[tilespmem:$0x2B50] =	vst v63  }
0xc6: {  	_ =	swait.ge @!p1 [sflag:s0], $0x1  }
0xc7: {  	[sflag:s0] =	ssyncset.done @!p1 $0x0  }
0xc8: {  	[sflag:s0] =	ssyncadd.s32 @!p1 $0xFFFFFFFF;
	(ifvalue) =	ssetifvalue $0xFFFFFFFF;
	v3 =	vld [tilespmem:s25+$0x10];
	_ =	sdelay $0x3  }
.Ltmp6:
0xc9: {  	_ = 	snop;
	(pc) =	sbr.rel .LBB2_9-.Ltmp6, $3  }
0xca: {  	_ =	sdelay $0x1  }
0xcb: {  	(ifvalue) =	ssetifvalue $0xFFFFFFFF  }
0xcc: {  	[hbm4b:s1+s16] =	stream.indirect_vreg.scatter [tilespmem:s29], [sflag:$0x9], $0x1, v3, vm0, $0x4038;
	[tilespmem:$0x2B50] =	vst v63  }
.LBB2_10:
0xcd: {  	_ =	sfence.sel $0x180000  }
0xce: {  	s0 =	simm.s32 $0x7;
	[bflag:$0x0] =	sbarrier.arrive $0xFFFF  }
0xcf: {  	s26 =	simm.s32 $0x8;
	[sflag:s0] =	ssyncpa.u1 $0x1  }
0xd0: {  	s28 =	simm.s32 $0x9;
	[sflag:s26] =	ssyncpa.u1 $0x1  }
0xd1: {  	[sflag:s28] =	ssyncpa.u1 $0x1  }
0xd2: {  	_ =	sfence.stream.spmem  }
0xd3: {  	s29 =	simm.s32 $0x3;
	[bflag:$0x0] =	sbarrier.arrive $0xFFFF  }
0xd4: {  	s30 =	simm.s32 $0x4;
	[sflag:s29] =	ssyncpa.u1 $0x1  }
0xd5: {  	s31 =	simm.s32 $0x3C;
	s2 =	stileid.u32;
	[sflag:s30] =	ssyncpa.u1 $0x1  }
0xd6: {  	p0 =	sne.s32 s2, $0x0;
	[sflag:s31] =	ssyncpa.u1 $0x1  }
0xd7: {  	s0 =	simm.s32 @p0 $0x1;
	_ =	sfence @p0  }
0xd8: {  	[sflag:s0] =	ssyncpa.u1 @p0 $0x1;
	s0 =	simm.s32 @p0 $0x2  }
0xd9: {  	[sflag:s0] =	ssyncpa.u1 @p0 $0x1  }
0xda: {  	_ =	strace @p0 $0x9000004A  }
0xdb: {  	[bflag:$0x2] =	sbarrier.arrive @p0 $0xFFFF  }
0xdc: {  	_ =	shalt @p0  }
.LBB2_11:
0xdd: {  	_ =	sfence.stream.spmem;
	s0 =	simm.s32 $0x5  }
0xde: {  	s2 =	simm.s32 $0x80;
	s3 =	simm.s32 $0xC0;
	[sflag:s0] =	ssyncpa.u1 $0x0  }
0xdf: {  	[tilespmem:s3], [sflag:$0x5] =	stream.linear.gather [spmem:s2], $0x20, $0x38;
	[tilespmem:$0x2B50] =	vst v63  }
0xe0: {  	s2 =	simm.s32 $0x0;
	s3 =	simm.s32 $0xE0  }
0xe1: {  	[tilespmem:s3], [sflag:$0x5] =	stream.linear.gather [spmem:s2], $0x20, $0x38;
	[tilespmem:$0x2B50] =	vst v63  }
.Ltmp7:
0xe2: {  	_ = 	snop;
	(pc) =	sbr.rel .LBB2_12-.Ltmp7, $4  }
0xe3: {  	_ =	swait.ge [sflag:s0], $0x40  }
0xe4: {  	[sflag:s0] =	ssyncset.done $0x0  }
0xe5: {  	s31 =	simm.s32 $0x6;
	[sflag:s0] =	ssyncadd.s32 $0xFFFFFFC0  }
0xe6: {  	s4 =	simm.s32 $0x0;
	[sflag:s31] =	ssyncpa.u1 $0x0  }
.LBB2_17:
0xe7: {  	p0 =	sgt.u32 s5, $0x13FF  }
0xe8: {  	s0 =	sshrl.u32 @!p0 s5, $0x3  }
0xe9: {  	s5 =	sand.u32 @!p0 $0x7, s5;
	s6 =	simm.s32 @!p0 $0xB0;
	s0 =	sadd.s32 @!p0 s1, s0  }
0xea: {  	[tilespmem:s6], [sflag:$0x6] =	stream.linear.gather @!p0 [hbm4b:s0+s5], $0x1, $0x38;
	[tilespmem:$0x2B50] =	vst v63  }
0xeb: {  	s0 =	simm.s32 @!p0 $0x6  }
0xec: {  	_ =	swait.ge @!p0 [sflag:s0], $0x1  }
0xed: {  	[sflag:s0] =	ssyncset.done @!p0 $0x0  }
0xee: {  	[sflag:s0] =	ssyncadd.s32 @!p0 $0xFFFFFFFF  }
0xef: {  	v2 =	vmov @!p0 s4;
	v1 =	vld.msk @!p0 [tilespmem:$0xB0], $0x1;
	_ =	sdelay $0x3  }
0xf0: {  	s0 =	simm.s32 @!p0 $0xE0  }
0xf1: {  	[tilespmem:v2+s0+$0x0], v1 =	vst.idx.ret.add.f32.msk @!p0 $0x1, v1  }
0xf2: {  	[tilespmem:s2+$0xC0] =	vst.msk $0x1, v0  }
0xf3: {  	v0 =	vld.msk [tilespmem:s4+$0xE0], $0x1;
	_ =	sdelay $0x4  }
0xf4: {  	[tilespmem:s2+$0xE0] =	vst.msk $0x1, v0;
	s2 =	sadd.s32 $0x1, s2  }
.LBB2_19:
0xf5: {  	s4 =	sadd.s32 $0x1, s4  }
0xf6: {  	p0 =	sne.s32 s4, $0x20  }
.Ltmp8:
0xf7: {  	_ = 	snop;
	(pc) =	sbr.rel @!p0 .LBB2_20-.Ltmp8, $1  }
0xf8: {  	_ =	sdelay $0x3  }
.LBB2_12:
0xf9: {  	v0 =	vld.msk [tilespmem:s4+$0xC0], $0x1;
	_ =	sdelay $0x4  }
0xfa: {  	(v2sf) =	vpush v0, $0x0;
	_ =	sdelay $0xe  }
0xfb: {  	s5 =	spop (v2sf)  }
0xfc: {  	p0 =	seq.s32 s5, $0xFFFFFFFF  }
.Ltmp9:
0xfd: {  	_ = 	snop;
	(pc) =	sbr.rel @p0 .LBB2_19-.Ltmp9, $1  }
0xfe: {  	_ =	sdelay $0x3  }
0xff: {  	p0 =	slt.s32 s2, $0x1  }
.Ltmp10:
0x100: {  	_ = 	snop;
	(pc) =	sbr.rel @p0 .LBB2_17-.Ltmp10, $1  }
0x101: {  	_ =	sdelay $0x3  }
0x102: {  	s0 =	simm.s32 $0xC0;
	p0 =	por $0x0, $0x0  }
0x103: {  	v1 =	vld.msk @!p0 [tilespmem:s0+$0x0], $0x1;
	_ =	sdelay $0x4  }
0x104: {  	(v2sf) =	vpush @!p0 v1, $0x0;
	_ =	sdelay $0xd  }
0x105: {  	p2 =	sne.s32 s2, $0x1  }
.Ltmp11:
0x106: {  	s6 =	spop @!p0 (v2sf);
	(pc) =	sbr.rel @!p2 .LBB2_16-.Ltmp11, $4  }
0x107: {  	p1 =	seq.s32 @!p0 s5, s6  }
0x108: {  	s6 =	simm.s32 $0x0;
	p1 =	por !p1, p0  }
0x109: {  	s8 =	simm.s32 $0xFFFFFFFF;
	s6 =	simm.s32 @p1 $0xFFFFFFFF  }
0x10a: {  	s7 =	simm.s32 $0x1;
	s6 =	smov.u32 @p0 s8  }
.LBB2_15:
0x10b: {  	s8 =	smov.u32 s6;
	p0 =	sne.s32 s6, $0xFFFFFFFF  }
0x10c: {  	s0 =	sadd.s32 $0x1, s0;
	s6 =	smov.u32 s7;
	s7 =	sadd.s32 $0x1, s7  }
0x10d: {  	p1 =	sne.s32 s2, s7;
	v1 =	vld.msk @!p0 [tilespmem:s0+$0x0], $0x1;
	_ =	sdelay $0x4  }
0x10e: {  	(v2sf) =	vpush @!p0 v1, $0x0;
	_ =	sdelay $0xe  }
.Ltmp12:
0x10f: {  	s9 =	spop @!p0 (v2sf);
	(pc) =	sbr.rel @p1 .LBB2_15-.Ltmp12, $4  }
0x110: {  	p2 =	seq.s32 @!p0 s5, s9  }
0x111: {  	p2 =	por !p2, p0  }
0x112: {  	s6 =	simm.s32 @p2 $0xFFFFFFFF  }
0x113: {  	s6 =	smov.u32 @p0 s8  }
.LBB2_16:
0x114: {  	p0 =	sne.s32 s6, $0xFFFFFFFF  }
.Ltmp13:
0x115: {  	_ = 	snop;
	(pc) =	sbr.rel @!p0 .LBB2_17-.Ltmp13, $1  }
0x116: {  	_ =	sdelay $0x3  }
0x117: {  	v0 =	vld.msk [tilespmem:s4+$0xE0], $0x1;
	v1 =	vmov s6  }
.Ltmp14:
0x118: {  	_ = 	snop;
	(pc) =	sbr.rel .LBB2_19-.Ltmp14, $2  }
0x119: {  	_ =	sdelay $0x2  }
0x11a: {  	[tilespmem:v1+s3+$0x0], v0 =	vst.idx.ret.add.f32.msk $0x1, v0  }
.LBB2_20:
0x11b: {  	p0 =	slt.s32 s2, $0x1  }
.Ltmp15:
0x11c: {  	_ = 	snop;
	(pc) =	sbr.rel @p0 .LBB2_24-.Ltmp15, $3  }
0x11d: {  	_ =	sdelay $0x1  }
0x11e: {  	s0 =	simm.s32 $0x6  }
0x11f: {  	s3 =	simm.s32 $0x0;
	[sflag:s0] =	ssyncpa.u1 $0x1  }
0x120: {  	s0 =	simm.s32 $0xC0  }
0x121: {  	v0 =	vld.msk [tilespmem:s0+$0x0], $0x1;
	_ =	sdelay $0x4  }
0x122: {  	(v2sf) =	vpush v0, $0x0;
	_ =	sdelay $0xe  }
0x123: {  	s2 =	sadd.s32 $0xFFFFFFFF, s2;
	s4 =	spop (v2sf)  }
0x124: {  	p1 =	sne.s32 s2, $0x0;
	p0 =	sgt.u32 s4, $0x13FF  }
.Ltmp16:
0x125: {  	s5 =	sshrl.u32 @!p0 s4, $0x3;
	(pc) =	sbr.rel @!p1 .LBB2_23-.Ltmp16, $4  }
0x126: {  	s0 =	simm.s32 $0xE0;
	s4 =	sand.u32 @!p0 $0x7, s4;
	s5 =	sadd.s32 @!p0 s1, s5  }
0x127: {  	[hbm4b:s5+s4] =	stream.linear.scatter @!p0 [tilespmem:s0], [sflag:$0x5], $0x1, $0x38;
	[tilespmem:$0x2B50] =	vst v63  }
0x128: {  	s5 =	simm.s32 $0x0  }
0x129: {  	s4 =	simm.s32 $0xC1;
	s5 =	simm.s32 @!p0 $0x4  }
.LBB2_22:
0x12a: {  	v0 =	vld.msk [tilespmem:s4+$0x0], $0x1;
	s2 =	sadd.s32 $0xFFFFFFFF, s2;
	s3 =	sadd.s32 s3, s5  }
0x12b: {  	p0 =	sne.s32 s2, $0x0;
	_ =	sdelay $0x3  }
0x12c: {  	(v2sf) =	vpush v0, $0x0;
	_ =	sdelay $0xe  }
.Ltmp17:
0x12d: {  	s6 =	spop (v2sf);
	(pc) =	sbr.rel @p0 .LBB2_22-.Ltmp17, $4  }
0x12e: {  	s5 =	simm.s32 $0x0;
	p1 =	sgt.u32 s6, $0x13FF  }
0x12f: {  	s0 =	sadd.s32 $0x1, s0;
	s5 =	simm.s32 @!p1 $0x4;
	s7 =	sshrl.u32 @!p1 s6, $0x3  }
0x130: {  	s4 =	sadd.s32 $0x1, s4;
	s6 =	sand.u32 @!p1 $0x7, s6;
	s7 =	sadd.s32 @!p1 s1, s7  }
0x131: {  	[hbm4b:s7+s6] =	stream.linear.scatter @!p1 [tilespmem:s0], [sflag:$0x5], $0x1, $0x38;
	[tilespmem:$0x2B50] =	vst v63  }
.LBB2_23:
0x132: {  	s0 =	sadd.s32 s3, s5  }
0x133: {  	s3 =	sshrl.u32 s0, $0x2  }
.LBB2_24:
0x134: {  	s0 =	simm.s32 $0x5  }
0x135: {  	_ =	swait.ge [sflag:s0], s3  }
0x136: {  	s1 =	ssub.s32 $0x0, s3;
	[sflag:s0] =	ssyncset.done $0x0  }
0x137: {  	[sflag:s0] =	ssyncadd.s32 s1  }
0x138: {  	[sflag:s0] =	ssyncpa.u1 $0x1  }
0x139: {  	s29 =	simm.s32 $0x1;
	_ =	sfence  }
0x13a: {  	s30 =	simm.s32 $0x2;
	[sflag:s29] =	ssyncpa.u1 $0x1  }
0x13b: {  	[sflag:s30] =	ssyncpa.u1 $0x1  }
0x13c: {  	_ =	strace $0x9000004A  }
0x13d: {  	[bflag:$0x2] =	sbarrier.arrive $0xFFFF  }
0x13e: {  	s31 =	rddreg [dreg:$0x1]  }
0x13f: {  	s0 =	sadd.s32 $0x100000, s31  }
0x140: {  	[sflag:s0] =	ssyncadd.tile.s32 $0x1;
	_ =	shalt  }
.Lfunc_end2:
_tile_overlayer_lowered:
.L_overlay_start_2:
0x141: {  	(tag) =	ssettag $0x2  }
0x142: {  	s0 =	rddreg [dreg:$0x0];
	s2 =	stileid.u32  }
0x143: {  	s1 =	rddreg [dreg:$0x1];
	p0 =	sne.s32 s2, $0x0  }
0x144: {  	s3 =	rddreg [dreg:$0x2];
	[bflag:$0x3] =	sbarrier.arrive $0xFFFF;
	s2 =	simm.s32 @!p0 $0x1C01  }
0x145: {  	[timem:s3], [sflag:s2] =	dma.local @!p0 [hbm:s0], s1  }
0x146: {  	s0 =	simm.s32 @!p0 $0x1  }
0x147: {  	_ =	swait.ge @!p0 [sflag:s0], s1  }
0x148: {  	s1 =	ssub.s32 @!p0 $0x0, s1;
	[sflag:s0] =	ssyncset.done @!p0 $0x0  }
0x149: {  	[sflag:s0] =	ssyncadd.s32 @!p0 s1  }
0x14a: {  	[bflag:$0x3] =	sbarrier.arrive $0xFFFF  }
0x14b: {  	_ =	shalt  }

// kernel: scatter_offload_async_start
scs
__scs_entry_jumppad:
0x0: {  	(pc) =	sbr.rel $0x88, $3  }
0x1: {  	(tag) =	ssettag $0x0;
	lr =	simm.s32 $0x1  }
0x2: {  	[smem:$0x3F87] =	sst lr;
	_ =	strace $0xD0000000  }
0x3: {  	_ = 	snop  }
0x4: {  	_ = 	snop  }
0x5: {  	_ = 	snop  }
0x6: {  	_ = 	snop  }
0x7: {  	_ = 	snop  }
__scs_overlays_trampoline_lowered:
0x8: {  	[smem:$0x3F96] =	sst s0  }
0x9: {  	[smem:$0x3F97] =	sst s1  }
0xa: {  	[smem:$0x3F98] =	sst s2  }
0xb: {  	[smem:$0x3F99] =	sst s3  }
0xc: {  	[smem:$0x3F9A] =	sst s4  }
0xd: {  	[smem:$0x3F9B] =	sst s5  }
0xe: {  	[smem:$0x3F9C] =	sst s6  }
0xf: {  	[smem:$0x3F9D] =	sst s7  }
0x10: {  	[smem:$0x3F9E] =	sst s8  }
0x11: {  	[smem:$0x3F9F] =	sst s9;
	s0 =	simm.s32 @!p0 $0x0  }
0x12: {  	s1 =	sld [smem:$0x3F85];
	s0 =	simm.s32 @p0 $0x1  }
0x13: {  	[smem:$0x3FA0] =	sst s0;
	s0 =	simm.s32 @!p1 $0x0  }
0x14: {  	s2 =	sld [smem:$0x3F84];
	s0 =	simm.s32 @p1 $0x1  }
0x15: {  	[smem:$0x3FA1] =	sst s0;
	s0 =	simm.s32 @!p2 $0x0  }
0x16: {  	s3 =	sld [smem:$0x3FDB];
	s0 =	simm.s32 @p2 $0x1  }
0x17: {  	s4 =	simm.s32 $0x1BF5;
	[smem:$0x3FA3] =	sst s0  }
0x18: {  	s0 =	sld [smem:$0x3F86];
	_ =	swait.ge [sflag:s4], $0x0  }
0x19: {  	s7 =	sld [smem:$0x3F87]  }
0x1a: {  	s8 =	sadd.s32 $0xFFFFE003, lr  }
0x1b: {  	s9 =	sadd.s32 $0xFFFFFEF7, lr;
	s5 =	simm.s32 $0xFFFFFFFF;
	p2 =	slt.u32 s8, $0xFFFFF086  }
0x1c: {  	p1 =	slt.u32 s9, $0xF7A;
	s5 =	simm.s32 @!p2 $0x0  }
0x1d: {  	s5 =	simm.s32 @p1 $0x1;
	p0 =	seq.s32 s7, s2  }
0x1e: {  	s7 =	smul.u32 @!p0 $0xF7A, s2;
	p2 =	seq.s32 @!p0 s5, $0x0  }
0x1f: {  	s9 =	smul.u32 $0xF7A, s1;
	s8 =	simm.s32 @!p0 $0x1BF5;
	p2 =	por !p2, p0  }
0x20: {  	[sflag:s8] =	ssyncset.s32 @!p0 $0xFFFFF086;
	s6 =	sadd.s32 @!p0 s3, s7;
	s7 =	simm.s32 @!p0 $0x108  }
0x21: {  	s3 =	sadd.s32 s3, s9;
	s6 =	sadd.s32 @!p0 $0x88, s6;
	s7 =	simm.s32 @p2 $0x1082  }
0x22: {  	[simem:s7], [sflag:s8] =	dma.local @!p0 [hbm:s6], $0xF7A  }
0x23: {  	s9 =	sor.u32 $0xD0000000, s2;
	s6 =	simm.s32 $0x108;
	_ =	swait.ge @!p0 [sflag:s8], $0x0  }
0x24: {  	s3 =	sadd.s32 $0x88, s3;
	s6 =	simm.s32 @!p1 $0x1082;
	[sflag:s4] =	ssyncset.s32 $0xFFFFF086  }
0x25: {  	[simem:s6], [sflag:s4] =	dma.local [hbm:s3], $0xF7A  }
0x26: {  	[smem:$0x3F87] =	sst s1;
	(tag) =	ssettag s2;
	_ =	strace s9  }
0x27: {  	s1 =	sld [smem:$0x3F97]  }
0x28: {  	s2 =	sld [smem:$0x3F98]  }
0x29: {  	s4 =	sld [smem:$0x3F9A]  }
0x2a: {  	p0 =	seq.s32 s5, $0x0;
	s5 =	sld [smem:$0x3F9B]  }
0x2b: {  	s6 =	sld [smem:$0x3F9C]  }
0x2c: {  	s7 =	sld [smem:$0x3F9D]  }
0x2d: {  	s3 =	simm.s32 $0x108;
	s8 =	sld [smem:$0x3F9E]  }
0x2e: {  	s3 =	simm.s32 @!p0 $0x1082;
	s9 =	sld [smem:$0x3F9F]  }
0x2f: {  	lr =	sadd.s32 s0, s3;
	s0 =	sld [smem:$0x3F96]  }
0x30: {  	s3 =	sld [smem:$0x3F99]  }
0x31: {  	[smem:$0x3FA2] =	sst s10  }
0x32: {  	s10 =	sld [smem:$0x3FA0];
	_ =	sdelay $0x3  }
0x33: {  	p0 =	seq.s32 s10, $0x1;
	s10 =	sld [smem:$0x3FA2];
	_ =	sdelay $0x3  }
0x34: {  	[smem:$0x3FA2] =	sst s10  }
0x35: {  	s10 =	sld [smem:$0x3FA1];
	_ =	sdelay $0x3  }
0x36: {  	p1 =	seq.s32 s10, $0x1;
	s10 =	sld [smem:$0x3FA2];
	_ =	sdelay $0x3  }
0x37: {  	[smem:$0x3FA2] =	sst s10  }
0x38: {  	s10 =	sld [smem:$0x3FA3]  }
0x39: {  	_ = 	snop;
	(pc) =	sbr.ind lr, $3  }
0x3a: {  	_ = 	snop  }
0x3b: {  	_ = 	snop  }
0x3c: {  	p2 =	seq.s32 s10, $0x1;
	s10 =	sld [smem:$0x3FA2]  }
0x3d: {  	_ =	shalt  }
0x3e: {  	_ =	shalt  }
0x3f: {  	_ =	shalt  }
0x40: {  	_ =	shalt  }
0x41: {  	_ =	shalt  }
0x42: {  	_ =	shalt  }
0x43: {  	_ =	shalt  }
0x44: {  	_ =	shalt  }
0x45: {  	_ =	shalt  }
0x46: {  	_ =	shalt  }
0x47: {  	_ =	shalt  }
0x48: {  	_ =	shalt  }
0x49: {  	_ =	shalt  }
0x4a: {  	_ =	shalt  }
0x4b: {  	_ =	shalt  }
0x4c: {  	_ =	shalt  }
0x4d: {  	_ =	shalt  }
0x4e: {  	_ =	shalt  }
0x4f: {  	_ =	shalt  }
0x50: {  	_ =	shalt  }
0x51: {  	_ =	shalt  }
0x52: {  	_ =	shalt  }
0x53: {  	_ =	shalt  }
0x54: {  	_ =	shalt  }
0x55: {  	_ =	shalt  }
0x56: {  	_ =	shalt  }
0x57: {  	_ =	shalt  }
0x58: {  	_ =	shalt  }
0x59: {  	_ =	shalt  }
0x5a: {  	_ =	shalt  }
0x5b: {  	_ =	shalt  }
0x5c: {  	_ =	shalt  }
0x5d: {  	_ =	shalt  }
0x5e: {  	_ =	shalt  }
0x5f: {  	_ =	shalt  }
0x60: {  	_ =	shalt  }
0x61: {  	_ =	shalt  }
0x62: {  	_ =	shalt  }
0x63: {  	_ =	shalt  }
0x64: {  	_ =	shalt  }
0x65: {  	_ =	shalt  }
0x66: {  	_ =	shalt  }
0x67: {  	_ =	shalt  }
0x68: {  	_ =	shalt  }
0x69: {  	_ =	shalt  }
0x6a: {  	_ =	shalt  }
0x6b: {  	_ =	shalt  }
0x6c: {  	_ =	shalt  }
0x6d: {  	_ =	shalt  }
0x6e: {  	_ =	shalt  }
0x6f: {  	_ =	shalt  }
0x70: {  	_ =	shalt  }
0x71: {  	_ =	shalt  }
0x72: {  	_ =	shalt  }
0x73: {  	_ =	shalt  }
0x74: {  	_ =	shalt  }
0x75: {  	_ =	shalt  }
0x76: {  	_ =	shalt  }
0x77: {  	_ =	shalt  }
0x78: {  	_ =	shalt  }
0x79: {  	_ =	shalt  }
0x7a: {  	_ =	shalt  }
0x7b: {  	_ =	shalt  }
0x7c: {  	_ =	shalt  }
0x7d: {  	_ =	shalt  }
0x7e: {  	_ =	shalt  }
0x7f: {  	_ =	shalt  }
0x80: {  	_ =	shalt  }
0x81: {  	_ =	shalt  }
0x82: {  	_ =	shalt  }
0x83: {  	_ =	shalt  }
0x84: {  	_ =	shalt  }
0x85: {  	_ =	shalt  }
0x86: {  	_ =	shalt  }
0x87: {  	_ =	shalt  }
.Lfunc_end0:
.L_simem_size_0:
called_computation_lowered:
.L_overlay_start_0:
0x88: {  	s0 =	sld [smem:$0x3FD9]  }
0x89: {  	s1 =	sld [smem:$0x3FFE];
	_ =	sdelay $0x3  }
0x8a: {  	s0 =	sadd.s32 s1, s0  }
0x8b: {  	[smem:$0x3FAE] =	sst s0  }
0x8c: {  	_ = 	snop  }
0x8d: {  	(tm) =	ssettm $0x1  }
0x8e: {  	s15 =	sld [smem:$0x3FFB];
	_ =	sdelay $0x3  }
0x8f: {  	_ =	strace s15  }
0x90: {  	s0 =	sld [smem:$0x3FFC];
	_ =	sdelay $0x3  }
0x91: {  	_ =	strace s0  }
0x92: {  	s0 =	sld [smem:$0x3FFD];
	_ =	sdelay $0x3  }
0x93: {  	_ =	strace s0  }
0x94: {  	_ =	strace $0x8FFFFFFF  }
0x95: {  	s16 =	sld [smem:$0x3FDB];
	_ =	sdelay $0x1  }
0x96: {  	s17 =	simm.s32 $_scs_section_size  }
0x97: {  	s2 =	simm.s32 $_size__tile_overlayer_lowered;
	s3 =	simm.s32 $_tile_overlayer_lowered  }
0x98: {  	s20 =	simm.s32 $0x1BFF;
	s19 =	sshll.u32 s3, $0x1;
	s0 =	sadd.s32 s17, s16  }
0x99: {  	s4 =	simm.s32 $0x0;
	s18 =	sshll.u32 s2, $0x1;
	s2 =	sadd.s32 s19, s0  }
0x9a: {  	[timem:s4], [sflag:s20] =	dma.local [hbm:s2], s18  }
0x9b: {  	_ =	swait.ge [sflag:s20], s18  }
0x9c: {  	s1 =	ssub.s32 $0x0, s18;
	[sflag:s20] =	ssyncset.done $0x0  }
0x9d: {  	[sflag:s20] =	ssyncadd.s32 s1;
	_ =	sdelay $0x1  }
0x9e: {  	s21 =	simm.s32 $0x1B8B  }
0x9f: {  	_ =	swait.ge [sflag:s21], $0x1  }
0xa0: {  	[sflag:s21] =	ssyncset.done $0x0  }
0xa1: {  	s23 =	simm.s32 $0x1B8E;
	s22 =	sld [smem:$0x3FFE];
	[sflag:s21] =	ssyncadd.s32 $0xFFFFFFFF  }
0xa2: {  	s24 =	simm.s32 $execute0_lowered;
	[smem:$0x3FD2] =	sst s23  }
0xa3: {  	s2 =	sshll.u32 s24, $0x1;
	_ =	strace $0x80000046;
	[dreg:$0x1] =	wrdreg $0xFFFFFFFF  }
0xa4: {  	s25 =	simm.s32 $_size_execute0_lowered;
	s0 =	sadd.s32 s0, s2;
	[dreg:$0x0] =	wrdreg $0x0  }
0xa5: {  	s2 =	sshll.u32 s25, $0x1;
	[dreg:$0x2] =	wrdreg s0  }
0xa6: {  	[dreg:$0x3] =	wrdreg s2  }
0xa7: {  	[dreg:$0x4] =	wrdreg $0xC0  }
0xa8: {  	_ =	task [dreg:s4], $0x5FFFF  }
0xa9: {  	[dreg:$0x1] =	wrdreg $0xFFFFFFFF  }
0xaa: {  	[dreg:$0x0] =	wrdreg $0x60  }
0xab: {  	[dreg:$0x2] =	wrdreg s22  }
0xac: {  	[dreg:$0x3] =	wrdreg $0x9  }
0xad: {  	_ =	task.clear_ibuf [dreg:s4], $0x4FFFF;
	_ =	strace $0x90000046  }
0xae: {  	s26 =	simm.s32 $0x9;
	_ =	strace $0x80000048  }
0xaf: {  	_ =	swait.ge [sflag:s26], $0x1  }
0xb0: {  	[sflag:s26] =	ssyncadd.s32 $0xFFFFFFFF  }
0xb1: {  	_ =	strace $0x90000048  }
0xb2: {  	_ =	sfence  }
0xb3: {  	s28 =	sld [smem:$0x0];
	_ =	sdelay $0x1  }
0xb4: {  	s29 =	srdreg.scid  }
0xb5: {  	s30 =	sshll.u32 s29, $0xD;
	s31 =	sshrl.u32 s29, $0x2  }
0xb6: {  	s1 =	sand.u32 $0x1, s29;
	s2 =	sand.u32 $0x4000, s30;
	s0 =	sadd.s32 s31, s28  }
0xb7: {  	s1 =	sor.u32 s2, s1;
	s0 =	sshll.u32 s0, $0x11  }
0xb8: {  	s0 =	sor.u32 s0, s1  }
0xb9: {  	s0 =	sadd.s32 $0x8F2B, s0  }
0xba: {  	[sflag:s0] =	ssyncadd.remote.s32 $0x1  }
0xbb: {  	_ =	sfence.sel $0xFFFF  }
0xbc: {  	[dreg:$0x0] =	wrdreg $0xFFFFFFFF;
	(pc) =	sbr.abs _section_cstart, $3  }
0xbd: {  	[dreg:$0x1] =	wrdreg $0xFFFFFFFF  }
0xbe: {  	_ =	task.clear_ibuf [dreg:s4], $0x2FFFF;
	_ =	strace $0x9FFFFFFF  }
0xbf: {  	(tm) =	ssettm $0x7FFFFFFF  }
tec
execute0_lowered:
.L_overlay_start_1:
0x0: {  	(tag) =	ssettag $0x1  }
0x1: {  	s0 =	rddreg [dreg:$0x0]  }
0x2: {  	s6 =	stileid.u32;
	_ =	strace $0x80000047;
	s2 =	simm.s32 $0x1  }
0x3: {  	v1 =	vimm.s32 $0xFFFFFFFF;
	s1 =	smin.u32 s6, $0x9;
	[sflag:s2] =	ssyncpa.u1 $0x0  }
0x4: {  	s1 =	sadd.s32 s6, s1;
	[tilespmem:$0x10] =	vst v1  }
0x5: {  	v0 =	vimm.f32 $0.0e+00;
	p0 =	slt.u32 s6, $0x9;
	[tilespmem:$0x20] =	vst v1;
	s3 =	smul.u32 $0xE10, s1;
	s1 =	simm.s32 $0x1C20  }
0x6: {  	[tilespmem:$0x30] =	vst v0;
	s1 =	simm.s32 @!p0 $0xE10  }
0x7: {  	[tilespmem:$0x40] =	vst v0;
	s1 =	sadd.s32 s1, s3  }
0x8: {  	[tilespmem:$0x50] =	vst v0;
	s4 =	smin.u32 s1, $0x15F90  }
0x9: {  	s7 =	simm.s32 $0x2;
	[tilespmem:$0x60] =	vst v1;
	s9 =	ssub.s32 s4, s3  }
0xa: {  	s8 =	simm.s32 $0x8;
	s31 =	simm.s32 $0x9;
	[tilespmem:$0x70] =	vst v1;
	p0 =	sgt.s32 s9, $0x0  }
0xb: {  	s16 =	simm.s32 $0x0;
	s17 =	simm.s32 $0xF0;
	[tilespmem:$0x80] =	vst v1;
	s9 =	simm.s32 @!p0 $0x0  }
0xc: {  	s18 =	simm.s32 $0xFFFFFFFF;
	s19 =	simm.s32 $0xFFFFE4E0;
	v1 =	vimm.s32 $0x0;
	[tilespmem:$0xB0] =	vst v0;
	s5 =	smulhi.u32 $0x91A2B3C5, s9  }
0xd: {  	s20 =	simm.s32 $0xFFFFFFFE;
	s21 =	simm.s32 $0xF;
	s25 =	simm.s32 $0x0;
	[tilespmem:$0x90] =	vst v1  }
0xe: {  	[tilespmem:$0xA0] =	vst v1;
	[sflag:s7] =	ssyncpa.u1 $0x0;
	s7 =	simm.s32 $0x7;
	s10 =	sshrl.u32 s5, $0xB  }
0xf: {  	s24 =	simm.s32 $0x0;
	[sflag:s7] =	ssyncpa.u1 $0x0;
	s11 =	smul.u32 $0xE10, s10  }
0x10: {  	s14 =	sshllo.u32 s6, $0x1;
	[sflag:s8] =	ssyncpa.u1 $0x0;
	s23 =	smov.u32 s3  }
.Ltmp0:
0x11: {  	s1 =	sadd.s32 $0x88600, s0;
	p0 =	sne.s32 s9, s11;
	(pc) =	sbr.rel .LBB2_1-.Ltmp0, $4  }
0x12: {  	s5 =	sadd.s32 $0x4200, s0;
	s0 =	sadd.s32 $0x6E00, s0;
	s2 =	simm.s32 @!p0 $0x0  }
0x13: {  	[sflag:s31] =	ssyncpa.u1 $0x0;
	[dreg:$0x2] =	wrdreg s0;
	s9 =	sadd.s32 s2, s10  }
0x14: {  	vm0 =	vmmov $0xffff;
	v2 =	vlaneseq.u32;
	p0 =	por $0x0, $0x0;
	s10 =	sshll.u32 s6, $0x1;
	s11 =	sadd.s32 $0x1, s9  }
0x15: {  	vm1 =	vmxor vm1, vm1;
	vm2 =	vmmov $0x1;
	vm3 =	vcmask $0x3F3C;
	s12 =	sadd.s32 $0x2, s9;
	s13 =	sor.u32 $0x81, s10;
	s15 =	sor.u32 $0x80, s10  }
.LBB2_9:
0x16: {  	p1 =	slt.u32 s24, $0x3  }
0x17: {  	s0 =	simm.s32 @!p1 $0x2  }
0x18: {  	_ =	swait.ge @!p1 [sflag:s0], $0xE10  }
0x19: {  	[sflag:s0] =	ssyncset.done @!p1 $0x0  }
0x1a: {  	[sflag:s0] =	ssyncadd.s32 @!p1 $0xFFFFF1F0;
	s0 =	simm.s32 @!p1 $0x9  }
0x1b: {  	_ =	swait.ge @!p1 [sflag:s0], $0x10  }
0x1c: {  	[sflag:s0] =	ssyncset.done @!p1 $0x0  }
0x1d: {  	[sflag:s0] =	ssyncadd.s32 @!p1 $0xFFFFFFF0;
	p1 =	sne.s32 s24, s12  }
.Ltmp1:
0x1e: {  	s2 =	sadd.s32 $0xE10, s23;
	(pc) =	sbr.rel @!p1 .LBB2_10-.Ltmp1, $4  }
0x1f: {  	s6 =	smov.u32 s3;
	s31 =	sadd.s32 $0x1, s24;
	s17 =	sadd.s32 $0xE10, s17  }
0x20: {  	s18 =	sadd.s32 $0x1, s18;
	s25 =	smov.u32 s23;
	p2 =	slt.s32 s2, s4  }
0x21: {  	p0 =	por !p0, !p0;
	s19 =	sadd.s32 $0xE10, s19;
	s6 =	smov.u32 @p2 s2  }
0x22: {  	s20 =	sadd.s32 $0x1, s20;
	s23 =	smov.u32 s6;
	s24 =	smov.u32 s31  }
.LBB2_1:
0x23: {  	p1 =	sge.u32 s24, s9  }
0x24: {  	s0 =	smulhi.u32 @!p1 $0xAAAAAAAB, s24;
	_ =	sdelay $0x1  }
0x25: {  	s0 =	sshrl.u32 @!p1 s0, $0x1  }
0x26: {  	s0 =	smul.u32 @!p1 $0x3, s0;
	_ =	sdelay $0x1  }
0x27: {  	s0 =	ssub.s32 @!p1 s24, s0  }
0x28: {  	s0 =	smul.u32 @!p1 $0x3840, s0;
	_ =	sdelay $0x1  }
0x29: {  	s2 =	sshrl.u32 @!p1 s23, $0x3;
	s0 =	sshrl.u32 @!p1 s0, $0x2  }
0x2a: {  	s22 =	sand.u32 @!p1 $0x7, s23;
	s2 =	sadd.s32 @!p1 s5, s2;
	s0 =	sadd.s32 @!p1 $0x100, s0  }
0x2b: {  	[tilespmem:s0], [sflag:$0x7] =	stream.linear.gather @!p1 [hbm4b:s2+s22], $0xE10, $0x38;
	[tilespmem:$0x7FB0] =	vst v63  }
0x2c: {  	s0 =	sadd.s32 $0xFFFFFFFF, s24  }
0x2d: {  	p1 =	sge.u32 s0, s9  }
.Ltmp2:
0x2e: {  	_ = 	snop;
	(pc) =	sbr.rel @p1 .LBB2_5-.Ltmp2, $1  }
0x2f: {  	_ =	sdelay $0x3  }
0x30: {  	s2 =	smulhi.u32 $0xAAAAAAAB, s0;
	_ =	sdelay $0x1  }
0x31: {  	s2 =	sshrl.u32 s2, $0x1  }
0x32: {  	s2 =	smul.u32 $0x3, s2;
	_ =	sdelay $0x1  }
0x33: {  	s2 =	ssub.s32 s0, s2  }
0x34: {  	s2 =	smul.u32 $0x3840, s2  }
0x35: {  	_ =	swait.ge [sflag:s7], $0xE10  }
0x36: {  	[sflag:s7] =	ssyncset.done $0x0;
	s2 =	sshrl.u32 s2, $0x2  }
0x37: {  	[sflag:s7] =	ssyncadd.s32 $0xFFFFF1F0;
	(ifvalue) =	ssetifvalue $0xFFFFFFFF;
	v3 =	vld.msk [tilespmem:s2+$0x100 ss:$0x1], $0xffff;
	_ =	sdelay $0x2  }
0x38: {  	s30 =	smulhi.u32 $0xAAAAAAAB, s18;
	p1 =	sne.s32 s24, $0x1  }
0x39: {  	v4 =	vimm.s32 @!p1 $0x0  }
0x3a: {  	s2 =	sshrl.u32 s30, $0x1;
	v4 =	vperm.xlane @!p1 v3, v4  }
0x3b: {  	s22 =	sshll.u32 s24, $0x4;
	s2 =	smul.u32 $0xFFFF5740, s2;
	vm4 =	vlt.u32 v3, $0x2800  }
0x3c: {  	s22 =	sand.u32 $0x10, s22;
	v3 =	vnsel vm4, $0xFFFFFFFE, v3;
	vm4 =	vlt.u32 @!p1 v4, $0x2800  }
0x3d: {  	s2 =	sshra.s32 s2, $0x2;
	[tilespmem:s22+$0x60] =	vst v3;
	v3 =	vnsel @!p1 vm4, $0xFFFFFFFE, v4  }
0x3e: {  	s28 =	sadd.s32 s2, s17;
	[tilespmem:$0x80] =	vst @!p1 v3  }
0x3f: {  	v3 =	vld.msk [tilespmem:s28+$0x0 ss:$0x1], $0xffff;
	_ =	sdelay $0x4  }
0x40: {  	(xrf1) =	vunique.msk.u32 $0xffff, v3;
	_ =	sdelay $0xd  }
0x41: {  	v4 =	vimm.s32 $0xFFFFFFFF;
	v5, _, _ =	vpop (xrf1)  }
0x42: {  	vm5 =	vne.s32 v3, v4;
	vm4 =	veq.s32 v5, v2  }
0x43: {  	vm6 =	vlt.u32 v3, $0x2800;
	vm4 =	vmand vm5, vm4  }
0x44: {  	vm4 =	vmand vm6, vm4  }
0x45: {  	v4 =	vnsel vm4, $0xFFFFFFFF, v3  }
0x46: {  	s31 =	sand.u32 $0x1, s0  }
0x47: {  	s0 =	simm.s32 $0xE10;
	p1 =	seq.s32 s31, $0x1  }
0x48: {  	s0 =	simm.s32 @!p1 $0x0  }
0x49: {  	s26 =	sadd.s32 $0x3930, s0;
	(ifvalue) =	ssetifvalue $0xFFFFFFFF  }
0x4a: {  	v3 =	vperm.xlane v3, v1;
	[tilespmem:s26], [sflag:$0x8] =	stream.indirect_vreg.gather [hbm4b:s1+s16], $0x1, v4, vm0, $0x4038;
	v4 =	vnsel vm6, $0xFFFFFFFE, v4;
	[tilespmem:$0x7FB0] =	vst v63  }
0x4b: {  	s2 =	simm.s32 $0x0;
	s22 =	sadd.s32 $0xFFFFFFF0, s28;
	[tilespmem:s28+$0x0] =	vst v4  }
.LBB2_3:
0x4c: {  	v4 =	vld.msk [tilespmem:s22+$0x0 ss:$0x1], $0xffff;
	s2 =	sadd.s32 $0x10, s2;
	v5 =	vmov v3;
	s28 =	smov.u32 s22  }
0x4d: {  	p1 =	slt.u32 s2, $0xE00;
	_ =	sdelay $0x4  }
0x4e: {  	v3 =	vperm.xlane v4, v1;
	(xrf1) =	vunique.msk.u32 $0xffff, v4;
	_ =	sdelay $0xd  }
0x4f: {  	v6, _, _ =	vpop (xrf1)  }
0x50: {  	vm5 =	vne.s32 v4, v5;
	vm4 =	veq.s32 v6, v2  }
0x51: {  	vm6 =	vlt.u32 v4, $0x2800;
	vm4 =	vmand vm5, vm4  }
0x52: {  	vm4 =	vmand vm6, vm4  }
0x53: {  	v4 =	vnsel vm4, $0xFFFFFFFF, v4  }
.Ltmp3:
0x54: {  	v5 =	vnsel vm6, $0xFFFFFFFE, v4;
	(pc) =	sbr.rel @p1 .LBB2_3-.Ltmp3, $3  }
0x55: {  	_ =	sdelay $0x1  }
0x56: {  	s22 =	sadd.s32 $0xFFFFFFF0, s22;
	s26 =	sadd.s32 $0xFFFFFFF0, s26;
	(ifvalue) =	ssetifvalue $0xFFFFFFFF  }
0x57: {  	[tilespmem:s26], [sflag:$0x8] =	stream.indirect_vreg.gather [hbm4b:s1+s16], $0x1, v4, vm0, $0x4038;
	[tilespmem:s28+$0x0] =	vst v5  }
0x58: {  	s2 =	sshrl.u32 s25, $0x3;
	s6 =	rddreg [dreg:$0x2]  }
0x59: {  	s0 =	sadd.s32 $0x4750, s0;
	s2 =	sadd.s32 s6, s2  }
0x5a: {  	[tilespmem:s0], [sflag:$0x8] =	stream.linear.gather [hbm:s2], $0xE10, $0x38;
	[tilespmem:$0x7FB0] =	vst v63  }
.LBB2_5:
0x5b: {  	p1 =	slt.u32 s24, $0x2  }
0x5c: {  	p2 =	sge.u32 @!p1 s24, s12  }
0x5d: {  	p1 =	por p1, p2  }
.Ltmp4:
0x5e: {  	_ = 	snop;
	(pc) =	sbr.rel @p1 .LBB2_9-.Ltmp4, $1  }
0x5f: {  	_ =	sdelay $0x3  }
0x60: {  	s0 =	sadd.s32 $0xFFFFFFFE, s24  }
0x61: {  	s2 =	smulhi.u32 $0xAAAAAAAB, s0;
	_ =	sdelay $0x1  }
0x62: {  	s2 =	sshrl.u32 s2, $0x1  }
0x63: {  	s2 =	smul.u32 $0x3, s2;
	_ =	sdelay $0x1  }
0x64: {  	s0 =	ssub.s32 s0, s2  }
0x65: {  	_ =	swait.ge [sflag:s8], $0x1C20;
	s0 =	smul.u32 $0xE10, s0  }
0x66: {  	p1 =	sne.s32 s24, s11;
	[sflag:s8] =	ssyncset.done $0x0  }
0x67: {  	[sflag:s8] =	ssyncadd.s32 $0xFFFFE3E0;
	s2 =	sadd.s32 @!p1 $0xF0F, s0  }
0x68: {  	[spmem:s13] =	stream.linear.scatter @!p1 [tilespmem:s2], [sflag:$0x1], $0x1, $0x38;
	[tilespmem:$0x7FB0] =	vst v63  }
0x69: {  	s2 =	simm.s32 @!p1 $0x1  }
0x6a: {  	_ =	swait.ge @!p1 [sflag:s2], $0x1  }
0x6b: {  	s22 =	sshll.u32 s24, $0x4;
	[sflag:s2] =	ssyncset.done @!p1 $0x0  }
0x6c: {  	s25 =	sand.u32 $0x10, s22;
	[sflag:s2] =	ssyncadd.s32 @!p1 $0xFFFFFFFF  }
0x6d: {  	s2 =	sxor.u32 $0x10, s25;
	v4 =	vld [tilespmem:s25+$0x10]  }
0x6e: {  	v5 =	vld [tilespmem:s2+$0x60]  }
0x6f: {  	v3 =	vld [tilespmem:$0x80];
	_ =	sdelay $0x2  }
0x70: {  	(v2sf) =	vpush v4, $0x0  }
0x71: {  	(v2sf) =	vpush v5, $0x0  }
0x72: {  	(v2sf) =	vpush v3, $0x0;
	_ =	sdelay $0xc  }
0x73: {  	s6 =	spop (v2sf)  }
0x74: {  	s28 =	spop (v2sf)  }
0x75: {  	s26 =	spop (v2sf)  }
0x76: {  	p2 =	seq.s32 s6, s28;
	p3 =	seq.s32 s26, s6  }
0x77: {  	p3 =	por p2, p3  }
0x78: {  	s6 =	sand.u32 $0x1, s24;
	v4 =	vpsel p3, $0xFFFFFFFF, v4  }
0x79: {  	s28 =	smul.u32 $0xE10, s6;
	[tilespmem:s25+$0x10] =	vst.msk $0x1, v4  }
0x7a: {  	v4 =	vld [tilespmem:$0x30]  }
0x7b: {  	v5 =	vld [tilespmem:s28+$0x4750]  }
0x7c: {  	v6 =	vld [tilespmem:s25+$0x40];
	_ =	sdelay $0x3  }
0x7d: {  	vm4 =	vmmov vm1;
	v5 =	vadd.f32 v5, v4  }
0x7e: {  	vm5 =	vmmov vm2;
	vm4 =	vmmov @p2 vm2;
	v4 =	vadd.f32 v6, v4  }
0x7f: {  	s22 =	sshll.u32 s6, $0x4;
	vm5 =	vmmov @p3 vm1;
	[tilespmem:s28+$0x4750] =	vst.msk vm4, v5  }
0x80: {  	[tilespmem:s22+$0x7F90] =	vst.msk vm5, v4  }
0x81: {  	v4 =	vld [tilespmem:s28+$0x3930];
	_ =	sdelay $0x3  }
0x82: {  	v5 =	vimm.f32 $0.0e+00  }
0x83: {  	v4 =	vshift.insert v4, v5, s21  }
0x84: {  	s29 =	sor.u32 $0x40, s2  }
0x85: {  	[tilespmem:s29+$0x0] =	vst.msk $0x1, v4  }
0x86: {  	[tilespmem:s28+$0x393F] =	vst.msk $0x1, v5  }
0x87: {  	v4 =	vld [tilespmem:s0+$0xF00];
	_ =	sdelay $0x1  }
0x88: {  	s29 =	smulhi.u32 $0xAAAAAAAB, s20;
	s0 =	simm.s32 $0x1  }
0x89: {  	s0 =	simm.s32 @!p0 $0x0  }
0x8a: {  	s29 =	sshrl.u32 s29, $0x1;
	s0 =	smul.u32 $0x3840, s0  }
0x8b: {  	s29 =	smul.u32 $0xFFFF5740, s29;
	v4 =	vshift.insert v4, v1, s21  }
0x8c: {  	s0 =	sshrl.u32 s0, $0x2  }
0x8d: {  	s29 =	sshra.s32 s29, $0x2;
	s30 =	sadd.s32 $0x4750, s0;
	[tilespmem:s2+$0x10] =	vst.msk $0x1, v4  }
0x8e: {  	s6 =	sadd.s32 s29, s19;
	v6 =	vld [tilespmem:s30+$0x0]  }
0x8f: {  	v7 =	vld [tilespmem:s6+$0x0];
	_ =	sdelay $0x3  }
0x90: {  	v5 =	vadd.f32 v6, v5  }
0x91: {  	vm4 =	vne.s32 v7, $0xFFFFFFFF  }
0x92: {  	(xrf2) =	vadd.seg.scan.f32 vm4, v5;
	_ =	sdelay $0x3  }
0x93: {  	s31 =	sadd.s32 $0x2B30, s0;
	v5 =	vperm.xlane v4, v1  }
0x94: {  	v6 =	vld [tilespmem:s31+$0x0]  }
0x95: {  	vm5 =	veq.s32 v7, v3;
	vm6 =	veq.s32 v7, v5  }
0x96: {  	vm7 =	vgt.u32 v7, $0xFFFFFFFD;
	vm6 =	vmor vm6, vm5  }
0x97: {  	vm6 =	vmor vm6, vm7  }
0x98: {  	v9 =	vld [tilespmem:$0xA0];
	v7 =	vsel vm6, $0xFFFFFFFF, v7  }
0x99: {  	v10 =	vld [tilespmem:$0x90];
	v6 =	vsel vm5, $0x0, v6;
	v8, _, _ =	vpop (xrf2)  }
0x9a: {  	v6 =	vadd.f32 v8, v6  }
0x9b: {  	s0 =	sadd.s32 $0x6370, s0  }
0x9c: {  	vm4 =	vmand vm4, vm3;
	[tilespmem:s0+$0x0] =	vst v6;
	(ifvalue) =	ssetifvalue $0xFFFFFFFF  }
0x9d: {  	vm6 =	veq.s32 v9, $0x1;
	[hbm4b:s1+s16] =	stream.indirect_vreg.scatter [tilespmem:s0], [sflag:$0x2], $0x1, v7, vm0, $0x4038;
	v7 =	vsel vm4, $0x0, v8;
	[tilespmem:$0x7FB0] =	vst v63  }
0x9e: {  	s29 =	sadd.s32 $0x7F90, s22;
	s22 =	sadd.s32 $0x10, s6;
	s2 =	simm.s32 $0x0;
	vm4 =	vmor vm6, vm5;
	v6 =	vsel vm5, v8, v10;
	v7 =	vshift.insert v7, v0, s21  }
.LBB2_7:
0x9f: {  	v8 =	vld [tilespmem:s22+$0x0];
	s30 =	sadd.s32 $0x10, s30  }
0xa0: {  	s31 =	sadd.s32 $0x10, s31;
	v9 =	vld [tilespmem:s30+$0x0]  }
0xa1: {  	s2 =	sadd.s32 $0x10, s2;
	v10 =	vld [tilespmem:s31+$0x0]  }
0xa2: {  	p2 =	slt.u32 s2, $0xE00;
	_ =	sdelay $0x2  }
0xa3: {  	v7 =	vadd.f32 v9, v7  }
0xa4: {  	vm5 =	vne.s32 v8, $0xFFFFFFFF  }
0xa5: {  	vm6 =	vmand vm5, vm3;
	(xrf2) =	vadd.seg.scan.f32 vm5, v7;
	_ =	sdelay $0x5  }
0xa6: {  	vm7 =	veq.s32 v8, v5;
	vm5 =	veq.s32 v8, v3  }
0xa7: {  	vm8 =	vgt.u32 v8, $0xFFFFFFFD;
	vm4 =	vmor vm4, vm5;
	vm7 =	vmor vm7, vm5  }
0xa8: {  	vm7 =	vmor vm7, vm8  }
0xa9: {  	v8 =	vsel vm7, $0xFFFFFFFF, v8  }
.Ltmp5:
0xaa: {  	v7 =	vsel vm5, $0x0, v10;
	v9, _, _ =	vpop (xrf2);
	(pc) =	sbr.rel @p2 .LBB2_7-.Ltmp5, $4  }
0xab: {  	v6 =	vsel vm5, v9, v6;
	v10 =	vadd.f32 v9, v7;
	v7 =	vsel vm6, $0x0, v9  }
0xac: {  	s0 =	sadd.s32 $0x10, s0;
	v7 =	vshift.insert v7, v0, s21  }
0xad: {  	s22 =	sadd.s32 $0x10, s22;
	[tilespmem:s0+$0x0] =	vst v10;
	(ifvalue) =	ssetifvalue $0xFFFFFFFF  }
0xae: {  	[hbm4b:s1+s16] =	stream.indirect_vreg.scatter [tilespmem:s0], [sflag:$0x2], $0x1, v8, vm0, $0x4038;
	[tilespmem:$0x7FB0] =	vst v63  }
0xaf: {  	v3 =	vld [tilespmem:s28+$0x7170];
	_ =	sdelay $0x4  }
0xb0: {  	v3 =	vshift.insert v3, v0, s21  }
0xb1: {  	s0 =	simm.s32 $0x30  }
0xb2: {  	[tilespmem:s0+$0x0] =	vst.msk $0x1, v3  }
0xb3: {  	v3 =	vsel vm4, $0x1, v1;
	[tilespmem:$0x90] =	vst v6  }
0xb4: {  	s0 =	sadd.s32 @!p1 $0x717F, s28;
	[tilespmem:$0xA0] =	vst v3  }
0xb5: {  	[spmem:s14] =	stream.linear.scatter @!p1 [tilespmem:s0], [sflag:$0x1], $0x1, $0x38;
	[tilespmem:$0x7FB0] =	vst v63  }
0xb6: {  	s0 =	simm.s32 @!p1 $0x1  }
0xb7: {  	v3 =	vmctz.xlane @!p1 vm4;
	_ =	swait.ge @!p1 [sflag:s0], $0x1  }
0xb8: {  	(v2sf) =	vpush @!p1 v4, $0x0  }
0xb9: {  	(v2sf) =	vpush @!p1 v3, $0x0;
	_ =	sdelay $0xd  }
0xba: {  	s2 =	spop @!p1 (v2sf)  }
0xbb: {  	s6 =	spop @!p1 (v2sf)  }
0xbc: {  	p2 =	sne.s32 @!p1 s26, s2;
	p3 =	slt.s32 @!p1 s6, $0xF  }
0xbd: {  	[sflag:s0] =	ssyncset.done @!p1 $0x0;
	p2 =	por p2, p1;
	p3 =	por !p3, p1  }
0xbe: {  	[sflag:s0] =	ssyncadd.s32 @!p1 $0xFFFFFFFF;
	v3 =	vimm.s32 @!p2 $0xFFFFFFFF;
	s6 =	simm.s32 @p3 $0xF  }
0xbf: {  	[tilespmem:$0x80] =	vst @!p2 v3;
	s2 =	sadd.s32 @!p1 $0x90, s6  }
0xc0: {  	[spmem:s10] =	stream.linear.scatter @!p1 [tilespmem:s2], [sflag:$0x1], $0x1, $0x38;
	[tilespmem:$0x7FB0] =	vst v63  }
0xc1: {  	_ =	swait.ge @!p1 [sflag:s0], $0x1  }
0xc2: {  	[sflag:s0] =	ssyncset.done @!p1 $0x0  }
0xc3: {  	s2 =	simm.s32 @!p1 $0x80;
	[sflag:s0] =	ssyncadd.s32 @!p1 $0xFFFFFFFF  }
0xc4: {  	[spmem:s15] =	stream.linear.scatter @!p1 [tilespmem:s2], [sflag:$0x1], $0x1, $0x38;
	[tilespmem:$0x7FB0] =	vst v63  }
0xc5: {  	_ =	swait.ge @!p1 [sflag:s0], $0x1  }
0xc6: {  	[sflag:s0] =	ssyncset.done @!p1 $0x0  }
0xc7: {  	[sflag:s0] =	ssyncadd.s32 @!p1 $0xFFFFFFFF;
	(ifvalue) =	ssetifvalue $0xFFFFFFFF;
	v3 =	vld [tilespmem:s25+$0x10];
	_ =	sdelay $0x3  }
.Ltmp6:
0xc8: {  	_ = 	snop;
	(pc) =	sbr.rel .LBB2_9-.Ltmp6, $3  }
0xc9: {  	_ =	sdelay $0x1  }
0xca: {  	(ifvalue) =	ssetifvalue $0xFFFFFFFF  }
0xcb: {  	[hbm4b:s1+s16] =	stream.indirect_vreg.scatter [tilespmem:s29], [sflag:$0x9], $0x1, v3, vm0, $0x4038;
	[tilespmem:$0x7FB0] =	vst v63  }
.LBB2_10:
0xcc: {  	_ =	sfence.sel $0x180000  }
0xcd: {  	s0 =	simm.s32 $0x7;
	[bflag:$0x0] =	sbarrier.arrive $0xFFFF  }
0xce: {  	s26 =	simm.s32 $0x8;
	[sflag:s0] =	ssyncpa.u1 $0x1  }
0xcf: {  	s28 =	simm.s32 $0x9;
	[sflag:s26] =	ssyncpa.u1 $0x1  }
0xd0: {  	[sflag:s28] =	ssyncpa.u1 $0x1  }
0xd1: {  	_ =	sfence.stream.spmem  }
0xd2: {  	s29 =	simm.s32 $0x3;
	[bflag:$0x0] =	sbarrier.arrive $0xFFFF  }
0xd3: {  	s30 =	simm.s32 $0x4;
	[sflag:s29] =	ssyncpa.u1 $0x1  }
0xd4: {  	s31 =	simm.s32 $0x3C;
	s2 =	stileid.u32;
	[sflag:s30] =	ssyncpa.u1 $0x1  }
0xd5: {  	p0 =	sne.s32 s2, $0x0;
	[sflag:s31] =	ssyncpa.u1 $0x1  }
0xd6: {  	s0 =	simm.s32 @p0 $0x1;
	_ =	sfence @p0  }
0xd7: {  	[sflag:s0] =	ssyncpa.u1 @p0 $0x1;
	s0 =	simm.s32 @p0 $0x2  }
0xd8: {  	[sflag:s0] =	ssyncpa.u1 @p0 $0x1  }
0xd9: {  	_ =	strace @p0 $0x90000047  }
0xda: {  	[bflag:$0x2] =	sbarrier.arrive @p0 $0xFFFF  }
0xdb: {  	_ =	shalt @p0  }
.LBB2_11:
0xdc: {  	_ =	sfence.stream.spmem;
	s0 =	simm.s32 $0x5  }
0xdd: {  	s2 =	simm.s32 $0x80;
	s3 =	simm.s32 $0xC0;
	[sflag:s0] =	ssyncpa.u1 $0x0  }
0xde: {  	[tilespmem:s3], [sflag:$0x5] =	stream.linear.gather [spmem:s2], $0x20, $0x38;
	[tilespmem:$0x7FB0] =	vst v63  }
0xdf: {  	s2 =	simm.s32 $0x0;
	s3 =	simm.s32 $0xE0  }
0xe0: {  	[tilespmem:s3], [sflag:$0x5] =	stream.linear.gather [spmem:s2], $0x20, $0x38;
	[tilespmem:$0x7FB0] =	vst v63  }
.Ltmp7:
0xe1: {  	_ = 	snop;
	(pc) =	sbr.rel .LBB2_12-.Ltmp7, $4  }
0xe2: {  	_ =	swait.ge [sflag:s0], $0x40  }
0xe3: {  	[sflag:s0] =	ssyncset.done $0x0  }
0xe4: {  	s31 =	simm.s32 $0x6;
	[sflag:s0] =	ssyncadd.s32 $0xFFFFFFC0  }
0xe5: {  	s4 =	simm.s32 $0x0;
	[sflag:s31] =	ssyncpa.u1 $0x0  }
.LBB2_17:
0xe6: {  	p0 =	sgt.u32 s5, $0x27FF  }
0xe7: {  	s0 =	sshrl.u32 @!p0 s5, $0x3  }
0xe8: {  	s5 =	sand.u32 @!p0 $0x7, s5;
	s6 =	simm.s32 @!p0 $0xB0;
	s0 =	sadd.s32 @!p0 s1, s0  }
0xe9: {  	[tilespmem:s6], [sflag:$0x6] =	stream.linear.gather @!p0 [hbm4b:s0+s5], $0x1, $0x38;
	[tilespmem:$0x7FB0] =	vst v63  }
0xea: {  	s0 =	simm.s32 @!p0 $0x6  }
0xeb: {  	_ =	swait.ge @!p0 [sflag:s0], $0x1  }
0xec: {  	[sflag:s0] =	ssyncset.done @!p0 $0x0  }
0xed: {  	[sflag:s0] =	ssyncadd.s32 @!p0 $0xFFFFFFFF  }
0xee: {  	v2 =	vmov @!p0 s4;
	v1 =	vld.msk @!p0 [tilespmem:$0xB0], $0x1;
	_ =	sdelay $0x3  }
0xef: {  	s0 =	simm.s32 @!p0 $0xE0  }
0xf0: {  	[tilespmem:v2+s0+$0x0], v1 =	vst.idx.ret.add.f32.msk @!p0 $0x1, v1  }
0xf1: {  	[tilespmem:s2+$0xC0] =	vst.msk $0x1, v0  }
0xf2: {  	v0 =	vld.msk [tilespmem:s4+$0xE0], $0x1;
	_ =	sdelay $0x4  }
0xf3: {  	[tilespmem:s2+$0xE0] =	vst.msk $0x1, v0;
	s2 =	sadd.s32 $0x1, s2  }
.LBB2_19:
0xf4: {  	s4 =	sadd.s32 $0x1, s4  }
0xf5: {  	p0 =	sne.s32 s4, $0x20  }
.Ltmp8:
0xf6: {  	_ = 	snop;
	(pc) =	sbr.rel @!p0 .LBB2_20-.Ltmp8, $1  }
0xf7: {  	_ =	sdelay $0x3  }
.LBB2_12:
0xf8: {  	v0 =	vld.msk [tilespmem:s4+$0xC0], $0x1;
	_ =	sdelay $0x4  }
0xf9: {  	(v2sf) =	vpush v0, $0x0;
	_ =	sdelay $0xe  }
0xfa: {  	s5 =	spop (v2sf)  }
0xfb: {  	p0 =	seq.s32 s5, $0xFFFFFFFF  }
.Ltmp9:
0xfc: {  	_ = 	snop;
	(pc) =	sbr.rel @p0 .LBB2_19-.Ltmp9, $1  }
0xfd: {  	_ =	sdelay $0x3  }
0xfe: {  	p0 =	slt.s32 s2, $0x1  }
.Ltmp10:
0xff: {  	_ = 	snop;
	(pc) =	sbr.rel @p0 .LBB2_17-.Ltmp10, $1  }
0x100: {  	_ =	sdelay $0x3  }
0x101: {  	s0 =	simm.s32 $0xC0;
	p0 =	por $0x0, $0x0  }
0x102: {  	v1 =	vld.msk @!p0 [tilespmem:s0+$0x0], $0x1;
	_ =	sdelay $0x4  }
0x103: {  	(v2sf) =	vpush @!p0 v1, $0x0;
	_ =	sdelay $0xd  }
0x104: {  	p2 =	sne.s32 s2, $0x1  }
.Ltmp11:
0x105: {  	s6 =	spop @!p0 (v2sf);
	(pc) =	sbr.rel @!p2 .LBB2_16-.Ltmp11, $4  }
0x106: {  	p1 =	seq.s32 @!p0 s5, s6  }
0x107: {  	s6 =	simm.s32 $0x0;
	p1 =	por !p1, p0  }
0x108: {  	s8 =	simm.s32 $0xFFFFFFFF;
	s6 =	simm.s32 @p1 $0xFFFFFFFF  }
0x109: {  	s7 =	simm.s32 $0x1;
	s6 =	smov.u32 @p0 s8  }
.LBB2_15:
0x10a: {  	s8 =	smov.u32 s6;
	p0 =	sne.s32 s6, $0xFFFFFFFF  }
0x10b: {  	s0 =	sadd.s32 $0x1, s0;
	s6 =	smov.u32 s7;
	s7 =	sadd.s32 $0x1, s7  }
0x10c: {  	p1 =	sne.s32 s2, s7;
	v1 =	vld.msk @!p0 [tilespmem:s0+$0x0], $0x1;
	_ =	sdelay $0x4  }
0x10d: {  	(v2sf) =	vpush @!p0 v1, $0x0;
	_ =	sdelay $0xe  }
.Ltmp12:
0x10e: {  	s9 =	spop @!p0 (v2sf);
	(pc) =	sbr.rel @p1 .LBB2_15-.Ltmp12, $4  }
0x10f: {  	p2 =	seq.s32 @!p0 s5, s9  }
0x110: {  	p2 =	por !p2, p0  }
0x111: {  	s6 =	simm.s32 @p2 $0xFFFFFFFF  }
0x112: {  	s6 =	smov.u32 @p0 s8  }
.LBB2_16:
0x113: {  	p0 =	sne.s32 s6, $0xFFFFFFFF  }
.Ltmp13:
0x114: {  	_ = 	snop;
	(pc) =	sbr.rel @!p0 .LBB2_17-.Ltmp13, $1  }
0x115: {  	_ =	sdelay $0x3  }
0x116: {  	v0 =	vld.msk [tilespmem:s4+$0xE0], $0x1;
	v1 =	vmov s6  }
.Ltmp14:
0x117: {  	_ = 	snop;
	(pc) =	sbr.rel .LBB2_19-.Ltmp14, $2  }
0x118: {  	_ =	sdelay $0x2  }
0x119: {  	[tilespmem:v1+s3+$0x0], v0 =	vst.idx.ret.add.f32.msk $0x1, v0  }
.LBB2_20:
0x11a: {  	p0 =	slt.s32 s2, $0x1  }
.Ltmp15:
0x11b: {  	_ = 	snop;
	(pc) =	sbr.rel @p0 .LBB2_24-.Ltmp15, $3  }
0x11c: {  	_ =	sdelay $0x1  }
0x11d: {  	s0 =	simm.s32 $0x6  }
0x11e: {  	s3 =	simm.s32 $0x0;
	[sflag:s0] =	ssyncpa.u1 $0x1  }
0x11f: {  	s0 =	simm.s32 $0xC0  }
0x120: {  	v0 =	vld.msk [tilespmem:s0+$0x0], $0x1;
	_ =	sdelay $0x4  }
0x121: {  	(v2sf) =	vpush v0, $0x0;
	_ =	sdelay $0xe  }
0x122: {  	s2 =	sadd.s32 $0xFFFFFFFF, s2;
	s4 =	spop (v2sf)  }
0x123: {  	p1 =	sne.s32 s2, $0x0;
	p0 =	sgt.u32 s4, $0x27FF  }
.Ltmp16:
0x124: {  	s5 =	sshrl.u32 @!p0 s4, $0x3;
	(pc) =	sbr.rel @!p1 .LBB2_23-.Ltmp16, $4  }
0x125: {  	s0 =	simm.s32 $0xE0;
	s4 =	sand.u32 @!p0 $0x7, s4;
	s5 =	sadd.s32 @!p0 s1, s5  }
0x126: {  	[hbm4b:s5+s4] =	stream.linear.scatter @!p0 [tilespmem:s0], [sflag:$0x5], $0x1, $0x38;
	[tilespmem:$0x7FB0] =	vst v63  }
0x127: {  	s5 =	simm.s32 $0x0  }
0x128: {  	s4 =	simm.s32 $0xC1;
	s5 =	simm.s32 @!p0 $0x4  }
.LBB2_22:
0x129: {  	v0 =	vld.msk [tilespmem:s4+$0x0], $0x1;
	s2 =	sadd.s32 $0xFFFFFFFF, s2;
	s3 =	sadd.s32 s3, s5  }
0x12a: {  	p0 =	sne.s32 s2, $0x0;
	_ =	sdelay $0x3  }
0x12b: {  	(v2sf) =	vpush v0, $0x0;
	_ =	sdelay $0xe  }
.Ltmp17:
0x12c: {  	s6 =	spop (v2sf);
	(pc) =	sbr.rel @p0 .LBB2_22-.Ltmp17, $4  }
0x12d: {  	s5 =	simm.s32 $0x0;
	p1 =	sgt.u32 s6, $0x27FF  }
0x12e: {  	s0 =	sadd.s32 $0x1, s0;
	s5 =	simm.s32 @!p1 $0x4;
	s7 =	sshrl.u32 @!p1 s6, $0x3  }
0x12f: {  	s4 =	sadd.s32 $0x1, s4;
	s6 =	sand.u32 @!p1 $0x7, s6;
	s7 =	sadd.s32 @!p1 s1, s7  }
0x130: {  	[hbm4b:s7+s6] =	stream.linear.scatter @!p1 [tilespmem:s0], [sflag:$0x5], $0x1, $0x38;
	[tilespmem:$0x7FB0] =	vst v63  }
.LBB2_23:
0x131: {  	s0 =	sadd.s32 s3, s5  }
0x132: {  	s3 =	sshrl.u32 s0, $0x2  }
.LBB2_24:
0x133: {  	s0 =	simm.s32 $0x5  }
0x134: {  	_ =	swait.ge [sflag:s0], s3  }
0x135: {  	s1 =	ssub.s32 $0x0, s3;
	[sflag:s0] =	ssyncset.done $0x0  }
0x136: {  	[sflag:s0] =	ssyncadd.s32 s1  }
0x137: {  	[sflag:s0] =	ssyncpa.u1 $0x1  }
0x138: {  	s29 =	simm.s32 $0x1;
	_ =	sfence  }
0x139: {  	s30 =	simm.s32 $0x2;
	[sflag:s29] =	ssyncpa.u1 $0x1  }
0x13a: {  	[sflag:s30] =	ssyncpa.u1 $0x1  }
0x13b: {  	_ =	strace $0x90000047  }
0x13c: {  	[bflag:$0x2] =	sbarrier.arrive $0xFFFF  }
0x13d: {  	s31 =	rddreg [dreg:$0x1]  }
0x13e: {  	s0 =	sadd.s32 $0x100000, s31  }
0x13f: {  	[sflag:s0] =	ssyncadd.tile.s32 $0x1;
	_ =	shalt  }
.Lfunc_end2:
_tile_overlayer_lowered:
.L_overlay_start_2:
0x140: {  	(tag) =	ssettag $0x2  }
0x141: {  	s0 =	rddreg [dreg:$0x0];
	s2 =	stileid.u32  }
0x142: {  	s1 =	rddreg [dreg:$0x1];
	p0 =	sne.s32 s2, $0x0  }
0x143: {  	s3 =	rddreg [dreg:$0x2];
	[bflag:$0x3] =	sbarrier.arrive $0xFFFF;
	s2 =	simm.s32 @!p0 $0x1C01  }
0x144: {  	[timem:s3], [sflag:s2] =	dma.local @!p0 [hbm:s0], s1  }
0x145: {  	s0 =	simm.s32 @!p0 $0x1  }
0x146: {  	_ =	swait.ge @!p0 [sflag:s0], s1  }
0x147: {  	s1 =	ssub.s32 @!p0 $0x0, s1;
	[sflag:s0] =	ssyncset.done @!p0 $0x0  }
0x148: {  	[sflag:s0] =	ssyncadd.s32 @!p0 s1  }
0x149: {  	[bflag:$0x3] =	sbarrier.arrive $0xFFFF  }
0x14a: {  	_ =	shalt  }

</sc_bundles>
